<compile_context>
chip_gen: v7x
topology: tpu7x:2x2x1
jax: 0.10.2.dev20260603
libtpu: 0.0.44.dev20260713+nightly
codegen_flags: <defaults>
</compile_context>

<pallas_src>
import functools

import jax
import jax.numpy as jnp
from jax import lax
from jax.experimental import pallas as pl
from jax.experimental.pallas import tpu as pltpu
from jax.experimental.pallas import tpu_sc as plsc

_A = 1280
_FR = 0.15
_TR = 0.2

_NC = 2
_NS = 16
_L = 16
_CH = 8
_NBUF = 4


def _mask_bounds(lengths):
    B = lengths.shape[0]
    Ti = lengths.astype(jnp.int32)
    key = jax.random.key(42)
    key, ka, kb = jax.random.split(key, 3)
    max_t = jnp.maximum(1, jnp.floor(Ti.astype(jnp.float32) * _TR).astype(jnp.int32))
    u = jax.random.uniform(ka, (B,))
    t = 1 + jnp.floor(u * max_t.astype(jnp.float32)).astype(jnp.int32)
    t = jnp.minimum(t, max_t)
    room = Ti - t
    u2 = jax.random.uniform(kb, (B,))
    t0 = jnp.where(room > 0,
                   jnp.floor(u2 * (room + 1).astype(jnp.float32)).astype(jnp.int32),
                   0)
    valid = Ti > 0
    big = jnp.int32(1 << 30)
    tlo = jnp.where(valid, t0, big)
    thi = jnp.where(valid, t0 + t, big)
    max_f = int(_A * _FR)
    key, ka2, kb2 = jax.random.split(key, 3)
    f = jax.random.randint(ka2, (B,), 1, max_f + 1)
    f0_max = jnp.clip(_A - f, 0, None)
    f0 = jnp.floor(jax.random.uniform(kb2, (B,)) * (f0_max + 1).astype(jnp.float32)
                   ).astype(jnp.int32)
    return tlo, thi, f0, f0 + f


def _sc_call(X, params):
    B, T, D = X.shape
    off = D - _A
    nw = _NC * _NS
    rows_w = (B * T) // nw
    wps = T // rows_w
    n_chunks = rows_w // _CH
    mesh = plsc.VectorSubcoreMesh(core_axis_name="c", subcore_axis_name="s")

    n_rounds = n_chunks // _NBUF

    @functools.partial(
        pl.kernel,
        mesh=mesh,
        out_type=jax.ShapeDtypeStruct((B, T, D), X.dtype),
        scratch_types=(
            [pltpu.VMEM((_CH, _A), jnp.float32)] * _NBUF
            + [pltpu.VMEM((4, _L), jnp.int32)]
            + [pltpu.VMEM_SHARED((_NS, _NBUF, _CH, D - _A), jnp.float32)]
            + [pltpu.SemaphoreType.DMA] * (4 * _NBUF)
        ),
    )
    def k(x_hbm, p_hbm, out_hbm, *rest):
        bufs = rest[:_NBUF]
        pv = rest[_NBUF]
        vshared = rest[_NBUF + 1]
        sems = rest[_NBUF + 2:]
        isems = sems[:_NBUF]
        osems = sems[_NBUF:2 * _NBUF]
        visems = sems[2 * _NBUF:3 * _NBUF]
        vosems = sems[3 * _NBUF:]
        cid = lax.axis_index("c")
        sid = lax.axis_index("s")
        wid = sid * _NC + cid
        b = wid // wps
        row0 = (wid % wps) * rows_w
        pltpu.sync_copy(p_hbm.at[b], pv)
        tlo = pv[0][0]
        thi = pv[1][0]
        flo = pv[2][0]
        fhi = pv[3][0]

        def in_desc(ci, s):
            r = row0 + ci * _CH
            return pltpu.make_async_copy(
                x_hbm.at[b, pl.ds(r, _CH), pl.ds(off, _A)], bufs[s], isems[s])

        def out_desc(ci, s):
            r = row0 + ci * _CH
            return pltpu.make_async_copy(
                bufs[s], out_hbm.at[b, pl.ds(r, _CH), pl.ds(off, _A)], osems[s])

        def vin_desc(ci, s):
            r = row0 + ci * _CH
            return pltpu.make_async_copy(
                x_hbm.at[b, pl.ds(r, _CH), pl.ds(0, off)],
                vshared.at[sid, s], visems[s])

        def vout_desc(ci, s):
            r = row0 + ci * _CH
            return pltpu.make_async_copy(
                vshared.at[sid, s],
                out_hbm.at[b, pl.ds(r, _CH), pl.ds(0, off)], vosems[s])

        flo_l = flo - off
        fhi_l = fhi - off
        n_fg = int(_A * _FR) // _L + 2
        fg0 = flo_l // _L
        lanes = lax.iota(jnp.int32, _L)
        fcols = []
        fmasks = []
        for u in range(n_fg):
            g = jnp.minimum(fg0 + u, (_A // _L) - 1)
            c0 = g * _L
            col = c0 + lanes
            fcols.append(c0)
            fmasks.append((col >= flo_l) & (col < fhi_l))
        zv = jnp.zeros((_L,), jnp.float32)

        def mask_chunk(buf, r):
            def row_body(j, _):
                t_abs = r + j
                in_band = (t_abs >= tlo) & (t_abs < thi)

                @pl.when(in_band)
                def _():
                    for g in range(_A // _L):
                        buf[j, pl.ds(g * _L, _L)] = zv

                @pl.when(jnp.logical_not(in_band))
                def _():
                    for u in range(n_fg):
                        v = buf[j, pl.ds(fcols[u], _L)]
                        buf[j, pl.ds(fcols[u], _L)] = jnp.where(fmasks[u], 0.0, v)

                return 0

            lax.fori_loop(0, _CH, row_body, 0)

        for s in range(_NBUF):
            in_desc(s, s).start()
            vin_desc(s, s).start()

        def round_body(i, _):
            c0 = i * _NBUF
            for s in range(_NBUF):
                ci = c0 + s
                vin_desc(ci, s).wait()
                vout_desc(ci, s).start()
                in_desc(ci, s).wait()
                mask_chunk(bufs[s], row0 + ci * _CH)
                out_desc(ci, s).start()
            for s in range(_NBUF):
                ci = c0 + s
                nxt = ci + _NBUF

                @pl.when(nxt < n_chunks)
                def _():
                    out_desc(ci, s).wait()
                    in_desc(nxt, s).start()
                    vout_desc(ci, s).wait()
                    vin_desc(nxt, s).start()

            return 0

        lax.fori_loop(0, n_rounds, round_body, 0)
        for s in range(_NBUF):
            out_desc(n_chunks - _NBUF + s, s).wait()
            vout_desc(n_chunks - _NBUF + s, s).wait()

    return k(X, params)


def kernel(X, lengths):
    B, T, D = X.shape
    off = D - _A
    tlo, thi, flo, fhi = _mask_bounds(lengths)
    params = jnp.stack([tlo, thi, flo + off, fhi + off], axis=1)
    params = jnp.broadcast_to(params[:, :, None], (B, 4, _L)).astype(jnp.int32)
    return _sc_call(X, params)

# --- scband reference (transcript-rebuilt; emitter-appended) ---
"""Pipeline reference for scband-audio-only-spec-augment-old-40853728920184 (READ-ONLY COPY).

The authoritative reference and input builder live on the scoring server;
editing this copy changes nothing except your own understanding.
"""

import jax, jax.numpy as jnp
import numpy as np

A_DIM = 1280
FR = 0.15
TR = 0.2
NF = 1
NT = 1


def setup_inputs(seed: int = 0) -> dict:
    key = jax.random.key(seed)
    k1, k2 = jax.random.split(key)
    X = jax.random.normal(k1, (8, 2048, 2048), dtype=jnp.float32)
    lengths = jax.random.randint(k2, (8,), 0, 2048, dtype=jnp.int32)
    return {"X": X, "lengths": lengths}


def reference(X, lengths):
    # Training-mode SpecAugment over the trailing audio_dim features only.
    B, T, D = X.shape
    A = A_DIM
    V = X[..., : D - A]
    Aud = X[..., D - A :]
    Ti = lengths.astype(jnp.int32)
    key = jax.random.key(42)
    time_idx = jnp.arange(T)
    # time masks: per-sample width t in [1, max(1, floor(Ti*tr))], start t0
    max_t = jnp.maximum(1, jnp.floor(Ti.astype(jnp.float32) * TR).astype(jnp.int32))
    for _ in range(NT):
        key, ka, kb = jax.random.split(key, 3)
        u = jax.random.uniform(ka, (B,))
        t = 1 + jnp.floor(u * max_t.astype(jnp.float32)).astype(jnp.int32)
        t = jnp.minimum(t, max_t)
        room = Ti - t
        u2 = jax.random.uniform(kb, (B,))
        t0 = jnp.where(room > 0, jnp.floor(u2 * (room + 1).astype(jnp.float32)).astype(jnp.int32), 0)
        tmask = (
            (time_idx[None, :] >= t0[:, None])
            & (time_idx[None, :] < (t0 + t)[:, None])
            & (Ti[:, None] > 0)
        )
        Aud = jnp.where(tmask[:, :, None], 0.0, Aud)
    # per-sample frequency masks over the audio feature dim
    max_f = int(A * FR)
    if FR > 0 and NF > 0 and max_f > 0:
        freq_idx = jnp.arange(A)
        for _ in range(NF):
            key, ka, kb = jax.random.split(key, 3)
            f = jax.random.randint(ka, (B,), 1, max_f + 1)
            f0_max = jnp.clip(A - f, 0, None)
            f0 = jnp.floor(jax.random.uniform(kb, (B,)) * (f0_max + 1).astype(jnp.float32)).astype(jnp.int32)
            fmask = (freq_idx[None, :] >= f0[:, None]) & (freq_idx[None, :] < (f0 + f)[:, None]) & (f[:, None] > 0)
            Aud = jnp.where(fmask[:, None, :], 0.0, Aud)
    return jnp.concatenate([V, Aud], axis=-1)

if __name__ == "__main__":
    import jax
    _d = setup_inputs()
    print(jax.jit(kernel)(*tuple(_d.values())))

</pallas_src>

<mosaic_0001>
#map = affine_map<(d0, d1) -> (0, 0, 0)>
module attributes {stable_mosaic.version = 14 : i64} {
  func.func @k(%arg0: i32, %arg1: i32, %arg2: memref<8x2048x2048xf32, #tpu.memory_space<hbm>>, %arg3: memref<8x4x16xi32, #tpu.memory_space<hbm>>, %arg4: memref<8x2048x2048xf32, #tpu.memory_space<hbm>>, %arg5: memref<8x1280xf32, #tpu.memory_space<vmem>>, %arg6: memref<8x1280xf32, #tpu.memory_space<vmem>>, %arg7: memref<8x1280xf32, #tpu.memory_space<vmem>>, %arg8: memref<8x1280xf32, #tpu.memory_space<vmem>>, %arg9: memref<4x16xi32, #tpu.memory_space<vmem>>, %arg10: memref<16x4x8x768xf32, #tpu.memory_space<vmem_shared>>, %arg11: memref<!tpu.dma_semaphore, #tpu.memory_space<semaphore_mem>>, %arg12: memref<!tpu.dma_semaphore, #tpu.memory_space<semaphore_mem>>, %arg13: memref<!tpu.dma_semaphore, #tpu.memory_space<semaphore_mem>>, %arg14: memref<!tpu.dma_semaphore, #tpu.memory_space<semaphore_mem>>, %arg15: memref<!tpu.dma_semaphore, #tpu.memory_space<semaphore_mem>>, %arg16: memref<!tpu.dma_semaphore, #tpu.memory_space<semaphore_mem>>, %arg17: memref<!tpu.dma_semaphore, #tpu.memory_space<semaphore_mem>>, %arg18: memref<!tpu.dma_semaphore, #tpu.memory_space<semaphore_mem>>, %arg19: memref<!tpu.dma_semaphore, #tpu.memory_space<semaphore_mem>>, %arg20: memref<!tpu.dma_semaphore, #tpu.memory_space<semaphore_mem>>, %arg21: memref<!tpu.dma_semaphore, #tpu.memory_space<semaphore_mem>>, %arg22: memref<!tpu.dma_semaphore, #tpu.memory_space<semaphore_mem>>, %arg23: memref<!tpu.dma_semaphore, #tpu.memory_space<semaphore_mem>>, %arg24: memref<!tpu.dma_semaphore, #tpu.memory_space<semaphore_mem>>, %arg25: memref<!tpu.dma_semaphore, #tpu.memory_space<semaphore_mem>>, %arg26: memref<!tpu.dma_semaphore, #tpu.memory_space<semaphore_mem>>) attributes {dimension_semantics = [#tpu.dimension_semantics<core_parallel>, #tpu.dimension_semantics<subcore_parallel>], iteration_bounds = array<i64: 2, 16>, scalar_prefetch = 0 : i64, scratch_operands = 22 : i64, tpu.core_type = #tpu.core_type<sc_vector_subcore>, window_params = [{transform_indices = #map}, {transform_indices = #map}, {transform_indices = #map}]} {
    %mul3A = arith.constant 2 : i32
    %mul3A_0 = arith.muli %arg1, %mul3A : i32
    %add3A = arith.addi %mul3A_0, %arg0 : i32
    %jit3A = arith.constant 4 : i32
    %div3A = arith.divsi %add3A, %jit3A : i32
    %sign3A = arith.constant 0 : i32
    %sign3A_1 = arith.cmpi sgt, %add3A, %sign3A : i32
    %sign3A_2 = arith.extui %sign3A_1 : i1 to i32
    %sign3A_3 = arith.constant 0 : i32
    %sign3A_4 = arith.cmpi slt, %add3A, %sign3A_3 : i32
    %sign3A_5 = arith.extui %sign3A_4 : i1 to i32
    %sign3A_6 = arith.subi %sign3A_2, %sign3A_5 : i32
    %sign3A_7 = arith.constant 0 : i32
    %sign3A_8 = arith.cmpi sgt, %jit3A, %sign3A_7 : i32
    %sign3A_9 = arith.extui %sign3A_8 : i1 to i32
    %sign3A_10 = arith.constant 0 : i32
    %sign3A_11 = arith.cmpi slt, %jit3A, %sign3A_10 : i32
    %sign3A_12 = arith.extui %sign3A_11 : i1 to i32
    %sign3A_13 = arith.subi %sign3A_9, %sign3A_12 : i32
    %ne3A = arith.cmpi ne, %sign3A_6, %sign3A_13 : i32
    %rem3A = arith.remsi %add3A, %jit3A : i32
    %ne3A_14 = arith.constant 0 : i32
    %ne3A_15 = arith.cmpi ne, %rem3A, %ne3A_14 : i32
    %and3A = arith.andi %ne3A, %ne3A_15 : i1
    %sub3A = arith.constant 1 : i32
    %sub3A_16 = arith.subi %div3A, %sub3A : i32
    %select_n3A = arith.select %and3A, %sub3A_16, %div3A : i32
    %jit3A_17 = arith.constant 4 : i32
    %eq3A = arith.constant 0 : i32
    %eq3A_18 = arith.cmpi eq, %jit3A_17, %eq3A : i32
    %jit3A_19 = arith.constant 1 : i32
    %select_n3A_20 = arith.select %eq3A_18, %jit3A_19, %jit3A_17 : i32
    %rem3A_21 = arith.remsi %add3A, %select_n3A_20 : i32
    %ne3A_22 = arith.constant 0 : i32
    %ne3A_23 = arith.cmpi ne, %rem3A_21, %ne3A_22 : i32
    %lt3A = arith.constant 0 : i32
    %lt3A_24 = arith.cmpi slt, %rem3A_21, %lt3A : i32
    %lt3A_25 = arith.constant 0 : i32
    %lt3A_26 = arith.cmpi slt, %select_n3A_20, %lt3A_25 : i32
    %ne3A_27 = arith.xori %lt3A_24, %lt3A_26 : i1
    %and3A_28 = arith.andi %ne3A_27, %ne3A_23 : i1
    %add3A_29 = arith.addi %rem3A_21, %select_n3A_20 : i32
    %select_n3A_30 = arith.select %and3A_28, %add3A_29, %rem3A_21 : i32
    %mul3A_31 = arith.constant 512 : i32
    %mul3A_32 = arith.muli %select_n3A_30, %mul3A_31 : i32
    "tpu.region"() ({
      %run_scoped3A = tpu.sem_alloc : memref<!tpu.dma_semaphore, #tpu.memory_space<semaphore_mem>>
      %dma_start3A_415 = arith.constant 0 : i32
      %dma_start3A_416 = arith.constant 0 : i32
      %dma_start3A_417 = tpu.memref_slice %arg3[%select_n3A, %dma_start3A_415, %dma_start3A_416] : memref<8x4x16xi32, #tpu.memory_space<hbm>> -> memref<1x4x16xi32, #tpu.memory_space<hbm>>
      %dma_start3A_418 = tpu.memref_squeeze %dma_start3A_417 : memref<1x4x16xi32, #tpu.memory_space<hbm>> -> memref<4x16xi32, #tpu.memory_space<hbm>>
      %dma_start3A_419 = arith.constant 0 : i32
      %dma_start3A_420 = arith.constant 0 : i32
      %dma_start3A_421 = tpu.memref_slice %arg3[%select_n3A, %dma_start3A_419, %dma_start3A_420] : memref<8x4x16xi32, #tpu.memory_space<hbm>> -> memref<1x4x16xi32, #tpu.memory_space<hbm>>
      %dma_start3A_422 = tpu.memref_squeeze %dma_start3A_421 : memref<1x4x16xi32, #tpu.memory_space<hbm>> -> memref<4x16xi32, #tpu.memory_space<hbm>>
      tpu.enqueue_dma source(%dma_start3A_422 : memref<4x16xi32, #tpu.memory_space<hbm>>) target(%arg9 : memref<4x16xi32, #tpu.memory_space<vmem>>) target_semaphore(%run_scoped3A : memref<!tpu.dma_semaphore, #tpu.memory_space<semaphore_mem>>)
      %dma_wait3A_423 = arith.constant 0 : i32
      %dma_wait3A_424 = arith.constant 0 : i32
      %dma_wait3A_425 = tpu.memref_slice %arg3[%select_n3A, %dma_wait3A_423, %dma_wait3A_424] : memref<8x4x16xi32, #tpu.memory_space<hbm>> -> memref<1x4x16xi32, #tpu.memory_space<hbm>>
      %dma_wait3A_426 = tpu.memref_squeeze %dma_wait3A_425 : memref<1x4x16xi32, #tpu.memory_space<hbm>> -> memref<4x16xi32, #tpu.memory_space<hbm>>
      %dma_wait3A_427 = arith.constant 0 : i32
      %dma_wait3A_428 = arith.constant 0 : i32
      %dma_wait3A_429 = tpu.memref_slice %arg3[%select_n3A, %dma_wait3A_427, %dma_wait3A_428] : memref<8x4x16xi32, #tpu.memory_space<hbm>> -> memref<1x4x16xi32, #tpu.memory_space<hbm>>
      %dma_wait3A_430 = tpu.memref_squeeze %dma_wait3A_429 : memref<1x4x16xi32, #tpu.memory_space<hbm>> -> memref<4x16xi32, #tpu.memory_space<hbm>>
      tpu.wait_dma2 semaphore(%run_scoped3A : memref<!tpu.dma_semaphore, #tpu.memory_space<semaphore_mem>>) src(%dma_wait3A_430 : memref<4x16xi32, #tpu.memory_space<hbm>>) dst(%arg9 : memref<4x16xi32, #tpu.memory_space<vmem>>)
      tpu.yield
    }) : () -> ()
    %get3A = arith.constant 0 : i32
    %get3A_33 = arith.index_cast %get3A : i32 to index
    %get3A_34 = arith.constant 0 : index
    %get3A_35 = tpu.vector_load %arg9[%get3A_33, %get3A_34] {strides = array<i32>} : memref<4x16xi32, #tpu.memory_space<vmem>>, vector<1x16xi32>,
    %get3A_36 = vector.shape_cast %get3A_35 : vector<1x16xi32> to vector<16xi32>
    %slice3A = vector.extract_strided_slice %get3A_36 {offsets = [0], sizes = [1], strides = [1]} : vector<16xi32> to vector<1xi32>
    %squeeze3A = vector.extract %slice3A[0] : i32 from vector<1xi32>
    %get3A_37 = arith.constant 1 : i32
    %get3A_38 = arith.index_cast %get3A_37 : i32 to index
    %get3A_39 = arith.constant 0 : index
    %get3A_40 = tpu.vector_load %arg9[%get3A_38, %get3A_39] {strides = array<i32>} : memref<4x16xi32, #tpu.memory_space<vmem>>, vector<1x16xi32>,
    %get3A_41 = vector.shape_cast %get3A_40 : vector<1x16xi32> to vector<16xi32>
    %slice3A_42 = vector.extract_strided_slice %get3A_41 {offsets = [0], sizes = [1], strides = [1]} : vector<16xi32> to vector<1xi32>
    %squeeze3A_43 = vector.extract %slice3A_42[0] : i32 from vector<1xi32>
    %get3A_44 = arith.constant 2 : i32
    %get3A_45 = arith.index_cast %get3A_44 : i32 to index
    %get3A_46 = arith.constant 0 : index
    %get3A_47 = tpu.vector_load %arg9[%get3A_45, %get3A_46] {strides = array<i32>} : memref<4x16xi32, #tpu.memory_space<vmem>>, vector<1x16xi32>,
    %get3A_48 = vector.shape_cast %get3A_47 : vector<1x16xi32> to vector<16xi32>
    %slice3A_49 = vector.extract_strided_slice %get3A_48 {offsets = [0], sizes = [1], strides = [1]} : vector<16xi32> to vector<1xi32>
    %squeeze3A_50 = vector.extract %slice3A_49[0] : i32 from vector<1xi32>
    %get3A_51 = arith.constant 3 : i32
    %get3A_52 = arith.index_cast %get3A_51 : i32 to index
    %get3A_53 = arith.constant 0 : index
    %get3A_54 = tpu.vector_load %arg9[%get3A_52, %get3A_53] {strides = array<i32>} : memref<4x16xi32, #tpu.memory_space<vmem>>, vector<1x16xi32>,
    %get3A_55 = vector.shape_cast %get3A_54 : vector<1x16xi32> to vector<16xi32>
    %slice3A_56 = vector.extract_strided_slice %get3A_55 {offsets = [0], sizes = [1], strides = [1]} : vector<16xi32> to vector<1xi32>
    %squeeze3A_57 = vector.extract %slice3A_56[0] : i32 from vector<1xi32>
    %sub3A_58 = arith.constant 768 : i32
    %sub3A_59 = arith.subi %squeeze3A_50, %sub3A_58 : i32
    %sub3A_60 = arith.constant 768 : i32
    %sub3A_61 = arith.subi %squeeze3A_57, %sub3A_60 : i32
    %jit3A_62 = arith.constant 16 : i32
    %div3A_63 = arith.divsi %sub3A_59, %jit3A_62 : i32
    %sign3A_64 = arith.constant 0 : i32
    %sign3A_65 = arith.cmpi sgt, %sub3A_59, %sign3A_64 : i32
    %sign3A_66 = arith.extui %sign3A_65 : i1 to i32
    %sign3A_67 = arith.constant 0 : i32
    %sign3A_68 = arith.cmpi slt, %sub3A_59, %sign3A_67 : i32
    %sign3A_69 = arith.extui %sign3A_68 : i1 to i32
    %sign3A_70 = arith.subi %sign3A_66, %sign3A_69 : i32
    %sign3A_71 = arith.constant 0 : i32
    %sign3A_72 = arith.cmpi sgt, %jit3A_62, %sign3A_71 : i32
    %sign3A_73 = arith.extui %sign3A_72 : i1 to i32
    %sign3A_74 = arith.constant 0 : i32
    %sign3A_75 = arith.cmpi slt, %jit3A_62, %sign3A_74 : i32
    %sign3A_76 = arith.extui %sign3A_75 : i1 to i32
    %sign3A_77 = arith.subi %sign3A_73, %sign3A_76 : i32
    %ne3A_78 = arith.cmpi ne, %sign3A_70, %sign3A_77 : i32
    %rem3A_79 = arith.remsi %sub3A_59, %jit3A_62 : i32
    %ne3A_80 = arith.constant 0 : i32
    %ne3A_81 = arith.cmpi ne, %rem3A_79, %ne3A_80 : i32
    %and3A_82 = arith.andi %ne3A_78, %ne3A_81 : i1
    %sub3A_83 = arith.constant 1 : i32
    %sub3A_84 = arith.subi %div3A_63, %sub3A_83 : i32
    %select_n3A_85 = arith.select %and3A_82, %sub3A_84, %div3A_63 : i32
    %iota3A = tpu.iota {dimensions = array<i32: 0>} : vector<16xi32>
    %add3A_86 = arith.constant 0 : i32
    %add3A_87 = arith.addi %select_n3A_85, %add3A_86 : i32
    %min3A = arith.constant 79 : i32
    %min3A_88 = arith.minsi %add3A_87, %min3A : i32
    %mul3A_89 = arith.constant 16 : i32
    %mul3A_90 = arith.muli %min3A_88, %mul3A_89 : i32
    %add3A_91 = vector.broadcast %mul3A_90 : i32 to vector<16xi32>
    %add3A_92 = arith.addi %add3A_91, %iota3A : vector<16xi32>
    %ge3A = vector.broadcast %sub3A_59 : i32 to vector<16xi32>
    %ge3A_93 = arith.cmpi sge, %add3A_92, %ge3A : vector<16xi32>
    %lt3A_94 = vector.broadcast %sub3A_61 : i32 to vector<16xi32>
    %lt3A_95 = arith.cmpi slt, %add3A_92, %lt3A_94 : vector<16xi32>
    %and3A_96 = arith.andi %ge3A_93, %lt3A_95 : vector<16xi1>
    %add3A_97 = arith.constant 1 : i32
    %add3A_98 = arith.addi %select_n3A_85, %add3A_97 : i32
    %min3A_99 = arith.constant 79 : i32
    %min3A_100 = arith.minsi %add3A_98, %min3A_99 : i32
    %mul3A_101 = arith.constant 16 : i32
    %mul3A_102 = arith.muli %min3A_100, %mul3A_101 : i32
    %add3A_103 = vector.broadcast %mul3A_102 : i32 to vector<16xi32>
    %add3A_104 = arith.addi %add3A_103, %iota3A : vector<16xi32>
    %ge3A_105 = vector.broadcast %sub3A_59 : i32 to vector<16xi32>
    %ge3A_106 = arith.cmpi sge, %add3A_104, %ge3A_105 : vector<16xi32>
    %lt3A_107 = vector.broadcast %sub3A_61 : i32 to vector<16xi32>
    %lt3A_108 = arith.cmpi slt, %add3A_104, %lt3A_107 : vector<16xi32>
    %and3A_109 = arith.andi %ge3A_106, %lt3A_108 : vector<16xi1>
    %add3A_110 = arith.constant 2 : i32
    %add3A_111 = arith.addi %select_n3A_85, %add3A_110 : i32
    %min3A_112 = arith.constant 79 : i32
    %min3A_113 = arith.minsi %add3A_111, %min3A_112 : i32
    %mul3A_114 = arith.constant 16 : i32
    %mul3A_115 = arith.muli %min3A_113, %mul3A_114 : i32
    %add3A_116 = vector.broadcast %mul3A_115 : i32 to vector<16xi32>
    %add3A_117 = arith.addi %add3A_116, %iota3A : vector<16xi32>
    %ge3A_118 = vector.broadcast %sub3A_59 : i32 to vector<16xi32>
    %ge3A_119 = arith.cmpi sge, %add3A_117, %ge3A_118 : vector<16xi32>
    %lt3A_120 = vector.broadcast %sub3A_61 : i32 to vector<16xi32>
    %lt3A_121 = arith.cmpi slt, %add3A_117, %lt3A_120 : vector<16xi32>
    %and3A_122 = arith.andi %ge3A_119, %lt3A_121 : vector<16xi1>
    %add3A_123 = arith.constant 3 : i32
    %add3A_124 = arith.addi %select_n3A_85, %add3A_123 : i32
    %min3A_125 = arith.constant 79 : i32
    %min3A_126 = arith.minsi %add3A_124, %min3A_125 : i32
    %mul3A_127 = arith.constant 16 : i32
    %mul3A_128 = arith.muli %min3A_126, %mul3A_127 : i32
    %add3A_129 = vector.broadcast %mul3A_128 : i32 to vector<16xi32>
    %add3A_130 = arith.addi %add3A_129, %iota3A : vector<16xi32>
    %ge3A_131 = vector.broadcast %sub3A_59 : i32 to vector<16xi32>
    %ge3A_132 = arith.cmpi sge, %add3A_130, %ge3A_131 : vector<16xi32>
    %lt3A_133 = vector.broadcast %sub3A_61 : i32 to vector<16xi32>
    %lt3A_134 = arith.cmpi slt, %add3A_130, %lt3A_133 : vector<16xi32>
    %and3A_135 = arith.andi %ge3A_132, %lt3A_134 : vector<16xi1>
    %add3A_136 = arith.constant 4 : i32
    %add3A_137 = arith.addi %select_n3A_85, %add3A_136 : i32
    %min3A_138 = arith.constant 79 : i32
    %min3A_139 = arith.minsi %add3A_137, %min3A_138 : i32
    %mul3A_140 = arith.constant 16 : i32
    %mul3A_141 = arith.muli %min3A_139, %mul3A_140 : i32
    %add3A_142 = vector.broadcast %mul3A_141 : i32 to vector<16xi32>
    %add3A_143 = arith.addi %add3A_142, %iota3A : vector<16xi32>
    %ge3A_144 = vector.broadcast %sub3A_59 : i32 to vector<16xi32>
    %ge3A_145 = arith.cmpi sge, %add3A_143, %ge3A_144 : vector<16xi32>
    %lt3A_146 = vector.broadcast %sub3A_61 : i32 to vector<16xi32>
    %lt3A_147 = arith.cmpi slt, %add3A_143, %lt3A_146 : vector<16xi32>
    %and3A_148 = arith.andi %ge3A_145, %lt3A_147 : vector<16xi1>
    %add3A_149 = arith.constant 5 : i32
    %add3A_150 = arith.addi %select_n3A_85, %add3A_149 : i32
    %min3A_151 = arith.constant 79 : i32
    %min3A_152 = arith.minsi %add3A_150, %min3A_151 : i32
    %mul3A_153 = arith.constant 16 : i32
    %mul3A_154 = arith.muli %min3A_152, %mul3A_153 : i32
    %add3A_155 = vector.broadcast %mul3A_154 : i32 to vector<16xi32>
    %add3A_156 = arith.addi %add3A_155, %iota3A : vector<16xi32>
    %ge3A_157 = vector.broadcast %sub3A_59 : i32 to vector<16xi32>
    %ge3A_158 = arith.cmpi sge, %add3A_156, %ge3A_157 : vector<16xi32>
    %lt3A_159 = vector.broadcast %sub3A_61 : i32 to vector<16xi32>
    %lt3A_160 = arith.cmpi slt, %add3A_156, %lt3A_159 : vector<16xi32>
    %and3A_161 = arith.andi %ge3A_158, %lt3A_160 : vector<16xi1>
    %add3A_162 = arith.constant 6 : i32
    %add3A_163 = arith.addi %select_n3A_85, %add3A_162 : i32
    %min3A_164 = arith.constant 79 : i32
    %min3A_165 = arith.minsi %add3A_163, %min3A_164 : i32
    %mul3A_166 = arith.constant 16 : i32
    %mul3A_167 = arith.muli %min3A_165, %mul3A_166 : i32
    %add3A_168 = vector.broadcast %mul3A_167 : i32 to vector<16xi32>
    %add3A_169 = arith.addi %add3A_168, %iota3A : vector<16xi32>
    %ge3A_170 = vector.broadcast %sub3A_59 : i32 to vector<16xi32>
    %ge3A_171 = arith.cmpi sge, %add3A_169, %ge3A_170 : vector<16xi32>
    %lt3A_172 = vector.broadcast %sub3A_61 : i32 to vector<16xi32>
    %lt3A_173 = arith.cmpi slt, %add3A_169, %lt3A_172 : vector<16xi32>
    %and3A_174 = arith.andi %ge3A_171, %lt3A_173 : vector<16xi1>
    %add3A_175 = arith.constant 7 : i32
    %add3A_176 = arith.addi %select_n3A_85, %add3A_175 : i32
    %min3A_177 = arith.constant 79 : i32
    %min3A_178 = arith.minsi %add3A_176, %min3A_177 : i32
    %mul3A_179 = arith.constant 16 : i32
    %mul3A_180 = arith.muli %min3A_178, %mul3A_179 : i32
    %add3A_181 = vector.broadcast %mul3A_180 : i32 to vector<16xi32>
    %add3A_182 = arith.addi %add3A_181, %iota3A : vector<16xi32>
    %ge3A_183 = vector.broadcast %sub3A_59 : i32 to vector<16xi32>
    %ge3A_184 = arith.cmpi sge, %add3A_182, %ge3A_183 : vector<16xi32>
    %lt3A_185 = vector.broadcast %sub3A_61 : i32 to vector<16xi32>
    %lt3A_186 = arith.cmpi slt, %add3A_182, %lt3A_185 : vector<16xi32>
    %and3A_187 = arith.andi %ge3A_184, %lt3A_186 : vector<16xi1>
    %add3A_188 = arith.constant 8 : i32
    %add3A_189 = arith.addi %select_n3A_85, %add3A_188 : i32
    %min3A_190 = arith.constant 79 : i32
    %min3A_191 = arith.minsi %add3A_189, %min3A_190 : i32
    %mul3A_192 = arith.constant 16 : i32
    %mul3A_193 = arith.muli %min3A_191, %mul3A_192 : i32
    %add3A_194 = vector.broadcast %mul3A_193 : i32 to vector<16xi32>
    %add3A_195 = arith.addi %add3A_194, %iota3A : vector<16xi32>
    %ge3A_196 = vector.broadcast %sub3A_59 : i32 to vector<16xi32>
    %ge3A_197 = arith.cmpi sge, %add3A_195, %ge3A_196 : vector<16xi32>
    %lt3A_198 = vector.broadcast %sub3A_61 : i32 to vector<16xi32>
    %lt3A_199 = arith.cmpi slt, %add3A_195, %lt3A_198 : vector<16xi32>
    %and3A_200 = arith.andi %ge3A_197, %lt3A_199 : vector<16xi1>
    %add3A_201 = arith.constant 9 : i32
    %add3A_202 = arith.addi %select_n3A_85, %add3A_201 : i32
    %min3A_203 = arith.constant 79 : i32
    %min3A_204 = arith.minsi %add3A_202, %min3A_203 : i32
    %mul3A_205 = arith.constant 16 : i32
    %mul3A_206 = arith.muli %min3A_204, %mul3A_205 : i32
    %add3A_207 = vector.broadcast %mul3A_206 : i32 to vector<16xi32>
    %add3A_208 = arith.addi %add3A_207, %iota3A : vector<16xi32>
    %ge3A_209 = vector.broadcast %sub3A_59 : i32 to vector<16xi32>
    %ge3A_210 = arith.cmpi sge, %add3A_208, %ge3A_209 : vector<16xi32>
    %lt3A_211 = vector.broadcast %sub3A_61 : i32 to vector<16xi32>
    %lt3A_212 = arith.cmpi slt, %add3A_208, %lt3A_211 : vector<16xi32>
    %and3A_213 = arith.andi %ge3A_210, %lt3A_212 : vector<16xi1>
    %add3A_214 = arith.constant 10 : i32
    %add3A_215 = arith.addi %select_n3A_85, %add3A_214 : i32
    %min3A_216 = arith.constant 79 : i32
    %min3A_217 = arith.minsi %add3A_215, %min3A_216 : i32
    %mul3A_218 = arith.constant 16 : i32
    %mul3A_219 = arith.muli %min3A_217, %mul3A_218 : i32
    %add3A_220 = vector.broadcast %mul3A_219 : i32 to vector<16xi32>
    %add3A_221 = arith.addi %add3A_220, %iota3A : vector<16xi32>
    %ge3A_222 = vector.broadcast %sub3A_59 : i32 to vector<16xi32>
    %ge3A_223 = arith.cmpi sge, %add3A_221, %ge3A_222 : vector<16xi32>
    %lt3A_224 = vector.broadcast %sub3A_61 : i32 to vector<16xi32>
    %lt3A_225 = arith.cmpi slt, %add3A_221, %lt3A_224 : vector<16xi32>
    %and3A_226 = arith.andi %ge3A_223, %lt3A_225 : vector<16xi1>
    %add3A_227 = arith.constant 11 : i32
    %add3A_228 = arith.addi %select_n3A_85, %add3A_227 : i32
    %min3A_229 = arith.constant 79 : i32
    %min3A_230 = arith.minsi %add3A_228, %min3A_229 : i32
    %mul3A_231 = arith.constant 16 : i32
    %mul3A_232 = arith.muli %min3A_230, %mul3A_231 : i32
    %add3A_233 = vector.broadcast %mul3A_232 : i32 to vector<16xi32>
    %add3A_234 = arith.addi %add3A_233, %iota3A : vector<16xi32>
    %ge3A_235 = vector.broadcast %sub3A_59 : i32 to vector<16xi32>
    %ge3A_236 = arith.cmpi sge, %add3A_234, %ge3A_235 : vector<16xi32>
    %lt3A_237 = vector.broadcast %sub3A_61 : i32 to vector<16xi32>
    %lt3A_238 = arith.cmpi slt, %add3A_234, %lt3A_237 : vector<16xi32>
    %and3A_239 = arith.andi %ge3A_236, %lt3A_238 : vector<16xi1>
    %add3A_240 = arith.constant 12 : i32
    %add3A_241 = arith.addi %select_n3A_85, %add3A_240 : i32
    %min3A_242 = arith.constant 79 : i32
    %min3A_243 = arith.minsi %add3A_241, %min3A_242 : i32
    %mul3A_244 = arith.constant 16 : i32
    %mul3A_245 = arith.muli %min3A_243, %mul3A_244 : i32
    %add3A_246 = vector.broadcast %mul3A_245 : i32 to vector<16xi32>
    %add3A_247 = arith.addi %add3A_246, %iota3A : vector<16xi32>
    %ge3A_248 = vector.broadcast %sub3A_59 : i32 to vector<16xi32>
    %ge3A_249 = arith.cmpi sge, %add3A_247, %ge3A_248 : vector<16xi32>
    %lt3A_250 = vector.broadcast %sub3A_61 : i32 to vector<16xi32>
    %lt3A_251 = arith.cmpi slt, %add3A_247, %lt3A_250 : vector<16xi32>
    %and3A_252 = arith.andi %ge3A_249, %lt3A_251 : vector<16xi1>
    %add3A_253 = arith.constant 13 : i32
    %add3A_254 = arith.addi %select_n3A_85, %add3A_253 : i32
    %min3A_255 = arith.constant 79 : i32
    %min3A_256 = arith.minsi %add3A_254, %min3A_255 : i32
    %mul3A_257 = arith.constant 16 : i32
    %mul3A_258 = arith.muli %min3A_256, %mul3A_257 : i32
    %add3A_259 = vector.broadcast %mul3A_258 : i32 to vector<16xi32>
    %add3A_260 = arith.addi %add3A_259, %iota3A : vector<16xi32>
    %ge3A_261 = vector.broadcast %sub3A_59 : i32 to vector<16xi32>
    %ge3A_262 = arith.cmpi sge, %add3A_260, %ge3A_261 : vector<16xi32>
    %lt3A_263 = vector.broadcast %sub3A_61 : i32 to vector<16xi32>
    %lt3A_264 = arith.cmpi slt, %add3A_260, %lt3A_263 : vector<16xi32>
    %and3A_265 = arith.andi %ge3A_262, %lt3A_264 : vector<16xi1>
    %broadcast_in_dim3A = arith.constant 0.000000e+00 : f32
    %broadcast_in_dim3A_266 = vector.broadcast %broadcast_in_dim3A : f32 to vector<16xf32>
    %add3A_267 = arith.constant 0 : i32
    %add3A_268 = arith.addi %mul3A_32, %add3A_267 : i32
    %dma_start3A = arith.constant 768 : i32
    %dma_start3A_269 = tpu.memref_slice %arg2[%select_n3A, %add3A_268, %dma_start3A] : memref<8x2048x2048xf32, #tpu.memory_space<hbm>> -> memref<1x8x1280xf32, #tpu.memory_space<hbm>>
    %dma_start3A_270 = tpu.memref_squeeze %dma_start3A_269 : memref<1x8x1280xf32, #tpu.memory_space<hbm>> -> memref<8x1280xf32, #tpu.memory_space<hbm>>
    %dma_start3A_271 = arith.constant 768 : i32
    %dma_start3A_272 = tpu.memref_slice %arg2[%select_n3A, %add3A_268, %dma_start3A_271] : memref<8x2048x2048xf32, #tpu.memory_space<hbm>> -> memref<1x8x1280xf32, #tpu.memory_space<hbm>>
    %dma_start3A_273 = tpu.memref_squeeze %dma_start3A_272 : memref<1x8x1280xf32, #tpu.memory_space<hbm>> -> memref<8x1280xf32, #tpu.memory_space<hbm>>
    tpu.enqueue_dma source(%dma_start3A_273 : memref<8x1280xf32, #tpu.memory_space<hbm>>) target(%arg5 : memref<8x1280xf32, #tpu.memory_space<vmem>>) target_semaphore(%arg11 : memref<!tpu.dma_semaphore, #tpu.memory_space<semaphore_mem>>)
    %add3A_274 = arith.constant 0 : i32
    %add3A_275 = arith.addi %mul3A_32, %add3A_274 : i32
    %dma_start3A_276 = arith.constant 0 : i32
    %dma_start3A_277 = arith.constant 0 : i32
    %dma_start3A_278 = arith.constant 0 : i32
    %dma_start3A_279 = tpu.memref_slice %arg10[%arg1, %dma_start3A_276, %dma_start3A_277, %dma_start3A_278] : memref<16x4x8x768xf32, #tpu.memory_space<vmem_shared>> -> memref<1x1x8x768xf32, #tpu.memory_space<vmem_shared>>
    %dma_start3A_280 = tpu.memref_squeeze %dma_start3A_279 : memref<1x1x8x768xf32, #tpu.memory_space<vmem_shared>> -> memref<8x768xf32, #tpu.memory_space<vmem_shared>>
    %dma_start3A_281 = arith.constant 0 : i32
    %dma_start3A_282 = tpu.memref_slice %arg2[%select_n3A, %add3A_275, %dma_start3A_281] : memref<8x2048x2048xf32, #tpu.memory_space<hbm>> -> memref<1x8x768xf32, #tpu.memory_space<hbm>>
    %dma_start3A_283 = tpu.memref_squeeze %dma_start3A_282 : memref<1x8x768xf32, #tpu.memory_space<hbm>> -> memref<8x768xf32, #tpu.memory_space<hbm>>
    tpu.enqueue_dma source(%dma_start3A_283 : memref<8x768xf32, #tpu.memory_space<hbm>>) target(%dma_start3A_280 : memref<8x768xf32, #tpu.memory_space<vmem_shared>>) target_semaphore(%arg19 : memref<!tpu.dma_semaphore, #tpu.memory_space<semaphore_mem>>)
    %add3A_284 = arith.constant 8 : i32
    %add3A_285 = arith.addi %mul3A_32, %add3A_284 : i32
    %dma_start3A_286 = arith.constant 768 : i32
    %dma_start3A_287 = tpu.memref_slice %arg2[%select_n3A, %add3A_285, %dma_start3A_286] : memref<8x2048x2048xf32, #tpu.memory_space<hbm>> -> memref<1x8x1280xf32, #tpu.memory_space<hbm>>
    %dma_start3A_288 = tpu.memref_squeeze %dma_start3A_287 : memref<1x8x1280xf32, #tpu.memory_space<hbm>> -> memref<8x1280xf32, #tpu.memory_space<hbm>>
    %dma_start3A_289 = arith.constant 768 : i32
    %dma_start3A_290 = tpu.memref_slice %arg2[%select_n3A, %add3A_285, %dma_start3A_289] : memref<8x2048x2048xf32, #tpu.memory_space<hbm>> -> memref<1x8x1280xf32, #tpu.memory_space<hbm>>
    %dma_start3A_291 = tpu.memref_squeeze %dma_start3A_290 : memref<1x8x1280xf32, #tpu.memory_space<hbm>> -> memref<8x1280xf32, #tpu.memory_space<hbm>>
    tpu.enqueue_dma source(%dma_start3A_291 : memref<8x1280xf32, #tpu.memory_space<hbm>>) target(%arg6 : memref<8x1280xf32, #tpu.memory_space<vmem>>) target_semaphore(%arg12 : memref<!tpu.dma_semaphore, #tpu.memory_space<semaphore_mem>>)
    %add3A_292 = arith.constant 8 : i32
    %add3A_293 = arith.addi %mul3A_32, %add3A_292 : i32
    %dma_start3A_294 = arith.constant 1 : i32
    %dma_start3A_295 = arith.constant 0 : i32
    %dma_start3A_296 = arith.constant 0 : i32
    %dma_start3A_297 = tpu.memref_slice %arg10[%arg1, %dma_start3A_294, %dma_start3A_295, %dma_start3A_296] : memref<16x4x8x768xf32, #tpu.memory_space<vmem_shared>> -> memref<1x1x8x768xf32, #tpu.memory_space<vmem_shared>>
    %dma_start3A_298 = tpu.memref_squeeze %dma_start3A_297 : memref<1x1x8x768xf32, #tpu.memory_space<vmem_shared>> -> memref<8x768xf32, #tpu.memory_space<vmem_shared>>
    %dma_start3A_299 = arith.constant 0 : i32
    %dma_start3A_300 = tpu.memref_slice %arg2[%select_n3A, %add3A_293, %dma_start3A_299] : memref<8x2048x2048xf32, #tpu.memory_space<hbm>> -> memref<1x8x768xf32, #tpu.memory_space<hbm>>
    %dma_start3A_301 = tpu.memref_squeeze %dma_start3A_300 : memref<1x8x768xf32, #tpu.memory_space<hbm>> -> memref<8x768xf32, #tpu.memory_space<hbm>>
    tpu.enqueue_dma source(%dma_start3A_301 : memref<8x768xf32, #tpu.memory_space<hbm>>) target(%dma_start3A_298 : memref<8x768xf32, #tpu.memory_space<vmem_shared>>) target_semaphore(%arg20 : memref<!tpu.dma_semaphore, #tpu.memory_space<semaphore_mem>>)
    %add3A_302 = arith.constant 16 : i32
    %add3A_303 = arith.addi %mul3A_32, %add3A_302 : i32
    %dma_start3A_304 = arith.constant 768 : i32
    %dma_start3A_305 = tpu.memref_slice %arg2[%select_n3A, %add3A_303, %dma_start3A_304] : memref<8x2048x2048xf32, #tpu.memory_space<hbm>> -> memref<1x8x1280xf32, #tpu.memory_space<hbm>>
    %dma_start3A_306 = tpu.memref_squeeze %dma_start3A_305 : memref<1x8x1280xf32, #tpu.memory_space<hbm>> -> memref<8x1280xf32, #tpu.memory_space<hbm>>
    %dma_start3A_307 = arith.constant 768 : i32
    %dma_start3A_308 = tpu.memref_slice %arg2[%select_n3A, %add3A_303, %dma_start3A_307] : memref<8x2048x2048xf32, #tpu.memory_space<hbm>> -> memref<1x8x1280xf32, #tpu.memory_space<hbm>>
    %dma_start3A_309 = tpu.memref_squeeze %dma_start3A_308 : memref<1x8x1280xf32, #tpu.memory_space<hbm>> -> memref<8x1280xf32, #tpu.memory_space<hbm>>
    tpu.enqueue_dma source(%dma_start3A_309 : memref<8x1280xf32, #tpu.memory_space<hbm>>) target(%arg7 : memref<8x1280xf32, #tpu.memory_space<vmem>>) target_semaphore(%arg13 : memref<!tpu.dma_semaphore, #tpu.memory_space<semaphore_mem>>)
    %add3A_310 = arith.constant 16 : i32
    %add3A_311 = arith.addi %mul3A_32, %add3A_310 : i32
    %dma_start3A_312 = arith.constant 2 : i32
    %dma_start3A_313 = arith.constant 0 : i32
    %dma_start3A_314 = arith.constant 0 : i32
    %dma_start3A_315 = tpu.memref_slice %arg10[%arg1, %dma_start3A_312, %dma_start3A_313, %dma_start3A_314] : memref<16x4x8x768xf32, #tpu.memory_space<vmem_shared>> -> memref<1x1x8x768xf32, #tpu.memory_space<vmem_shared>>
    %dma_start3A_316 = tpu.memref_squeeze %dma_start3A_315 : memref<1x1x8x768xf32, #tpu.memory_space<vmem_shared>> -> memref<8x768xf32, #tpu.memory_space<vmem_shared>>
    %dma_start3A_317 = arith.constant 0 : i32
    %dma_start3A_318 = tpu.memref_slice %arg2[%select_n3A, %add3A_311, %dma_start3A_317] : memref<8x2048x2048xf32, #tpu.memory_space<hbm>> -> memref<1x8x768xf32, #tpu.memory_space<hbm>>
    %dma_start3A_319 = tpu.memref_squeeze %dma_start3A_318 : memref<1x8x768xf32, #tpu.memory_space<hbm>> -> memref<8x768xf32, #tpu.memory_space<hbm>>
    tpu.enqueue_dma source(%dma_start3A_319 : memref<8x768xf32, #tpu.memory_space<hbm>>) target(%dma_start3A_316 : memref<8x768xf32, #tpu.memory_space<vmem_shared>>) target_semaphore(%arg21 : memref<!tpu.dma_semaphore, #tpu.memory_space<semaphore_mem>>)
    %add3A_320 = arith.constant 24 : i32
    %add3A_321 = arith.addi %mul3A_32, %add3A_320 : i32
    %dma_start3A_322 = arith.constant 768 : i32
    %dma_start3A_323 = tpu.memref_slice %arg2[%select_n3A, %add3A_321, %dma_start3A_322] : memref<8x2048x2048xf32, #tpu.memory_space<hbm>> -> memref<1x8x1280xf32, #tpu.memory_space<hbm>>
    %dma_start3A_324 = tpu.memref_squeeze %dma_start3A_323 : memref<1x8x1280xf32, #tpu.memory_space<hbm>> -> memref<8x1280xf32, #tpu.memory_space<hbm>>
    %dma_start3A_325 = arith.constant 768 : i32
    %dma_start3A_326 = tpu.memref_slice %arg2[%select_n3A, %add3A_321, %dma_start3A_325] : memref<8x2048x2048xf32, #tpu.memory_space<hbm>> -> memref<1x8x1280xf32, #tpu.memory_space<hbm>>
    %dma_start3A_327 = tpu.memref_squeeze %dma_start3A_326 : memref<1x8x1280xf32, #tpu.memory_space<hbm>> -> memref<8x1280xf32, #tpu.memory_space<hbm>>
    tpu.enqueue_dma source(%dma_start3A_327 : memref<8x1280xf32, #tpu.memory_space<hbm>>) target(%arg8 : memref<8x1280xf32, #tpu.memory_space<vmem>>) target_semaphore(%arg14 : memref<!tpu.dma_semaphore, #tpu.memory_space<semaphore_mem>>)
    %add3A_328 = arith.constant 24 : i32
    %add3A_329 = arith.addi %mul3A_32, %add3A_328 : i32
    %dma_start3A_330 = arith.constant 3 : i32
    %dma_start3A_331 = arith.constant 0 : i32
    %dma_start3A_332 = arith.constant 0 : i32
    %dma_start3A_333 = tpu.memref_slice %arg10[%arg1, %dma_start3A_330, %dma_start3A_331, %dma_start3A_332] : memref<16x4x8x768xf32, #tpu.memory_space<vmem_shared>> -> memref<1x1x8x768xf32, #tpu.memory_space<vmem_shared>>
    %dma_start3A_334 = tpu.memref_squeeze %dma_start3A_333 : memref<1x1x8x768xf32, #tpu.memory_space<vmem_shared>> -> memref<8x768xf32, #tpu.memory_space<vmem_shared>>
    %dma_start3A_335 = arith.constant 0 : i32
    %dma_start3A_336 = tpu.memref_slice %arg2[%select_n3A, %add3A_329, %dma_start3A_335] : memref<8x2048x2048xf32, #tpu.memory_space<hbm>> -> memref<1x8x768xf32, #tpu.memory_space<hbm>>
    %dma_start3A_337 = tpu.memref_squeeze %dma_start3A_336 : memref<1x8x768xf32, #tpu.memory_space<hbm>> -> memref<8x768xf32, #tpu.memory_space<hbm>>
    tpu.enqueue_dma source(%dma_start3A_337 : memref<8x768xf32, #tpu.memory_space<hbm>>) target(%dma_start3A_334 : memref<8x768xf32, #tpu.memory_space<vmem_shared>>) target_semaphore(%arg22 : memref<!tpu.dma_semaphore, #tpu.memory_space<semaphore_mem>>)
    %scan3A = arith.constant 0 : i32
    %scan3A_338 = arith.constant 0 : i32
    %scan3A_339 = arith.constant 16 : i32
    %scan3A_340 = arith.addi %scan3A_338, %scan3A_339 : i32
    %scan3A_341 = arith.constant 1 : i32
    %scan3A_342 = scf.for %scan3A_415 = %scan3A_338 to %scan3A_340 step %scan3A_341 iter_args(%scan3A_416 = %scan3A) -> (i32)  : i32 {
      %mul3A_417 = arith.constant 4 : i32
      %mul3A_418 = arith.muli %scan3A_415, %mul3A_417 : i32
      %add3A_419 = arith.constant 0 : i32
      %add3A_420 = arith.addi %mul3A_418, %add3A_419 : i32
      %mul3A_421 = arith.constant 8 : i32
      %mul3A_422 = arith.muli %add3A_420, %mul3A_421 : i32
      %add3A_423 = arith.addi %mul3A_32, %mul3A_422 : i32
      %dma_wait3A_424 = arith.constant 0 : i32
      %dma_wait3A_425 = arith.constant 0 : i32
      %dma_wait3A_426 = arith.constant 0 : i32
      %dma_wait3A_427 = tpu.memref_slice %arg10[%arg1, %dma_wait3A_424, %dma_wait3A_425, %dma_wait3A_426] : memref<16x4x8x768xf32, #tpu.memory_space<vmem_shared>> -> memref<1x1x8x768xf32, #tpu.memory_space<vmem_shared>>
      %dma_wait3A_428 = tpu.memref_squeeze %dma_wait3A_427 : memref<1x1x8x768xf32, #tpu.memory_space<vmem_shared>> -> memref<8x768xf32, #tpu.memory_space<vmem_shared>>
      %dma_wait3A_429 = arith.constant 0 : i32
      %dma_wait3A_430 = tpu.memref_slice %arg2[%select_n3A, %add3A_423, %dma_wait3A_429] : memref<8x2048x2048xf32, #tpu.memory_space<hbm>> -> memref<1x8x768xf32, #tpu.memory_space<hbm>>
      %dma_wait3A_431 = tpu.memref_squeeze %dma_wait3A_430 : memref<1x8x768xf32, #tpu.memory_space<hbm>> -> memref<8x768xf32, #tpu.memory_space<hbm>>
      tpu.wait_dma2 semaphore(%arg19 : memref<!tpu.dma_semaphore, #tpu.memory_space<semaphore_mem>>) src(%dma_wait3A_431 : memref<8x768xf32, #tpu.memory_space<hbm>>) dst(%dma_wait3A_428 : memref<8x768xf32, #tpu.memory_space<vmem_shared>>)
      %mul3A_432 = arith.constant 8 : i32
      %mul3A_433 = arith.muli %add3A_420, %mul3A_432 : i32
      %add3A_434 = arith.addi %mul3A_32, %mul3A_433 : i32
      %dma_start3A_435 = arith.constant 0 : i32
      %dma_start3A_436 = arith.constant 0 : i32
      %dma_start3A_437 = tpu.memref_slice %arg4[%select_n3A, %add3A_434, %dma_start3A_436] : memref<8x2048x2048xf32, #tpu.memory_space<hbm>> -> memref<1x8x768xf32, #tpu.memory_space<hbm>>
      %dma_start3A_438 = tpu.memref_squeeze %dma_start3A_437 : memref<1x8x768xf32, #tpu.memory_space<hbm>> -> memref<8x768xf32, #tpu.memory_space<hbm>>
      %dma_start3A_439 = arith.constant 0 : i32
      %dma_start3A_440 = arith.constant 0 : i32
      %dma_start3A_441 = tpu.memref_slice %arg10[%arg1, %dma_start3A_435, %dma_start3A_439, %dma_start3A_440] : memref<16x4x8x768xf32, #tpu.memory_space<vmem_shared>> -> memref<1x1x8x768xf32, #tpu.memory_space<vmem_shared>>
      %dma_start3A_442 = tpu.memref_squeeze %dma_start3A_441 : memref<1x1x8x768xf32, #tpu.memory_space<vmem_shared>> -> memref<8x768xf32, #tpu.memory_space<vmem_shared>>
      tpu.enqueue_dma source(%dma_start3A_442 : memref<8x768xf32, #tpu.memory_space<vmem_shared>>) target(%dma_start3A_438 : memref<8x768xf32, #tpu.memory_space<hbm>>) target_semaphore(%arg23 : memref<!tpu.dma_semaphore, #tpu.memory_space<semaphore_mem>>)
      %mul3A_443 = arith.constant 8 : i32
      %mul3A_444 = arith.muli %add3A_420, %mul3A_443 : i32
      %add3A_445 = arith.addi %mul3A_32, %mul3A_444 : i32
      %dma_wait3A_446 = arith.constant 768 : i32
      %dma_wait3A_447 = tpu.memref_slice %arg2[%select_n3A, %add3A_445, %dma_wait3A_446] : memref<8x2048x2048xf32, #tpu.memory_space<hbm>> -> memref<1x8x1280xf32, #tpu.memory_space<hbm>>
      %dma_wait3A_448 = tpu.memref_squeeze %dma_wait3A_447 : memref<1x8x1280xf32, #tpu.memory_space<hbm>> -> memref<8x1280xf32, #tpu.memory_space<hbm>>
      %dma_wait3A_449 = arith.constant 768 : i32
      %dma_wait3A_450 = tpu.memref_slice %arg2[%select_n3A, %add3A_445, %dma_wait3A_449] : memref<8x2048x2048xf32, #tpu.memory_space<hbm>> -> memref<1x8x1280xf32, #tpu.memory_space<hbm>>
      %dma_wait3A_451 = tpu.memref_squeeze %dma_wait3A_450 : memref<1x8x1280xf32, #tpu.memory_space<hbm>> -> memref<8x1280xf32, #tpu.memory_space<hbm>>
      tpu.wait_dma2 semaphore(%arg11 : memref<!tpu.dma_semaphore, #tpu.memory_space<semaphore_mem>>) src(%dma_wait3A_451 : memref<8x1280xf32, #tpu.memory_space<hbm>>) dst(%arg5 : memref<8x1280xf32, #tpu.memory_space<vmem>>)
      %mul3A_452 = arith.constant 8 : i32
      %mul3A_453 = arith.muli %add3A_420, %mul3A_452 : i32
      %add3A_454 = arith.addi %mul3A_32, %mul3A_453 : i32
      %scan3A_455 = arith.constant 0 : i32
      %scan3A_456 = arith.constant 0 : i32
      %scan3A_457 = arith.constant 8 : i32
      %scan3A_458 = arith.addi %scan3A_456, %scan3A_457 : i32
      %scan3A_459 = arith.constant 1 : i32
      %scan3A_460 = scf.for %scan3A_662 = %scan3A_456 to %scan3A_458 step %scan3A_459 iter_args(%scan3A_663 = %scan3A_455) -> (i32)  : i32 {
        %add3A_664 = arith.addi %add3A_454, %scan3A_662 : i32
        %ge3A_665 = arith.cmpi sge, %add3A_664, %squeeze3A : i32
        %lt3A_666 = arith.cmpi slt, %add3A_664, %squeeze3A_43 : i32
        %and3A_667 = arith.andi %ge3A_665, %lt3A_666 : i1
        %convert_element_type3A_668 = arith.extui %and3A_667 : i1 to i32
        %cond3A_669 = arith.constant 0 : i32
        %cond3A_670 = arith.cmpi ne, %convert_element_type3A_668, %cond3A_669 : i32
        scf.if %cond3A_670 {
          %swap3A = arith.index_cast %scan3A_662 : i32 to index
          %swap3A_676 = arith.constant 0 : index
          %swap3A_677 = tpu.vector_load %arg5[%swap3A, %swap3A_676] {strides = array<i32>} : memref<8x1280xf32, #tpu.memory_space<vmem>>, vector<1x16xf32>,
          %swap3A_678 = vector.shape_cast %swap3A_677 : vector<1x16xf32> to vector<16xf32>
          %swap3A_679 = vector.shape_cast %broadcast_in_dim3A_266 : vector<16xf32> to vector<1x16xf32>
          tpu.vector_store %arg5[%swap3A, %swap3A_676], %swap3A_679 {strides = array<i32>} : memref<8x1280xf32, #tpu.memory_space<vmem>>, vector<1x16xf32>,
          %swap3A_680 = arith.index_cast %scan3A_662 : i32 to index
          %swap3A_681 = arith.constant 16 : index
          %swap3A_682 = tpu.vector_load %arg5[%swap3A_680, %swap3A_681] {strides = array<i32>} : memref<8x1280xf32, #tpu.memory_space<vmem>>, vector<1x16xf32>,
          %swap3A_683 = vector.shape_cast %swap3A_682 : vector<1x16xf32> to vector<16xf32>
          %swap3A_684 = vector.shape_cast %broadcast_in_dim3A_266 : vector<16xf32> to vector<1x16xf32>
          tpu.vector_store %arg5[%swap3A_680, %swap3A_681], %swap3A_684 {strides = array<i32>} : memref<8x1280xf32, #tpu.memory_space<vmem>>, vector<1x16xf32>,
          %swap3A_685 = arith.index_cast %scan3A_662 : i32 to index
          %swap3A_686 = arith.constant 32 : index
          %swap3A_687 = tpu.vector_load %arg5[%swap3A_685, %swap3A_686] {strides = array<i32>} : memref<8x1280xf32, #tpu.memory_space<vmem>>, vector<1x16xf32>,
          %swap3A_688 = vector.shape_cast %swap3A_687 : vector<1x16xf32> to vector<16xf32>
          %swap3A_689 = vector.shape_cast %broadcast_in_dim3A_266 : vector<16xf32> to vector<1x16xf32>
          tpu.vector_store %arg5[%swap3A_685, %swap3A_686], %swap3A_689 {strides = array<i32>} : memref<8x1280xf32, #tpu.memory_space<vmem>>, vector<1x16xf32>,
          %swap3A_690 = arith.index_cast %scan3A_662 : i32 to index
          %swap3A_691 = arith.constant 48 : index
          %swap3A_692 = tpu.vector_load %arg5[%swap3A_690, %swap3A_691] {strides = array<i32>} : memref<8x1280xf32, #tpu.memory_space<vmem>>, vector<1x16xf32>,
          %swap3A_693 = vector.shape_cast %swap3A_692 : vector<1x16xf32> to vector<16xf32>
          %swap3A_694 = vector.shape_cast %broadcast_in_dim3A_266 : vector<16xf32> to vector<1x16xf32>
          tpu.vector_store %arg5[%swap3A_690, %swap3A_691], %swap3A_694 {strides = array<i32>} : memref<8x1280xf32, #tpu.memory_space<vmem>>, vector<1x16xf32>,
          %swap3A_695 = arith.index_cast %scan3A_662 : i32 to index
          %swap3A_696 = arith.constant 64 : index
          %swap3A_697 = tpu.vector_load %arg5[%swap3A_695, %swap3A_696] {strides = array<i32>} : memref<8x1280xf32, #tpu.memory_space<vmem>>, vector<1x16xf32>,
          %swap3A_698 = vector.shape_cast %swap3A_697 : vector<1x16xf32> to vector<16xf32>
          %swap3A_699 = vector.shape_cast %broadcast_in_dim3A_266 : vector<16xf32> to vector<1x16xf32>
          tpu.vector_store %arg5[%swap3A_695, %swap3A_696], %swap3A_699 {strides = array<i32>} : memref<8x1280xf32, #tpu.memory_space<vmem>>, vector<1x16xf32>,
          %swap3A_700 = arith.index_cast %scan3A_662 : i32 to index
          %swap3A_701 = arith.constant 80 : index
          %swap3A_702 = tpu.vector_load %arg5[%swap3A_700, %swap3A_701] {strides = array<i32>} : memref<8x1280xf32, #tpu.memory_space<vmem>>, vector<1x16xf32>,
          %swap3A_703 = vector.shape_cast %swap3A_702 : vector<1x16xf32> to vector<16xf32>
          %swap3A_704 = vector.shape_cast %broadcast_in_dim3A_266 : vector<16xf32> to vector<1x16xf32>
          tpu.vector_store %arg5[%swap3A_700, %swap3A_701], %swap3A_704 {strides = array<i32>} : memref<8x1280xf32, #tpu.memory_space<vmem>>, vector<1x16xf32>,
          %swap3A_705 = arith.index_cast %scan3A_662 : i32 to index
          %swap3A_706 = arith.constant 96 : index
          %swap3A_707 = tpu.vector_load %arg5[%swap3A_705, %swap3A_706] {strides = array<i32>} : memref<8x1280xf32, #tpu.memory_space<vmem>>, vector<1x16xf32>,
          %swap3A_708 = vector.shape_cast %swap3A_707 : vector<1x16xf32> to vector<16xf32>
          %swap3A_709 = vector.shape_cast %broadcast_in_dim3A_266 : vector<16xf32> to vector<1x16xf32>
          tpu.vector_store %arg5[%swap3A_705, %swap3A_706], %swap3A_709 {strides = array<i32>} : memref<8x1280xf32, #tpu.memory_space<vmem>>, vector<1x16xf32>,
          %swap3A_710 = arith.index_cast %scan3A_662 : i32 to index
          %swap3A_711 = arith.constant 112 : index
          %swap3A_712 = tpu.vector_load %arg5[%swap3A_710, %swap3A_711] {strides = array<i32>} : memref<8x1280xf32, #tpu.memory_space<vmem>>, vector<1x16xf32>,
          %swap3A_713 = vector.shape_cast %swap3A_712 : vector<1x16xf32> to vector<16xf32>
          %swap3A_714 = vector.shape_cast %broadcast_in_dim3A_266 : vector<16xf32> to vector<1x16xf32>
          tpu.vector_store %arg5[%swap3A_710, %swap3A_711], %swap3A_714 {strides = array<i32>} : memref<8x1280xf32, #tpu.memory_space<vmem>>, vector<1x16xf32>,
          %swap3A_715 = arith.index_cast %scan3A_662 : i32 to index
          %swap3A_716 = arith.constant 128 : index
          %swap3A_717 = tpu.vector_load %arg5[%swap3A_715, %swap3A_716] {strides = array<i32>} : memref<8x1280xf32, #tpu.memory_space<vmem>>, vector<1x16xf32>,
          %swap3A_718 = vector.shape_cast %swap3A_717 : vector<1x16xf32> to vector<16xf32>
          %swap3A_719 = vector.shape_cast %broadcast_in_dim3A_266 : vector<16xf32> to vector<1x16xf32>
          tpu.vector_store %arg5[%swap3A_715, %swap3A_716], %swap3A_719 {strides = array<i32>} : memref<8x1280xf32, #tpu.memory_space<vmem>>, vector<1x16xf32>,
          %swap3A_720 = arith.index_cast %scan3A_662 : i32 to index
          %swap3A_721 = arith.constant 144 : index
          %swap3A_722 = tpu.vector_load %arg5[%swap3A_720, %swap3A_721] {strides = array<i32>} : memref<8x1280xf32, #tpu.memory_space<vmem>>, vector<1x16xf32>,
          %swap3A_723 = vector.shape_cast %swap3A_722 : vector<1x16xf32> to vector<16xf32>
          %swap3A_724 = vector.shape_cast %broadcast_in_dim3A_266 : vector<16xf32> to vector<1x16xf32>
          tpu.vector_store %arg5[%swap3A_720, %swap3A_721], %swap3A_724 {strides = array<i32>} : memref<8x1280xf32, #tpu.memory_space<vmem>>, vector<1x16xf32>,
          %swap3A_725 = arith.index_cast %scan3A_662 : i32 to index
          %swap3A_726 = arith.constant 160 : index
          %swap3A_727 = tpu.vector_load %arg5[%swap3A_725, %swap3A_726] {strides = array<i32>} : memref<8x1280xf32, #tpu.memory_space<vmem>>, vector<1x16xf32>,
          %swap3A_728 = vector.shape_cast %swap3A_727 : vector<1x16xf32> to vector<16xf32>
          %swap3A_729 = vector.shape_cast %broadcast_in_dim3A_266 : vector<16xf32> to vector<1x16xf32>
          tpu.vector_store %arg5[%swap3A_725, %swap3A_726], %swap3A_729 {strides = array<i32>} : memref<8x1280xf32, #tpu.memory_space<vmem>>, vector<1x16xf32>,
          %swap3A_730 = arith.index_cast %scan3A_662 : i32 to index
          %swap3A_731 = arith.constant 176 : index
          %swap3A_732 = tpu.vector_load %arg5[%swap3A_730, %swap3A_731] {strides = array<i32>} : memref<8x1280xf32, #tpu.memory_space<vmem>>, vector<1x16xf32>,
          %swap3A_733 = vector.shape_cast %swap3A_732 : vector<1x16xf32> to vector<16xf32>
          %swap3A_734 = vector.shape_cast %broadcast_in_dim3A_266 : vector<16xf32> to vector<1x16xf32>
          tpu.vector_store %arg5[%swap3A_730, %swap3A_731], %swap3A_734 {strides = array<i32>} : memref<8x1280xf32, #tpu.memory_space<vmem>>, vector<1x16xf32>,
          %swap3A_735 = arith.index_cast %scan3A_662 : i32 to index
          %swap3A_736 = arith.constant 192 : index
          %swap3A_737 = tpu.vector_load %arg5[%swap3A_735, %swap3A_736] {strides = array<i32>} : memref<8x1280xf32, #tpu.memory_space<vmem>>, vector<1x16xf32>,
          %swap3A_738 = vector.shape_cast %swap3A_737 : vector<1x16xf32> to vector<16xf32>
          %swap3A_739 = vector.shape_cast %broadcast_in_dim3A_266 : vector<16xf32> to vector<1x16xf32>
          tpu.vector_store %arg5[%swap3A_735, %swap3A_736], %swap3A_739 {strides = array<i32>} : memref<8x1280xf32, #tpu.memory_space<vmem>>, vector<1x16xf32>,
          %swap3A_740 = arith.index_cast %scan3A_662 : i32 to index
          %swap3A_741 = arith.constant 208 : index
          %swap3A_742 = tpu.vector_load %arg5[%swap3A_740, %swap3A_741] {strides = array<i32>} : memref<8x1280xf32, #tpu.memory_space<vmem>>, vector<1x16xf32>,
          %swap3A_743 = vector.shape_cast %swap3A_742 : vector<1x16xf32> to vector<16xf32>
          %swap3A_744 = vector.shape_cast %broadcast_in_dim3A_266 : vector<16xf32> to vector<1x16xf32>
          tpu.vector_store %arg5[%swap3A_740, %swap3A_741], %swap3A_744 {strides = array<i32>} : memref<8x1280xf32, #tpu.memory_space<vmem>>, vector<1x16xf32>,
          %swap3A_745 = arith.index_cast %scan3A_662 : i32 to index
          %swap3A_746 = arith.constant 224 : index
          %swap3A_747 = tpu.vector_load %arg5[%swap3A_745, %swap3A_746] {strides = array<i32>} : memref<8x1280xf32, #tpu.memory_space<vmem>>, vector<1x16xf32>,
          %swap3A_748 = vector.shape_cast %swap3A_747 : vector<1x16xf32> to vector<16xf32>
          %swap3A_749 = vector.shape_cast %broadcast_in_dim3A_266 : vector<16xf32> to vector<1x16xf32>
          tpu.vector_store %arg5[%swap3A_745, %swap3A_746], %swap3A_749 {strides = array<i32>} : memref<8x1280xf32, #tpu.memory_space<vmem>>, vector<1x16xf32>,
          %swap3A_750 = arith.index_cast %scan3A_662 : i32 to index
          %swap3A_751 = arith.constant 240 : index
          %swap3A_752 = tpu.vector_load %arg5[%swap3A_750, %swap3A_751] {strides = array<i32>} : memref<8x1280xf32, #tpu.memory_space<vmem>>, vector<1x16xf32>,
          %swap3A_753 = vector.shape_cast %swap3A_752 : vector<1x16xf32> to vector<16xf32>
          %swap3A_754 = vector.shape_cast %broadcast_in_dim3A_266 : vector<16xf32> to vector<1x16xf32>
          tpu.vector_store %arg5[%swap3A_750, %swap3A_751], %swap3A_754 {strides = array<i32>} : memref<8x1280xf32, #tpu.memory_space<vmem>>, vector<1x16xf32>,
          %swap3A_755 = arith.index_cast %scan3A_662 : i32 to index
          %swap3A_756 = arith.constant 256 : index
          %swap3A_757 = tpu.vector_load %arg5[%swap3A_755, %swap3A_756] {strides = array<i32>} : memref<8x1280xf32, #tpu.memory_space<vmem>>, vector<1x16xf32>,
          %swap3A_758 = vector.shape_cast %swap3A_757 : vector<1x16xf32> to vector<16xf32>
          %swap3A_759 = vector.shape_cast %broadcast_in_dim3A_266 : vector<16xf32> to vector<1x16xf32>
          tpu.vector_store %arg5[%swap3A_755, %swap3A_756], %swap3A_759 {strides = array<i32>} : memref<8x1280xf32, #tpu.memory_space<vmem>>, vector<1x16xf32>,
          %swap3A_760 = arith.index_cast %scan3A_662 : i32 to index
          %swap3A_761 = arith.constant 272 : index
          %swap3A_762 = tpu.vector_load %arg5[%swap3A_760, %swap3A_761] {strides = array<i32>} : memref<8x1280xf32, #tpu.memory_space<vmem>>, vector<1x16xf32>,
          %swap3A_763 = vector.shape_cast %swap3A_762 : vector<1x16xf32> to vector<16xf32>
          %swap3A_764 = vector.shape_cast %broadcast_in_dim3A_266 : vector<16xf32> to vector<1x16xf32>
          tpu.vector_store %arg5[%swap3A_760, %swap3A_761], %swap3A_764 {strides = array<i32>} : memref<8x1280xf32, #tpu.memory_space<vmem>>, vector<1x16xf32>,
          %swap3A_765 = arith.index_cast %scan3A_662 : i32 to index
          %swap3A_766 = arith.constant 288 : index
          %swap3A_767 = tpu.vector_load %arg5[%swap3A_765, %swap3A_766] {strides = array<i32>} : memref<8x1280xf32, #tpu.memory_space<vmem>>, vector<1x16xf32>,
          %swap3A_768 = vector.shape_cast %swap3A_767 : vector<1x16xf32> to vector<16xf32>
          %swap3A_769 = vector.shape_cast %broadcast_in_dim3A_266 : vector<16xf32> to vector<1x16xf32>
          tpu.vector_store %arg5[%swap3A_765, %swap3A_766], %swap3A_769 {strides = array<i32>} : memref<8x1280xf32, #tpu.memory_space<vmem>>, vector<1x16xf32>,
          %swap3A_770 = arith.index_cast %scan3A_662 : i32 to index
          %swap3A_771 = arith.constant 304 : index
          %swap3A_772 = tpu.vector_load %arg5[%swap3A_770, %swap3A_771] {strides = array<i32>} : memref<8x1280xf32, #tpu.memory_space<vmem>>, vector<1x16xf32>,
          %swap3A_773 = vector.shape_cast %swap3A_772 : vector<1x16xf32> to vector<16xf32>
          %swap3A_774 = vector.shape_cast %broadcast_in_dim3A_266 : vector<16xf32> to vector<1x16xf32>
          tpu.vector_store %arg5[%swap3A_770, %swap3A_771], %swap3A_774 {strides = array<i32>} : memref<8x1280xf32, #tpu.memory_space<vmem>>, vector<1x16xf32>,
          %swap3A_775 = arith.index_cast %scan3A_662 : i32 to index
          %swap3A_776 = arith.constant 320 : index
          %swap3A_777 = tpu.vector_load %arg5[%swap3A_775, %swap3A_776] {strides = array<i32>} : memref<8x1280xf32, #tpu.memory_space<vmem>>, vector<1x16xf32>,
          %swap3A_778 = vector.shape_cast %swap3A_777 : vector<1x16xf32> to vector<16xf32>
          %swap3A_779 = vector.shape_cast %broadcast_in_dim3A_266 : vector<16xf32> to vector<1x16xf32>
          tpu.vector_store %arg5[%swap3A_775, %swap3A_776], %swap3A_779 {strides = array<i32>} : memref<8x1280xf32, #tpu.memory_space<vmem>>, vector<1x16xf32>,
          %swap3A_780 = arith.index_cast %scan3A_662 : i32 to index
          %swap3A_781 = arith.constant 336 : index
          %swap3A_782 = tpu.vector_load %arg5[%swap3A_780, %swap3A_781] {strides = array<i32>} : memref<8x1280xf32, #tpu.memory_space<vmem>>, vector<1x16xf32>,
          %swap3A_783 = vector.shape_cast %swap3A_782 : vector<1x16xf32> to vector<16xf32>
          %swap3A_784 = vector.shape_cast %broadcast_in_dim3A_266 : vector<16xf32> to vector<1x16xf32>
          tpu.vector_store %arg5[%swap3A_780, %swap3A_781], %swap3A_784 {strides = array<i32>} : memref<8x1280xf32, #tpu.memory_space<vmem>>, vector<1x16xf32>,
          %swap3A_785 = arith.index_cast %scan3A_662 : i32 to index
          %swap3A_786 = arith.constant 352 : index
          %swap3A_787 = tpu.vector_load %arg5[%swap3A_785, %swap3A_786] {strides = array<i32>} : memref<8x1280xf32, #tpu.memory_space<vmem>>, vector<1x16xf32>,
          %swap3A_788 = vector.shape_cast %swap3A_787 : vector<1x16xf32> to vector<16xf32>
          %swap3A_789 = vector.shape_cast %broadcast_in_dim3A_266 : vector<16xf32> to vector<1x16xf32>
          tpu.vector_store %arg5[%swap3A_785, %swap3A_786], %swap3A_789 {strides = array<i32>} : memref<8x1280xf32, #tpu.memory_space<vmem>>, vector<1x16xf32>,
          %swap3A_790 = arith.index_cast %scan3A_662 : i32 to index
          %swap3A_791 = arith.constant 368 : index
          %swap3A_792 = tpu.vector_load %arg5[%swap3A_790, %swap3A_791] {strides = array<i32>} : memref<8x1280xf32, #tpu.memory_space<vmem>>, vector<1x16xf32>,
          %swap3A_793 = vector.shape_cast %swap3A_792 : vector<1x16xf32> to vector<16xf32>
          %swap3A_794 = vector.shape_cast %broadcast_in_dim3A_266 : vector<16xf32> to vector<1x16xf32>
          tpu.vector_store %arg5[%swap3A_790, %swap3A_791], %swap3A_794 {strides = array<i32>} : memref<8x1280xf32, #tpu.memory_space<vmem>>, vector<1x16xf32>,
          %swap3A_795 = arith.index_cast %scan3A_662 : i32 to index
          %swap3A_796 = arith.constant 384 : index
          %swap3A_797 = tpu.vector_load %arg5[%swap3A_795, %swap3A_796] {strides = array<i32>} : memref<8x1280xf32, #tpu.memory_space<vmem>>, vector<1x16xf32>,
          %swap3A_798 = vector.shape_cast %swap3A_797 : vector<1x16xf32> to vector<16xf32>
          %swap3A_799 = vector.shape_cast %broadcast_in_dim3A_266 : vector<16xf32> to vector<1x16xf32>
          tpu.vector_store %arg5[%swap3A_795, %swap3A_796], %swap3A_799 {strides = array<i32>} : memref<8x1280xf32, #tpu.memory_space<vmem>>, vector<1x16xf32>,
          %swap3A_800 = arith.index_cast %scan3A_662 : i32 to index
          %swap3A_801 = arith.constant 400 : index
          %swap3A_802 = tpu.vector_load %arg5[%swap3A_800, %swap3A_801] {strides = array<i32>} : memref<8x1280xf32, #tpu.memory_space<vmem>>, vector<1x16xf32>,
          %swap3A_803 = vector.shape_cast %swap3A_802 : vector<1x16xf32> to vector<16xf32>
          %swap3A_804 = vector.shape_cast %broadcast_in_dim3A_266 : vector<16xf32> to vector<1x16xf32>
          tpu.vector_store %arg5[%swap3A_800, %swap3A_801], %swap3A_804 {strides = array<i32>} : memref<8x1280xf32, #tpu.memory_space<vmem>>, vector<1x16xf32>,
          %swap3A_805 = arith.index_cast %scan3A_662 : i32 to index
          %swap3A_806 = arith.constant 416 : index
          %swap3A_807 = tpu.vector_load %arg5[%swap3A_805, %swap3A_806] {strides = array<i32>} : memref<8x1280xf32, #tpu.memory_space<vmem>>, vector<1x16xf32>,
          %swap3A_808 = vector.shape_cast %swap3A_807 : vector<1x16xf32> to vector<16xf32>
          %swap3A_809 = vector.shape_cast %broadcast_in_dim3A_266 : vector<16xf32> to vector<1x16xf32>
          tpu.vector_store %arg5[%swap3A_805, %swap3A_806], %swap3A_809 {strides = array<i32>} : memref<8x1280xf32, #tpu.memory_space<vmem>>, vector<1x16xf32>,
          %swap3A_810 = arith.index_cast %scan3A_662 : i32 to index
          %swap3A_811 = arith.constant 432 : index
          %swap3A_812 = tpu.vector_load %arg5[%swap3A_810, %swap3A_811] {strides = array<i32>} : memref<8x1280xf32, #tpu.memory_space<vmem>>, vector<1x16xf32>,
          %swap3A_813 = vector.shape_cast %swap3A_812 : vector<1x16xf32> to vector<16xf32>
          %swap3A_814 = vector.shape_cast %broadcast_in_dim3A_266 : vector<16xf32> to vector<1x16xf32>
          tpu.vector_store %arg5[%swap3A_810, %swap3A_811], %swap3A_814 {strides = array<i32>} : memref<8x1280xf32, #tpu.memory_space<vmem>>, vector<1x16xf32>,
          %swap3A_815 = arith.index_cast %scan3A_662 : i32 to index
          %swap3A_816 = arith.constant 448 : index
          %swap3A_817 = tpu.vector_load %arg5[%swap3A_815, %swap3A_816] {strides = array<i32>} : memref<8x1280xf32, #tpu.memory_space<vmem>>, vector<1x16xf32>,
          %swap3A_818 = vector.shape_cast %swap3A_817 : vector<1x16xf32> to vector<16xf32>
          %swap3A_819 = vector.shape_cast %broadcast_in_dim3A_266 : vector<16xf32> to vector<1x16xf32>
          tpu.vector_store %arg5[%swap3A_815, %swap3A_816], %swap3A_819 {strides = array<i32>} : memref<8x1280xf32, #tpu.memory_space<vmem>>, vector<1x16xf32>,
          %swap3A_820 = arith.index_cast %scan3A_662 : i32 to index
          %swap3A_821 = arith.constant 464 : index
          %swap3A_822 = tpu.vector_load %arg5[%swap3A_820, %swap3A_821] {strides = array<i32>} : memref<8x1280xf32, #tpu.memory_space<vmem>>, vector<1x16xf32>,
          %swap3A_823 = vector.shape_cast %swap3A_822 : vector<1x16xf32> to vector<16xf32>
          %swap3A_824 = vector.shape_cast %broadcast_in_dim3A_266 : vector<16xf32> to vector<1x16xf32>
          tpu.vector_store %arg5[%swap3A_820, %swap3A_821], %swap3A_824 {strides = array<i32>} : memref<8x1280xf32, #tpu.memory_space<vmem>>, vector<1x16xf32>,
          %swap3A_825 = arith.index_cast %scan3A_662 : i32 to index
          %swap3A_826 = arith.constant 480 : index
          %swap3A_827 = tpu.vector_load %arg5[%swap3A_825, %swap3A_826] {strides = array<i32>} : memref<8x1280xf32, #tpu.memory_space<vmem>>, vector<1x16xf32>,
          %swap3A_828 = vector.shape_cast %swap3A_827 : vector<1x16xf32> to vector<16xf32>
          %swap3A_829 = vector.shape_cast %broadcast_in_dim3A_266 : vector<16xf32> to vector<1x16xf32>
          tpu.vector_store %arg5[%swap3A_825, %swap3A_826], %swap3A_829 {strides = array<i32>} : memref<8x1280xf32, #tpu.memory_space<vmem>>, vector<1x16xf32>,
          %swap3A_830 = arith.index_cast %scan3A_662 : i32 to index
          %swap3A_831 = arith.constant 496 : index
          %swap3A_832 = tpu.vector_load %arg5[%swap3A_830, %swap3A_831] {strides = array<i32>} : memref<8x1280xf32, #tpu.memory_space<vmem>>, vector<1x16xf32>,
          %swap3A_833 = vector.shape_cast %swap3A_832 : vector<1x16xf32> to vector<16xf32>
          %swap3A_834 = vector.shape_cast %broadcast_in_dim3A_266 : vector<16xf32> to vector<1x16xf32>
          tpu.vector_store %arg5[%swap3A_830, %swap3A_831], %swap3A_834 {strides = array<i32>} : memref<8x1280xf32, #tpu.memory_space<vmem>>, vector<1x16xf32>,
          %swap3A_835 = arith.index_cast %scan3A_662 : i32 to index
          %swap3A_836 = arith.constant 512 : index
          %swap3A_837 = tpu.vector_load %arg5[%swap3A_835, %swap3A_836] {strides = array<i32>} : memref<8x1280xf32, #tpu.memory_space<vmem>>, vector<1x16xf32>,
          %swap3A_838 = vector.shape_cast %swap3A_837 : vector<1x16xf32> to vector<16xf32>
          %swap3A_839 = vector.shape_cast %broadcast_in_dim3A_266 : vector<16xf32> to vector<1x16xf32>
          tpu.vector_store %arg5[%swap3A_835, %swap3A_836], %swap3A_839 {strides = array<i32>} : memref<8x1280xf32, #tpu.memory_space<vmem>>, vector<1x16xf32>,
          %swap3A_840 = arith.index_cast %scan3A_662 : i32 to index
          %swap3A_841 = arith.constant 528 : index
          %swap3A_842 = tpu.vector_load %arg5[%swap3A_840, %swap3A_841] {strides = array<i32>} : memref<8x1280xf32, #tpu.memory_space<vmem>>, vector<1x16xf32>,
          %swap3A_843 = vector.shape_cast %swap3A_842 : vector<1x16xf32> to vector<16xf32>
          %swap3A_844 = vector.shape_cast %broadcast_in_dim3A_266 : vector<16xf32> to vector<1x16xf32>
          tpu.vector_store %arg5[%swap3A_840, %swap3A_841], %swap3A_844 {strides = array<i32>} : memref<8x1280xf32, #tpu.memory_space<vmem>>, vector<1x16xf32>,
          %swap3A_845 = arith.index_cast %scan3A_662 : i32 to index
          %swap3A_846 = arith.constant 544 : index
          %swap3A_847 = tpu.vector_load %arg5[%swap3A_845, %swap3A_846] {strides = array<i32>} : memref<8x1280xf32, #tpu.memory_space<vmem>>, vector<1x16xf32>,
          %swap3A_848 = vector.shape_cast %swap3A_847 : vector<1x16xf32> to vector<16xf32>
          %swap3A_849 = vector.shape_cast %broadcast_in_dim3A_266 : vector<16xf32> to vector<1x16xf32>
          tpu.vector_store %arg5[%swap3A_845, %swap3A_846], %swap3A_849 {strides = array<i32>} : memref<8x1280xf32, #tpu.memory_space<vmem>>, vector<1x16xf32>,
          %swap3A_850 = arith.index_cast %scan3A_662 : i32 to index
          %swap3A_851 = arith.constant 560 : index
          %swap3A_852 = tpu.vector_load %arg5[%swap3A_850, %swap3A_851] {strides = array<i32>} : memref<8x1280xf32, #tpu.memory_space<vmem>>, vector<1x16xf32>,
          %swap3A_853 = vector.shape_cast %swap3A_852 : vector<1x16xf32> to vector<16xf32>
          %swap3A_854 = vector.shape_cast %broadcast_in_dim3A_266 : vector<16xf32> to vector<1x16xf32>
          tpu.vector_store %arg5[%swap3A_850, %swap3A_851], %swap3A_854 {strides = array<i32>} : memref<8x1280xf32, #tpu.memory_space<vmem>>, vector<1x16xf32>,
          %swap3A_855 = arith.index_cast %scan3A_662 : i32 to index
          %swap3A_856 = arith.constant 576 : index
          %swap3A_857 = tpu.vector_load %arg5[%swap3A_855, %swap3A_856] {strides = array<i32>} : memref<8x1280xf32, #tpu.memory_space<vmem>>, vector<1x16xf32>,
          %swap3A_858 = vector.shape_cast %swap3A_857 : vector<1x16xf32> to vector<16xf32>
          %swap3A_859 = vector.shape_cast %broadcast_in_dim3A_266 : vector<16xf32> to vector<1x16xf32>
          tpu.vector_store %arg5[%swap3A_855, %swap3A_856], %swap3A_859 {strides = array<i32>} : memref<8x1280xf32, #tpu.memory_space<vmem>>, vector<1x16xf32>,
          %swap3A_860 = arith.index_cast %scan3A_662 : i32 to index
          %swap3A_861 = arith.constant 592 : index
          %swap3A_862 = tpu.vector_load %arg5[%swap3A_860, %swap3A_861] {strides = array<i32>} : memref<8x1280xf32, #tpu.memory_space<vmem>>, vector<1x16xf32>,
          %swap3A_863 = vector.shape_cast %swap3A_862 : vector<1x16xf32> to vector<16xf32>
          %swap3A_864 = vector.shape_cast %broadcast_in_dim3A_266 : vector<16xf32> to vector<1x16xf32>
          tpu.vector_store %arg5[%swap3A_860, %swap3A_861], %swap3A_864 {strides = array<i32>} : memref<8x1280xf32, #tpu.memory_space<vmem>>, vector<1x16xf32>,
          %swap3A_865 = arith.index_cast %scan3A_662 : i32 to index
          %swap3A_866 = arith.constant 608 : index
          %swap3A_867 = tpu.vector_load %arg5[%swap3A_865, %swap3A_866] {strides = array<i32>} : memref<8x1280xf32, #tpu.memory_space<vmem>>, vector<1x16xf32>,
          %swap3A_868 = vector.shape_cast %swap3A_867 : vector<1x16xf32> to vector<16xf32>
          %swap3A_869 = vector.shape_cast %broadcast_in_dim3A_266 : vector<16xf32> to vector<1x16xf32>
          tpu.vector_store %arg5[%swap3A_865, %swap3A_866], %swap3A_869 {strides = array<i32>} : memref<8x1280xf32, #tpu.memory_space<vmem>>, vector<1x16xf32>,
          %swap3A_870 = arith.index_cast %scan3A_662 : i32 to index
          %swap3A_871 = arith.constant 624 : index
          %swap3A_872 = tpu.vector_load %arg5[%swap3A_870, %swap3A_871] {strides = array<i32>} : memref<8x1280xf32, #tpu.memory_space<vmem>>, vector<1x16xf32>,
          %swap3A_873 = vector.shape_cast %swap3A_872 : vector<1x16xf32> to vector<16xf32>
          %swap3A_874 = vector.shape_cast %broadcast_in_dim3A_266 : vector<16xf32> to vector<1x16xf32>
          tpu.vector_store %arg5[%swap3A_870, %swap3A_871], %swap3A_874 {strides = array<i32>} : memref<8x1280xf32, #tpu.memory_space<vmem>>, vector<1x16xf32>,
          %swap3A_875 = arith.index_cast %scan3A_662 : i32 to index
          %swap3A_876 = arith.constant 640 : index
          %swap3A_877 = tpu.vector_load %arg5[%swap3A_875, %swap3A_876] {strides = array<i32>} : memref<8x1280xf32, #tpu.memory_space<vmem>>, vector<1x16xf32>,
          %swap3A_878 = vector.shape_cast %swap3A_877 : vector<1x16xf32> to vector<16xf32>
          %swap3A_879 = vector.shape_cast %broadcast_in_dim3A_266 : vector<16xf32> to vector<1x16xf32>
          tpu.vector_store %arg5[%swap3A_875, %swap3A_876], %swap3A_879 {strides = array<i32>} : memref<8x1280xf32, #tpu.memory_space<vmem>>, vector<1x16xf32>,
          %swap3A_880 = arith.index_cast %scan3A_662 : i32 to index
          %swap3A_881 = arith.constant 656 : index
          %swap3A_882 = tpu.vector_load %arg5[%swap3A_880, %swap3A_881] {strides = array<i32>} : memref<8x1280xf32, #tpu.memory_space<vmem>>, vector<1x16xf32>,
          %swap3A_883 = vector.shape_cast %swap3A_882 : vector<1x16xf32> to vector<16xf32>
          %swap3A_884 = vector.shape_cast %broadcast_in_dim3A_266 : vector<16xf32> to vector<1x16xf32>
          tpu.vector_store %arg5[%swap3A_880, %swap3A_881], %swap3A_884 {strides = array<i32>} : memref<8x1280xf32, #tpu.memory_space<vmem>>, vector<1x16xf32>,
          %swap3A_885 = arith.index_cast %scan3A_662 : i32 to index
          %swap3A_886 = arith.constant 672 : index
          %swap3A_887 = tpu.vector_load %arg5[%swap3A_885, %swap3A_886] {strides = array<i32>} : memref<8x1280xf32, #tpu.memory_space<vmem>>, vector<1x16xf32>,
          %swap3A_888 = vector.shape_cast %swap3A_887 : vector<1x16xf32> to vector<16xf32>
          %swap3A_889 = vector.shape_cast %broadcast_in_dim3A_266 : vector<16xf32> to vector<1x16xf32>
          tpu.vector_store %arg5[%swap3A_885, %swap3A_886], %swap3A_889 {strides = array<i32>} : memref<8x1280xf32, #tpu.memory_space<vmem>>, vector<1x16xf32>,
          %swap3A_890 = arith.index_cast %scan3A_662 : i32 to index
          %swap3A_891 = arith.constant 688 : index
          %swap3A_892 = tpu.vector_load %arg5[%swap3A_890, %swap3A_891] {strides = array<i32>} : memref<8x1280xf32, #tpu.memory_space<vmem>>, vector<1x16xf32>,
          %swap3A_893 = vector.shape_cast %swap3A_892 : vector<1x16xf32> to vector<16xf32>
          %swap3A_894 = vector.shape_cast %broadcast_in_dim3A_266 : vector<16xf32> to vector<1x16xf32>
          tpu.vector_store %arg5[%swap3A_890, %swap3A_891], %swap3A_894 {strides = array<i32>} : memref<8x1280xf32, #tpu.memory_space<vmem>>, vector<1x16xf32>,
          %swap3A_895 = arith.index_cast %scan3A_662 : i32 to index
          %swap3A_896 = arith.constant 704 : index
          %swap3A_897 = tpu.vector_load %arg5[%swap3A_895, %swap3A_896] {strides = array<i32>} : memref<8x1280xf32, #tpu.memory_space<vmem>>, vector<1x16xf32>,
          %swap3A_898 = vector.shape_cast %swap3A_897 : vector<1x16xf32> to vector<16xf32>
          %swap3A_899 = vector.shape_cast %broadcast_in_dim3A_266 : vector<16xf32> to vector<1x16xf32>
          tpu.vector_store %arg5[%swap3A_895, %swap3A_896], %swap3A_899 {strides = array<i32>} : memref<8x1280xf32, #tpu.memory_space<vmem>>, vector<1x16xf32>,
          %swap3A_900 = arith.index_cast %scan3A_662 : i32 to index
          %swap3A_901 = arith.constant 720 : index
          %swap3A_902 = tpu.vector_load %arg5[%swap3A_900, %swap3A_901] {strides = array<i32>} : memref<8x1280xf32, #tpu.memory_space<vmem>>, vector<1x16xf32>,
          %swap3A_903 = vector.shape_cast %swap3A_902 : vector<1x16xf32> to vector<16xf32>
          %swap3A_904 = vector.shape_cast %broadcast_in_dim3A_266 : vector<16xf32> to vector<1x16xf32>
          tpu.vector_store %arg5[%swap3A_900, %swap3A_901], %swap3A_904 {strides = array<i32>} : memref<8x1280xf32, #tpu.memory_space<vmem>>, vector<1x16xf32>,
          %swap3A_905 = arith.index_cast %scan3A_662 : i32 to index
          %swap3A_906 = arith.constant 736 : index
          %swap3A_907 = tpu.vector_load %arg5[%swap3A_905, %swap3A_906] {strides = array<i32>} : memref<8x1280xf32, #tpu.memory_space<vmem>>, vector<1x16xf32>,
          %swap3A_908 = vector.shape_cast %swap3A_907 : vector<1x16xf32> to vector<16xf32>
          %swap3A_909 = vector.shape_cast %broadcast_in_dim3A_266 : vector<16xf32> to vector<1x16xf32>
          tpu.vector_store %arg5[%swap3A_905, %swap3A_906], %swap3A_909 {strides = array<i32>} : memref<8x1280xf32, #tpu.memory_space<vmem>>, vector<1x16xf32>,
          %swap3A_910 = arith.index_cast %scan3A_662 : i32 to index
          %swap3A_911 = arith.constant 752 : index
          %swap3A_912 = tpu.vector_load %arg5[%swap3A_910, %swap3A_911] {strides = array<i32>} : memref<8x1280xf32, #tpu.memory_space<vmem>>, vector<1x16xf32>,
          %swap3A_913 = vector.shape_cast %swap3A_912 : vector<1x16xf32> to vector<16xf32>
          %swap3A_914 = vector.shape_cast %broadcast_in_dim3A_266 : vector<16xf32> to vector<1x16xf32>
          tpu.vector_store %arg5[%swap3A_910, %swap3A_911], %swap3A_914 {strides = array<i32>} : memref<8x1280xf32, #tpu.memory_space<vmem>>, vector<1x16xf32>,
          %swap3A_915 = arith.index_cast %scan3A_662 : i32 to index
          %swap3A_916 = arith.constant 768 : index
          %swap3A_917 = tpu.vector_load %arg5[%swap3A_915, %swap3A_916] {strides = array<i32>} : memref<8x1280xf32, #tpu.memory_space<vmem>>, vector<1x16xf32>,
          %swap3A_918 = vector.shape_cast %swap3A_917 : vector<1x16xf32> to vector<16xf32>
          %swap3A_919 = vector.shape_cast %broadcast_in_dim3A_266 : vector<16xf32> to vector<1x16xf32>
          tpu.vector_store %arg5[%swap3A_915, %swap3A_916], %swap3A_919 {strides = array<i32>} : memref<8x1280xf32, #tpu.memory_space<vmem>>, vector<1x16xf32>,
          %swap3A_920 = arith.index_cast %scan3A_662 : i32 to index
          %swap3A_921 = arith.constant 784 : index
          %swap3A_922 = tpu.vector_load %arg5[%swap3A_920, %swap3A_921] {strides = array<i32>} : memref<8x1280xf32, #tpu.memory_space<vmem>>, vector<1x16xf32>,
          %swap3A_923 = vector.shape_cast %swap3A_922 : vector<1x16xf32> to vector<16xf32>
          %swap3A_924 = vector.shape_cast %broadcast_in_dim3A_266 : vector<16xf32> to vector<1x16xf32>
          tpu.vector_store %arg5[%swap3A_920, %swap3A_921], %swap3A_924 {strides = array<i32>} : memref<8x1280xf32, #tpu.memory_space<vmem>>, vector<1x16xf32>,
          %swap3A_925 = arith.index_cast %scan3A_662 : i32 to index
          %swap3A_926 = arith.constant 800 : index
          %swap3A_927 = tpu.vector_load %arg5[%swap3A_925, %swap3A_926] {strides = array<i32>} : memref<8x1280xf32, #tpu.memory_space<vmem>>, vector<1x16xf32>,
          %swap3A_928 = vector.shape_cast %swap3A_927 : vector<1x16xf32> to vector<16xf32>
          %swap3A_929 = vector.shape_cast %broadcast_in_dim3A_266 : vector<16xf32> to vector<1x16xf32>
          tpu.vector_store %arg5[%swap3A_925, %swap3A_926], %swap3A_929 {strides = array<i32>} : memref<8x1280xf32, #tpu.memory_space<vmem>>, vector<1x16xf32>,
          %swap3A_930 = arith.index_cast %scan3A_662 : i32 to index
          %swap3A_931 = arith.constant 816 : index
          %swap3A_932 = tpu.vector_load %arg5[%swap3A_930, %swap3A_931] {strides = array<i32>} : memref<8x1280xf32, #tpu.memory_space<vmem>>, vector<1x16xf32>,
          %swap3A_933 = vector.shape_cast %swap3A_932 : vector<1x16xf32> to vector<16xf32>
          %swap3A_934 = vector.shape_cast %broadcast_in_dim3A_266 : vector<16xf32> to vector<1x16xf32>
          tpu.vector_store %arg5[%swap3A_930, %swap3A_931], %swap3A_934 {strides = array<i32>} : memref<8x1280xf32, #tpu.memory_space<vmem>>, vector<1x16xf32>,
          %swap3A_935 = arith.index_cast %scan3A_662 : i32 to index
          %swap3A_936 = arith.constant 832 : index
          %swap3A_937 = tpu.vector_load %arg5[%swap3A_935, %swap3A_936] {strides = array<i32>} : memref<8x1280xf32, #tpu.memory_space<vmem>>, vector<1x16xf32>,
          %swap3A_938 = vector.shape_cast %swap3A_937 : vector<1x16xf32> to vector<16xf32>
          %swap3A_939 = vector.shape_cast %broadcast_in_dim3A_266 : vector<16xf32> to vector<1x16xf32>
          tpu.vector_store %arg5[%swap3A_935, %swap3A_936], %swap3A_939 {strides = array<i32>} : memref<8x1280xf32, #tpu.memory_space<vmem>>, vector<1x16xf32>,
          %swap3A_940 = arith.index_cast %scan3A_662 : i32 to index
          %swap3A_941 = arith.constant 848 : index
          %swap3A_942 = tpu.vector_load %arg5[%swap3A_940, %swap3A_941] {strides = array<i32>} : memref<8x1280xf32, #tpu.memory_space<vmem>>, vector<1x16xf32>,
          %swap3A_943 = vector.shape_cast %swap3A_942 : vector<1x16xf32> to vector<16xf32>
          %swap3A_944 = vector.shape_cast %broadcast_in_dim3A_266 : vector<16xf32> to vector<1x16xf32>
          tpu.vector_store %arg5[%swap3A_940, %swap3A_941], %swap3A_944 {strides = array<i32>} : memref<8x1280xf32, #tpu.memory_space<vmem>>, vector<1x16xf32>,
          %swap3A_945 = arith.index_cast %scan3A_662 : i32 to index
          %swap3A_946 = arith.constant 864 : index
          %swap3A_947 = tpu.vector_load %arg5[%swap3A_945, %swap3A_946] {strides = array<i32>} : memref<8x1280xf32, #tpu.memory_space<vmem>>, vector<1x16xf32>,
          %swap3A_948 = vector.shape_cast %swap3A_947 : vector<1x16xf32> to vector<16xf32>
          %swap3A_949 = vector.shape_cast %broadcast_in_dim3A_266 : vector<16xf32> to vector<1x16xf32>
          tpu.vector_store %arg5[%swap3A_945, %swap3A_946], %swap3A_949 {strides = array<i32>} : memref<8x1280xf32, #tpu.memory_space<vmem>>, vector<1x16xf32>,
          %swap3A_950 = arith.index_cast %scan3A_662 : i32 to index
          %swap3A_951 = arith.constant 880 : index
          %swap3A_952 = tpu.vector_load %arg5[%swap3A_950, %swap3A_951] {strides = array<i32>} : memref<8x1280xf32, #tpu.memory_space<vmem>>, vector<1x16xf32>,
          %swap3A_953 = vector.shape_cast %swap3A_952 : vector<1x16xf32> to vector<16xf32>
          %swap3A_954 = vector.shape_cast %broadcast_in_dim3A_266 : vector<16xf32> to vector<1x16xf32>
          tpu.vector_store %arg5[%swap3A_950, %swap3A_951], %swap3A_954 {strides = array<i32>} : memref<8x1280xf32, #tpu.memory_space<vmem>>, vector<1x16xf32>,
          %swap3A_955 = arith.index_cast %scan3A_662 : i32 to index
          %swap3A_956 = arith.constant 896 : index
          %swap3A_957 = tpu.vector_load %arg5[%swap3A_955, %swap3A_956] {strides = array<i32>} : memref<8x1280xf32, #tpu.memory_space<vmem>>, vector<1x16xf32>,
          %swap3A_958 = vector.shape_cast %swap3A_957 : vector<1x16xf32> to vector<16xf32>
          %swap3A_959 = vector.shape_cast %broadcast_in_dim3A_266 : vector<16xf32> to vector<1x16xf32>
          tpu.vector_store %arg5[%swap3A_955, %swap3A_956], %swap3A_959 {strides = array<i32>} : memref<8x1280xf32, #tpu.memory_space<vmem>>, vector<1x16xf32>,
          %swap3A_960 = arith.index_cast %scan3A_662 : i32 to index
          %swap3A_961 = arith.constant 912 : index
          %swap3A_962 = tpu.vector_load %arg5[%swap3A_960, %swap3A_961] {strides = array<i32>} : memref<8x1280xf32, #tpu.memory_space<vmem>>, vector<1x16xf32>,
          %swap3A_963 = vector.shape_cast %swap3A_962 : vector<1x16xf32> to vector<16xf32>
          %swap3A_964 = vector.shape_cast %broadcast_in_dim3A_266 : vector<16xf32> to vector<1x16xf32>
          tpu.vector_store %arg5[%swap3A_960, %swap3A_961], %swap3A_964 {strides = array<i32>} : memref<8x1280xf32, #tpu.memory_space<vmem>>, vector<1x16xf32>,
          %swap3A_965 = arith.index_cast %scan3A_662 : i32 to index
          %swap3A_966 = arith.constant 928 : index
          %swap3A_967 = tpu.vector_load %arg5[%swap3A_965, %swap3A_966] {strides = array<i32>} : memref<8x1280xf32, #tpu.memory_space<vmem>>, vector<1x16xf32>,
          %swap3A_968 = vector.shape_cast %swap3A_967 : vector<1x16xf32> to vector<16xf32>
          %swap3A_969 = vector.shape_cast %broadcast_in_dim3A_266 : vector<16xf32> to vector<1x16xf32>
          tpu.vector_store %arg5[%swap3A_965, %swap3A_966], %swap3A_969 {strides = array<i32>} : memref<8x1280xf32, #tpu.memory_space<vmem>>, vector<1x16xf32>,
          %swap3A_970 = arith.index_cast %scan3A_662 : i32 to index
          %swap3A_971 = arith.constant 944 : index
          %swap3A_972 = tpu.vector_load %arg5[%swap3A_970, %swap3A_971] {strides = array<i32>} : memref<8x1280xf32, #tpu.memory_space<vmem>>, vector<1x16xf32>,
          %swap3A_973 = vector.shape_cast %swap3A_972 : vector<1x16xf32> to vector<16xf32>
          %swap3A_974 = vector.shape_cast %broadcast_in_dim3A_266 : vector<16xf32> to vector<1x16xf32>
          tpu.vector_store %arg5[%swap3A_970, %swap3A_971], %swap3A_974 {strides = array<i32>} : memref<8x1280xf32, #tpu.memory_space<vmem>>, vector<1x16xf32>,
          %swap3A_975 = arith.index_cast %scan3A_662 : i32 to index
          %swap3A_976 = arith.constant 960 : index
          %swap3A_977 = tpu.vector_load %arg5[%swap3A_975, %swap3A_976] {strides = array<i32>} : memref<8x1280xf32, #tpu.memory_space<vmem>>, vector<1x16xf32>,
          %swap3A_978 = vector.shape_cast %swap3A_977 : vector<1x16xf32> to vector<16xf32>
          %swap3A_979 = vector.shape_cast %broadcast_in_dim3A_266 : vector<16xf32> to vector<1x16xf32>
          tpu.vector_store %arg5[%swap3A_975, %swap3A_976], %swap3A_979 {strides = array<i32>} : memref<8x1280xf32, #tpu.memory_space<vmem>>, vector<1x16xf32>,
          %swap3A_980 = arith.index_cast %scan3A_662 : i32 to index
          %swap3A_981 = arith.constant 976 : index
          %swap3A_982 = tpu.vector_load %arg5[%swap3A_980, %swap3A_981] {strides = array<i32>} : memref<8x1280xf32, #tpu.memory_space<vmem>>, vector<1x16xf32>,
          %swap3A_983 = vector.shape_cast %swap3A_982 : vector<1x16xf32> to vector<16xf32>
          %swap3A_984 = vector.shape_cast %broadcast_in_dim3A_266 : vector<16xf32> to vector<1x16xf32>
          tpu.vector_store %arg5[%swap3A_980, %swap3A_981], %swap3A_984 {strides = array<i32>} : memref<8x1280xf32, #tpu.memory_space<vmem>>, vector<1x16xf32>,
          %swap3A_985 = arith.index_cast %scan3A_662 : i32 to index
          %swap3A_986 = arith.constant 992 : index
          %swap3A_987 = tpu.vector_load %arg5[%swap3A_985, %swap3A_986] {strides = array<i32>} : memref<8x1280xf32, #tpu.memory_space<vmem>>, vector<1x16xf32>,
          %swap3A_988 = vector.shape_cast %swap3A_987 : vector<1x16xf32> to vector<16xf32>
          %swap3A_989 = vector.shape_cast %broadcast_in_dim3A_266 : vector<16xf32> to vector<1x16xf32>
          tpu.vector_store %arg5[%swap3A_985, %swap3A_986], %swap3A_989 {strides = array<i32>} : memref<8x1280xf32, #tpu.memory_space<vmem>>, vector<1x16xf32>,
          %swap3A_990 = arith.index_cast %scan3A_662 : i32 to index
          %swap3A_991 = arith.constant 1008 : index
          %swap3A_992 = tpu.vector_load %arg5[%swap3A_990, %swap3A_991] {strides = array<i32>} : memref<8x1280xf32, #tpu.memory_space<vmem>>, vector<1x16xf32>,
          %swap3A_993 = vector.shape_cast %swap3A_992 : vector<1x16xf32> to vector<16xf32>
          %swap3A_994 = vector.shape_cast %broadcast_in_dim3A_266 : vector<16xf32> to vector<1x16xf32>
          tpu.vector_store %arg5[%swap3A_990, %swap3A_991], %swap3A_994 {strides = array<i32>} : memref<8x1280xf32, #tpu.memory_space<vmem>>, vector<1x16xf32>,
          %swap3A_995 = arith.index_cast %scan3A_662 : i32 to index
          %swap3A_996 = arith.constant 1024 : index
          %swap3A_997 = tpu.vector_load %arg5[%swap3A_995, %swap3A_996] {strides = array<i32>} : memref<8x1280xf32, #tpu.memory_space<vmem>>, vector<1x16xf32>,
          %swap3A_998 = vector.shape_cast %swap3A_997 : vector<1x16xf32> to vector<16xf32>
          %swap3A_999 = vector.shape_cast %broadcast_in_dim3A_266 : vector<16xf32> to vector<1x16xf32>
          tpu.vector_store %arg5[%swap3A_995, %swap3A_996], %swap3A_999 {strides = array<i32>} : memref<8x1280xf32, #tpu.memory_space<vmem>>, vector<1x16xf32>,
          %swap3A_1000 = arith.index_cast %scan3A_662 : i32 to index
          %swap3A_1001 = arith.constant 1040 : index
          %swap3A_1002 = tpu.vector_load %arg5[%swap3A_1000, %swap3A_1001] {strides = array<i32>} : memref<8x1280xf32, #tpu.memory_space<vmem>>, vector<1x16xf32>,
          %swap3A_1003 = vector.shape_cast %swap3A_1002 : vector<1x16xf32> to vector<16xf32>
          %swap3A_1004 = vector.shape_cast %broadcast_in_dim3A_266 : vector<16xf32> to vector<1x16xf32>
          tpu.vector_store %arg5[%swap3A_1000, %swap3A_1001], %swap3A_1004 {strides = array<i32>} : memref<8x1280xf32, #tpu.memory_space<vmem>>, vector<1x16xf32>,
          %swap3A_1005 = arith.index_cast %scan3A_662 : i32 to index
          %swap3A_1006 = arith.constant 1056 : index
          %swap3A_1007 = tpu.vector_load %arg5[%swap3A_1005, %swap3A_1006] {strides = array<i32>} : memref<8x1280xf32, #tpu.memory_space<vmem>>, vector<1x16xf32>,
          %swap3A_1008 = vector.shape_cast %swap3A_1007 : vector<1x16xf32> to vector<16xf32>
          %swap3A_1009 = vector.shape_cast %broadcast_in_dim3A_266 : vector<16xf32> to vector<1x16xf32>
          tpu.vector_store %arg5[%swap3A_1005, %swap3A_1006], %swap3A_1009 {strides = array<i32>} : memref<8x1280xf32, #tpu.memory_space<vmem>>, vector<1x16xf32>,
          %swap3A_1010 = arith.index_cast %scan3A_662 : i32 to index
          %swap3A_1011 = arith.constant 1072 : index
          %swap3A_1012 = tpu.vector_load %arg5[%swap3A_1010, %swap3A_1011] {strides = array<i32>} : memref<8x1280xf32, #tpu.memory_space<vmem>>, vector<1x16xf32>,
          %swap3A_1013 = vector.shape_cast %swap3A_1012 : vector<1x16xf32> to vector<16xf32>
          %swap3A_1014 = vector.shape_cast %broadcast_in_dim3A_266 : vector<16xf32> to vector<1x16xf32>
          tpu.vector_store %arg5[%swap3A_1010, %swap3A_1011], %swap3A_1014 {strides = array<i32>} : memref<8x1280xf32, #tpu.memory_space<vmem>>, vector<1x16xf32>,
          %swap3A_1015 = arith.index_cast %scan3A_662 : i32 to index
          %swap3A_1016 = arith.constant 1088 : index
          %swap3A_1017 = tpu.vector_load %arg5[%swap3A_1015, %swap3A_1016] {strides = array<i32>} : memref<8x1280xf32, #tpu.memory_space<vmem>>, vector<1x16xf32>,
          %swap3A_1018 = vector.shape_cast %swap3A_1017 : vector<1x16xf32> to vector<16xf32>
          %swap3A_1019 = vector.shape_cast %broadcast_in_dim3A_266 : vector<16xf32> to vector<1x16xf32>
          tpu.vector_store %arg5[%swap3A_1015, %swap3A_1016], %swap3A_1019 {strides = array<i32>} : memref<8x1280xf32, #tpu.memory_space<vmem>>, vector<1x16xf32>,
          %swap3A_1020 = arith.index_cast %scan3A_662 : i32 to index
          %swap3A_1021 = arith.constant 1104 : index
          %swap3A_1022 = tpu.vector_load %arg5[%swap3A_1020, %swap3A_1021] {strides = array<i32>} : memref<8x1280xf32, #tpu.memory_space<vmem>>, vector<1x16xf32>,
          %swap3A_1023 = vector.shape_cast %swap3A_1022 : vector<1x16xf32> to vector<16xf32>
          %swap3A_1024 = vector.shape_cast %broadcast_in_dim3A_266 : vector<16xf32> to vector<1x16xf32>
          tpu.vector_store %arg5[%swap3A_1020, %swap3A_1021], %swap3A_1024 {strides = array<i32>} : memref<8x1280xf32, #tpu.memory_space<vmem>>, vector<1x16xf32>,
          %swap3A_1025 = arith.index_cast %scan3A_662 : i32 to index
          %swap3A_1026 = arith.constant 1120 : index
          %swap3A_1027 = tpu.vector_load %arg5[%swap3A_1025, %swap3A_1026] {strides = array<i32>} : memref<8x1280xf32, #tpu.memory_space<vmem>>, vector<1x16xf32>,
          %swap3A_1028 = vector.shape_cast %swap3A_1027 : vector<1x16xf32> to vector<16xf32>
          %swap3A_1029 = vector.shape_cast %broadcast_in_dim3A_266 : vector<16xf32> to vector<1x16xf32>
          tpu.vector_store %arg5[%swap3A_1025, %swap3A_1026], %swap3A_1029 {strides = array<i32>} : memref<8x1280xf32, #tpu.memory_space<vmem>>, vector<1x16xf32>,
          %swap3A_1030 = arith.index_cast %scan3A_662 : i32 to index
          %swap3A_1031 = arith.constant 1136 : index
          %swap3A_1032 = tpu.vector_load %arg5[%swap3A_1030, %swap3A_1031] {strides = array<i32>} : memref<8x1280xf32, #tpu.memory_space<vmem>>, vector<1x16xf32>,
          %swap3A_1033 = vector.shape_cast %swap3A_1032 : vector<1x16xf32> to vector<16xf32>
          %swap3A_1034 = vector.shape_cast %broadcast_in_dim3A_266 : vector<16xf32> to vector<1x16xf32>
          tpu.vector_store %arg5[%swap3A_1030, %swap3A_1031], %swap3A_1034 {strides = array<i32>} : memref<8x1280xf32, #tpu.memory_space<vmem>>, vector<1x16xf32>,
          %swap3A_1035 = arith.index_cast %scan3A_662 : i32 to index
          %swap3A_1036 = arith.constant 1152 : index
          %swap3A_1037 = tpu.vector_load %arg5[%swap3A_1035, %swap3A_1036] {strides = array<i32>} : memref<8x1280xf32, #tpu.memory_space<vmem>>, vector<1x16xf32>,
          %swap3A_1038 = vector.shape_cast %swap3A_1037 : vector<1x16xf32> to vector<16xf32>
          %swap3A_1039 = vector.shape_cast %broadcast_in_dim3A_266 : vector<16xf32> to vector<1x16xf32>
          tpu.vector_store %arg5[%swap3A_1035, %swap3A_1036], %swap3A_1039 {strides = array<i32>} : memref<8x1280xf32, #tpu.memory_space<vmem>>, vector<1x16xf32>,
          %swap3A_1040 = arith.index_cast %scan3A_662 : i32 to index
          %swap3A_1041 = arith.constant 1168 : index
          %swap3A_1042 = tpu.vector_load %arg5[%swap3A_1040, %swap3A_1041] {strides = array<i32>} : memref<8x1280xf32, #tpu.memory_space<vmem>>, vector<1x16xf32>,
          %swap3A_1043 = vector.shape_cast %swap3A_1042 : vector<1x16xf32> to vector<16xf32>
          %swap3A_1044 = vector.shape_cast %broadcast_in_dim3A_266 : vector<16xf32> to vector<1x16xf32>
          tpu.vector_store %arg5[%swap3A_1040, %swap3A_1041], %swap3A_1044 {strides = array<i32>} : memref<8x1280xf32, #tpu.memory_space<vmem>>, vector<1x16xf32>,
          %swap3A_1045 = arith.index_cast %scan3A_662 : i32 to index
          %swap3A_1046 = arith.constant 1184 : index
          %swap3A_1047 = tpu.vector_load %arg5[%swap3A_1045, %swap3A_1046] {strides = array<i32>} : memref<8x1280xf32, #tpu.memory_space<vmem>>, vector<1x16xf32>,
          %swap3A_1048 = vector.shape_cast %swap3A_1047 : vector<1x16xf32> to vector<16xf32>
          %swap3A_1049 = vector.shape_cast %broadcast_in_dim3A_266 : vector<16xf32> to vector<1x16xf32>
          tpu.vector_store %arg5[%swap3A_1045, %swap3A_1046], %swap3A_1049 {strides = array<i32>} : memref<8x1280xf32, #tpu.memory_space<vmem>>, vector<1x16xf32>,
          %swap3A_1050 = arith.index_cast %scan3A_662 : i32 to index
          %swap3A_1051 = arith.constant 1200 : index
          %swap3A_1052 = tpu.vector_load %arg5[%swap3A_1050, %swap3A_1051] {strides = array<i32>} : memref<8x1280xf32, #tpu.memory_space<vmem>>, vector<1x16xf32>,
          %swap3A_1053 = vector.shape_cast %swap3A_1052 : vector<1x16xf32> to vector<16xf32>
          %swap3A_1054 = vector.shape_cast %broadcast_in_dim3A_266 : vector<16xf32> to vector<1x16xf32>
          tpu.vector_store %arg5[%swap3A_1050, %swap3A_1051], %swap3A_1054 {strides = array<i32>} : memref<8x1280xf32, #tpu.memory_space<vmem>>, vector<1x16xf32>,
          %swap3A_1055 = arith.index_cast %scan3A_662 : i32 to index
          %swap3A_1056 = arith.constant 1216 : index
          %swap3A_1057 = tpu.vector_load %arg5[%swap3A_1055, %swap3A_1056] {strides = array<i32>} : memref<8x1280xf32, #tpu.memory_space<vmem>>, vector<1x16xf32>,
          %swap3A_1058 = vector.shape_cast %swap3A_1057 : vector<1x16xf32> to vector<16xf32>
          %swap3A_1059 = vector.shape_cast %broadcast_in_dim3A_266 : vector<16xf32> to vector<1x16xf32>
          tpu.vector_store %arg5[%swap3A_1055, %swap3A_1056], %swap3A_1059 {strides = array<i32>} : memref<8x1280xf32, #tpu.memory_space<vmem>>, vector<1x16xf32>,
          %swap3A_1060 = arith.index_cast %scan3A_662 : i32 to index
          %swap3A_1061 = arith.constant 1232 : index
          %swap3A_1062 = tpu.vector_load %arg5[%swap3A_1060, %swap3A_1061] {strides = array<i32>} : memref<8x1280xf32, #tpu.memory_space<vmem>>, vector<1x16xf32>,
          %swap3A_1063 = vector.shape_cast %swap3A_1062 : vector<1x16xf32> to vector<16xf32>
          %swap3A_1064 = vector.shape_cast %broadcast_in_dim3A_266 : vector<16xf32> to vector<1x16xf32>
          tpu.vector_store %arg5[%swap3A_1060, %swap3A_1061], %swap3A_1064 {strides = array<i32>} : memref<8x1280xf32, #tpu.memory_space<vmem>>, vector<1x16xf32>,
          %swap3A_1065 = arith.index_cast %scan3A_662 : i32 to index
          %swap3A_1066 = arith.constant 1248 : index
          %swap3A_1067 = tpu.vector_load %arg5[%swap3A_1065, %swap3A_1066] {strides = array<i32>} : memref<8x1280xf32, #tpu.memory_space<vmem>>, vector<1x16xf32>,
          %swap3A_1068 = vector.shape_cast %swap3A_1067 : vector<1x16xf32> to vector<16xf32>
          %swap3A_1069 = vector.shape_cast %broadcast_in_dim3A_266 : vector<16xf32> to vector<1x16xf32>
          tpu.vector_store %arg5[%swap3A_1065, %swap3A_1066], %swap3A_1069 {strides = array<i32>} : memref<8x1280xf32, #tpu.memory_space<vmem>>, vector<1x16xf32>,
          %swap3A_1070 = arith.index_cast %scan3A_662 : i32 to index
          %swap3A_1071 = arith.constant 1264 : index
          %swap3A_1072 = tpu.vector_load %arg5[%swap3A_1070, %swap3A_1071] {strides = array<i32>} : memref<8x1280xf32, #tpu.memory_space<vmem>>, vector<1x16xf32>,
          %swap3A_1073 = vector.shape_cast %swap3A_1072 : vector<1x16xf32> to vector<16xf32>
          %swap3A_1074 = vector.shape_cast %broadcast_in_dim3A_266 : vector<16xf32> to vector<1x16xf32>
          tpu.vector_store %arg5[%swap3A_1070, %swap3A_1071], %swap3A_1074 {strides = array<i32>} : memref<8x1280xf32, #tpu.memory_space<vmem>>, vector<1x16xf32>,
        } else {
        }
        %not3A = arith.constant true
        %not3A_671 = arith.xori %and3A_667, %not3A : i1
        %convert_element_type3A_672 = arith.extui %not3A_671 : i1 to i32
        %cond3A_673 = arith.constant 0 : i32
        %cond3A_674 = arith.cmpi ne, %convert_element_type3A_672, %cond3A_673 : i32
        scf.if %cond3A_674 {
          %get3A_676 = arith.index_cast %scan3A_662 : i32 to index
          %get3A_677 = arith.index_cast %mul3A_90 : i32 to index
          %get3A_678 = tpu.vector_load %arg5[%get3A_676, %get3A_677] {strides = array<i32>} : memref<8x1280xf32, #tpu.memory_space<vmem>>, vector<1x16xf32>,
          %get3A_679 = vector.shape_cast %get3A_678 : vector<1x16xf32> to vector<16xf32>
          %jit3A_680 = arith.constant 0.000000e+00 : f32
          %broadcast_in_dim3A_681 = vector.broadcast %jit3A_680 : f32 to vector<16xf32>
          %select_n3A_682 = arith.select %and3A_96, %broadcast_in_dim3A_681, %get3A_679 : vector<16xi1>, vector<16xf32>
          %swap3A = arith.index_cast %scan3A_662 : i32 to index
          %swap3A_683 = arith.index_cast %mul3A_90 : i32 to index
          %swap3A_684 = tpu.vector_load %arg5[%swap3A, %swap3A_683] {strides = array<i32>} : memref<8x1280xf32, #tpu.memory_space<vmem>>, vector<1x16xf32>,
          %swap3A_685 = vector.shape_cast %swap3A_684 : vector<1x16xf32> to vector<16xf32>
          %swap3A_686 = vector.shape_cast %select_n3A_682 : vector<16xf32> to vector<1x16xf32>
          tpu.vector_store %arg5[%swap3A, %swap3A_683], %swap3A_686 {strides = array<i32>} : memref<8x1280xf32, #tpu.memory_space<vmem>>, vector<1x16xf32>,
          %get3A_687 = arith.index_cast %scan3A_662 : i32 to index
          %get3A_688 = arith.index_cast %mul3A_102 : i32 to index
          %get3A_689 = tpu.vector_load %arg5[%get3A_687, %get3A_688] {strides = array<i32>} : memref<8x1280xf32, #tpu.memory_space<vmem>>, vector<1x16xf32>,
          %get3A_690 = vector.shape_cast %get3A_689 : vector<1x16xf32> to vector<16xf32>
          %jit3A_691 = arith.constant 0.000000e+00 : f32
          %broadcast_in_dim3A_692 = vector.broadcast %jit3A_691 : f32 to vector<16xf32>
          %select_n3A_693 = arith.select %and3A_109, %broadcast_in_dim3A_692, %get3A_690 : vector<16xi1>, vector<16xf32>
          %swap3A_694 = arith.index_cast %scan3A_662 : i32 to index
          %swap3A_695 = arith.index_cast %mul3A_102 : i32 to index
          %swap3A_696 = tpu.vector_load %arg5[%swap3A_694, %swap3A_695] {strides = array<i32>} : memref<8x1280xf32, #tpu.memory_space<vmem>>, vector<1x16xf32>,
          %swap3A_697 = vector.shape_cast %swap3A_696 : vector<1x16xf32> to vector<16xf32>
          %swap3A_698 = vector.shape_cast %select_n3A_693 : vector<16xf32> to vector<1x16xf32>
          tpu.vector_store %arg5[%swap3A_694, %swap3A_695], %swap3A_698 {strides = array<i32>} : memref<8x1280xf32, #tpu.memory_space<vmem>>, vector<1x16xf32>,
          %get3A_699 = arith.index_cast %scan3A_662 : i32 to index
          %get3A_700 = arith.index_cast %mul3A_115 : i32 to index
          %get3A_701 = tpu.vector_load %arg5[%get3A_699, %get3A_700] {strides = array<i32>} : memref<8x1280xf32, #tpu.memory_space<vmem>>, vector<1x16xf32>,
          %get3A_702 = vector.shape_cast %get3A_701 : vector<1x16xf32> to vector<16xf32>
          %jit3A_703 = arith.constant 0.000000e+00 : f32
          %broadcast_in_dim3A_704 = vector.broadcast %jit3A_703 : f32 to vector<16xf32>
          %select_n3A_705 = arith.select %and3A_122, %broadcast_in_dim3A_704, %get3A_702 : vector<16xi1>, vector<16xf32>
          %swap3A_706 = arith.index_cast %scan3A_662 : i32 to index
          %swap3A_707 = arith.index_cast %mul3A_115 : i32 to index
          %swap3A_708 = tpu.vector_load %arg5[%swap3A_706, %swap3A_707] {strides = array<i32>} : memref<8x1280xf32, #tpu.memory_space<vmem>>, vector<1x16xf32>,
          %swap3A_709 = vector.shape_cast %swap3A_708 : vector<1x16xf32> to vector<16xf32>
          %swap3A_710 = vector.shape_cast %select_n3A_705 : vector<16xf32> to vector<1x16xf32>
          tpu.vector_store %arg5[%swap3A_706, %swap3A_707], %swap3A_710 {strides = array<i32>} : memref<8x1280xf32, #tpu.memory_space<vmem>>, vector<1x16xf32>,
          %get3A_711 = arith.index_cast %scan3A_662 : i32 to index
          %get3A_712 = arith.index_cast %mul3A_128 : i32 to index
          %get3A_713 = tpu.vector_load %arg5[%get3A_711, %get3A_712] {strides = array<i32>} : memref<8x1280xf32, #tpu.memory_space<vmem>>, vector<1x16xf32>,
          %get3A_714 = vector.shape_cast %get3A_713 : vector<1x16xf32> to vector<16xf32>
          %jit3A_715 = arith.constant 0.000000e+00 : f32
          %broadcast_in_dim3A_716 = vector.broadcast %jit3A_715 : f32 to vector<16xf32>
          %select_n3A_717 = arith.select %and3A_135, %broadcast_in_dim3A_716, %get3A_714 : vector<16xi1>, vector<16xf32>
          %swap3A_718 = arith.index_cast %scan3A_662 : i32 to index
          %swap3A_719 = arith.index_cast %mul3A_128 : i32 to index
          %swap3A_720 = tpu.vector_load %arg5[%swap3A_718, %swap3A_719] {strides = array<i32>} : memref<8x1280xf32, #tpu.memory_space<vmem>>, vector<1x16xf32>,
          %swap3A_721 = vector.shape_cast %swap3A_720 : vector<1x16xf32> to vector<16xf32>
          %swap3A_722 = vector.shape_cast %select_n3A_717 : vector<16xf32> to vector<1x16xf32>
          tpu.vector_store %arg5[%swap3A_718, %swap3A_719], %swap3A_722 {strides = array<i32>} : memref<8x1280xf32, #tpu.memory_space<vmem>>, vector<1x16xf32>,
          %get3A_723 = arith.index_cast %scan3A_662 : i32 to index
          %get3A_724 = arith.index_cast %mul3A_141 : i32 to index
          %get3A_725 = tpu.vector_load %arg5[%get3A_723, %get3A_724] {strides = array<i32>} : memref<8x1280xf32, #tpu.memory_space<vmem>>, vector<1x16xf32>,
          %get3A_726 = vector.shape_cast %get3A_725 : vector<1x16xf32> to vector<16xf32>
          %jit3A_727 = arith.constant 0.000000e+00 : f32
          %broadcast_in_dim3A_728 = vector.broadcast %jit3A_727 : f32 to vector<16xf32>
          %select_n3A_729 = arith.select %and3A_148, %broadcast_in_dim3A_728, %get3A_726 : vector<16xi1>, vector<16xf32>
          %swap3A_730 = arith.index_cast %scan3A_662 : i32 to index
          %swap3A_731 = arith.index_cast %mul3A_141 : i32 to index
          %swap3A_732 = tpu.vector_load %arg5[%swap3A_730, %swap3A_731] {strides = array<i32>} : memref<8x1280xf32, #tpu.memory_space<vmem>>, vector<1x16xf32>,
          %swap3A_733 = vector.shape_cast %swap3A_732 : vector<1x16xf32> to vector<16xf32>
          %swap3A_734 = vector.shape_cast %select_n3A_729 : vector<16xf32> to vector<1x16xf32>
          tpu.vector_store %arg5[%swap3A_730, %swap3A_731], %swap3A_734 {strides = array<i32>} : memref<8x1280xf32, #tpu.memory_space<vmem>>, vector<1x16xf32>,
          %get3A_735 = arith.index_cast %scan3A_662 : i32 to index
          %get3A_736 = arith.index_cast %mul3A_154 : i32 to index
          %get3A_737 = tpu.vector_load %arg5[%get3A_735, %get3A_736] {strides = array<i32>} : memref<8x1280xf32, #tpu.memory_space<vmem>>, vector<1x16xf32>,
          %get3A_738 = vector.shape_cast %get3A_737 : vector<1x16xf32> to vector<16xf32>
          %jit3A_739 = arith.constant 0.000000e+00 : f32
          %broadcast_in_dim3A_740 = vector.broadcast %jit3A_739 : f32 to vector<16xf32>
          %select_n3A_741 = arith.select %and3A_161, %broadcast_in_dim3A_740, %get3A_738 : vector<16xi1>, vector<16xf32>
          %swap3A_742 = arith.index_cast %scan3A_662 : i32 to index
          %swap3A_743 = arith.index_cast %mul3A_154 : i32 to index
          %swap3A_744 = tpu.vector_load %arg5[%swap3A_742, %swap3A_743] {strides = array<i32>} : memref<8x1280xf32, #tpu.memory_space<vmem>>, vector<1x16xf32>,
          %swap3A_745 = vector.shape_cast %swap3A_744 : vector<1x16xf32> to vector<16xf32>
          %swap3A_746 = vector.shape_cast %select_n3A_741 : vector<16xf32> to vector<1x16xf32>
          tpu.vector_store %arg5[%swap3A_742, %swap3A_743], %swap3A_746 {strides = array<i32>} : memref<8x1280xf32, #tpu.memory_space<vmem>>, vector<1x16xf32>,
          %get3A_747 = arith.index_cast %scan3A_662 : i32 to index
          %get3A_748 = arith.index_cast %mul3A_167 : i32 to index
          %get3A_749 = tpu.vector_load %arg5[%get3A_747, %get3A_748] {strides = array<i32>} : memref<8x1280xf32, #tpu.memory_space<vmem>>, vector<1x16xf32>,
          %get3A_750 = vector.shape_cast %get3A_749 : vector<1x16xf32> to vector<16xf32>
          %jit3A_751 = arith.constant 0.000000e+00 : f32
          %broadcast_in_dim3A_752 = vector.broadcast %jit3A_751 : f32 to vector<16xf32>
          %select_n3A_753 = arith.select %and3A_174, %broadcast_in_dim3A_752, %get3A_750 : vector<16xi1>, vector<16xf32>
          %swap3A_754 = arith.index_cast %scan3A_662 : i32 to index
          %swap3A_755 = arith.index_cast %mul3A_167 : i32 to index
          %swap3A_756 = tpu.vector_load %arg5[%swap3A_754, %swap3A_755] {strides = array<i32>} : memref<8x1280xf32, #tpu.memory_space<vmem>>, vector<1x16xf32>,
          %swap3A_757 = vector.shape_cast %swap3A_756 : vector<1x16xf32> to vector<16xf32>
          %swap3A_758 = vector.shape_cast %select_n3A_753 : vector<16xf32> to vector<1x16xf32>
          tpu.vector_store %arg5[%swap3A_754, %swap3A_755], %swap3A_758 {strides = array<i32>} : memref<8x1280xf32, #tpu.memory_space<vmem>>, vector<1x16xf32>,
          %get3A_759 = arith.index_cast %scan3A_662 : i32 to index
          %get3A_760 = arith.index_cast %mul3A_180 : i32 to index
          %get3A_761 = tpu.vector_load %arg5[%get3A_759, %get3A_760] {strides = array<i32>} : memref<8x1280xf32, #tpu.memory_space<vmem>>, vector<1x16xf32>,
          %get3A_762 = vector.shape_cast %get3A_761 : vector<1x16xf32> to vector<16xf32>
          %jit3A_763 = arith.constant 0.000000e+00 : f32
          %broadcast_in_dim3A_764 = vector.broadcast %jit3A_763 : f32 to vector<16xf32>
          %select_n3A_765 = arith.select %and3A_187, %broadcast_in_dim3A_764, %get3A_762 : vector<16xi1>, vector<16xf32>
          %swap3A_766 = arith.index_cast %scan3A_662 : i32 to index
          %swap3A_767 = arith.index_cast %mul3A_180 : i32 to index
          %swap3A_768 = tpu.vector_load %arg5[%swap3A_766, %swap3A_767] {strides = array<i32>} : memref<8x1280xf32, #tpu.memory_space<vmem>>, vector<1x16xf32>,
          %swap3A_769 = vector.shape_cast %swap3A_768 : vector<1x16xf32> to vector<16xf32>
          %swap3A_770 = vector.shape_cast %select_n3A_765 : vector<16xf32> to vector<1x16xf32>
          tpu.vector_store %arg5[%swap3A_766, %swap3A_767], %swap3A_770 {strides = array<i32>} : memref<8x1280xf32, #tpu.memory_space<vmem>>, vector<1x16xf32>,
          %get3A_771 = arith.index_cast %scan3A_662 : i32 to index
          %get3A_772 = arith.index_cast %mul3A_193 : i32 to index
          %get3A_773 = tpu.vector_load %arg5[%get3A_771, %get3A_772] {strides = array<i32>} : memref<8x1280xf32, #tpu.memory_space<vmem>>, vector<1x16xf32>,
          %get3A_774 = vector.shape_cast %get3A_773 : vector<1x16xf32> to vector<16xf32>
          %jit3A_775 = arith.constant 0.000000e+00 : f32
          %broadcast_in_dim3A_776 = vector.broadcast %jit3A_775 : f32 to vector<16xf32>
          %select_n3A_777 = arith.select %and3A_200, %broadcast_in_dim3A_776, %get3A_774 : vector<16xi1>, vector<16xf32>
          %swap3A_778 = arith.index_cast %scan3A_662 : i32 to index
          %swap3A_779 = arith.index_cast %mul3A_193 : i32 to index
          %swap3A_780 = tpu.vector_load %arg5[%swap3A_778, %swap3A_779] {strides = array<i32>} : memref<8x1280xf32, #tpu.memory_space<vmem>>, vector<1x16xf32>,
          %swap3A_781 = vector.shape_cast %swap3A_780 : vector<1x16xf32> to vector<16xf32>
          %swap3A_782 = vector.shape_cast %select_n3A_777 : vector<16xf32> to vector<1x16xf32>
          tpu.vector_store %arg5[%swap3A_778, %swap3A_779], %swap3A_782 {strides = array<i32>} : memref<8x1280xf32, #tpu.memory_space<vmem>>, vector<1x16xf32>,
          %get3A_783 = arith.index_cast %scan3A_662 : i32 to index
          %get3A_784 = arith.index_cast %mul3A_206 : i32 to index
          %get3A_785 = tpu.vector_load %arg5[%get3A_783, %get3A_784] {strides = array<i32>} : memref<8x1280xf32, #tpu.memory_space<vmem>>, vector<1x16xf32>,
          %get3A_786 = vector.shape_cast %get3A_785 : vector<1x16xf32> to vector<16xf32>
          %jit3A_787 = arith.constant 0.000000e+00 : f32
          %broadcast_in_dim3A_788 = vector.broadcast %jit3A_787 : f32 to vector<16xf32>
          %select_n3A_789 = arith.select %and3A_213, %broadcast_in_dim3A_788, %get3A_786 : vector<16xi1>, vector<16xf32>
          %swap3A_790 = arith.index_cast %scan3A_662 : i32 to index
          %swap3A_791 = arith.index_cast %mul3A_206 : i32 to index
          %swap3A_792 = tpu.vector_load %arg5[%swap3A_790, %swap3A_791] {strides = array<i32>} : memref<8x1280xf32, #tpu.memory_space<vmem>>, vector<1x16xf32>,
          %swap3A_793 = vector.shape_cast %swap3A_792 : vector<1x16xf32> to vector<16xf32>
          %swap3A_794 = vector.shape_cast %select_n3A_789 : vector<16xf32> to vector<1x16xf32>
          tpu.vector_store %arg5[%swap3A_790, %swap3A_791], %swap3A_794 {strides = array<i32>} : memref<8x1280xf32, #tpu.memory_space<vmem>>, vector<1x16xf32>,
          %get3A_795 = arith.index_cast %scan3A_662 : i32 to index
          %get3A_796 = arith.index_cast %mul3A_219 : i32 to index
          %get3A_797 = tpu.vector_load %arg5[%get3A_795, %get3A_796] {strides = array<i32>} : memref<8x1280xf32, #tpu.memory_space<vmem>>, vector<1x16xf32>,
          %get3A_798 = vector.shape_cast %get3A_797 : vector<1x16xf32> to vector<16xf32>
          %jit3A_799 = arith.constant 0.000000e+00 : f32
          %broadcast_in_dim3A_800 = vector.broadcast %jit3A_799 : f32 to vector<16xf32>
          %select_n3A_801 = arith.select %and3A_226, %broadcast_in_dim3A_800, %get3A_798 : vector<16xi1>, vector<16xf32>
          %swap3A_802 = arith.index_cast %scan3A_662 : i32 to index
          %swap3A_803 = arith.index_cast %mul3A_219 : i32 to index
          %swap3A_804 = tpu.vector_load %arg5[%swap3A_802, %swap3A_803] {strides = array<i32>} : memref<8x1280xf32, #tpu.memory_space<vmem>>, vector<1x16xf32>,
          %swap3A_805 = vector.shape_cast %swap3A_804 : vector<1x16xf32> to vector<16xf32>
          %swap3A_806 = vector.shape_cast %select_n3A_801 : vector<16xf32> to vector<1x16xf32>
          tpu.vector_store %arg5[%swap3A_802, %swap3A_803], %swap3A_806 {strides = array<i32>} : memref<8x1280xf32, #tpu.memory_space<vmem>>, vector<1x16xf32>,
          %get3A_807 = arith.index_cast %scan3A_662 : i32 to index
          %get3A_808 = arith.index_cast %mul3A_232 : i32 to index
          %get3A_809 = tpu.vector_load %arg5[%get3A_807, %get3A_808] {strides = array<i32>} : memref<8x1280xf32, #tpu.memory_space<vmem>>, vector<1x16xf32>,
          %get3A_810 = vector.shape_cast %get3A_809 : vector<1x16xf32> to vector<16xf32>
          %jit3A_811 = arith.constant 0.000000e+00 : f32
          %broadcast_in_dim3A_812 = vector.broadcast %jit3A_811 : f32 to vector<16xf32>
          %select_n3A_813 = arith.select %and3A_239, %broadcast_in_dim3A_812, %get3A_810 : vector<16xi1>, vector<16xf32>
          %swap3A_814 = arith.index_cast %scan3A_662 : i32 to index
          %swap3A_815 = arith.index_cast %mul3A_232 : i32 to index
          %swap3A_816 = tpu.vector_load %arg5[%swap3A_814, %swap3A_815] {strides = array<i32>} : memref<8x1280xf32, #tpu.memory_space<vmem>>, vector<1x16xf32>,
          %swap3A_817 = vector.shape_cast %swap3A_816 : vector<1x16xf32> to vector<16xf32>
          %swap3A_818 = vector.shape_cast %select_n3A_813 : vector<16xf32> to vector<1x16xf32>
          tpu.vector_store %arg5[%swap3A_814, %swap3A_815], %swap3A_818 {strides = array<i32>} : memref<8x1280xf32, #tpu.memory_space<vmem>>, vector<1x16xf32>,
          %get3A_819 = arith.index_cast %scan3A_662 : i32 to index
          %get3A_820 = arith.index_cast %mul3A_245 : i32 to index
          %get3A_821 = tpu.vector_load %arg5[%get3A_819, %get3A_820] {strides = array<i32>} : memref<8x1280xf32, #tpu.memory_space<vmem>>, vector<1x16xf32>,
          %get3A_822 = vector.shape_cast %get3A_821 : vector<1x16xf32> to vector<16xf32>
          %jit3A_823 = arith.constant 0.000000e+00 : f32
          %broadcast_in_dim3A_824 = vector.broadcast %jit3A_823 : f32 to vector<16xf32>
          %select_n3A_825 = arith.select %and3A_252, %broadcast_in_dim3A_824, %get3A_822 : vector<16xi1>, vector<16xf32>
          %swap3A_826 = arith.index_cast %scan3A_662 : i32 to index
          %swap3A_827 = arith.index_cast %mul3A_245 : i32 to index
          %swap3A_828 = tpu.vector_load %arg5[%swap3A_826, %swap3A_827] {strides = array<i32>} : memref<8x1280xf32, #tpu.memory_space<vmem>>, vector<1x16xf32>,
          %swap3A_829 = vector.shape_cast %swap3A_828 : vector<1x16xf32> to vector<16xf32>
          %swap3A_830 = vector.shape_cast %select_n3A_825 : vector<16xf32> to vector<1x16xf32>
          tpu.vector_store %arg5[%swap3A_826, %swap3A_827], %swap3A_830 {strides = array<i32>} : memref<8x1280xf32, #tpu.memory_space<vmem>>, vector<1x16xf32>,
          %get3A_831 = arith.index_cast %scan3A_662 : i32 to index
          %get3A_832 = arith.index_cast %mul3A_258 : i32 to index
          %get3A_833 = tpu.vector_load %arg5[%get3A_831, %get3A_832] {strides = array<i32>} : memref<8x1280xf32, #tpu.memory_space<vmem>>, vector<1x16xf32>,
          %get3A_834 = vector.shape_cast %get3A_833 : vector<1x16xf32> to vector<16xf32>
          %jit3A_835 = arith.constant 0.000000e+00 : f32
          %broadcast_in_dim3A_836 = vector.broadcast %jit3A_835 : f32 to vector<16xf32>
          %select_n3A_837 = arith.select %and3A_265, %broadcast_in_dim3A_836, %get3A_834 : vector<16xi1>, vector<16xf32>
          %swap3A_838 = arith.index_cast %scan3A_662 : i32 to index
          %swap3A_839 = arith.index_cast %mul3A_258 : i32 to index
          %swap3A_840 = tpu.vector_load %arg5[%swap3A_838, %swap3A_839] {strides = array<i32>} : memref<8x1280xf32, #tpu.memory_space<vmem>>, vector<1x16xf32>,
          %swap3A_841 = vector.shape_cast %swap3A_840 : vector<1x16xf32> to vector<16xf32>
          %swap3A_842 = vector.shape_cast %select_n3A_837 : vector<16xf32> to vector<1x16xf32>
          tpu.vector_store %arg5[%swap3A_838, %swap3A_839], %swap3A_842 {strides = array<i32>} : memref<8x1280xf32, #tpu.memory_space<vmem>>, vector<1x16xf32>,
        } else {
        }
        %scan3A_675 = arith.constant 0 : i32
        scf.yield %scan3A_675 : i32
      }
      %scan3A_461 = arith.constant 8 : i32
      %mul3A_462 = arith.constant 8 : i32
      %mul3A_463 = arith.muli %add3A_420, %mul3A_462 : i32
      %add3A_464 = arith.addi %mul3A_32, %mul3A_463 : i32
      %dma_start3A_465 = arith.constant 768 : i32
      %dma_start3A_466 = tpu.memref_slice %arg4[%select_n3A, %add3A_464, %dma_start3A_465] : memref<8x2048x2048xf32, #tpu.memory_space<hbm>> -> memref<1x8x1280xf32, #tpu.memory_space<hbm>>
      %dma_start3A_467 = tpu.memref_squeeze %dma_start3A_466 : memref<1x8x1280xf32, #tpu.memory_space<hbm>> -> memref<8x1280xf32, #tpu.memory_space<hbm>>
      %dma_start3A_468 = arith.constant 768 : i32
      %dma_start3A_469 = tpu.memref_slice %arg4[%select_n3A, %add3A_464, %dma_start3A_468] : memref<8x2048x2048xf32, #tpu.memory_space<hbm>> -> memref<1x8x1280xf32, #tpu.memory_space<hbm>>
      %dma_start3A_470 = tpu.memref_squeeze %dma_start3A_469 : memref<1x8x1280xf32, #tpu.memory_space<hbm>> -> memref<8x1280xf32, #tpu.memory_space<hbm>>
      tpu.enqueue_dma source(%arg5 : memref<8x1280xf32, #tpu.memory_space<vmem>>) target(%dma_start3A_470 : memref<8x1280xf32, #tpu.memory_space<hbm>>) target_semaphore(%arg15 : memref<!tpu.dma_semaphore, #tpu.memory_space<semaphore_mem>>)
      %add3A_471 = arith.constant 1 : i32
      %add3A_472 = arith.addi %mul3A_418, %add3A_471 : i32
      %mul3A_473 = arith.constant 8 : i32
      %mul3A_474 = arith.muli %add3A_472, %mul3A_473 : i32
      %add3A_475 = arith.addi %mul3A_32, %mul3A_474 : i32
      %dma_wait3A_476 = arith.constant 1 : i32
      %dma_wait3A_477 = arith.constant 0 : i32
      %dma_wait3A_478 = arith.constant 0 : i32
      %dma_wait3A_479 = tpu.memref_slice %arg10[%arg1, %dma_wait3A_476, %dma_wait3A_477, %dma_wait3A_478] : memref<16x4x8x768xf32, #tpu.memory_space<vmem_shared>> -> memref<1x1x8x768xf32, #tpu.memory_space<vmem_shared>>
      %dma_wait3A_480 = tpu.memref_squeeze %dma_wait3A_479 : memref<1x1x8x768xf32, #tpu.memory_space<vmem_shared>> -> memref<8x768xf32, #tpu.memory_space<vmem_shared>>
      %dma_wait3A_481 = arith.constant 0 : i32
      %dma_wait3A_482 = tpu.memref_slice %arg2[%select_n3A, %add3A_475, %dma_wait3A_481] : memref<8x2048x2048xf32, #tpu.memory_space<hbm>> -> memref<1x8x768xf32, #tpu.memory_space<hbm>>
      %dma_wait3A_483 = tpu.memref_squeeze %dma_wait3A_482 : memref<1x8x768xf32, #tpu.memory_space<hbm>> -> memref<8x768xf32, #tpu.memory_space<hbm>>
      tpu.wait_dma2 semaphore(%arg20 : memref<!tpu.dma_semaphore, #tpu.memory_space<semaphore_mem>>) src(%dma_wait3A_483 : memref<8x768xf32, #tpu.memory_space<hbm>>) dst(%dma_wait3A_480 : memref<8x768xf32, #tpu.memory_space<vmem_shared>>)
      %mul3A_484 = arith.constant 8 : i32
      %mul3A_485 = arith.muli %add3A_472, %mul3A_484 : i32
      %add3A_486 = arith.addi %mul3A_32, %mul3A_485 : i32
      %dma_start3A_487 = arith.constant 1 : i32
      %dma_start3A_488 = arith.constant 0 : i32
      %dma_start3A_489 = tpu.memref_slice %arg4[%select_n3A, %add3A_486, %dma_start3A_488] : memref<8x2048x2048xf32, #tpu.memory_space<hbm>> -> memref<1x8x768xf32, #tpu.memory_space<hbm>>
      %dma_start3A_490 = tpu.memref_squeeze %dma_start3A_489 : memref<1x8x768xf32, #tpu.memory_space<hbm>> -> memref<8x768xf32, #tpu.memory_space<hbm>>
      %dma_start3A_491 = arith.constant 0 : i32
      %dma_start3A_492 = arith.constant 0 : i32
      %dma_start3A_493 = tpu.memref_slice %arg10[%arg1, %dma_start3A_487, %dma_start3A_491, %dma_start3A_492] : memref<16x4x8x768xf32, #tpu.memory_space<vmem_shared>> -> memref<1x1x8x768xf32, #tpu.memory_space<vmem_shared>>
      %dma_start3A_494 = tpu.memref_squeeze %dma_start3A_493 : memref<1x1x8x768xf32, #tpu.memory_space<vmem_shared>> -> memref<8x768xf32, #tpu.memory_space<vmem_shared>>
      tpu.enqueue_dma source(%dma_start3A_494 : memref<8x768xf32, #tpu.memory_space<vmem_shared>>) target(%dma_start3A_490 : memref<8x768xf32, #tpu.memory_space<hbm>>) target_semaphore(%arg24 : memref<!tpu.dma_semaphore, #tpu.memory_space<semaphore_mem>>)
      %mul3A_495 = arith.constant 8 : i32
      %mul3A_496 = arith.muli %add3A_472, %mul3A_495 : i32
      %add3A_497 = arith.addi %mul3A_32, %mul3A_496 : i32
      %dma_wait3A_498 = arith.constant 768 : i32
      %dma_wait3A_499 = tpu.memref_slice %arg2[%select_n3A, %add3A_497, %dma_wait3A_498] : memref<8x2048x2048xf32, #tpu.memory_space<hbm>> -> memref<1x8x1280xf32, #tpu.memory_space<hbm>>
      %dma_wait3A_500 = tpu.memref_squeeze %dma_wait3A_499 : memref<1x8x1280xf32, #tpu.memory_space<hbm>> -> memref<8x1280xf32, #tpu.memory_space<hbm>>
      %dma_wait3A_501 = arith.constant 768 : i32
      %dma_wait3A_502 = tpu.memref_slice %arg2[%select_n3A, %add3A_497, %dma_wait3A_501] : memref<8x2048x2048xf32, #tpu.memory_space<hbm>> -> memref<1x8x1280xf32, #tpu.memory_space<hbm>>
      %dma_wait3A_503 = tpu.memref_squeeze %dma_wait3A_502 : memref<1x8x1280xf32, #tpu.memory_space<hbm>> -> memref<8x1280xf32, #tpu.memory_space<hbm>>
      tpu.wait_dma2 semaphore(%arg12 : memref<!tpu.dma_semaphore, #tpu.memory_space<semaphore_mem>>) src(%dma_wait3A_503 : memref<8x1280xf32, #tpu.memory_space<hbm>>) dst(%arg6 : memref<8x1280xf32, #tpu.memory_space<vmem>>)
      %mul3A_504 = arith.constant 8 : i32
      %mul3A_505 = arith.muli %add3A_472, %mul3A_504 : i32
      %add3A_506 = arith.addi %mul3A_32, %mul3A_505 : i32
      %scan3A_507 = arith.constant 0 : i32
      %scan3A_508 = arith.constant 0 : i32
      %scan3A_509 = arith.constant 8 : i32
      %scan3A_510 = arith.addi %scan3A_508, %scan3A_509 : i32
      %scan3A_511 = arith.constant 1 : i32
      %scan3A_512 = scf.for %scan3A_662 = %scan3A_508 to %scan3A_510 step %scan3A_511 iter_args(%scan3A_663 = %scan3A_507) -> (i32)  : i32 {
        %add3A_664 = arith.addi %add3A_506, %scan3A_662 : i32
        %ge3A_665 = arith.cmpi sge, %add3A_664, %squeeze3A : i32
        %lt3A_666 = arith.cmpi slt, %add3A_664, %squeeze3A_43 : i32
        %and3A_667 = arith.andi %ge3A_665, %lt3A_666 : i1
        %convert_element_type3A_668 = arith.extui %and3A_667 : i1 to i32
        %cond3A_669 = arith.constant 0 : i32
        %cond3A_670 = arith.cmpi ne, %convert_element_type3A_668, %cond3A_669 : i32
        scf.if %cond3A_670 {
          %swap3A = arith.index_cast %scan3A_662 : i32 to index
          %swap3A_676 = arith.constant 0 : index
          %swap3A_677 = tpu.vector_load %arg6[%swap3A, %swap3A_676] {strides = array<i32>} : memref<8x1280xf32, #tpu.memory_space<vmem>>, vector<1x16xf32>,
          %swap3A_678 = vector.shape_cast %swap3A_677 : vector<1x16xf32> to vector<16xf32>
          %swap3A_679 = vector.shape_cast %broadcast_in_dim3A_266 : vector<16xf32> to vector<1x16xf32>
          tpu.vector_store %arg6[%swap3A, %swap3A_676], %swap3A_679 {strides = array<i32>} : memref<8x1280xf32, #tpu.memory_space<vmem>>, vector<1x16xf32>,
          %swap3A_680 = arith.index_cast %scan3A_662 : i32 to index
          %swap3A_681 = arith.constant 16 : index
          %swap3A_682 = tpu.vector_load %arg6[%swap3A_680, %swap3A_681] {strides = array<i32>} : memref<8x1280xf32, #tpu.memory_space<vmem>>, vector<1x16xf32>,
          %swap3A_683 = vector.shape_cast %swap3A_682 : vector<1x16xf32> to vector<16xf32>
          %swap3A_684 = vector.shape_cast %broadcast_in_dim3A_266 : vector<16xf32> to vector<1x16xf32>
          tpu.vector_store %arg6[%swap3A_680, %swap3A_681], %swap3A_684 {strides = array<i32>} : memref<8x1280xf32, #tpu.memory_space<vmem>>, vector<1x16xf32>,
          %swap3A_685 = arith.index_cast %scan3A_662 : i32 to index
          %swap3A_686 = arith.constant 32 : index
          %swap3A_687 = tpu.vector_load %arg6[%swap3A_685, %swap3A_686] {strides = array<i32>} : memref<8x1280xf32, #tpu.memory_space<vmem>>, vector<1x16xf32>,
          %swap3A_688 = vector.shape_cast %swap3A_687 : vector<1x16xf32> to vector<16xf32>
          %swap3A_689 = vector.shape_cast %broadcast_in_dim3A_266 : vector<16xf32> to vector<1x16xf32>
          tpu.vector_store %arg6[%swap3A_685, %swap3A_686], %swap3A_689 {strides = array<i32>} : memref<8x1280xf32, #tpu.memory_space<vmem>>, vector<1x16xf32>,
          %swap3A_690 = arith.index_cast %scan3A_662 : i32 to index
          %swap3A_691 = arith.constant 48 : index
          %swap3A_692 = tpu.vector_load %arg6[%swap3A_690, %swap3A_691] {strides = array<i32>} : memref<8x1280xf32, #tpu.memory_space<vmem>>, vector<1x16xf32>,
          %swap3A_693 = vector.shape_cast %swap3A_692 : vector<1x16xf32> to vector<16xf32>
          %swap3A_694 = vector.shape_cast %broadcast_in_dim3A_266 : vector<16xf32> to vector<1x16xf32>
          tpu.vector_store %arg6[%swap3A_690, %swap3A_691], %swap3A_694 {strides = array<i32>} : memref<8x1280xf32, #tpu.memory_space<vmem>>, vector<1x16xf32>,
          %swap3A_695 = arith.index_cast %scan3A_662 : i32 to index
          %swap3A_696 = arith.constant 64 : index
          %swap3A_697 = tpu.vector_load %arg6[%swap3A_695, %swap3A_696] {strides = array<i32>} : memref<8x1280xf32, #tpu.memory_space<vmem>>, vector<1x16xf32>,
          %swap3A_698 = vector.shape_cast %swap3A_697 : vector<1x16xf32> to vector<16xf32>
          %swap3A_699 = vector.shape_cast %broadcast_in_dim3A_266 : vector<16xf32> to vector<1x16xf32>
          tpu.vector_store %arg6[%swap3A_695, %swap3A_696], %swap3A_699 {strides = array<i32>} : memref<8x1280xf32, #tpu.memory_space<vmem>>, vector<1x16xf32>,
          %swap3A_700 = arith.index_cast %scan3A_662 : i32 to index
          %swap3A_701 = arith.constant 80 : index
          %swap3A_702 = tpu.vector_load %arg6[%swap3A_700, %swap3A_701] {strides = array<i32>} : memref<8x1280xf32, #tpu.memory_space<vmem>>, vector<1x16xf32>,
          %swap3A_703 = vector.shape_cast %swap3A_702 : vector<1x16xf32> to vector<16xf32>
          %swap3A_704 = vector.shape_cast %broadcast_in_dim3A_266 : vector<16xf32> to vector<1x16xf32>
          tpu.vector_store %arg6[%swap3A_700, %swap3A_701], %swap3A_704 {strides = array<i32>} : memref<8x1280xf32, #tpu.memory_space<vmem>>, vector<1x16xf32>,
          %swap3A_705 = arith.index_cast %scan3A_662 : i32 to index
          %swap3A_706 = arith.constant 96 : index
          %swap3A_707 = tpu.vector_load %arg6[%swap3A_705, %swap3A_706] {strides = array<i32>} : memref<8x1280xf32, #tpu.memory_space<vmem>>, vector<1x16xf32>,
          %swap3A_708 = vector.shape_cast %swap3A_707 : vector<1x16xf32> to vector<16xf32>
          %swap3A_709 = vector.shape_cast %broadcast_in_dim3A_266 : vector<16xf32> to vector<1x16xf32>
          tpu.vector_store %arg6[%swap3A_705, %swap3A_706], %swap3A_709 {strides = array<i32>} : memref<8x1280xf32, #tpu.memory_space<vmem>>, vector<1x16xf32>,
          %swap3A_710 = arith.index_cast %scan3A_662 : i32 to index
          %swap3A_711 = arith.constant 112 : index
          %swap3A_712 = tpu.vector_load %arg6[%swap3A_710, %swap3A_711] {strides = array<i32>} : memref<8x1280xf32, #tpu.memory_space<vmem>>, vector<1x16xf32>,
          %swap3A_713 = vector.shape_cast %swap3A_712 : vector<1x16xf32> to vector<16xf32>
          %swap3A_714 = vector.shape_cast %broadcast_in_dim3A_266 : vector<16xf32> to vector<1x16xf32>
          tpu.vector_store %arg6[%swap3A_710, %swap3A_711], %swap3A_714 {strides = array<i32>} : memref<8x1280xf32, #tpu.memory_space<vmem>>, vector<1x16xf32>,
          %swap3A_715 = arith.index_cast %scan3A_662 : i32 to index
          %swap3A_716 = arith.constant 128 : index
          %swap3A_717 = tpu.vector_load %arg6[%swap3A_715, %swap3A_716] {strides = array<i32>} : memref<8x1280xf32, #tpu.memory_space<vmem>>, vector<1x16xf32>,
          %swap3A_718 = vector.shape_cast %swap3A_717 : vector<1x16xf32> to vector<16xf32>
          %swap3A_719 = vector.shape_cast %broadcast_in_dim3A_266 : vector<16xf32> to vector<1x16xf32>
          tpu.vector_store %arg6[%swap3A_715, %swap3A_716], %swap3A_719 {strides = array<i32>} : memref<8x1280xf32, #tpu.memory_space<vmem>>, vector<1x16xf32>,
          %swap3A_720 = arith.index_cast %scan3A_662 : i32 to index
          %swap3A_721 = arith.constant 144 : index
          %swap3A_722 = tpu.vector_load %arg6[%swap3A_720, %swap3A_721] {strides = array<i32>} : memref<8x1280xf32, #tpu.memory_space<vmem>>, vector<1x16xf32>,
          %swap3A_723 = vector.shape_cast %swap3A_722 : vector<1x16xf32> to vector<16xf32>
          %swap3A_724 = vector.shape_cast %broadcast_in_dim3A_266 : vector<16xf32> to vector<1x16xf32>
          tpu.vector_store %arg6[%swap3A_720, %swap3A_721], %swap3A_724 {strides = array<i32>} : memref<8x1280xf32, #tpu.memory_space<vmem>>, vector<1x16xf32>,
          %swap3A_725 = arith.index_cast %scan3A_662 : i32 to index
          %swap3A_726 = arith.constant 160 : index
          %swap3A_727 = tpu.vector_load %arg6[%swap3A_725, %swap3A_726] {strides = array<i32>} : memref<8x1280xf32, #tpu.memory_space<vmem>>, vector<1x16xf32>,
          %swap3A_728 = vector.shape_cast %swap3A_727 : vector<1x16xf32> to vector<16xf32>
          %swap3A_729 = vector.shape_cast %broadcast_in_dim3A_266 : vector<16xf32> to vector<1x16xf32>
          tpu.vector_store %arg6[%swap3A_725, %swap3A_726], %swap3A_729 {strides = array<i32>} : memref<8x1280xf32, #tpu.memory_space<vmem>>, vector<1x16xf32>,
          %swap3A_730 = arith.index_cast %scan3A_662 : i32 to index
          %swap3A_731 = arith.constant 176 : index
          %swap3A_732 = tpu.vector_load %arg6[%swap3A_730, %swap3A_731] {strides = array<i32>} : memref<8x1280xf32, #tpu.memory_space<vmem>>, vector<1x16xf32>,
          %swap3A_733 = vector.shape_cast %swap3A_732 : vector<1x16xf32> to vector<16xf32>
          %swap3A_734 = vector.shape_cast %broadcast_in_dim3A_266 : vector<16xf32> to vector<1x16xf32>
          tpu.vector_store %arg6[%swap3A_730, %swap3A_731], %swap3A_734 {strides = array<i32>} : memref<8x1280xf32, #tpu.memory_space<vmem>>, vector<1x16xf32>,
          %swap3A_735 = arith.index_cast %scan3A_662 : i32 to index
          %swap3A_736 = arith.constant 192 : index
          %swap3A_737 = tpu.vector_load %arg6[%swap3A_735, %swap3A_736] {strides = array<i32>} : memref<8x1280xf32, #tpu.memory_space<vmem>>, vector<1x16xf32>,
          %swap3A_738 = vector.shape_cast %swap3A_737 : vector<1x16xf32> to vector<16xf32>
          %swap3A_739 = vector.shape_cast %broadcast_in_dim3A_266 : vector<16xf32> to vector<1x16xf32>
          tpu.vector_store %arg6[%swap3A_735, %swap3A_736], %swap3A_739 {strides = array<i32>} : memref<8x1280xf32, #tpu.memory_space<vmem>>, vector<1x16xf32>,
          %swap3A_740 = arith.index_cast %scan3A_662 : i32 to index
          %swap3A_741 = arith.constant 208 : index
          %swap3A_742 = tpu.vector_load %arg6[%swap3A_740, %swap3A_741] {strides = array<i32>} : memref<8x1280xf32, #tpu.memory_space<vmem>>, vector<1x16xf32>,
          %swap3A_743 = vector.shape_cast %swap3A_742 : vector<1x16xf32> to vector<16xf32>
          %swap3A_744 = vector.shape_cast %broadcast_in_dim3A_266 : vector<16xf32> to vector<1x16xf32>
          tpu.vector_store %arg6[%swap3A_740, %swap3A_741], %swap3A_744 {strides = array<i32>} : memref<8x1280xf32, #tpu.memory_space<vmem>>, vector<1x16xf32>,
          %swap3A_745 = arith.index_cast %scan3A_662 : i32 to index
          %swap3A_746 = arith.constant 224 : index
          %swap3A_747 = tpu.vector_load %arg6[%swap3A_745, %swap3A_746] {strides = array<i32>} : memref<8x1280xf32, #tpu.memory_space<vmem>>, vector<1x16xf32>,
          %swap3A_748 = vector.shape_cast %swap3A_747 : vector<1x16xf32> to vector<16xf32>
          %swap3A_749 = vector.shape_cast %broadcast_in_dim3A_266 : vector<16xf32> to vector<1x16xf32>
          tpu.vector_store %arg6[%swap3A_745, %swap3A_746], %swap3A_749 {strides = array<i32>} : memref<8x1280xf32, #tpu.memory_space<vmem>>, vector<1x16xf32>,
          %swap3A_750 = arith.index_cast %scan3A_662 : i32 to index
          %swap3A_751 = arith.constant 240 : index
          %swap3A_752 = tpu.vector_load %arg6[%swap3A_750, %swap3A_751] {strides = array<i32>} : memref<8x1280xf32, #tpu.memory_space<vmem>>, vector<1x16xf32>,
          %swap3A_753 = vector.shape_cast %swap3A_752 : vector<1x16xf32> to vector<16xf32>
          %swap3A_754 = vector.shape_cast %broadcast_in_dim3A_266 : vector<16xf32> to vector<1x16xf32>
          tpu.vector_store %arg6[%swap3A_750, %swap3A_751], %swap3A_754 {strides = array<i32>} : memref<8x1280xf32, #tpu.memory_space<vmem>>, vector<1x16xf32>,
          %swap3A_755 = arith.index_cast %scan3A_662 : i32 to index
          %swap3A_756 = arith.constant 256 : index
          %swap3A_757 = tpu.vector_load %arg6[%swap3A_755, %swap3A_756] {strides = array<i32>} : memref<8x1280xf32, #tpu.memory_space<vmem>>, vector<1x16xf32>,
          %swap3A_758 = vector.shape_cast %swap3A_757 : vector<1x16xf32> to vector<16xf32>
          %swap3A_759 = vector.shape_cast %broadcast_in_dim3A_266 : vector<16xf32> to vector<1x16xf32>
          tpu.vector_store %arg6[%swap3A_755, %swap3A_756], %swap3A_759 {strides = array<i32>} : memref<8x1280xf32, #tpu.memory_space<vmem>>, vector<1x16xf32>,
          %swap3A_760 = arith.index_cast %scan3A_662 : i32 to index
          %swap3A_761 = arith.constant 272 : index
          %swap3A_762 = tpu.vector_load %arg6[%swap3A_760, %swap3A_761] {strides = array<i32>} : memref<8x1280xf32, #tpu.memory_space<vmem>>, vector<1x16xf32>,
          %swap3A_763 = vector.shape_cast %swap3A_762 : vector<1x16xf32> to vector<16xf32>
          %swap3A_764 = vector.shape_cast %broadcast_in_dim3A_266 : vector<16xf32> to vector<1x16xf32>
          tpu.vector_store %arg6[%swap3A_760, %swap3A_761], %swap3A_764 {strides = array<i32>} : memref<8x1280xf32, #tpu.memory_space<vmem>>, vector<1x16xf32>,
          %swap3A_765 = arith.index_cast %scan3A_662 : i32 to index
          %swap3A_766 = arith.constant 288 : index
          %swap3A_767 = tpu.vector_load %arg6[%swap3A_765, %swap3A_766] {strides = array<i32>} : memref<8x1280xf32, #tpu.memory_space<vmem>>, vector<1x16xf32>,
          %swap3A_768 = vector.shape_cast %swap3A_767 : vector<1x16xf32> to vector<16xf32>
          %swap3A_769 = vector.shape_cast %broadcast_in_dim3A_266 : vector<16xf32> to vector<1x16xf32>
          tpu.vector_store %arg6[%swap3A_765, %swap3A_766], %swap3A_769 {strides = array<i32>} : memref<8x1280xf32, #tpu.memory_space<vmem>>, vector<1x16xf32>,
          %swap3A_770 = arith.index_cast %scan3A_662 : i32 to index
          %swap3A_771 = arith.constant 304 : index
          %swap3A_772 = tpu.vector_load %arg6[%swap3A_770, %swap3A_771] {strides = array<i32>} : memref<8x1280xf32, #tpu.memory_space<vmem>>, vector<1x16xf32>,
          %swap3A_773 = vector.shape_cast %swap3A_772 : vector<1x16xf32> to vector<16xf32>
          %swap3A_774 = vector.shape_cast %broadcast_in_dim3A_266 : vector<16xf32> to vector<1x16xf32>
          tpu.vector_store %arg6[%swap3A_770, %swap3A_771], %swap3A_774 {strides = array<i32>} : memref<8x1280xf32, #tpu.memory_space<vmem>>, vector<1x16xf32>,
          %swap3A_775 = arith.index_cast %scan3A_662 : i32 to index
          %swap3A_776 = arith.constant 320 : index
          %swap3A_777 = tpu.vector_load %arg6[%swap3A_775, %swap3A_776] {strides = array<i32>} : memref<8x1280xf32, #tpu.memory_space<vmem>>, vector<1x16xf32>,
          %swap3A_778 = vector.shape_cast %swap3A_777 : vector<1x16xf32> to vector<16xf32>
          %swap3A_779 = vector.shape_cast %broadcast_in_dim3A_266 : vector<16xf32> to vector<1x16xf32>
          tpu.vector_store %arg6[%swap3A_775, %swap3A_776], %swap3A_779 {strides = array<i32>} : memref<8x1280xf32, #tpu.memory_space<vmem>>, vector<1x16xf32>,
          %swap3A_780 = arith.index_cast %scan3A_662 : i32 to index
          %swap3A_781 = arith.constant 336 : index
          %swap3A_782 = tpu.vector_load %arg6[%swap3A_780, %swap3A_781] {strides = array<i32>} : memref<8x1280xf32, #tpu.memory_space<vmem>>, vector<1x16xf32>,
          %swap3A_783 = vector.shape_cast %swap3A_782 : vector<1x16xf32> to vector<16xf32>
          %swap3A_784 = vector.shape_cast %broadcast_in_dim3A_266 : vector<16xf32> to vector<1x16xf32>
          tpu.vector_store %arg6[%swap3A_780, %swap3A_781], %swap3A_784 {strides = array<i32>} : memref<8x1280xf32, #tpu.memory_space<vmem>>, vector<1x16xf32>,
          %swap3A_785 = arith.index_cast %scan3A_662 : i32 to index
          %swap3A_786 = arith.constant 352 : index
          %swap3A_787 = tpu.vector_load %arg6[%swap3A_785, %swap3A_786] {strides = array<i32>} : memref<8x1280xf32, #tpu.memory_space<vmem>>, vector<1x16xf32>,
          %swap3A_788 = vector.shape_cast %swap3A_787 : vector<1x16xf32> to vector<16xf32>
          %swap3A_789 = vector.shape_cast %broadcast_in_dim3A_266 : vector<16xf32> to vector<1x16xf32>
          tpu.vector_store %arg6[%swap3A_785, %swap3A_786], %swap3A_789 {strides = array<i32>} : memref<8x1280xf32, #tpu.memory_space<vmem>>, vector<1x16xf32>,
          %swap3A_790 = arith.index_cast %scan3A_662 : i32 to index
          %swap3A_791 = arith.constant 368 : index
          %swap3A_792 = tpu.vector_load %arg6[%swap3A_790, %swap3A_791] {strides = array<i32>} : memref<8x1280xf32, #tpu.memory_space<vmem>>, vector<1x16xf32>,
          %swap3A_793 = vector.shape_cast %swap3A_792 : vector<1x16xf32> to vector<16xf32>
          %swap3A_794 = vector.shape_cast %broadcast_in_dim3A_266 : vector<16xf32> to vector<1x16xf32>
          tpu.vector_store %arg6[%swap3A_790, %swap3A_791], %swap3A_794 {strides = array<i32>} : memref<8x1280xf32, #tpu.memory_space<vmem>>, vector<1x16xf32>,
          %swap3A_795 = arith.index_cast %scan3A_662 : i32 to index
          %swap3A_796 = arith.constant 384 : index
          %swap3A_797 = tpu.vector_load %arg6[%swap3A_795, %swap3A_796] {strides = array<i32>} : memref<8x1280xf32, #tpu.memory_space<vmem>>, vector<1x16xf32>,
          %swap3A_798 = vector.shape_cast %swap3A_797 : vector<1x16xf32> to vector<16xf32>
          %swap3A_799 = vector.shape_cast %broadcast_in_dim3A_266 : vector<16xf32> to vector<1x16xf32>
          tpu.vector_store %arg6[%swap3A_795, %swap3A_796], %swap3A_799 {strides = array<i32>} : memref<8x1280xf32, #tpu.memory_space<vmem>>, vector<1x16xf32>,
          %swap3A_800 = arith.index_cast %scan3A_662 : i32 to index
          %swap3A_801 = arith.constant 400 : index
          %swap3A_802 = tpu.vector_load %arg6[%swap3A_800, %swap3A_801] {strides = array<i32>} : memref<8x1280xf32, #tpu.memory_space<vmem>>, vector<1x16xf32>,
          %swap3A_803 = vector.shape_cast %swap3A_802 : vector<1x16xf32> to vector<16xf32>
          %swap3A_804 = vector.shape_cast %broadcast_in_dim3A_266 : vector<16xf32> to vector<1x16xf32>
          tpu.vector_store %arg6[%swap3A_800, %swap3A_801], %swap3A_804 {strides = array<i32>} : memref<8x1280xf32, #tpu.memory_space<vmem>>, vector<1x16xf32>,
          %swap3A_805 = arith.index_cast %scan3A_662 : i32 to index
          %swap3A_806 = arith.constant 416 : index
          %swap3A_807 = tpu.vector_load %arg6[%swap3A_805, %swap3A_806] {strides = array<i32>} : memref<8x1280xf32, #tpu.memory_space<vmem>>, vector<1x16xf32>,
          %swap3A_808 = vector.shape_cast %swap3A_807 : vector<1x16xf32> to vector<16xf32>
          %swap3A_809 = vector.shape_cast %broadcast_in_dim3A_266 : vector<16xf32> to vector<1x16xf32>
          tpu.vector_store %arg6[%swap3A_805, %swap3A_806], %swap3A_809 {strides = array<i32>} : memref<8x1280xf32, #tpu.memory_space<vmem>>, vector<1x16xf32>,
          %swap3A_810 = arith.index_cast %scan3A_662 : i32 to index
          %swap3A_811 = arith.constant 432 : index
          %swap3A_812 = tpu.vector_load %arg6[%swap3A_810, %swap3A_811] {strides = array<i32>} : memref<8x1280xf32, #tpu.memory_space<vmem>>, vector<1x16xf32>,
          %swap3A_813 = vector.shape_cast %swap3A_812 : vector<1x16xf32> to vector<16xf32>
          %swap3A_814 = vector.shape_cast %broadcast_in_dim3A_266 : vector<16xf32> to vector<1x16xf32>
          tpu.vector_store %arg6[%swap3A_810, %swap3A_811], %swap3A_814 {strides = array<i32>} : memref<8x1280xf32, #tpu.memory_space<vmem>>, vector<1x16xf32>,
          %swap3A_815 = arith.index_cast %scan3A_662 : i32 to index
          %swap3A_816 = arith.constant 448 : index
          %swap3A_817 = tpu.vector_load %arg6[%swap3A_815, %swap3A_816] {strides = array<i32>} : memref<8x1280xf32, #tpu.memory_space<vmem>>, vector<1x16xf32>,
          %swap3A_818 = vector.shape_cast %swap3A_817 : vector<1x16xf32> to vector<16xf32>
          %swap3A_819 = vector.shape_cast %broadcast_in_dim3A_266 : vector<16xf32> to vector<1x16xf32>
          tpu.vector_store %arg6[%swap3A_815, %swap3A_816], %swap3A_819 {strides = array<i32>} : memref<8x1280xf32, #tpu.memory_space<vmem>>, vector<1x16xf32>,
          %swap3A_820 = arith.index_cast %scan3A_662 : i32 to index
          %swap3A_821 = arith.constant 464 : index
          %swap3A_822 = tpu.vector_load %arg6[%swap3A_820, %swap3A_821] {strides = array<i32>} : memref<8x1280xf32, #tpu.memory_space<vmem>>, vector<1x16xf32>,
          %swap3A_823 = vector.shape_cast %swap3A_822 : vector<1x16xf32> to vector<16xf32>
          %swap3A_824 = vector.shape_cast %broadcast_in_dim3A_266 : vector<16xf32> to vector<1x16xf32>
          tpu.vector_store %arg6[%swap3A_820, %swap3A_821], %swap3A_824 {strides = array<i32>} : memref<8x1280xf32, #tpu.memory_space<vmem>>, vector<1x16xf32>,
          %swap3A_825 = arith.index_cast %scan3A_662 : i32 to index
          %swap3A_826 = arith.constant 480 : index
          %swap3A_827 = tpu.vector_load %arg6[%swap3A_825, %swap3A_826] {strides = array<i32>} : memref<8x1280xf32, #tpu.memory_space<vmem>>, vector<1x16xf32>,
          %swap3A_828 = vector.shape_cast %swap3A_827 : vector<1x16xf32> to vector<16xf32>
          %swap3A_829 = vector.shape_cast %broadcast_in_dim3A_266 : vector<16xf32> to vector<1x16xf32>
          tpu.vector_store %arg6[%swap3A_825, %swap3A_826], %swap3A_829 {strides = array<i32>} : memref<8x1280xf32, #tpu.memory_space<vmem>>, vector<1x16xf32>,
          %swap3A_830 = arith.index_cast %scan3A_662 : i32 to index
          %swap3A_831 = arith.constant 496 : index
          %swap3A_832 = tpu.vector_load %arg6[%swap3A_830, %swap3A_831] {strides = array<i32>} : memref<8x1280xf32, #tpu.memory_space<vmem>>, vector<1x16xf32>,
          %swap3A_833 = vector.shape_cast %swap3A_832 : vector<1x16xf32> to vector<16xf32>
          %swap3A_834 = vector.shape_cast %broadcast_in_dim3A_266 : vector<16xf32> to vector<1x16xf32>
          tpu.vector_store %arg6[%swap3A_830, %swap3A_831], %swap3A_834 {strides = array<i32>} : memref<8x1280xf32, #tpu.memory_space<vmem>>, vector<1x16xf32>,
          %swap3A_835 = arith.index_cast %scan3A_662 : i32 to index
          %swap3A_836 = arith.constant 512 : index
          %swap3A_837 = tpu.vector_load %arg6[%swap3A_835, %swap3A_836] {strides = array<i32>} : memref<8x1280xf32, #tpu.memory_space<vmem>>, vector<1x16xf32>,
          %swap3A_838 = vector.shape_cast %swap3A_837 : vector<1x16xf32> to vector<16xf32>
          %swap3A_839 = vector.shape_cast %broadcast_in_dim3A_266 : vector<16xf32> to vector<1x16xf32>
          tpu.vector_store %arg6[%swap3A_835, %swap3A_836], %swap3A_839 {strides = array<i32>} : memref<8x1280xf32, #tpu.memory_space<vmem>>, vector<1x16xf32>,
          %swap3A_840 = arith.index_cast %scan3A_662 : i32 to index
          %swap3A_841 = arith.constant 528 : index
          %swap3A_842 = tpu.vector_load %arg6[%swap3A_840, %swap3A_841] {strides = array<i32>} : memref<8x1280xf32, #tpu.memory_space<vmem>>, vector<1x16xf32>,
          %swap3A_843 = vector.shape_cast %swap3A_842 : vector<1x16xf32> to vector<16xf32>
          %swap3A_844 = vector.shape_cast %broadcast_in_dim3A_266 : vector<16xf32> to vector<1x16xf32>
          tpu.vector_store %arg6[%swap3A_840, %swap3A_841], %swap3A_844 {strides = array<i32>} : memref<8x1280xf32, #tpu.memory_space<vmem>>, vector<1x16xf32>,
          %swap3A_845 = arith.index_cast %scan3A_662 : i32 to index
          %swap3A_846 = arith.constant 544 : index
          %swap3A_847 = tpu.vector_load %arg6[%swap3A_845, %swap3A_846] {strides = array<i32>} : memref<8x1280xf32, #tpu.memory_space<vmem>>, vector<1x16xf32>,
          %swap3A_848 = vector.shape_cast %swap3A_847 : vector<1x16xf32> to vector<16xf32>
          %swap3A_849 = vector.shape_cast %broadcast_in_dim3A_266 : vector<16xf32> to vector<1x16xf32>
          tpu.vector_store %arg6[%swap3A_845, %swap3A_846], %swap3A_849 {strides = array<i32>} : memref<8x1280xf32, #tpu.memory_space<vmem>>, vector<1x16xf32>,
          %swap3A_850 = arith.index_cast %scan3A_662 : i32 to index
          %swap3A_851 = arith.constant 560 : index
          %swap3A_852 = tpu.vector_load %arg6[%swap3A_850, %swap3A_851] {strides = array<i32>} : memref<8x1280xf32, #tpu.memory_space<vmem>>, vector<1x16xf32>,
          %swap3A_853 = vector.shape_cast %swap3A_852 : vector<1x16xf32> to vector<16xf32>
          %swap3A_854 = vector.shape_cast %broadcast_in_dim3A_266 : vector<16xf32> to vector<1x16xf32>
          tpu.vector_store %arg6[%swap3A_850, %swap3A_851], %swap3A_854 {strides = array<i32>} : memref<8x1280xf32, #tpu.memory_space<vmem>>, vector<1x16xf32>,
          %swap3A_855 = arith.index_cast %scan3A_662 : i32 to index
          %swap3A_856 = arith.constant 576 : index
          %swap3A_857 = tpu.vector_load %arg6[%swap3A_855, %swap3A_856] {strides = array<i32>} : memref<8x1280xf32, #tpu.memory_space<vmem>>, vector<1x16xf32>,
          %swap3A_858 = vector.shape_cast %swap3A_857 : vector<1x16xf32> to vector<16xf32>
          %swap3A_859 = vector.shape_cast %broadcast_in_dim3A_266 : vector<16xf32> to vector<1x16xf32>
          tpu.vector_store %arg6[%swap3A_855, %swap3A_856], %swap3A_859 {strides = array<i32>} : memref<8x1280xf32, #tpu.memory_space<vmem>>, vector<1x16xf32>,
          %swap3A_860 = arith.index_cast %scan3A_662 : i32 to index
          %swap3A_861 = arith.constant 592 : index
          %swap3A_862 = tpu.vector_load %arg6[%swap3A_860, %swap3A_861] {strides = array<i32>} : memref<8x1280xf32, #tpu.memory_space<vmem>>, vector<1x16xf32>,
          %swap3A_863 = vector.shape_cast %swap3A_862 : vector<1x16xf32> to vector<16xf32>
          %swap3A_864 = vector.shape_cast %broadcast_in_dim3A_266 : vector<16xf32> to vector<1x16xf32>
          tpu.vector_store %arg6[%swap3A_860, %swap3A_861], %swap3A_864 {strides = array<i32>} : memref<8x1280xf32, #tpu.memory_space<vmem>>, vector<1x16xf32>,
          %swap3A_865 = arith.index_cast %scan3A_662 : i32 to index
          %swap3A_866 = arith.constant 608 : index
          %swap3A_867 = tpu.vector_load %arg6[%swap3A_865, %swap3A_866] {strides = array<i32>} : memref<8x1280xf32, #tpu.memory_space<vmem>>, vector<1x16xf32>,
          %swap3A_868 = vector.shape_cast %swap3A_867 : vector<1x16xf32> to vector<16xf32>
          %swap3A_869 = vector.shape_cast %broadcast_in_dim3A_266 : vector<16xf32> to vector<1x16xf32>
          tpu.vector_store %arg6[%swap3A_865, %swap3A_866], %swap3A_869 {strides = array<i32>} : memref<8x1280xf32, #tpu.memory_space<vmem>>, vector<1x16xf32>,
          %swap3A_870 = arith.index_cast %scan3A_662 : i32 to index
          %swap3A_871 = arith.constant 624 : index
          %swap3A_872 = tpu.vector_load %arg6[%swap3A_870, %swap3A_871] {strides = array<i32>} : memref<8x1280xf32, #tpu.memory_space<vmem>>, vector<1x16xf32>,
          %swap3A_873 = vector.shape_cast %swap3A_872 : vector<1x16xf32> to vector<16xf32>
          %swap3A_874 = vector.shape_cast %broadcast_in_dim3A_266 : vector<16xf32> to vector<1x16xf32>
          tpu.vector_store %arg6[%swap3A_870, %swap3A_871], %swap3A_874 {strides = array<i32>} : memref<8x1280xf32, #tpu.memory_space<vmem>>, vector<1x16xf32>,
          %swap3A_875 = arith.index_cast %scan3A_662 : i32 to index
          %swap3A_876 = arith.constant 640 : index
          %swap3A_877 = tpu.vector_load %arg6[%swap3A_875, %swap3A_876] {strides = array<i32>} : memref<8x1280xf32, #tpu.memory_space<vmem>>, vector<1x16xf32>,
          %swap3A_878 = vector.shape_cast %swap3A_877 : vector<1x16xf32> to vector<16xf32>
          %swap3A_879 = vector.shape_cast %broadcast_in_dim3A_266 : vector<16xf32> to vector<1x16xf32>
          tpu.vector_store %arg6[%swap3A_875, %swap3A_876], %swap3A_879 {strides = array<i32>} : memref<8x1280xf32, #tpu.memory_space<vmem>>, vector<1x16xf32>,
          %swap3A_880 = arith.index_cast %scan3A_662 : i32 to index
          %swap3A_881 = arith.constant 656 : index
          %swap3A_882 = tpu.vector_load %arg6[%swap3A_880, %swap3A_881] {strides = array<i32>} : memref<8x1280xf32, #tpu.memory_space<vmem>>, vector<1x16xf32>,
          %swap3A_883 = vector.shape_cast %swap3A_882 : vector<1x16xf32> to vector<16xf32>
          %swap3A_884 = vector.shape_cast %broadcast_in_dim3A_266 : vector<16xf32> to vector<1x16xf32>
          tpu.vector_store %arg6[%swap3A_880, %swap3A_881], %swap3A_884 {strides = array<i32>} : memref<8x1280xf32, #tpu.memory_space<vmem>>, vector<1x16xf32>,
          %swap3A_885 = arith.index_cast %scan3A_662 : i32 to index
          %swap3A_886 = arith.constant 672 : index
          %swap3A_887 = tpu.vector_load %arg6[%swap3A_885, %swap3A_886] {strides = array<i32>} : memref<8x1280xf32, #tpu.memory_space<vmem>>, vector<1x16xf32>,
          %swap3A_888 = vector.shape_cast %swap3A_887 : vector<1x16xf32> to vector<16xf32>
          %swap3A_889 = vector.shape_cast %broadcast_in_dim3A_266 : vector<16xf32> to vector<1x16xf32>
          tpu.vector_store %arg6[%swap3A_885, %swap3A_886], %swap3A_889 {strides = array<i32>} : memref<8x1280xf32, #tpu.memory_space<vmem>>, vector<1x16xf32>,
          %swap3A_890 = arith.index_cast %scan3A_662 : i32 to index
          %swap3A_891 = arith.constant 688 : index
          %swap3A_892 = tpu.vector_load %arg6[%swap3A_890, %swap3A_891] {strides = array<i32>} : memref<8x1280xf32, #tpu.memory_space<vmem>>, vector<1x16xf32>,
          %swap3A_893 = vector.shape_cast %swap3A_892 : vector<1x16xf32> to vector<16xf32>
          %swap3A_894 = vector.shape_cast %broadcast_in_dim3A_266 : vector<16xf32> to vector<1x16xf32>
          tpu.vector_store %arg6[%swap3A_890, %swap3A_891], %swap3A_894 {strides = array<i32>} : memref<8x1280xf32, #tpu.memory_space<vmem>>, vector<1x16xf32>,
          %swap3A_895 = arith.index_cast %scan3A_662 : i32 to index
          %swap3A_896 = arith.constant 704 : index
          %swap3A_897 = tpu.vector_load %arg6[%swap3A_895, %swap3A_896] {strides = array<i32>} : memref<8x1280xf32, #tpu.memory_space<vmem>>, vector<1x16xf32>,
          %swap3A_898 = vector.shape_cast %swap3A_897 : vector<1x16xf32> to vector<16xf32>
          %swap3A_899 = vector.shape_cast %broadcast_in_dim3A_266 : vector<16xf32> to vector<1x16xf32>
          tpu.vector_store %arg6[%swap3A_895, %swap3A_896], %swap3A_899 {strides = array<i32>} : memref<8x1280xf32, #tpu.memory_space<vmem>>, vector<1x16xf32>,
          %swap3A_900 = arith.index_cast %scan3A_662 : i32 to index
          %swap3A_901 = arith.constant 720 : index
          %swap3A_902 = tpu.vector_load %arg6[%swap3A_900, %swap3A_901] {strides = array<i32>} : memref<8x1280xf32, #tpu.memory_space<vmem>>, vector<1x16xf32>,
          %swap3A_903 = vector.shape_cast %swap3A_902 : vector<1x16xf32> to vector<16xf32>
          %swap3A_904 = vector.shape_cast %broadcast_in_dim3A_266 : vector<16xf32> to vector<1x16xf32>
          tpu.vector_store %arg6[%swap3A_900, %swap3A_901], %swap3A_904 {strides = array<i32>} : memref<8x1280xf32, #tpu.memory_space<vmem>>, vector<1x16xf32>,
          %swap3A_905 = arith.index_cast %scan3A_662 : i32 to index
          %swap3A_906 = arith.constant 736 : index
          %swap3A_907 = tpu.vector_load %arg6[%swap3A_905, %swap3A_906] {strides = array<i32>} : memref<8x1280xf32, #tpu.memory_space<vmem>>, vector<1x16xf32>,
          %swap3A_908 = vector.shape_cast %swap3A_907 : vector<1x16xf32> to vector<16xf32>
          %swap3A_909 = vector.shape_cast %broadcast_in_dim3A_266 : vector<16xf32> to vector<1x16xf32>
          tpu.vector_store %arg6[%swap3A_905, %swap3A_906], %swap3A_909 {strides = array<i32>} : memref<8x1280xf32, #tpu.memory_space<vmem>>, vector<1x16xf32>,
          %swap3A_910 = arith.index_cast %scan3A_662 : i32 to index
          %swap3A_911 = arith.constant 752 : index
          %swap3A_912 = tpu.vector_load %arg6[%swap3A_910, %swap3A_911] {strides = array<i32>} : memref<8x1280xf32, #tpu.memory_space<vmem>>, vector<1x16xf32>,
          %swap3A_913 = vector.shape_cast %swap3A_912 : vector<1x16xf32> to vector<16xf32>
          %swap3A_914 = vector.shape_cast %broadcast_in_dim3A_266 : vector<16xf32> to vector<1x16xf32>
          tpu.vector_store %arg6[%swap3A_910, %swap3A_911], %swap3A_914 {strides = array<i32>} : memref<8x1280xf32, #tpu.memory_space<vmem>>, vector<1x16xf32>,
          %swap3A_915 = arith.index_cast %scan3A_662 : i32 to index
          %swap3A_916 = arith.constant 768 : index
          %swap3A_917 = tpu.vector_load %arg6[%swap3A_915, %swap3A_916] {strides = array<i32>} : memref<8x1280xf32, #tpu.memory_space<vmem>>, vector<1x16xf32>,
          %swap3A_918 = vector.shape_cast %swap3A_917 : vector<1x16xf32> to vector<16xf32>
          %swap3A_919 = vector.shape_cast %broadcast_in_dim3A_266 : vector<16xf32> to vector<1x16xf32>
          tpu.vector_store %arg6[%swap3A_915, %swap3A_916], %swap3A_919 {strides = array<i32>} : memref<8x1280xf32, #tpu.memory_space<vmem>>, vector<1x16xf32>,
          %swap3A_920 = arith.index_cast %scan3A_662 : i32 to index
          %swap3A_921 = arith.constant 784 : index
          %swap3A_922 = tpu.vector_load %arg6[%swap3A_920, %swap3A_921] {strides = array<i32>} : memref<8x1280xf32, #tpu.memory_space<vmem>>, vector<1x16xf32>,
          %swap3A_923 = vector.shape_cast %swap3A_922 : vector<1x16xf32> to vector<16xf32>
          %swap3A_924 = vector.shape_cast %broadcast_in_dim3A_266 : vector<16xf32> to vector<1x16xf32>
          tpu.vector_store %arg6[%swap3A_920, %swap3A_921], %swap3A_924 {strides = array<i32>} : memref<8x1280xf32, #tpu.memory_space<vmem>>, vector<1x16xf32>,
          %swap3A_925 = arith.index_cast %scan3A_662 : i32 to index
          %swap3A_926 = arith.constant 800 : index
          %swap3A_927 = tpu.vector_load %arg6[%swap3A_925, %swap3A_926] {strides = array<i32>} : memref<8x1280xf32, #tpu.memory_space<vmem>>, vector<1x16xf32>,
          %swap3A_928 = vector.shape_cast %swap3A_927 : vector<1x16xf32> to vector<16xf32>
          %swap3A_929 = vector.shape_cast %broadcast_in_dim3A_266 : vector<16xf32> to vector<1x16xf32>
          tpu.vector_store %arg6[%swap3A_925, %swap3A_926], %swap3A_929 {strides = array<i32>} : memref<8x1280xf32, #tpu.memory_space<vmem>>, vector<1x16xf32>,
          %swap3A_930 = arith.index_cast %scan3A_662 : i32 to index
          %swap3A_931 = arith.constant 816 : index
          %swap3A_932 = tpu.vector_load %arg6[%swap3A_930, %swap3A_931] {strides = array<i32>} : memref<8x1280xf32, #tpu.memory_space<vmem>>, vector<1x16xf32>,
          %swap3A_933 = vector.shape_cast %swap3A_932 : vector<1x16xf32> to vector<16xf32>
          %swap3A_934 = vector.shape_cast %broadcast_in_dim3A_266 : vector<16xf32> to vector<1x16xf32>
          tpu.vector_store %arg6[%swap3A_930, %swap3A_931], %swap3A_934 {strides = array<i32>} : memref<8x1280xf32, #tpu.memory_space<vmem>>, vector<1x16xf32>,
          %swap3A_935 = arith.index_cast %scan3A_662 : i32 to index
          %swap3A_936 = arith.constant 832 : index
          %swap3A_937 = tpu.vector_load %arg6[%swap3A_935, %swap3A_936] {strides = array<i32>} : memref<8x1280xf32, #tpu.memory_space<vmem>>, vector<1x16xf32>,
          %swap3A_938 = vector.shape_cast %swap3A_937 : vector<1x16xf32> to vector<16xf32>
          %swap3A_939 = vector.shape_cast %broadcast_in_dim3A_266 : vector<16xf32> to vector<1x16xf32>
          tpu.vector_store %arg6[%swap3A_935, %swap3A_936], %swap3A_939 {strides = array<i32>} : memref<8x1280xf32, #tpu.memory_space<vmem>>, vector<1x16xf32>,
          %swap3A_940 = arith.index_cast %scan3A_662 : i32 to index
          %swap3A_941 = arith.constant 848 : index
          %swap3A_942 = tpu.vector_load %arg6[%swap3A_940, %swap3A_941] {strides = array<i32>} : memref<8x1280xf32, #tpu.memory_space<vmem>>, vector<1x16xf32>,
          %swap3A_943 = vector.shape_cast %swap3A_942 : vector<1x16xf32> to vector<16xf32>
          %swap3A_944 = vector.shape_cast %broadcast_in_dim3A_266 : vector<16xf32> to vector<1x16xf32>
          tpu.vector_store %arg6[%swap3A_940, %swap3A_941], %swap3A_944 {strides = array<i32>} : memref<8x1280xf32, #tpu.memory_space<vmem>>, vector<1x16xf32>,
          %swap3A_945 = arith.index_cast %scan3A_662 : i32 to index
          %swap3A_946 = arith.constant 864 : index
          %swap3A_947 = tpu.vector_load %arg6[%swap3A_945, %swap3A_946] {strides = array<i32>} : memref<8x1280xf32, #tpu.memory_space<vmem>>, vector<1x16xf32>,
          %swap3A_948 = vector.shape_cast %swap3A_947 : vector<1x16xf32> to vector<16xf32>
          %swap3A_949 = vector.shape_cast %broadcast_in_dim3A_266 : vector<16xf32> to vector<1x16xf32>
          tpu.vector_store %arg6[%swap3A_945, %swap3A_946], %swap3A_949 {strides = array<i32>} : memref<8x1280xf32, #tpu.memory_space<vmem>>, vector<1x16xf32>,
          %swap3A_950 = arith.index_cast %scan3A_662 : i32 to index
          %swap3A_951 = arith.constant 880 : index
          %swap3A_952 = tpu.vector_load %arg6[%swap3A_950, %swap3A_951] {strides = array<i32>} : memref<8x1280xf32, #tpu.memory_space<vmem>>, vector<1x16xf32>,
          %swap3A_953 = vector.shape_cast %swap3A_952 : vector<1x16xf32> to vector<16xf32>
          %swap3A_954 = vector.shape_cast %broadcast_in_dim3A_266 : vector<16xf32> to vector<1x16xf32>
          tpu.vector_store %arg6[%swap3A_950, %swap3A_951], %swap3A_954 {strides = array<i32>} : memref<8x1280xf32, #tpu.memory_space<vmem>>, vector<1x16xf32>,
          %swap3A_955 = arith.index_cast %scan3A_662 : i32 to index
          %swap3A_956 = arith.constant 896 : index
          %swap3A_957 = tpu.vector_load %arg6[%swap3A_955, %swap3A_956] {strides = array<i32>} : memref<8x1280xf32, #tpu.memory_space<vmem>>, vector<1x16xf32>,
          %swap3A_958 = vector.shape_cast %swap3A_957 : vector<1x16xf32> to vector<16xf32>
          %swap3A_959 = vector.shape_cast %broadcast_in_dim3A_266 : vector<16xf32> to vector<1x16xf32>
          tpu.vector_store %arg6[%swap3A_955, %swap3A_956], %swap3A_959 {strides = array<i32>} : memref<8x1280xf32, #tpu.memory_space<vmem>>, vector<1x16xf32>,
          %swap3A_960 = arith.index_cast %scan3A_662 : i32 to index
          %swap3A_961 = arith.constant 912 : index
          %swap3A_962 = tpu.vector_load %arg6[%swap3A_960, %swap3A_961] {strides = array<i32>} : memref<8x1280xf32, #tpu.memory_space<vmem>>, vector<1x16xf32>,
          %swap3A_963 = vector.shape_cast %swap3A_962 : vector<1x16xf32> to vector<16xf32>
          %swap3A_964 = vector.shape_cast %broadcast_in_dim3A_266 : vector<16xf32> to vector<1x16xf32>
          tpu.vector_store %arg6[%swap3A_960, %swap3A_961], %swap3A_964 {strides = array<i32>} : memref<8x1280xf32, #tpu.memory_space<vmem>>, vector<1x16xf32>,
          %swap3A_965 = arith.index_cast %scan3A_662 : i32 to index
          %swap3A_966 = arith.constant 928 : index
          %swap3A_967 = tpu.vector_load %arg6[%swap3A_965, %swap3A_966] {strides = array<i32>} : memref<8x1280xf32, #tpu.memory_space<vmem>>, vector<1x16xf32>,
          %swap3A_968 = vector.shape_cast %swap3A_967 : vector<1x16xf32> to vector<16xf32>
          %swap3A_969 = vector.shape_cast %broadcast_in_dim3A_266 : vector<16xf32> to vector<1x16xf32>
          tpu.vector_store %arg6[%swap3A_965, %swap3A_966], %swap3A_969 {strides = array<i32>} : memref<8x1280xf32, #tpu.memory_space<vmem>>, vector<1x16xf32>,
          %swap3A_970 = arith.index_cast %scan3A_662 : i32 to index
          %swap3A_971 = arith.constant 944 : index
          %swap3A_972 = tpu.vector_load %arg6[%swap3A_970, %swap3A_971] {strides = array<i32>} : memref<8x1280xf32, #tpu.memory_space<vmem>>, vector<1x16xf32>,
          %swap3A_973 = vector.shape_cast %swap3A_972 : vector<1x16xf32> to vector<16xf32>
          %swap3A_974 = vector.shape_cast %broadcast_in_dim3A_266 : vector<16xf32> to vector<1x16xf32>
          tpu.vector_store %arg6[%swap3A_970, %swap3A_971], %swap3A_974 {strides = array<i32>} : memref<8x1280xf32, #tpu.memory_space<vmem>>, vector<1x16xf32>,
          %swap3A_975 = arith.index_cast %scan3A_662 : i32 to index
          %swap3A_976 = arith.constant 960 : index
          %swap3A_977 = tpu.vector_load %arg6[%swap3A_975, %swap3A_976] {strides = array<i32>} : memref<8x1280xf32, #tpu.memory_space<vmem>>, vector<1x16xf32>,
          %swap3A_978 = vector.shape_cast %swap3A_977 : vector<1x16xf32> to vector<16xf32>
          %swap3A_979 = vector.shape_cast %broadcast_in_dim3A_266 : vector<16xf32> to vector<1x16xf32>
          tpu.vector_store %arg6[%swap3A_975, %swap3A_976], %swap3A_979 {strides = array<i32>} : memref<8x1280xf32, #tpu.memory_space<vmem>>, vector<1x16xf32>,
          %swap3A_980 = arith.index_cast %scan3A_662 : i32 to index
          %swap3A_981 = arith.constant 976 : index
          %swap3A_982 = tpu.vector_load %arg6[%swap3A_980, %swap3A_981] {strides = array<i32>} : memref<8x1280xf32, #tpu.memory_space<vmem>>, vector<1x16xf32>,
          %swap3A_983 = vector.shape_cast %swap3A_982 : vector<1x16xf32> to vector<16xf32>
          %swap3A_984 = vector.shape_cast %broadcast_in_dim3A_266 : vector<16xf32> to vector<1x16xf32>
          tpu.vector_store %arg6[%swap3A_980, %swap3A_981], %swap3A_984 {strides = array<i32>} : memref<8x1280xf32, #tpu.memory_space<vmem>>, vector<1x16xf32>,
          %swap3A_985 = arith.index_cast %scan3A_662 : i32 to index
          %swap3A_986 = arith.constant 992 : index
          %swap3A_987 = tpu.vector_load %arg6[%swap3A_985, %swap3A_986] {strides = array<i32>} : memref<8x1280xf32, #tpu.memory_space<vmem>>, vector<1x16xf32>,
          %swap3A_988 = vector.shape_cast %swap3A_987 : vector<1x16xf32> to vector<16xf32>
          %swap3A_989 = vector.shape_cast %broadcast_in_dim3A_266 : vector<16xf32> to vector<1x16xf32>
          tpu.vector_store %arg6[%swap3A_985, %swap3A_986], %swap3A_989 {strides = array<i32>} : memref<8x1280xf32, #tpu.memory_space<vmem>>, vector<1x16xf32>,
          %swap3A_990 = arith.index_cast %scan3A_662 : i32 to index
          %swap3A_991 = arith.constant 1008 : index
          %swap3A_992 = tpu.vector_load %arg6[%swap3A_990, %swap3A_991] {strides = array<i32>} : memref<8x1280xf32, #tpu.memory_space<vmem>>, vector<1x16xf32>,
          %swap3A_993 = vector.shape_cast %swap3A_992 : vector<1x16xf32> to vector<16xf32>
          %swap3A_994 = vector.shape_cast %broadcast_in_dim3A_266 : vector<16xf32> to vector<1x16xf32>
          tpu.vector_store %arg6[%swap3A_990, %swap3A_991], %swap3A_994 {strides = array<i32>} : memref<8x1280xf32, #tpu.memory_space<vmem>>, vector<1x16xf32>,
          %swap3A_995 = arith.index_cast %scan3A_662 : i32 to index
          %swap3A_996 = arith.constant 1024 : index
          %swap3A_997 = tpu.vector_load %arg6[%swap3A_995, %swap3A_996] {strides = array<i32>} : memref<8x1280xf32, #tpu.memory_space<vmem>>, vector<1x16xf32>,
          %swap3A_998 = vector.shape_cast %swap3A_997 : vector<1x16xf32> to vector<16xf32>
          %swap3A_999 = vector.shape_cast %broadcast_in_dim3A_266 : vector<16xf32> to vector<1x16xf32>
          tpu.vector_store %arg6[%swap3A_995, %swap3A_996], %swap3A_999 {strides = array<i32>} : memref<8x1280xf32, #tpu.memory_space<vmem>>, vector<1x16xf32>,
          %swap3A_1000 = arith.index_cast %scan3A_662 : i32 to index
          %swap3A_1001 = arith.constant 1040 : index
          %swap3A_1002 = tpu.vector_load %arg6[%swap3A_1000, %swap3A_1001] {strides = array<i32>} : memref<8x1280xf32, #tpu.memory_space<vmem>>, vector<1x16xf32>,
          %swap3A_1003 = vector.shape_cast %swap3A_1002 : vector<1x16xf32> to vector<16xf32>
          %swap3A_1004 = vector.shape_cast %broadcast_in_dim3A_266 : vector<16xf32> to vector<1x16xf32>
          tpu.vector_store %arg6[%swap3A_1000, %swap3A_1001], %swap3A_1004 {strides = array<i32>} : memref<8x1280xf32, #tpu.memory_space<vmem>>, vector<1x16xf32>,
          %swap3A_1005 = arith.index_cast %scan3A_662 : i32 to index
          %swap3A_1006 = arith.constant 1056 : index
          %swap3A_1007 = tpu.vector_load %arg6[%swap3A_1005, %swap3A_1006] {strides = array<i32>} : memref<8x1280xf32, #tpu.memory_space<vmem>>, vector<1x16xf32>,
          %swap3A_1008 = vector.shape_cast %swap3A_1007 : vector<1x16xf32> to vector<16xf32>
          %swap3A_1009 = vector.shape_cast %broadcast_in_dim3A_266 : vector<16xf32> to vector<1x16xf32>
          tpu.vector_store %arg6[%swap3A_1005, %swap3A_1006], %swap3A_1009 {strides = array<i32>} : memref<8x1280xf32, #tpu.memory_space<vmem>>, vector<1x16xf32>,
          %swap3A_1010 = arith.index_cast %scan3A_662 : i32 to index
          %swap3A_1011 = arith.constant 1072 : index
          %swap3A_1012 = tpu.vector_load %arg6[%swap3A_1010, %swap3A_1011] {strides = array<i32>} : memref<8x1280xf32, #tpu.memory_space<vmem>>, vector<1x16xf32>,
          %swap3A_1013 = vector.shape_cast %swap3A_1012 : vector<1x16xf32> to vector<16xf32>
          %swap3A_1014 = vector.shape_cast %broadcast_in_dim3A_266 : vector<16xf32> to vector<1x16xf32>
          tpu.vector_store %arg6[%swap3A_1010, %swap3A_1011], %swap3A_1014 {strides = array<i32>} : memref<8x1280xf32, #tpu.memory_space<vmem>>, vector<1x16xf32>,
          %swap3A_1015 = arith.index_cast %scan3A_662 : i32 to index
          %swap3A_1016 = arith.constant 1088 : index
          %swap3A_1017 = tpu.vector_load %arg6[%swap3A_1015, %swap3A_1016] {strides = array<i32>} : memref<8x1280xf32, #tpu.memory_space<vmem>>, vector<1x16xf32>,
          %swap3A_1018 = vector.shape_cast %swap3A_1017 : vector<1x16xf32> to vector<16xf32>
          %swap3A_1019 = vector.shape_cast %broadcast_in_dim3A_266 : vector<16xf32> to vector<1x16xf32>
          tpu.vector_store %arg6[%swap3A_1015, %swap3A_1016], %swap3A_1019 {strides = array<i32>} : memref<8x1280xf32, #tpu.memory_space<vmem>>, vector<1x16xf32>,
          %swap3A_1020 = arith.index_cast %scan3A_662 : i32 to index
          %swap3A_1021 = arith.constant 1104 : index
          %swap3A_1022 = tpu.vector_load %arg6[%swap3A_1020, %swap3A_1021] {strides = array<i32>} : memref<8x1280xf32, #tpu.memory_space<vmem>>, vector<1x16xf32>,
          %swap3A_1023 = vector.shape_cast %swap3A_1022 : vector<1x16xf32> to vector<16xf32>
          %swap3A_1024 = vector.shape_cast %broadcast_in_dim3A_266 : vector<16xf32> to vector<1x16xf32>
          tpu.vector_store %arg6[%swap3A_1020, %swap3A_1021], %swap3A_1024 {strides = array<i32>} : memref<8x1280xf32, #tpu.memory_space<vmem>>, vector<1x16xf32>,
          %swap3A_1025 = arith.index_cast %scan3A_662 : i32 to index
          %swap3A_1026 = arith.constant 1120 : index
          %swap3A_1027 = tpu.vector_load %arg6[%swap3A_1025, %swap3A_1026] {strides = array<i32>} : memref<8x1280xf32, #tpu.memory_space<vmem>>, vector<1x16xf32>,
          %swap3A_1028 = vector.shape_cast %swap3A_1027 : vector<1x16xf32> to vector<16xf32>
          %swap3A_1029 = vector.shape_cast %broadcast_in_dim3A_266 : vector<16xf32> to vector<1x16xf32>
          tpu.vector_store %arg6[%swap3A_1025, %swap3A_1026], %swap3A_1029 {strides = array<i32>} : memref<8x1280xf32, #tpu.memory_space<vmem>>, vector<1x16xf32>,
          %swap3A_1030 = arith.index_cast %scan3A_662 : i32 to index
          %swap3A_1031 = arith.constant 1136 : index
          %swap3A_1032 = tpu.vector_load %arg6[%swap3A_1030, %swap3A_1031] {strides = array<i32>} : memref<8x1280xf32, #tpu.memory_space<vmem>>, vector<1x16xf32>,
          %swap3A_1033 = vector.shape_cast %swap3A_1032 : vector<1x16xf32> to vector<16xf32>
          %swap3A_1034 = vector.shape_cast %broadcast_in_dim3A_266 : vector<16xf32> to vector<1x16xf32>
          tpu.vector_store %arg6[%swap3A_1030, %swap3A_1031], %swap3A_1034 {strides = array<i32>} : memref<8x1280xf32, #tpu.memory_space<vmem>>, vector<1x16xf32>,
          %swap3A_1035 = arith.index_cast %scan3A_662 : i32 to index
          %swap3A_1036 = arith.constant 1152 : index
          %swap3A_1037 = tpu.vector_load %arg6[%swap3A_1035, %swap3A_1036] {strides = array<i32>} : memref<8x1280xf32, #tpu.memory_space<vmem>>, vector<1x16xf32>,
          %swap3A_1038 = vector.shape_cast %swap3A_1037 : vector<1x16xf32> to vector<16xf32>
          %swap3A_1039 = vector.shape_cast %broadcast_in_dim3A_266 : vector<16xf32> to vector<1x16xf32>
          tpu.vector_store %arg6[%swap3A_1035, %swap3A_1036], %swap3A_1039 {strides = array<i32>} : memref<8x1280xf32, #tpu.memory_space<vmem>>, vector<1x16xf32>,
          %swap3A_1040 = arith.index_cast %scan3A_662 : i32 to index
          %swap3A_1041 = arith.constant 1168 : index
          %swap3A_1042 = tpu.vector_load %arg6[%swap3A_1040, %swap3A_1041] {strides = array<i32>} : memref<8x1280xf32, #tpu.memory_space<vmem>>, vector<1x16xf32>,
          %swap3A_1043 = vector.shape_cast %swap3A_1042 : vector<1x16xf32> to vector<16xf32>
          %swap3A_1044 = vector.shape_cast %broadcast_in_dim3A_266 : vector<16xf32> to vector<1x16xf32>
          tpu.vector_store %arg6[%swap3A_1040, %swap3A_1041], %swap3A_1044 {strides = array<i32>} : memref<8x1280xf32, #tpu.memory_space<vmem>>, vector<1x16xf32>,
          %swap3A_1045 = arith.index_cast %scan3A_662 : i32 to index
          %swap3A_1046 = arith.constant 1184 : index
          %swap3A_1047 = tpu.vector_load %arg6[%swap3A_1045, %swap3A_1046] {strides = array<i32>} : memref<8x1280xf32, #tpu.memory_space<vmem>>, vector<1x16xf32>,
          %swap3A_1048 = vector.shape_cast %swap3A_1047 : vector<1x16xf32> to vector<16xf32>
          %swap3A_1049 = vector.shape_cast %broadcast_in_dim3A_266 : vector<16xf32> to vector<1x16xf32>
          tpu.vector_store %arg6[%swap3A_1045, %swap3A_1046], %swap3A_1049 {strides = array<i32>} : memref<8x1280xf32, #tpu.memory_space<vmem>>, vector<1x16xf32>,
          %swap3A_1050 = arith.index_cast %scan3A_662 : i32 to index
          %swap3A_1051 = arith.constant 1200 : index
          %swap3A_1052 = tpu.vector_load %arg6[%swap3A_1050, %swap3A_1051] {strides = array<i32>} : memref<8x1280xf32, #tpu.memory_space<vmem>>, vector<1x16xf32>,
          %swap3A_1053 = vector.shape_cast %swap3A_1052 : vector<1x16xf32> to vector<16xf32>
          %swap3A_1054 = vector.shape_cast %broadcast_in_dim3A_266 : vector<16xf32> to vector<1x16xf32>
          tpu.vector_store %arg6[%swap3A_1050, %swap3A_1051], %swap3A_1054 {strides = array<i32>} : memref<8x1280xf32, #tpu.memory_space<vmem>>, vector<1x16xf32>,
          %swap3A_1055 = arith.index_cast %scan3A_662 : i32 to index
          %swap3A_1056 = arith.constant 1216 : index
          %swap3A_1057 = tpu.vector_load %arg6[%swap3A_1055, %swap3A_1056] {strides = array<i32>} : memref<8x1280xf32, #tpu.memory_space<vmem>>, vector<1x16xf32>,
          %swap3A_1058 = vector.shape_cast %swap3A_1057 : vector<1x16xf32> to vector<16xf32>
          %swap3A_1059 = vector.shape_cast %broadcast_in_dim3A_266 : vector<16xf32> to vector<1x16xf32>
          tpu.vector_store %arg6[%swap3A_1055, %swap3A_1056], %swap3A_1059 {strides = array<i32>} : memref<8x1280xf32, #tpu.memory_space<vmem>>, vector<1x16xf32>,
          %swap3A_1060 = arith.index_cast %scan3A_662 : i32 to index
          %swap3A_1061 = arith.constant 1232 : index
          %swap3A_1062 = tpu.vector_load %arg6[%swap3A_1060, %swap3A_1061] {strides = array<i32>} : memref<8x1280xf32, #tpu.memory_space<vmem>>, vector<1x16xf32>,
          %swap3A_1063 = vector.shape_cast %swap3A_1062 : vector<1x16xf32> to vector<16xf32>
          %swap3A_1064 = vector.shape_cast %broadcast_in_dim3A_266 : vector<16xf32> to vector<1x16xf32>
          tpu.vector_store %arg6[%swap3A_1060, %swap3A_1061], %swap3A_1064 {strides = array<i32>} : memref<8x1280xf32, #tpu.memory_space<vmem>>, vector<1x16xf32>,
          %swap3A_1065 = arith.index_cast %scan3A_662 : i32 to index
          %swap3A_1066 = arith.constant 1248 : index
          %swap3A_1067 = tpu.vector_load %arg6[%swap3A_1065, %swap3A_1066] {strides = array<i32>} : memref<8x1280xf32, #tpu.memory_space<vmem>>, vector<1x16xf32>,
          %swap3A_1068 = vector.shape_cast %swap3A_1067 : vector<1x16xf32> to vector<16xf32>
          %swap3A_1069 = vector.shape_cast %broadcast_in_dim3A_266 : vector<16xf32> to vector<1x16xf32>
          tpu.vector_store %arg6[%swap3A_1065, %swap3A_1066], %swap3A_1069 {strides = array<i32>} : memref<8x1280xf32, #tpu.memory_space<vmem>>, vector<1x16xf32>,
          %swap3A_1070 = arith.index_cast %scan3A_662 : i32 to index
          %swap3A_1071 = arith.constant 1264 : index
          %swap3A_1072 = tpu.vector_load %arg6[%swap3A_1070, %swap3A_1071] {strides = array<i32>} : memref<8x1280xf32, #tpu.memory_space<vmem>>, vector<1x16xf32>,
          %swap3A_1073 = vector.shape_cast %swap3A_1072 : vector<1x16xf32> to vector<16xf32>
          %swap3A_1074 = vector.shape_cast %broadcast_in_dim3A_266 : vector<16xf32> to vector<1x16xf32>
          tpu.vector_store %arg6[%swap3A_1070, %swap3A_1071], %swap3A_1074 {strides = array<i32>} : memref<8x1280xf32, #tpu.memory_space<vmem>>, vector<1x16xf32>,
        } else {
        }
        %not3A = arith.constant true
        %not3A_671 = arith.xori %and3A_667, %not3A : i1
        %convert_element_type3A_672 = arith.extui %not3A_671 : i1 to i32
        %cond3A_673 = arith.constant 0 : i32
        %cond3A_674 = arith.cmpi ne, %convert_element_type3A_672, %cond3A_673 : i32
        scf.if %cond3A_674 {
          %get3A_676 = arith.index_cast %scan3A_662 : i32 to index
          %get3A_677 = arith.index_cast %mul3A_90 : i32 to index
          %get3A_678 = tpu.vector_load %arg6[%get3A_676, %get3A_677] {strides = array<i32>} : memref<8x1280xf32, #tpu.memory_space<vmem>>, vector<1x16xf32>,
          %get3A_679 = vector.shape_cast %get3A_678 : vector<1x16xf32> to vector<16xf32>
          %jit3A_680 = arith.constant 0.000000e+00 : f32
          %broadcast_in_dim3A_681 = vector.broadcast %jit3A_680 : f32 to vector<16xf32>
          %select_n3A_682 = arith.select %and3A_96, %broadcast_in_dim3A_681, %get3A_679 : vector<16xi1>, vector<16xf32>
          %swap3A = arith.index_cast %scan3A_662 : i32 to index
          %swap3A_683 = arith.index_cast %mul3A_90 : i32 to index
          %swap3A_684 = tpu.vector_load %arg6[%swap3A, %swap3A_683] {strides = array<i32>} : memref<8x1280xf32, #tpu.memory_space<vmem>>, vector<1x16xf32>,
          %swap3A_685 = vector.shape_cast %swap3A_684 : vector<1x16xf32> to vector<16xf32>
          %swap3A_686 = vector.shape_cast %select_n3A_682 : vector<16xf32> to vector<1x16xf32>
          tpu.vector_store %arg6[%swap3A, %swap3A_683], %swap3A_686 {strides = array<i32>} : memref<8x1280xf32, #tpu.memory_space<vmem>>, vector<1x16xf32>,
          %get3A_687 = arith.index_cast %scan3A_662 : i32 to index
          %get3A_688 = arith.index_cast %mul3A_102 : i32 to index
          %get3A_689 = tpu.vector_load %arg6[%get3A_687, %get3A_688] {strides = array<i32>} : memref<8x1280xf32, #tpu.memory_space<vmem>>, vector<1x16xf32>,
          %get3A_690 = vector.shape_cast %get3A_689 : vector<1x16xf32> to vector<16xf32>
          %jit3A_691 = arith.constant 0.000000e+00 : f32
          %broadcast_in_dim3A_692 = vector.broadcast %jit3A_691 : f32 to vector<16xf32>
          %select_n3A_693 = arith.select %and3A_109, %broadcast_in_dim3A_692, %get3A_690 : vector<16xi1>, vector<16xf32>
          %swap3A_694 = arith.index_cast %scan3A_662 : i32 to index
          %swap3A_695 = arith.index_cast %mul3A_102 : i32 to index
          %swap3A_696 = tpu.vector_load %arg6[%swap3A_694, %swap3A_695] {strides = array<i32>} : memref<8x1280xf32, #tpu.memory_space<vmem>>, vector<1x16xf32>,
          %swap3A_697 = vector.shape_cast %swap3A_696 : vector<1x16xf32> to vector<16xf32>
          %swap3A_698 = vector.shape_cast %select_n3A_693 : vector<16xf32> to vector<1x16xf32>
          tpu.vector_store %arg6[%swap3A_694, %swap3A_695], %swap3A_698 {strides = array<i32>} : memref<8x1280xf32, #tpu.memory_space<vmem>>, vector<1x16xf32>,
          %get3A_699 = arith.index_cast %scan3A_662 : i32 to index
          %get3A_700 = arith.index_cast %mul3A_115 : i32 to index
          %get3A_701 = tpu.vector_load %arg6[%get3A_699, %get3A_700] {strides = array<i32>} : memref<8x1280xf32, #tpu.memory_space<vmem>>, vector<1x16xf32>,
          %get3A_702 = vector.shape_cast %get3A_701 : vector<1x16xf32> to vector<16xf32>
          %jit3A_703 = arith.constant 0.000000e+00 : f32
          %broadcast_in_dim3A_704 = vector.broadcast %jit3A_703 : f32 to vector<16xf32>
          %select_n3A_705 = arith.select %and3A_122, %broadcast_in_dim3A_704, %get3A_702 : vector<16xi1>, vector<16xf32>
          %swap3A_706 = arith.index_cast %scan3A_662 : i32 to index
          %swap3A_707 = arith.index_cast %mul3A_115 : i32 to index
          %swap3A_708 = tpu.vector_load %arg6[%swap3A_706, %swap3A_707] {strides = array<i32>} : memref<8x1280xf32, #tpu.memory_space<vmem>>, vector<1x16xf32>,
          %swap3A_709 = vector.shape_cast %swap3A_708 : vector<1x16xf32> to vector<16xf32>
          %swap3A_710 = vector.shape_cast %select_n3A_705 : vector<16xf32> to vector<1x16xf32>
          tpu.vector_store %arg6[%swap3A_706, %swap3A_707], %swap3A_710 {strides = array<i32>} : memref<8x1280xf32, #tpu.memory_space<vmem>>, vector<1x16xf32>,
          %get3A_711 = arith.index_cast %scan3A_662 : i32 to index
          %get3A_712 = arith.index_cast %mul3A_128 : i32 to index
          %get3A_713 = tpu.vector_load %arg6[%get3A_711, %get3A_712] {strides = array<i32>} : memref<8x1280xf32, #tpu.memory_space<vmem>>, vector<1x16xf32>,
          %get3A_714 = vector.shape_cast %get3A_713 : vector<1x16xf32> to vector<16xf32>
          %jit3A_715 = arith.constant 0.000000e+00 : f32
          %broadcast_in_dim3A_716 = vector.broadcast %jit3A_715 : f32 to vector<16xf32>
          %select_n3A_717 = arith.select %and3A_135, %broadcast_in_dim3A_716, %get3A_714 : vector<16xi1>, vector<16xf32>
          %swap3A_718 = arith.index_cast %scan3A_662 : i32 to index
          %swap3A_719 = arith.index_cast %mul3A_128 : i32 to index
          %swap3A_720 = tpu.vector_load %arg6[%swap3A_718, %swap3A_719] {strides = array<i32>} : memref<8x1280xf32, #tpu.memory_space<vmem>>, vector<1x16xf32>,
          %swap3A_721 = vector.shape_cast %swap3A_720 : vector<1x16xf32> to vector<16xf32>
          %swap3A_722 = vector.shape_cast %select_n3A_717 : vector<16xf32> to vector<1x16xf32>
          tpu.vector_store %arg6[%swap3A_718, %swap3A_719], %swap3A_722 {strides = array<i32>} : memref<8x1280xf32, #tpu.memory_space<vmem>>, vector<1x16xf32>,
          %get3A_723 = arith.index_cast %scan3A_662 : i32 to index
          %get3A_724 = arith.index_cast %mul3A_141 : i32 to index
          %get3A_725 = tpu.vector_load %arg6[%get3A_723, %get3A_724] {strides = array<i32>} : memref<8x1280xf32, #tpu.memory_space<vmem>>, vector<1x16xf32>,
          %get3A_726 = vector.shape_cast %get3A_725 : vector<1x16xf32> to vector<16xf32>
          %jit3A_727 = arith.constant 0.000000e+00 : f32
          %broadcast_in_dim3A_728 = vector.broadcast %jit3A_727 : f32 to vector<16xf32>
          %select_n3A_729 = arith.select %and3A_148, %broadcast_in_dim3A_728, %get3A_726 : vector<16xi1>, vector<16xf32>
          %swap3A_730 = arith.index_cast %scan3A_662 : i32 to index
          %swap3A_731 = arith.index_cast %mul3A_141 : i32 to index
          %swap3A_732 = tpu.vector_load %arg6[%swap3A_730, %swap3A_731] {strides = array<i32>} : memref<8x1280xf32, #tpu.memory_space<vmem>>, vector<1x16xf32>,
          %swap3A_733 = vector.shape_cast %swap3A_732 : vector<1x16xf32> to vector<16xf32>
          %swap3A_734 = vector.shape_cast %select_n3A_729 : vector<16xf32> to vector<1x16xf32>
          tpu.vector_store %arg6[%swap3A_730, %swap3A_731], %swap3A_734 {strides = array<i32>} : memref<8x1280xf32, #tpu.memory_space<vmem>>, vector<1x16xf32>,
          %get3A_735 = arith.index_cast %scan3A_662 : i32 to index
          %get3A_736 = arith.index_cast %mul3A_154 : i32 to index
          %get3A_737 = tpu.vector_load %arg6[%get3A_735, %get3A_736] {strides = array<i32>} : memref<8x1280xf32, #tpu.memory_space<vmem>>, vector<1x16xf32>,
          %get3A_738 = vector.shape_cast %get3A_737 : vector<1x16xf32> to vector<16xf32>
          %jit3A_739 = arith.constant 0.000000e+00 : f32
          %broadcast_in_dim3A_740 = vector.broadcast %jit3A_739 : f32 to vector<16xf32>
          %select_n3A_741 = arith.select %and3A_161, %broadcast_in_dim3A_740, %get3A_738 : vector<16xi1>, vector<16xf32>
          %swap3A_742 = arith.index_cast %scan3A_662 : i32 to index
          %swap3A_743 = arith.index_cast %mul3A_154 : i32 to index
          %swap3A_744 = tpu.vector_load %arg6[%swap3A_742, %swap3A_743] {strides = array<i32>} : memref<8x1280xf32, #tpu.memory_space<vmem>>, vector<1x16xf32>,
          %swap3A_745 = vector.shape_cast %swap3A_744 : vector<1x16xf32> to vector<16xf32>
          %swap3A_746 = vector.shape_cast %select_n3A_741 : vector<16xf32> to vector<1x16xf32>
          tpu.vector_store %arg6[%swap3A_742, %swap3A_743], %swap3A_746 {strides = array<i32>} : memref<8x1280xf32, #tpu.memory_space<vmem>>, vector<1x16xf32>,
          %get3A_747 = arith.index_cast %scan3A_662 : i32 to index
          %get3A_748 = arith.index_cast %mul3A_167 : i32 to index
          %get3A_749 = tpu.vector_load %arg6[%get3A_747, %get3A_748] {strides = array<i32>} : memref<8x1280xf32, #tpu.memory_space<vmem>>, vector<1x16xf32>,
          %get3A_750 = vector.shape_cast %get3A_749 : vector<1x16xf32> to vector<16xf32>
          %jit3A_751 = arith.constant 0.000000e+00 : f32
          %broadcast_in_dim3A_752 = vector.broadcast %jit3A_751 : f32 to vector<16xf32>
          %select_n3A_753 = arith.select %and3A_174, %broadcast_in_dim3A_752, %get3A_750 : vector<16xi1>, vector<16xf32>
          %swap3A_754 = arith.index_cast %scan3A_662 : i32 to index
          %swap3A_755 = arith.index_cast %mul3A_167 : i32 to index
          %swap3A_756 = tpu.vector_load %arg6[%swap3A_754, %swap3A_755] {strides = array<i32>} : memref<8x1280xf32, #tpu.memory_space<vmem>>, vector<1x16xf32>,
          %swap3A_757 = vector.shape_cast %swap3A_756 : vector<1x16xf32> to vector<16xf32>
          %swap3A_758 = vector.shape_cast %select_n3A_753 : vector<16xf32> to vector<1x16xf32>
          tpu.vector_store %arg6[%swap3A_754, %swap3A_755], %swap3A_758 {strides = array<i32>} : memref<8x1280xf32, #tpu.memory_space<vmem>>, vector<1x16xf32>,
          %get3A_759 = arith.index_cast %scan3A_662 : i32 to index
          %get3A_760 = arith.index_cast %mul3A_180 : i32 to index
          %get3A_761 = tpu.vector_load %arg6[%get3A_759, %get3A_760] {strides = array<i32>} : memref<8x1280xf32, #tpu.memory_space<vmem>>, vector<1x16xf32>,
          %get3A_762 = vector.shape_cast %get3A_761 : vector<1x16xf32> to vector<16xf32>
          %jit3A_763 = arith.constant 0.000000e+00 : f32
          %broadcast_in_dim3A_764 = vector.broadcast %jit3A_763 : f32 to vector<16xf32>
          %select_n3A_765 = arith.select %and3A_187, %broadcast_in_dim3A_764, %get3A_762 : vector<16xi1>, vector<16xf32>
          %swap3A_766 = arith.index_cast %scan3A_662 : i32 to index
          %swap3A_767 = arith.index_cast %mul3A_180 : i32 to index
          %swap3A_768 = tpu.vector_load %arg6[%swap3A_766, %swap3A_767] {strides = array<i32>} : memref<8x1280xf32, #tpu.memory_space<vmem>>, vector<1x16xf32>,
          %swap3A_769 = vector.shape_cast %swap3A_768 : vector<1x16xf32> to vector<16xf32>
          %swap3A_770 = vector.shape_cast %select_n3A_765 : vector<16xf32> to vector<1x16xf32>
          tpu.vector_store %arg6[%swap3A_766, %swap3A_767], %swap3A_770 {strides = array<i32>} : memref<8x1280xf32, #tpu.memory_space<vmem>>, vector<1x16xf32>,
          %get3A_771 = arith.index_cast %scan3A_662 : i32 to index
          %get3A_772 = arith.index_cast %mul3A_193 : i32 to index
          %get3A_773 = tpu.vector_load %arg6[%get3A_771, %get3A_772] {strides = array<i32>} : memref<8x1280xf32, #tpu.memory_space<vmem>>, vector<1x16xf32>,
          %get3A_774 = vector.shape_cast %get3A_773 : vector<1x16xf32> to vector<16xf32>
          %jit3A_775 = arith.constant 0.000000e+00 : f32
          %broadcast_in_dim3A_776 = vector.broadcast %jit3A_775 : f32 to vector<16xf32>
          %select_n3A_777 = arith.select %and3A_200, %broadcast_in_dim3A_776, %get3A_774 : vector<16xi1>, vector<16xf32>
          %swap3A_778 = arith.index_cast %scan3A_662 : i32 to index
          %swap3A_779 = arith.index_cast %mul3A_193 : i32 to index
          %swap3A_780 = tpu.vector_load %arg6[%swap3A_778, %swap3A_779] {strides = array<i32>} : memref<8x1280xf32, #tpu.memory_space<vmem>>, vector<1x16xf32>,
          %swap3A_781 = vector.shape_cast %swap3A_780 : vector<1x16xf32> to vector<16xf32>
          %swap3A_782 = vector.shape_cast %select_n3A_777 : vector<16xf32> to vector<1x16xf32>
          tpu.vector_store %arg6[%swap3A_778, %swap3A_779], %swap3A_782 {strides = array<i32>} : memref<8x1280xf32, #tpu.memory_space<vmem>>, vector<1x16xf32>,
          %get3A_783 = arith.index_cast %scan3A_662 : i32 to index
          %get3A_784 = arith.index_cast %mul3A_206 : i32 to index
          %get3A_785 = tpu.vector_load %arg6[%get3A_783, %get3A_784] {strides = array<i32>} : memref<8x1280xf32, #tpu.memory_space<vmem>>, vector<1x16xf32>,
          %get3A_786 = vector.shape_cast %get3A_785 : vector<1x16xf32> to vector<16xf32>
          %jit3A_787 = arith.constant 0.000000e+00 : f32
          %broadcast_in_dim3A_788 = vector.broadcast %jit3A_787 : f32 to vector<16xf32>
          %select_n3A_789 = arith.select %and3A_213, %broadcast_in_dim3A_788, %get3A_786 : vector<16xi1>, vector<16xf32>
          %swap3A_790 = arith.index_cast %scan3A_662 : i32 to index
          %swap3A_791 = arith.index_cast %mul3A_206 : i32 to index
          %swap3A_792 = tpu.vector_load %arg6[%swap3A_790, %swap3A_791] {strides = array<i32>} : memref<8x1280xf32, #tpu.memory_space<vmem>>, vector<1x16xf32>,
          %swap3A_793 = vector.shape_cast %swap3A_792 : vector<1x16xf32> to vector<16xf32>
          %swap3A_794 = vector.shape_cast %select_n3A_789 : vector<16xf32> to vector<1x16xf32>
          tpu.vector_store %arg6[%swap3A_790, %swap3A_791], %swap3A_794 {strides = array<i32>} : memref<8x1280xf32, #tpu.memory_space<vmem>>, vector<1x16xf32>,
          %get3A_795 = arith.index_cast %scan3A_662 : i32 to index
          %get3A_796 = arith.index_cast %mul3A_219 : i32 to index
          %get3A_797 = tpu.vector_load %arg6[%get3A_795, %get3A_796] {strides = array<i32>} : memref<8x1280xf32, #tpu.memory_space<vmem>>, vector<1x16xf32>,
          %get3A_798 = vector.shape_cast %get3A_797 : vector<1x16xf32> to vector<16xf32>
          %jit3A_799 = arith.constant 0.000000e+00 : f32
          %broadcast_in_dim3A_800 = vector.broadcast %jit3A_799 : f32 to vector<16xf32>
          %select_n3A_801 = arith.select %and3A_226, %broadcast_in_dim3A_800, %get3A_798 : vector<16xi1>, vector<16xf32>
          %swap3A_802 = arith.index_cast %scan3A_662 : i32 to index
          %swap3A_803 = arith.index_cast %mul3A_219 : i32 to index
          %swap3A_804 = tpu.vector_load %arg6[%swap3A_802, %swap3A_803] {strides = array<i32>} : memref<8x1280xf32, #tpu.memory_space<vmem>>, vector<1x16xf32>,
          %swap3A_805 = vector.shape_cast %swap3A_804 : vector<1x16xf32> to vector<16xf32>
          %swap3A_806 = vector.shape_cast %select_n3A_801 : vector<16xf32> to vector<1x16xf32>
          tpu.vector_store %arg6[%swap3A_802, %swap3A_803], %swap3A_806 {strides = array<i32>} : memref<8x1280xf32, #tpu.memory_space<vmem>>, vector<1x16xf32>,
          %get3A_807 = arith.index_cast %scan3A_662 : i32 to index
          %get3A_808 = arith.index_cast %mul3A_232 : i32 to index
          %get3A_809 = tpu.vector_load %arg6[%get3A_807, %get3A_808] {strides = array<i32>} : memref<8x1280xf32, #tpu.memory_space<vmem>>, vector<1x16xf32>,
          %get3A_810 = vector.shape_cast %get3A_809 : vector<1x16xf32> to vector<16xf32>
          %jit3A_811 = arith.constant 0.000000e+00 : f32
          %broadcast_in_dim3A_812 = vector.broadcast %jit3A_811 : f32 to vector<16xf32>
          %select_n3A_813 = arith.select %and3A_239, %broadcast_in_dim3A_812, %get3A_810 : vector<16xi1>, vector<16xf32>
          %swap3A_814 = arith.index_cast %scan3A_662 : i32 to index
          %swap3A_815 = arith.index_cast %mul3A_232 : i32 to index
          %swap3A_816 = tpu.vector_load %arg6[%swap3A_814, %swap3A_815] {strides = array<i32>} : memref<8x1280xf32, #tpu.memory_space<vmem>>, vector<1x16xf32>,
          %swap3A_817 = vector.shape_cast %swap3A_816 : vector<1x16xf32> to vector<16xf32>
          %swap3A_818 = vector.shape_cast %select_n3A_813 : vector<16xf32> to vector<1x16xf32>
          tpu.vector_store %arg6[%swap3A_814, %swap3A_815], %swap3A_818 {strides = array<i32>} : memref<8x1280xf32, #tpu.memory_space<vmem>>, vector<1x16xf32>,
          %get3A_819 = arith.index_cast %scan3A_662 : i32 to index
          %get3A_820 = arith.index_cast %mul3A_245 : i32 to index
          %get3A_821 = tpu.vector_load %arg6[%get3A_819, %get3A_820] {strides = array<i32>} : memref<8x1280xf32, #tpu.memory_space<vmem>>, vector<1x16xf32>,
          %get3A_822 = vector.shape_cast %get3A_821 : vector<1x16xf32> to vector<16xf32>
          %jit3A_823 = arith.constant 0.000000e+00 : f32
          %broadcast_in_dim3A_824 = vector.broadcast %jit3A_823 : f32 to vector<16xf32>
          %select_n3A_825 = arith.select %and3A_252, %broadcast_in_dim3A_824, %get3A_822 : vector<16xi1>, vector<16xf32>
          %swap3A_826 = arith.index_cast %scan3A_662 : i32 to index
          %swap3A_827 = arith.index_cast %mul3A_245 : i32 to index
          %swap3A_828 = tpu.vector_load %arg6[%swap3A_826, %swap3A_827] {strides = array<i32>} : memref<8x1280xf32, #tpu.memory_space<vmem>>, vector<1x16xf32>,
          %swap3A_829 = vector.shape_cast %swap3A_828 : vector<1x16xf32> to vector<16xf32>
          %swap3A_830 = vector.shape_cast %select_n3A_825 : vector<16xf32> to vector<1x16xf32>
          tpu.vector_store %arg6[%swap3A_826, %swap3A_827], %swap3A_830 {strides = array<i32>} : memref<8x1280xf32, #tpu.memory_space<vmem>>, vector<1x16xf32>,
          %get3A_831 = arith.index_cast %scan3A_662 : i32 to index
          %get3A_832 = arith.index_cast %mul3A_258 : i32 to index
          %get3A_833 = tpu.vector_load %arg6[%get3A_831, %get3A_832] {strides = array<i32>} : memref<8x1280xf32, #tpu.memory_space<vmem>>, vector<1x16xf32>,
          %get3A_834 = vector.shape_cast %get3A_833 : vector<1x16xf32> to vector<16xf32>
          %jit3A_835 = arith.constant 0.000000e+00 : f32
          %broadcast_in_dim3A_836 = vector.broadcast %jit3A_835 : f32 to vector<16xf32>
          %select_n3A_837 = arith.select %and3A_265, %broadcast_in_dim3A_836, %get3A_834 : vector<16xi1>, vector<16xf32>
          %swap3A_838 = arith.index_cast %scan3A_662 : i32 to index
          %swap3A_839 = arith.index_cast %mul3A_258 : i32 to index
          %swap3A_840 = tpu.vector_load %arg6[%swap3A_838, %swap3A_839] {strides = array<i32>} : memref<8x1280xf32, #tpu.memory_space<vmem>>, vector<1x16xf32>,
          %swap3A_841 = vector.shape_cast %swap3A_840 : vector<1x16xf32> to vector<16xf32>
          %swap3A_842 = vector.shape_cast %select_n3A_837 : vector<16xf32> to vector<1x16xf32>
          tpu.vector_store %arg6[%swap3A_838, %swap3A_839], %swap3A_842 {strides = array<i32>} : memref<8x1280xf32, #tpu.memory_space<vmem>>, vector<1x16xf32>,
        } else {
        }
        %scan3A_675 = arith.constant 0 : i32
        scf.yield %scan3A_675 : i32
      }
      %scan3A_513 = arith.constant 8 : i32
      %mul3A_514 = arith.constant 8 : i32
      %mul3A_515 = arith.muli %add3A_472, %mul3A_514 : i32
      %add3A_516 = arith.addi %mul3A_32, %mul3A_515 : i32
      %dma_start3A_517 = arith.constant 768 : i32
      %dma_start3A_518 = tpu.memref_slice %arg4[%select_n3A, %add3A_516, %dma_start3A_517] : memref<8x2048x2048xf32, #tpu.memory_space<hbm>> -> memref<1x8x1280xf32, #tpu.memory_space<hbm>>
      %dma_start3A_519 = tpu.memref_squeeze %dma_start3A_518 : memref<1x8x1280xf32, #tpu.memory_space<hbm>> -> memref<8x1280xf32, #tpu.memory_space<hbm>>
      %dma_start3A_520 = arith.constant 768 : i32
      %dma_start3A_521 = tpu.memref_slice %arg4[%select_n3A, %add3A_516, %dma_start3A_520] : memref<8x2048x2048xf32, #tpu.memory_space<hbm>> -> memref<1x8x1280xf32, #tpu.memory_space<hbm>>
      %dma_start3A_522 = tpu.memref_squeeze %dma_start3A_521 : memref<1x8x1280xf32, #tpu.memory_space<hbm>> -> memref<8x1280xf32, #tpu.memory_space<hbm>>
      tpu.enqueue_dma source(%arg6 : memref<8x1280xf32, #tpu.memory_space<vmem>>) target(%dma_start3A_522 : memref<8x1280xf32, #tpu.memory_space<hbm>>) target_semaphore(%arg16 : memref<!tpu.dma_semaphore, #tpu.memory_space<semaphore_mem>>)
      %add3A_523 = arith.constant 2 : i32
      %add3A_524 = arith.addi %mul3A_418, %add3A_523 : i32
      %mul3A_525 = arith.constant 8 : i32
      %mul3A_526 = arith.muli %add3A_524, %mul3A_525 : i32
      %add3A_527 = arith.addi %mul3A_32, %mul3A_526 : i32
      %dma_wait3A_528 = arith.constant 2 : i32
      %dma_wait3A_529 = arith.constant 0 : i32
      %dma_wait3A_530 = arith.constant 0 : i32
      %dma_wait3A_531 = tpu.memref_slice %arg10[%arg1, %dma_wait3A_528, %dma_wait3A_529, %dma_wait3A_530] : memref<16x4x8x768xf32, #tpu.memory_space<vmem_shared>> -> memref<1x1x8x768xf32, #tpu.memory_space<vmem_shared>>
      %dma_wait3A_532 = tpu.memref_squeeze %dma_wait3A_531 : memref<1x1x8x768xf32, #tpu.memory_space<vmem_shared>> -> memref<8x768xf32, #tpu.memory_space<vmem_shared>>
      %dma_wait3A_533 = arith.constant 0 : i32
      %dma_wait3A_534 = tpu.memref_slice %arg2[%select_n3A, %add3A_527, %dma_wait3A_533] : memref<8x2048x2048xf32, #tpu.memory_space<hbm>> -> memref<1x8x768xf32, #tpu.memory_space<hbm>>
      %dma_wait3A_535 = tpu.memref_squeeze %dma_wait3A_534 : memref<1x8x768xf32, #tpu.memory_space<hbm>> -> memref<8x768xf32, #tpu.memory_space<hbm>>
      tpu.wait_dma2 semaphore(%arg21 : memref<!tpu.dma_semaphore, #tpu.memory_space<semaphore_mem>>) src(%dma_wait3A_535 : memref<8x768xf32, #tpu.memory_space<hbm>>) dst(%dma_wait3A_532 : memref<8x768xf32, #tpu.memory_space<vmem_shared>>)
      %mul3A_536 = arith.constant 8 : i32
      %mul3A_537 = arith.muli %add3A_524, %mul3A_536 : i32
      %add3A_538 = arith.addi %mul3A_32, %mul3A_537 : i32
      %dma_start3A_539 = arith.constant 2 : i32
      %dma_start3A_540 = arith.constant 0 : i32
      %dma_start3A_541 = tpu.memref_slice %arg4[%select_n3A, %add3A_538, %dma_start3A_540] : memref<8x2048x2048xf32, #tpu.memory_space<hbm>> -> memref<1x8x768xf32, #tpu.memory_space<hbm>>
      %dma_start3A_542 = tpu.memref_squeeze %dma_start3A_541 : memref<1x8x768xf32, #tpu.memory_space<hbm>> -> memref<8x768xf32, #tpu.memory_space<hbm>>
      %dma_start3A_543 = arith.constant 0 : i32
      %dma_start3A_544 = arith.constant 0 : i32
      %dma_start3A_545 = tpu.memref_slice %arg10[%arg1, %dma_start3A_539, %dma_start3A_543, %dma_start3A_544] : memref<16x4x8x768xf32, #tpu.memory_space<vmem_shared>> -> memref<1x1x8x768xf32, #tpu.memory_space<vmem_shared>>
      %dma_start3A_546 = tpu.memref_squeeze %dma_start3A_545 : memref<1x1x8x768xf32, #tpu.memory_space<vmem_shared>> -> memref<8x768xf32, #tpu.memory_space<vmem_shared>>
      tpu.enqueue_dma source(%dma_start3A_546 : memref<8x768xf32, #tpu.memory_space<vmem_shared>>) target(%dma_start3A_542 : memref<8x768xf32, #tpu.memory_space<hbm>>) target_semaphore(%arg25 : memref<!tpu.dma_semaphore, #tpu.memory_space<semaphore_mem>>)
      %mul3A_547 = arith.constant 8 : i32
      %mul3A_548 = arith.muli %add3A_524, %mul3A_547 : i32
      %add3A_549 = arith.addi %mul3A_32, %mul3A_548 : i32
      %dma_wait3A_550 = arith.constant 768 : i32
      %dma_wait3A_551 = tpu.memref_slice %arg2[%select_n3A, %add3A_549, %dma_wait3A_550] : memref<8x2048x2048xf32, #tpu.memory_space<hbm>> -> memref<1x8x1280xf32, #tpu.memory_space<hbm>>
      %dma_wait3A_552 = tpu.memref_squeeze %dma_wait3A_551 : memref<1x8x1280xf32, #tpu.memory_space<hbm>> -> memref<8x1280xf32, #tpu.memory_space<hbm>>
      %dma_wait3A_553 = arith.constant 768 : i32
      %dma_wait3A_554 = tpu.memref_slice %arg2[%select_n3A, %add3A_549, %dma_wait3A_553] : memref<8x2048x2048xf32, #tpu.memory_space<hbm>> -> memref<1x8x1280xf32, #tpu.memory_space<hbm>>
      %dma_wait3A_555 = tpu.memref_squeeze %dma_wait3A_554 : memref<1x8x1280xf32, #tpu.memory_space<hbm>> -> memref<8x1280xf32, #tpu.memory_space<hbm>>
      tpu.wait_dma2 semaphore(%arg13 : memref<!tpu.dma_semaphore, #tpu.memory_space<semaphore_mem>>) src(%dma_wait3A_555 : memref<8x1280xf32, #tpu.memory_space<hbm>>) dst(%arg7 : memref<8x1280xf32, #tpu.memory_space<vmem>>)
      %mul3A_556 = arith.constant 8 : i32
      %mul3A_557 = arith.muli %add3A_524, %mul3A_556 : i32
      %add3A_558 = arith.addi %mul3A_32, %mul3A_557 : i32
      %scan3A_559 = arith.constant 0 : i32
      %scan3A_560 = arith.constant 0 : i32
      %scan3A_561 = arith.constant 8 : i32
      %scan3A_562 = arith.addi %scan3A_560, %scan3A_561 : i32
      %scan3A_563 = arith.constant 1 : i32
      %scan3A_564 = scf.for %scan3A_662 = %scan3A_560 to %scan3A_562 step %scan3A_563 iter_args(%scan3A_663 = %scan3A_559) -> (i32)  : i32 {
        %add3A_664 = arith.addi %add3A_558, %scan3A_662 : i32
        %ge3A_665 = arith.cmpi sge, %add3A_664, %squeeze3A : i32
        %lt3A_666 = arith.cmpi slt, %add3A_664, %squeeze3A_43 : i32
        %and3A_667 = arith.andi %ge3A_665, %lt3A_666 : i1
        %convert_element_type3A_668 = arith.extui %and3A_667 : i1 to i32
        %cond3A_669 = arith.constant 0 : i32
        %cond3A_670 = arith.cmpi ne, %convert_element_type3A_668, %cond3A_669 : i32
        scf.if %cond3A_670 {
          %swap3A = arith.index_cast %scan3A_662 : i32 to index
          %swap3A_676 = arith.constant 0 : index
          %swap3A_677 = tpu.vector_load %arg7[%swap3A, %swap3A_676] {strides = array<i32>} : memref<8x1280xf32, #tpu.memory_space<vmem>>, vector<1x16xf32>,
          %swap3A_678 = vector.shape_cast %swap3A_677 : vector<1x16xf32> to vector<16xf32>
          %swap3A_679 = vector.shape_cast %broadcast_in_dim3A_266 : vector<16xf32> to vector<1x16xf32>
          tpu.vector_store %arg7[%swap3A, %swap3A_676], %swap3A_679 {strides = array<i32>} : memref<8x1280xf32, #tpu.memory_space<vmem>>, vector<1x16xf32>,
          %swap3A_680 = arith.index_cast %scan3A_662 : i32 to index
          %swap3A_681 = arith.constant 16 : index
          %swap3A_682 = tpu.vector_load %arg7[%swap3A_680, %swap3A_681] {strides = array<i32>} : memref<8x1280xf32, #tpu.memory_space<vmem>>, vector<1x16xf32>,
          %swap3A_683 = vector.shape_cast %swap3A_682 : vector<1x16xf32> to vector<16xf32>
          %swap3A_684 = vector.shape_cast %broadcast_in_dim3A_266 : vector<16xf32> to vector<1x16xf32>
          tpu.vector_store %arg7[%swap3A_680, %swap3A_681], %swap3A_684 {strides = array<i32>} : memref<8x1280xf32, #tpu.memory_space<vmem>>, vector<1x16xf32>,
          %swap3A_685 = arith.index_cast %scan3A_662 : i32 to index
          %swap3A_686 = arith.constant 32 : index
          %swap3A_687 = tpu.vector_load %arg7[%swap3A_685, %swap3A_686] {strides = array<i32>} : memref<8x1280xf32, #tpu.memory_space<vmem>>, vector<1x16xf32>,
          %swap3A_688 = vector.shape_cast %swap3A_687 : vector<1x16xf32> to vector<16xf32>
          %swap3A_689 = vector.shape_cast %broadcast_in_dim3A_266 : vector<16xf32> to vector<1x16xf32>
          tpu.vector_store %arg7[%swap3A_685, %swap3A_686], %swap3A_689 {strides = array<i32>} : memref<8x1280xf32, #tpu.memory_space<vmem>>, vector<1x16xf32>,
          %swap3A_690 = arith.index_cast %scan3A_662 : i32 to index
          %swap3A_691 = arith.constant 48 : index
          %swap3A_692 = tpu.vector_load %arg7[%swap3A_690, %swap3A_691] {strides = array<i32>} : memref<8x1280xf32, #tpu.memory_space<vmem>>, vector<1x16xf32>,
          %swap3A_693 = vector.shape_cast %swap3A_692 : vector<1x16xf32> to vector<16xf32>
          %swap3A_694 = vector.shape_cast %broadcast_in_dim3A_266 : vector<16xf32> to vector<1x16xf32>
          tpu.vector_store %arg7[%swap3A_690, %swap3A_691], %swap3A_694 {strides = array<i32>} : memref<8x1280xf32, #tpu.memory_space<vmem>>, vector<1x16xf32>,
          %swap3A_695 = arith.index_cast %scan3A_662 : i32 to index
          %swap3A_696 = arith.constant 64 : index
          %swap3A_697 = tpu.vector_load %arg7[%swap3A_695, %swap3A_696] {strides = array<i32>} : memref<8x1280xf32, #tpu.memory_space<vmem>>, vector<1x16xf32>,
          %swap3A_698 = vector.shape_cast %swap3A_697 : vector<1x16xf32> to vector<16xf32>
          %swap3A_699 = vector.shape_cast %broadcast_in_dim3A_266 : vector<16xf32> to vector<1x16xf32>
          tpu.vector_store %arg7[%swap3A_695, %swap3A_696], %swap3A_699 {strides = array<i32>} : memref<8x1280xf32, #tpu.memory_space<vmem>>, vector<1x16xf32>,
          %swap3A_700 = arith.index_cast %scan3A_662 : i32 to index
          %swap3A_701 = arith.constant 80 : index
          %swap3A_702 = tpu.vector_load %arg7[%swap3A_700, %swap3A_701] {strides = array<i32>} : memref<8x1280xf32, #tpu.memory_space<vmem>>, vector<1x16xf32>,
          %swap3A_703 = vector.shape_cast %swap3A_702 : vector<1x16xf32> to vector<16xf32>
          %swap3A_704 = vector.shape_cast %broadcast_in_dim3A_266 : vector<16xf32> to vector<1x16xf32>
          tpu.vector_store %arg7[%swap3A_700, %swap3A_701], %swap3A_704 {strides = array<i32>} : memref<8x1280xf32, #tpu.memory_space<vmem>>, vector<1x16xf32>,
          %swap3A_705 = arith.index_cast %scan3A_662 : i32 to index
          %swap3A_706 = arith.constant 96 : index
          %swap3A_707 = tpu.vector_load %arg7[%swap3A_705, %swap3A_706] {strides = array<i32>} : memref<8x1280xf32, #tpu.memory_space<vmem>>, vector<1x16xf32>,
          %swap3A_708 = vector.shape_cast %swap3A_707 : vector<1x16xf32> to vector<16xf32>
          %swap3A_709 = vector.shape_cast %broadcast_in_dim3A_266 : vector<16xf32> to vector<1x16xf32>
          tpu.vector_store %arg7[%swap3A_705, %swap3A_706], %swap3A_709 {strides = array<i32>} : memref<8x1280xf32, #tpu.memory_space<vmem>>, vector<1x16xf32>,
          %swap3A_710 = arith.index_cast %scan3A_662 : i32 to index
          %swap3A_711 = arith.constant 112 : index
          %swap3A_712 = tpu.vector_load %arg7[%swap3A_710, %swap3A_711] {strides = array<i32>} : memref<8x1280xf32, #tpu.memory_space<vmem>>, vector<1x16xf32>,
          %swap3A_713 = vector.shape_cast %swap3A_712 : vector<1x16xf32> to vector<16xf32>
          %swap3A_714 = vector.shape_cast %broadcast_in_dim3A_266 : vector<16xf32> to vector<1x16xf32>
          tpu.vector_store %arg7[%swap3A_710, %swap3A_711], %swap3A_714 {strides = array<i32>} : memref<8x1280xf32, #tpu.memory_space<vmem>>, vector<1x16xf32>,
          %swap3A_715 = arith.index_cast %scan3A_662 : i32 to index
          %swap3A_716 = arith.constant 128 : index
          %swap3A_717 = tpu.vector_load %arg7[%swap3A_715, %swap3A_716] {strides = array<i32>} : memref<8x1280xf32, #tpu.memory_space<vmem>>, vector<1x16xf32>,
          %swap3A_718 = vector.shape_cast %swap3A_717 : vector<1x16xf32> to vector<16xf32>
          %swap3A_719 = vector.shape_cast %broadcast_in_dim3A_266 : vector<16xf32> to vector<1x16xf32>
          tpu.vector_store %arg7[%swap3A_715, %swap3A_716], %swap3A_719 {strides = array<i32>} : memref<8x1280xf32, #tpu.memory_space<vmem>>, vector<1x16xf32>,
          %swap3A_720 = arith.index_cast %scan3A_662 : i32 to index
          %swap3A_721 = arith.constant 144 : index
          %swap3A_722 = tpu.vector_load %arg7[%swap3A_720, %swap3A_721] {strides = array<i32>} : memref<8x1280xf32, #tpu.memory_space<vmem>>, vector<1x16xf32>,
          %swap3A_723 = vector.shape_cast %swap3A_722 : vector<1x16xf32> to vector<16xf32>
          %swap3A_724 = vector.shape_cast %broadcast_in_dim3A_266 : vector<16xf32> to vector<1x16xf32>
          tpu.vector_store %arg7[%swap3A_720, %swap3A_721], %swap3A_724 {strides = array<i32>} : memref<8x1280xf32, #tpu.memory_space<vmem>>, vector<1x16xf32>,
          %swap3A_725 = arith.index_cast %scan3A_662 : i32 to index
          %swap3A_726 = arith.constant 160 : index
          %swap3A_727 = tpu.vector_load %arg7[%swap3A_725, %swap3A_726] {strides = array<i32>} : memref<8x1280xf32, #tpu.memory_space<vmem>>, vector<1x16xf32>,
          %swap3A_728 = vector.shape_cast %swap3A_727 : vector<1x16xf32> to vector<16xf32>
          %swap3A_729 = vector.shape_cast %broadcast_in_dim3A_266 : vector<16xf32> to vector<1x16xf32>
          tpu.vector_store %arg7[%swap3A_725, %swap3A_726], %swap3A_729 {strides = array<i32>} : memref<8x1280xf32, #tpu.memory_space<vmem>>, vector<1x16xf32>,
          %swap3A_730 = arith.index_cast %scan3A_662 : i32 to index
          %swap3A_731 = arith.constant 176 : index
          %swap3A_732 = tpu.vector_load %arg7[%swap3A_730, %swap3A_731] {strides = array<i32>} : memref<8x1280xf32, #tpu.memory_space<vmem>>, vector<1x16xf32>,
          %swap3A_733 = vector.shape_cast %swap3A_732 : vector<1x16xf32> to vector<16xf32>
          %swap3A_734 = vector.shape_cast %broadcast_in_dim3A_266 : vector<16xf32> to vector<1x16xf32>
          tpu.vector_store %arg7[%swap3A_730, %swap3A_731], %swap3A_734 {strides = array<i32>} : memref<8x1280xf32, #tpu.memory_space<vmem>>, vector<1x16xf32>,
          %swap3A_735 = arith.index_cast %scan3A_662 : i32 to index
          %swap3A_736 = arith.constant 192 : index
          %swap3A_737 = tpu.vector_load %arg7[%swap3A_735, %swap3A_736] {strides = array<i32>} : memref<8x1280xf32, #tpu.memory_space<vmem>>, vector<1x16xf32>,
          %swap3A_738 = vector.shape_cast %swap3A_737 : vector<1x16xf32> to vector<16xf32>
          %swap3A_739 = vector.shape_cast %broadcast_in_dim3A_266 : vector<16xf32> to vector<1x16xf32>
          tpu.vector_store %arg7[%swap3A_735, %swap3A_736], %swap3A_739 {strides = array<i32>} : memref<8x1280xf32, #tpu.memory_space<vmem>>, vector<1x16xf32>,
          %swap3A_740 = arith.index_cast %scan3A_662 : i32 to index
          %swap3A_741 = arith.constant 208 : index
          %swap3A_742 = tpu.vector_load %arg7[%swap3A_740, %swap3A_741] {strides = array<i32>} : memref<8x1280xf32, #tpu.memory_space<vmem>>, vector<1x16xf32>,
          %swap3A_743 = vector.shape_cast %swap3A_742 : vector<1x16xf32> to vector<16xf32>
          %swap3A_744 = vector.shape_cast %broadcast_in_dim3A_266 : vector<16xf32> to vector<1x16xf32>
          tpu.vector_store %arg7[%swap3A_740, %swap3A_741], %swap3A_744 {strides = array<i32>} : memref<8x1280xf32, #tpu.memory_space<vmem>>, vector<1x16xf32>,
          %swap3A_745 = arith.index_cast %scan3A_662 : i32 to index
          %swap3A_746 = arith.constant 224 : index
          %swap3A_747 = tpu.vector_load %arg7[%swap3A_745, %swap3A_746] {strides = array<i32>} : memref<8x1280xf32, #tpu.memory_space<vmem>>, vector<1x16xf32>,
          %swap3A_748 = vector.shape_cast %swap3A_747 : vector<1x16xf32> to vector<16xf32>
          %swap3A_749 = vector.shape_cast %broadcast_in_dim3A_266 : vector<16xf32> to vector<1x16xf32>
          tpu.vector_store %arg7[%swap3A_745, %swap3A_746], %swap3A_749 {strides = array<i32>} : memref<8x1280xf32, #tpu.memory_space<vmem>>, vector<1x16xf32>,
          %swap3A_750 = arith.index_cast %scan3A_662 : i32 to index
          %swap3A_751 = arith.constant 240 : index
          %swap3A_752 = tpu.vector_load %arg7[%swap3A_750, %swap3A_751] {strides = array<i32>} : memref<8x1280xf32, #tpu.memory_space<vmem>>, vector<1x16xf32>,
          %swap3A_753 = vector.shape_cast %swap3A_752 : vector<1x16xf32> to vector<16xf32>
          %swap3A_754 = vector.shape_cast %broadcast_in_dim3A_266 : vector<16xf32> to vector<1x16xf32>
          tpu.vector_store %arg7[%swap3A_750, %swap3A_751], %swap3A_754 {strides = array<i32>} : memref<8x1280xf32, #tpu.memory_space<vmem>>, vector<1x16xf32>,
          %swap3A_755 = arith.index_cast %scan3A_662 : i32 to index
          %swap3A_756 = arith.constant 256 : index
          %swap3A_757 = tpu.vector_load %arg7[%swap3A_755, %swap3A_756] {strides = array<i32>} : memref<8x1280xf32, #tpu.memory_space<vmem>>, vector<1x16xf32>,
          %swap3A_758 = vector.shape_cast %swap3A_757 : vector<1x16xf32> to vector<16xf32>
          %swap3A_759 = vector.shape_cast %broadcast_in_dim3A_266 : vector<16xf32> to vector<1x16xf32>
          tpu.vector_store %arg7[%swap3A_755, %swap3A_756], %swap3A_759 {strides = array<i32>} : memref<8x1280xf32, #tpu.memory_space<vmem>>, vector<1x16xf32>,
          %swap3A_760 = arith.index_cast %scan3A_662 : i32 to index
          %swap3A_761 = arith.constant 272 : index
          %swap3A_762 = tpu.vector_load %arg7[%swap3A_760, %swap3A_761] {strides = array<i32>} : memref<8x1280xf32, #tpu.memory_space<vmem>>, vector<1x16xf32>,
          %swap3A_763 = vector.shape_cast %swap3A_762 : vector<1x16xf32> to vector<16xf32>
          %swap3A_764 = vector.shape_cast %broadcast_in_dim3A_266 : vector<16xf32> to vector<1x16xf32>
          tpu.vector_store %arg7[%swap3A_760, %swap3A_761], %swap3A_764 {strides = array<i32>} : memref<8x1280xf32, #tpu.memory_space<vmem>>, vector<1x16xf32>,
          %swap3A_765 = arith.index_cast %scan3A_662 : i32 to index
          %swap3A_766 = arith.constant 288 : index
          %swap3A_767 = tpu.vector_load %arg7[%swap3A_765, %swap3A_766] {strides = array<i32>} : memref<8x1280xf32, #tpu.memory_space<vmem>>, vector<1x16xf32>,
          %swap3A_768 = vector.shape_cast %swap3A_767 : vector<1x16xf32> to vector<16xf32>
          %swap3A_769 = vector.shape_cast %broadcast_in_dim3A_266 : vector<16xf32> to vector<1x16xf32>
          tpu.vector_store %arg7[%swap3A_765, %swap3A_766], %swap3A_769 {strides = array<i32>} : memref<8x1280xf32, #tpu.memory_space<vmem>>, vector<1x16xf32>,
          %swap3A_770 = arith.index_cast %scan3A_662 : i32 to index
          %swap3A_771 = arith.constant 304 : index
          %swap3A_772 = tpu.vector_load %arg7[%swap3A_770, %swap3A_771] {strides = array<i32>} : memref<8x1280xf32, #tpu.memory_space<vmem>>, vector<1x16xf32>,
          %swap3A_773 = vector.shape_cast %swap3A_772 : vector<1x16xf32> to vector<16xf32>
          %swap3A_774 = vector.shape_cast %broadcast_in_dim3A_266 : vector<16xf32> to vector<1x16xf32>
          tpu.vector_store %arg7[%swap3A_770, %swap3A_771], %swap3A_774 {strides = array<i32>} : memref<8x1280xf32, #tpu.memory_space<vmem>>, vector<1x16xf32>,
          %swap3A_775 = arith.index_cast %scan3A_662 : i32 to index
          %swap3A_776 = arith.constant 320 : index
          %swap3A_777 = tpu.vector_load %arg7[%swap3A_775, %swap3A_776] {strides = array<i32>} : memref<8x1280xf32, #tpu.memory_space<vmem>>, vector<1x16xf32>,
          %swap3A_778 = vector.shape_cast %swap3A_777 : vector<1x16xf32> to vector<16xf32>
          %swap3A_779 = vector.shape_cast %broadcast_in_dim3A_266 : vector<16xf32> to vector<1x16xf32>
          tpu.vector_store %arg7[%swap3A_775, %swap3A_776], %swap3A_779 {strides = array<i32>} : memref<8x1280xf32, #tpu.memory_space<vmem>>, vector<1x16xf32>,
          %swap3A_780 = arith.index_cast %scan3A_662 : i32 to index
          %swap3A_781 = arith.constant 336 : index
          %swap3A_782 = tpu.vector_load %arg7[%swap3A_780, %swap3A_781] {strides = array<i32>} : memref<8x1280xf32, #tpu.memory_space<vmem>>, vector<1x16xf32>,
          %swap3A_783 = vector.shape_cast %swap3A_782 : vector<1x16xf32> to vector<16xf32>
          %swap3A_784 = vector.shape_cast %broadcast_in_dim3A_266 : vector<16xf32> to vector<1x16xf32>
          tpu.vector_store %arg7[%swap3A_780, %swap3A_781], %swap3A_784 {strides = array<i32>} : memref<8x1280xf32, #tpu.memory_space<vmem>>, vector<1x16xf32>,
          %swap3A_785 = arith.index_cast %scan3A_662 : i32 to index
          %swap3A_786 = arith.constant 352 : index
          %swap3A_787 = tpu.vector_load %arg7[%swap3A_785, %swap3A_786] {strides = array<i32>} : memref<8x1280xf32, #tpu.memory_space<vmem>>, vector<1x16xf32>,
          %swap3A_788 = vector.shape_cast %swap3A_787 : vector<1x16xf32> to vector<16xf32>
          %swap3A_789 = vector.shape_cast %broadcast_in_dim3A_266 : vector<16xf32> to vector<1x16xf32>
          tpu.vector_store %arg7[%swap3A_785, %swap3A_786], %swap3A_789 {strides = array<i32>} : memref<8x1280xf32, #tpu.memory_space<vmem>>, vector<1x16xf32>,
          %swap3A_790 = arith.index_cast %scan3A_662 : i32 to index
          %swap3A_791 = arith.constant 368 : index
          %swap3A_792 = tpu.vector_load %arg7[%swap3A_790, %swap3A_791] {strides = array<i32>} : memref<8x1280xf32, #tpu.memory_space<vmem>>, vector<1x16xf32>,
          %swap3A_793 = vector.shape_cast %swap3A_792 : vector<1x16xf32> to vector<16xf32>
          %swap3A_794 = vector.shape_cast %broadcast_in_dim3A_266 : vector<16xf32> to vector<1x16xf32>
          tpu.vector_store %arg7[%swap3A_790, %swap3A_791], %swap3A_794 {strides = array<i32>} : memref<8x1280xf32, #tpu.memory_space<vmem>>, vector<1x16xf32>,
          %swap3A_795 = arith.index_cast %scan3A_662 : i32 to index
          %swap3A_796 = arith.constant 384 : index
          %swap3A_797 = tpu.vector_load %arg7[%swap3A_795, %swap3A_796] {strides = array<i32>} : memref<8x1280xf32, #tpu.memory_space<vmem>>, vector<1x16xf32>,
          %swap3A_798 = vector.shape_cast %swap3A_797 : vector<1x16xf32> to vector<16xf32>
          %swap3A_799 = vector.shape_cast %broadcast_in_dim3A_266 : vector<16xf32> to vector<1x16xf32>
          tpu.vector_store %arg7[%swap3A_795, %swap3A_796], %swap3A_799 {strides = array<i32>} : memref<8x1280xf32, #tpu.memory_space<vmem>>, vector<1x16xf32>,
          %swap3A_800 = arith.index_cast %scan3A_662 : i32 to index
          %swap3A_801 = arith.constant 400 : index
          %swap3A_802 = tpu.vector_load %arg7[%swap3A_800, %swap3A_801] {strides = array<i32>} : memref<8x1280xf32, #tpu.memory_space<vmem>>, vector<1x16xf32>,
          %swap3A_803 = vector.shape_cast %swap3A_802 : vector<1x16xf32> to vector<16xf32>
          %swap3A_804 = vector.shape_cast %broadcast_in_dim3A_266 : vector<16xf32> to vector<1x16xf32>
          tpu.vector_store %arg7[%swap3A_800, %swap3A_801], %swap3A_804 {strides = array<i32>} : memref<8x1280xf32, #tpu.memory_space<vmem>>, vector<1x16xf32>,
          %swap3A_805 = arith.index_cast %scan3A_662 : i32 to index
          %swap3A_806 = arith.constant 416 : index
          %swap3A_807 = tpu.vector_load %arg7[%swap3A_805, %swap3A_806] {strides = array<i32>} : memref<8x1280xf32, #tpu.memory_space<vmem>>, vector<1x16xf32>,
          %swap3A_808 = vector.shape_cast %swap3A_807 : vector<1x16xf32> to vector<16xf32>
          %swap3A_809 = vector.shape_cast %broadcast_in_dim3A_266 : vector<16xf32> to vector<1x16xf32>
          tpu.vector_store %arg7[%swap3A_805, %swap3A_806], %swap3A_809 {strides = array<i32>} : memref<8x1280xf32, #tpu.memory_space<vmem>>, vector<1x16xf32>,
          %swap3A_810 = arith.index_cast %scan3A_662 : i32 to index
          %swap3A_811 = arith.constant 432 : index
          %swap3A_812 = tpu.vector_load %arg7[%swap3A_810, %swap3A_811] {strides = array<i32>} : memref<8x1280xf32, #tpu.memory_space<vmem>>, vector<1x16xf32>,
          %swap3A_813 = vector.shape_cast %swap3A_812 : vector<1x16xf32> to vector<16xf32>
          %swap3A_814 = vector.shape_cast %broadcast_in_dim3A_266 : vector<16xf32> to vector<1x16xf32>
          tpu.vector_store %arg7[%swap3A_810, %swap3A_811], %swap3A_814 {strides = array<i32>} : memref<8x1280xf32, #tpu.memory_space<vmem>>, vector<1x16xf32>,
          %swap3A_815 = arith.index_cast %scan3A_662 : i32 to index
          %swap3A_816 = arith.constant 448 : index
          %swap3A_817 = tpu.vector_load %arg7[%swap3A_815, %swap3A_816] {strides = array<i32>} : memref<8x1280xf32, #tpu.memory_space<vmem>>, vector<1x16xf32>,
          %swap3A_818 = vector.shape_cast %swap3A_817 : vector<1x16xf32> to vector<16xf32>
          %swap3A_819 = vector.shape_cast %broadcast_in_dim3A_266 : vector<16xf32> to vector<1x16xf32>
          tpu.vector_store %arg7[%swap3A_815, %swap3A_816], %swap3A_819 {strides = array<i32>} : memref<8x1280xf32, #tpu.memory_space<vmem>>, vector<1x16xf32>,
          %swap3A_820 = arith.index_cast %scan3A_662 : i32 to index
          %swap3A_821 = arith.constant 464 : index
          %swap3A_822 = tpu.vector_load %arg7[%swap3A_820, %swap3A_821] {strides = array<i32>} : memref<8x1280xf32, #tpu.memory_space<vmem>>, vector<1x16xf32>,
          %swap3A_823 = vector.shape_cast %swap3A_822 : vector<1x16xf32> to vector<16xf32>
          %swap3A_824 = vector.shape_cast %broadcast_in_dim3A_266 : vector<16xf32> to vector<1x16xf32>
          tpu.vector_store %arg7[%swap3A_820, %swap3A_821], %swap3A_824 {strides = array<i32>} : memref<8x1280xf32, #tpu.memory_space<vmem>>, vector<1x16xf32>,
          %swap3A_825 = arith.index_cast %scan3A_662 : i32 to index
          %swap3A_826 = arith.constant 480 : index
          %swap3A_827 = tpu.vector_load %arg7[%swap3A_825, %swap3A_826] {strides = array<i32>} : memref<8x1280xf32, #tpu.memory_space<vmem>>, vector<1x16xf32>,
          %swap3A_828 = vector.shape_cast %swap3A_827 : vector<1x16xf32> to vector<16xf32>
          %swap3A_829 = vector.shape_cast %broadcast_in_dim3A_266 : vector<16xf32> to vector<1x16xf32>
          tpu.vector_store %arg7[%swap3A_825, %swap3A_826], %swap3A_829 {strides = array<i32>} : memref<8x1280xf32, #tpu.memory_space<vmem>>, vector<1x16xf32>,
          %swap3A_830 = arith.index_cast %scan3A_662 : i32 to index
          %swap3A_831 = arith.constant 496 : index
          %swap3A_832 = tpu.vector_load %arg7[%swap3A_830, %swap3A_831] {strides = array<i32>} : memref<8x1280xf32, #tpu.memory_space<vmem>>, vector<1x16xf32>,
          %swap3A_833 = vector.shape_cast %swap3A_832 : vector<1x16xf32> to vector<16xf32>
          %swap3A_834 = vector.shape_cast %broadcast_in_dim3A_266 : vector<16xf32> to vector<1x16xf32>
          tpu.vector_store %arg7[%swap3A_830, %swap3A_831], %swap3A_834 {strides = array<i32>} : memref<8x1280xf32, #tpu.memory_space<vmem>>, vector<1x16xf32>,
          %swap3A_835 = arith.index_cast %scan3A_662 : i32 to index
          %swap3A_836 = arith.constant 512 : index
          %swap3A_837 = tpu.vector_load %arg7[%swap3A_835, %swap3A_836] {strides = array<i32>} : memref<8x1280xf32, #tpu.memory_space<vmem>>, vector<1x16xf32>,
          %swap3A_838 = vector.shape_cast %swap3A_837 : vector<1x16xf32> to vector<16xf32>
          %swap3A_839 = vector.shape_cast %broadcast_in_dim3A_266 : vector<16xf32> to vector<1x16xf32>
          tpu.vector_store %arg7[%swap3A_835, %swap3A_836], %swap3A_839 {strides = array<i32>} : memref<8x1280xf32, #tpu.memory_space<vmem>>, vector<1x16xf32>,
          %swap3A_840 = arith.index_cast %scan3A_662 : i32 to index
          %swap3A_841 = arith.constant 528 : index
          %swap3A_842 = tpu.vector_load %arg7[%swap3A_840, %swap3A_841] {strides = array<i32>} : memref<8x1280xf32, #tpu.memory_space<vmem>>, vector<1x16xf32>,
          %swap3A_843 = vector.shape_cast %swap3A_842 : vector<1x16xf32> to vector<16xf32>
          %swap3A_844 = vector.shape_cast %broadcast_in_dim3A_266 : vector<16xf32> to vector<1x16xf32>
          tpu.vector_store %arg7[%swap3A_840, %swap3A_841], %swap3A_844 {strides = array<i32>} : memref<8x1280xf32, #tpu.memory_space<vmem>>, vector<1x16xf32>,
          %swap3A_845 = arith.index_cast %scan3A_662 : i32 to index
          %swap3A_846 = arith.constant 544 : index
          %swap3A_847 = tpu.vector_load %arg7[%swap3A_845, %swap3A_846] {strides = array<i32>} : memref<8x1280xf32, #tpu.memory_space<vmem>>, vector<1x16xf32>,
          %swap3A_848 = vector.shape_cast %swap3A_847 : vector<1x16xf32> to vector<16xf32>
          %swap3A_849 = vector.shape_cast %broadcast_in_dim3A_266 : vector<16xf32> to vector<1x16xf32>
          tpu.vector_store %arg7[%swap3A_845, %swap3A_846], %swap3A_849 {strides = array<i32>} : memref<8x1280xf32, #tpu.memory_space<vmem>>, vector<1x16xf32>,
          %swap3A_850 = arith.index_cast %scan3A_662 : i32 to index
          %swap3A_851 = arith.constant 560 : index
          %swap3A_852 = tpu.vector_load %arg7[%swap3A_850, %swap3A_851] {strides = array<i32>} : memref<8x1280xf32, #tpu.memory_space<vmem>>, vector<1x16xf32>,
          %swap3A_853 = vector.shape_cast %swap3A_852 : vector<1x16xf32> to vector<16xf32>
          %swap3A_854 = vector.shape_cast %broadcast_in_dim3A_266 : vector<16xf32> to vector<1x16xf32>
          tpu.vector_store %arg7[%swap3A_850, %swap3A_851], %swap3A_854 {strides = array<i32>} : memref<8x1280xf32, #tpu.memory_space<vmem>>, vector<1x16xf32>,
          %swap3A_855 = arith.index_cast %scan3A_662 : i32 to index
          %swap3A_856 = arith.constant 576 : index
          %swap3A_857 = tpu.vector_load %arg7[%swap3A_855, %swap3A_856] {strides = array<i32>} : memref<8x1280xf32, #tpu.memory_space<vmem>>, vector<1x16xf32>,
          %swap3A_858 = vector.shape_cast %swap3A_857 : vector<1x16xf32> to vector<16xf32>
          %swap3A_859 = vector.shape_cast %broadcast_in_dim3A_266 : vector<16xf32> to vector<1x16xf32>
          tpu.vector_store %arg7[%swap3A_855, %swap3A_856], %swap3A_859 {strides = array<i32>} : memref<8x1280xf32, #tpu.memory_space<vmem>>, vector<1x16xf32>,
          %swap3A_860 = arith.index_cast %scan3A_662 : i32 to index
          %swap3A_861 = arith.constant 592 : index
          %swap3A_862 = tpu.vector_load %arg7[%swap3A_860, %swap3A_861] {strides = array<i32>} : memref<8x1280xf32, #tpu.memory_space<vmem>>, vector<1x16xf32>,
          %swap3A_863 = vector.shape_cast %swap3A_862 : vector<1x16xf32> to vector<16xf32>
          %swap3A_864 = vector.shape_cast %broadcast_in_dim3A_266 : vector<16xf32> to vector<1x16xf32>
          tpu.vector_store %arg7[%swap3A_860, %swap3A_861], %swap3A_864 {strides = array<i32>} : memref<8x1280xf32, #tpu.memory_space<vmem>>, vector<1x16xf32>,
          %swap3A_865 = arith.index_cast %scan3A_662 : i32 to index
          %swap3A_866 = arith.constant 608 : index
          %swap3A_867 = tpu.vector_load %arg7[%swap3A_865, %swap3A_866] {strides = array<i32>} : memref<8x1280xf32, #tpu.memory_space<vmem>>, vector<1x16xf32>,
          %swap3A_868 = vector.shape_cast %swap3A_867 : vector<1x16xf32> to vector<16xf32>
          %swap3A_869 = vector.shape_cast %broadcast_in_dim3A_266 : vector<16xf32> to vector<1x16xf32>
          tpu.vector_store %arg7[%swap3A_865, %swap3A_866], %swap3A_869 {strides = array<i32>} : memref<8x1280xf32, #tpu.memory_space<vmem>>, vector<1x16xf32>,
          %swap3A_870 = arith.index_cast %scan3A_662 : i32 to index
          %swap3A_871 = arith.constant 624 : index
          %swap3A_872 = tpu.vector_load %arg7[%swap3A_870, %swap3A_871] {strides = array<i32>} : memref<8x1280xf32, #tpu.memory_space<vmem>>, vector<1x16xf32>,
          %swap3A_873 = vector.shape_cast %swap3A_872 : vector<1x16xf32> to vector<16xf32>
          %swap3A_874 = vector.shape_cast %broadcast_in_dim3A_266 : vector<16xf32> to vector<1x16xf32>
          tpu.vector_store %arg7[%swap3A_870, %swap3A_871], %swap3A_874 {strides = array<i32>} : memref<8x1280xf32, #tpu.memory_space<vmem>>, vector<1x16xf32>,
          %swap3A_875 = arith.index_cast %scan3A_662 : i32 to index
          %swap3A_876 = arith.constant 640 : index
          %swap3A_877 = tpu.vector_load %arg7[%swap3A_875, %swap3A_876] {strides = array<i32>} : memref<8x1280xf32, #tpu.memory_space<vmem>>, vector<1x16xf32>,
          %swap3A_878 = vector.shape_cast %swap3A_877 : vector<1x16xf32> to vector<16xf32>
          %swap3A_879 = vector.shape_cast %broadcast_in_dim3A_266 : vector<16xf32> to vector<1x16xf32>
          tpu.vector_store %arg7[%swap3A_875, %swap3A_876], %swap3A_879 {strides = array<i32>} : memref<8x1280xf32, #tpu.memory_space<vmem>>, vector<1x16xf32>,
          %swap3A_880 = arith.index_cast %scan3A_662 : i32 to index
          %swap3A_881 = arith.constant 656 : index
          %swap3A_882 = tpu.vector_load %arg7[%swap3A_880, %swap3A_881] {strides = array<i32>} : memref<8x1280xf32, #tpu.memory_space<vmem>>, vector<1x16xf32>,
          %swap3A_883 = vector.shape_cast %swap3A_882 : vector<1x16xf32> to vector<16xf32>
          %swap3A_884 = vector.shape_cast %broadcast_in_dim3A_266 : vector<16xf32> to vector<1x16xf32>
          tpu.vector_store %arg7[%swap3A_880, %swap3A_881], %swap3A_884 {strides = array<i32>} : memref<8x1280xf32, #tpu.memory_space<vmem>>, vector<1x16xf32>,
          %swap3A_885 = arith.index_cast %scan3A_662 : i32 to index
          %swap3A_886 = arith.constant 672 : index
          %swap3A_887 = tpu.vector_load %arg7[%swap3A_885, %swap3A_886] {strides = array<i32>} : memref<8x1280xf32, #tpu.memory_space<vmem>>, vector<1x16xf32>,
          %swap3A_888 = vector.shape_cast %swap3A_887 : vector<1x16xf32> to vector<16xf32>
          %swap3A_889 = vector.shape_cast %broadcast_in_dim3A_266 : vector<16xf32> to vector<1x16xf32>
          tpu.vector_store %arg7[%swap3A_885, %swap3A_886], %swap3A_889 {strides = array<i32>} : memref<8x1280xf32, #tpu.memory_space<vmem>>, vector<1x16xf32>,
          %swap3A_890 = arith.index_cast %scan3A_662 : i32 to index
          %swap3A_891 = arith.constant 688 : index
          %swap3A_892 = tpu.vector_load %arg7[%swap3A_890, %swap3A_891] {strides = array<i32>} : memref<8x1280xf32, #tpu.memory_space<vmem>>, vector<1x16xf32>,
          %swap3A_893 = vector.shape_cast %swap3A_892 : vector<1x16xf32> to vector<16xf32>
          %swap3A_894 = vector.shape_cast %broadcast_in_dim3A_266 : vector<16xf32> to vector<1x16xf32>
          tpu.vector_store %arg7[%swap3A_890, %swap3A_891], %swap3A_894 {strides = array<i32>} : memref<8x1280xf32, #tpu.memory_space<vmem>>, vector<1x16xf32>,
          %swap3A_895 = arith.index_cast %scan3A_662 : i32 to index
          %swap3A_896 = arith.constant 704 : index
          %swap3A_897 = tpu.vector_load %arg7[%swap3A_895, %swap3A_896] {strides = array<i32>} : memref<8x1280xf32, #tpu.memory_space<vmem>>, vector<1x16xf32>,
          %swap3A_898 = vector.shape_cast %swap3A_897 : vector<1x16xf32> to vector<16xf32>
          %swap3A_899 = vector.shape_cast %broadcast_in_dim3A_266 : vector<16xf32> to vector<1x16xf32>
          tpu.vector_store %arg7[%swap3A_895, %swap3A_896], %swap3A_899 {strides = array<i32>} : memref<8x1280xf32, #tpu.memory_space<vmem>>, vector<1x16xf32>,
          %swap3A_900 = arith.index_cast %scan3A_662 : i32 to index
          %swap3A_901 = arith.constant 720 : index
          %swap3A_902 = tpu.vector_load %arg7[%swap3A_900, %swap3A_901] {strides = array<i32>} : memref<8x1280xf32, #tpu.memory_space<vmem>>, vector<1x16xf32>,
          %swap3A_903 = vector.shape_cast %swap3A_902 : vector<1x16xf32> to vector<16xf32>
          %swap3A_904 = vector.shape_cast %broadcast_in_dim3A_266 : vector<16xf32> to vector<1x16xf32>
          tpu.vector_store %arg7[%swap3A_900, %swap3A_901], %swap3A_904 {strides = array<i32>} : memref<8x1280xf32, #tpu.memory_space<vmem>>, vector<1x16xf32>,
          %swap3A_905 = arith.index_cast %scan3A_662 : i32 to index
          %swap3A_906 = arith.constant 736 : index
          %swap3A_907 = tpu.vector_load %arg7[%swap3A_905, %swap3A_906] {strides = array<i32>} : memref<8x1280xf32, #tpu.memory_space<vmem>>, vector<1x16xf32>,
          %swap3A_908 = vector.shape_cast %swap3A_907 : vector<1x16xf32> to vector<16xf32>
          %swap3A_909 = vector.shape_cast %broadcast_in_dim3A_266 : vector<16xf32> to vector<1x16xf32>
          tpu.vector_store %arg7[%swap3A_905, %swap3A_906], %swap3A_909 {strides = array<i32>} : memref<8x1280xf32, #tpu.memory_space<vmem>>, vector<1x16xf32>,
          %swap3A_910 = arith.index_cast %scan3A_662 : i32 to index
          %swap3A_911 = arith.constant 752 : index
          %swap3A_912 = tpu.vector_load %arg7[%swap3A_910, %swap3A_911] {strides = array<i32>} : memref<8x1280xf32, #tpu.memory_space<vmem>>, vector<1x16xf32>,
          %swap3A_913 = vector.shape_cast %swap3A_912 : vector<1x16xf32> to vector<16xf32>
          %swap3A_914 = vector.shape_cast %broadcast_in_dim3A_266 : vector<16xf32> to vector<1x16xf32>
          tpu.vector_store %arg7[%swap3A_910, %swap3A_911], %swap3A_914 {strides = array<i32>} : memref<8x1280xf32, #tpu.memory_space<vmem>>, vector<1x16xf32>,
          %swap3A_915 = arith.index_cast %scan3A_662 : i32 to index
          %swap3A_916 = arith.constant 768 : index
          %swap3A_917 = tpu.vector_load %arg7[%swap3A_915, %swap3A_916] {strides = array<i32>} : memref<8x1280xf32, #tpu.memory_space<vmem>>, vector<1x16xf32>,
          %swap3A_918 = vector.shape_cast %swap3A_917 : vector<1x16xf32> to vector<16xf32>
          %swap3A_919 = vector.shape_cast %broadcast_in_dim3A_266 : vector<16xf32> to vector<1x16xf32>
          tpu.vector_store %arg7[%swap3A_915, %swap3A_916], %swap3A_919 {strides = array<i32>} : memref<8x1280xf32, #tpu.memory_space<vmem>>, vector<1x16xf32>,
          %swap3A_920 = arith.index_cast %scan3A_662 : i32 to index
          %swap3A_921 = arith.constant 784 : index
          %swap3A_922 = tpu.vector_load %arg7[%swap3A_920, %swap3A_921] {strides = array<i32>} : memref<8x1280xf32, #tpu.memory_space<vmem>>, vector<1x16xf32>,
          %swap3A_923 = vector.shape_cast %swap3A_922 : vector<1x16xf32> to vector<16xf32>
          %swap3A_924 = vector.shape_cast %broadcast_in_dim3A_266 : vector<16xf32> to vector<1x16xf32>
          tpu.vector_store %arg7[%swap3A_920, %swap3A_921], %swap3A_924 {strides = array<i32>} : memref<8x1280xf32, #tpu.memory_space<vmem>>, vector<1x16xf32>,
          %swap3A_925 = arith.index_cast %scan3A_662 : i32 to index
          %swap3A_926 = arith.constant 800 : index
          %swap3A_927 = tpu.vector_load %arg7[%swap3A_925, %swap3A_926] {strides = array<i32>} : memref<8x1280xf32, #tpu.memory_space<vmem>>, vector<1x16xf32>,
          %swap3A_928 = vector.shape_cast %swap3A_927 : vector<1x16xf32> to vector<16xf32>
          %swap3A_929 = vector.shape_cast %broadcast_in_dim3A_266 : vector<16xf32> to vector<1x16xf32>
          tpu.vector_store %arg7[%swap3A_925, %swap3A_926], %swap3A_929 {strides = array<i32>} : memref<8x1280xf32, #tpu.memory_space<vmem>>, vector<1x16xf32>,
          %swap3A_930 = arith.index_cast %scan3A_662 : i32 to index
          %swap3A_931 = arith.constant 816 : index
          %swap3A_932 = tpu.vector_load %arg7[%swap3A_930, %swap3A_931] {strides = array<i32>} : memref<8x1280xf32, #tpu.memory_space<vmem>>, vector<1x16xf32>,
          %swap3A_933 = vector.shape_cast %swap3A_932 : vector<1x16xf32> to vector<16xf32>
          %swap3A_934 = vector.shape_cast %broadcast_in_dim3A_266 : vector<16xf32> to vector<1x16xf32>
          tpu.vector_store %arg7[%swap3A_930, %swap3A_931], %swap3A_934 {strides = array<i32>} : memref<8x1280xf32, #tpu.memory_space<vmem>>, vector<1x16xf32>,
          %swap3A_935 = arith.index_cast %scan3A_662 : i32 to index
          %swap3A_936 = arith.constant 832 : index
          %swap3A_937 = tpu.vector_load %arg7[%swap3A_935, %swap3A_936] {strides = array<i32>} : memref<8x1280xf32, #tpu.memory_space<vmem>>, vector<1x16xf32>,
          %swap3A_938 = vector.shape_cast %swap3A_937 : vector<1x16xf32> to vector<16xf32>
          %swap3A_939 = vector.shape_cast %broadcast_in_dim3A_266 : vector<16xf32> to vector<1x16xf32>
          tpu.vector_store %arg7[%swap3A_935, %swap3A_936], %swap3A_939 {strides = array<i32>} : memref<8x1280xf32, #tpu.memory_space<vmem>>, vector<1x16xf32>,
          %swap3A_940 = arith.index_cast %scan3A_662 : i32 to index
          %swap3A_941 = arith.constant 848 : index
          %swap3A_942 = tpu.vector_load %arg7[%swap3A_940, %swap3A_941] {strides = array<i32>} : memref<8x1280xf32, #tpu.memory_space<vmem>>, vector<1x16xf32>,
          %swap3A_943 = vector.shape_cast %swap3A_942 : vector<1x16xf32> to vector<16xf32>
          %swap3A_944 = vector.shape_cast %broadcast_in_dim3A_266 : vector<16xf32> to vector<1x16xf32>
          tpu.vector_store %arg7[%swap3A_940, %swap3A_941], %swap3A_944 {strides = array<i32>} : memref<8x1280xf32, #tpu.memory_space<vmem>>, vector<1x16xf32>,
          %swap3A_945 = arith.index_cast %scan3A_662 : i32 to index
          %swap3A_946 = arith.constant 864 : index
          %swap3A_947 = tpu.vector_load %arg7[%swap3A_945, %swap3A_946] {strides = array<i32>} : memref<8x1280xf32, #tpu.memory_space<vmem>>, vector<1x16xf32>,
          %swap3A_948 = vector.shape_cast %swap3A_947 : vector<1x16xf32> to vector<16xf32>
          %swap3A_949 = vector.shape_cast %broadcast_in_dim3A_266 : vector<16xf32> to vector<1x16xf32>
          tpu.vector_store %arg7[%swap3A_945, %swap3A_946], %swap3A_949 {strides = array<i32>} : memref<8x1280xf32, #tpu.memory_space<vmem>>, vector<1x16xf32>,
          %swap3A_950 = arith.index_cast %scan3A_662 : i32 to index
          %swap3A_951 = arith.constant 880 : index
          %swap3A_952 = tpu.vector_load %arg7[%swap3A_950, %swap3A_951] {strides = array<i32>} : memref<8x1280xf32, #tpu.memory_space<vmem>>, vector<1x16xf32>,
          %swap3A_953 = vector.shape_cast %swap3A_952 : vector<1x16xf32> to vector<16xf32>
          %swap3A_954 = vector.shape_cast %broadcast_in_dim3A_266 : vector<16xf32> to vector<1x16xf32>
          tpu.vector_store %arg7[%swap3A_950, %swap3A_951], %swap3A_954 {strides = array<i32>} : memref<8x1280xf32, #tpu.memory_space<vmem>>, vector<1x16xf32>,
          %swap3A_955 = arith.index_cast %scan3A_662 : i32 to index
          %swap3A_956 = arith.constant 896 : index
          %swap3A_957 = tpu.vector_load %arg7[%swap3A_955, %swap3A_956] {strides = array<i32>} : memref<8x1280xf32, #tpu.memory_space<vmem>>, vector<1x16xf32>,
          %swap3A_958 = vector.shape_cast %swap3A_957 : vector<1x16xf32> to vector<16xf32>
          %swap3A_959 = vector.shape_cast %broadcast_in_dim3A_266 : vector<16xf32> to vector<1x16xf32>
          tpu.vector_store %arg7[%swap3A_955, %swap3A_956], %swap3A_959 {strides = array<i32>} : memref<8x1280xf32, #tpu.memory_space<vmem>>, vector<1x16xf32>,
          %swap3A_960 = arith.index_cast %scan3A_662 : i32 to index
          %swap3A_961 = arith.constant 912 : index
          %swap3A_962 = tpu.vector_load %arg7[%swap3A_960, %swap3A_961] {strides = array<i32>} : memref<8x1280xf32, #tpu.memory_space<vmem>>, vector<1x16xf32>,
          %swap3A_963 = vector.shape_cast %swap3A_962 : vector<1x16xf32> to vector<16xf32>
          %swap3A_964 = vector.shape_cast %broadcast_in_dim3A_266 : vector<16xf32> to vector<1x16xf32>
          tpu.vector_store %arg7[%swap3A_960, %swap3A_961], %swap3A_964 {strides = array<i32>} : memref<8x1280xf32, #tpu.memory_space<vmem>>, vector<1x16xf32>,
          %swap3A_965 = arith.index_cast %scan3A_662 : i32 to index
          %swap3A_966 = arith.constant 928 : index
          %swap3A_967 = tpu.vector_load %arg7[%swap3A_965, %swap3A_966] {strides = array<i32>} : memref<8x1280xf32, #tpu.memory_space<vmem>>, vector<1x16xf32>,
          %swap3A_968 = vector.shape_cast %swap3A_967 : vector<1x16xf32> to vector<16xf32>
          %swap3A_969 = vector.shape_cast %broadcast_in_dim3A_266 : vector<16xf32> to vector<1x16xf32>
          tpu.vector_store %arg7[%swap3A_965, %swap3A_966], %swap3A_969 {strides = array<i32>} : memref<8x1280xf32, #tpu.memory_space<vmem>>, vector<1x16xf32>,
          %swap3A_970 = arith.index_cast %scan3A_662 : i32 to index
          %swap3A_971 = arith.constant 944 : index
          %swap3A_972 = tpu.vector_load %arg7[%swap3A_970, %swap3A_971] {strides = array<i32>} : memref<8x1280xf32, #tpu.memory_space<vmem>>, vector<1x16xf32>,
          %swap3A_973 = vector.shape_cast %swap3A_972 : vector<1x16xf32> to vector<16xf32>
          %swap3A_974 = vector.shape_cast %broadcast_in_dim3A_266 : vector<16xf32> to vector<1x16xf32>
          tpu.vector_store %arg7[%swap3A_970, %swap3A_971], %swap3A_974 {strides = array<i32>} : memref<8x1280xf32, #tpu.memory_space<vmem>>, vector<1x16xf32>,
          %swap3A_975 = arith.index_cast %scan3A_662 : i32 to index
          %swap3A_976 = arith.constant 960 : index
          %swap3A_977 = tpu.vector_load %arg7[%swap3A_975, %swap3A_976] {strides = array<i32>} : memref<8x1280xf32, #tpu.memory_space<vmem>>, vector<1x16xf32>,
          %swap3A_978 = vector.shape_cast %swap3A_977 : vector<1x16xf32> to vector<16xf32>
          %swap3A_979 = vector.shape_cast %broadcast_in_dim3A_266 : vector<16xf32> to vector<1x16xf32>
          tpu.vector_store %arg7[%swap3A_975, %swap3A_976], %swap3A_979 {strides = array<i32>} : memref<8x1280xf32, #tpu.memory_space<vmem>>, vector<1x16xf32>,
          %swap3A_980 = arith.index_cast %scan3A_662 : i32 to index
          %swap3A_981 = arith.constant 976 : index
          %swap3A_982 = tpu.vector_load %arg7[%swap3A_980, %swap3A_981] {strides = array<i32>} : memref<8x1280xf32, #tpu.memory_space<vmem>>, vector<1x16xf32>,
          %swap3A_983 = vector.shape_cast %swap3A_982 : vector<1x16xf32> to vector<16xf32>
          %swap3A_984 = vector.shape_cast %broadcast_in_dim3A_266 : vector<16xf32> to vector<1x16xf32>
          tpu.vector_store %arg7[%swap3A_980, %swap3A_981], %swap3A_984 {strides = array<i32>} : memref<8x1280xf32, #tpu.memory_space<vmem>>, vector<1x16xf32>,
          %swap3A_985 = arith.index_cast %scan3A_662 : i32 to index
          %swap3A_986 = arith.constant 992 : index
          %swap3A_987 = tpu.vector_load %arg7[%swap3A_985, %swap3A_986] {strides = array<i32>} : memref<8x1280xf32, #tpu.memory_space<vmem>>, vector<1x16xf32>,
          %swap3A_988 = vector.shape_cast %swap3A_987 : vector<1x16xf32> to vector<16xf32>
          %swap3A_989 = vector.shape_cast %broadcast_in_dim3A_266 : vector<16xf32> to vector<1x16xf32>
          tpu.vector_store %arg7[%swap3A_985, %swap3A_986], %swap3A_989 {strides = array<i32>} : memref<8x1280xf32, #tpu.memory_space<vmem>>, vector<1x16xf32>,
          %swap3A_990 = arith.index_cast %scan3A_662 : i32 to index
          %swap3A_991 = arith.constant 1008 : index
          %swap3A_992 = tpu.vector_load %arg7[%swap3A_990, %swap3A_991] {strides = array<i32>} : memref<8x1280xf32, #tpu.memory_space<vmem>>, vector<1x16xf32>,
          %swap3A_993 = vector.shape_cast %swap3A_992 : vector<1x16xf32> to vector<16xf32>
          %swap3A_994 = vector.shape_cast %broadcast_in_dim3A_266 : vector<16xf32> to vector<1x16xf32>
          tpu.vector_store %arg7[%swap3A_990, %swap3A_991], %swap3A_994 {strides = array<i32>} : memref<8x1280xf32, #tpu.memory_space<vmem>>, vector<1x16xf32>,
          %swap3A_995 = arith.index_cast %scan3A_662 : i32 to index
          %swap3A_996 = arith.constant 1024 : index
          %swap3A_997 = tpu.vector_load %arg7[%swap3A_995, %swap3A_996] {strides = array<i32>} : memref<8x1280xf32, #tpu.memory_space<vmem>>, vector<1x16xf32>,
          %swap3A_998 = vector.shape_cast %swap3A_997 : vector<1x16xf32> to vector<16xf32>
          %swap3A_999 = vector.shape_cast %broadcast_in_dim3A_266 : vector<16xf32> to vector<1x16xf32>
          tpu.vector_store %arg7[%swap3A_995, %swap3A_996], %swap3A_999 {strides = array<i32>} : memref<8x1280xf32, #tpu.memory_space<vmem>>, vector<1x16xf32>,
          %swap3A_1000 = arith.index_cast %scan3A_662 : i32 to index
          %swap3A_1001 = arith.constant 1040 : index
          %swap3A_1002 = tpu.vector_load %arg7[%swap3A_1000, %swap3A_1001] {strides = array<i32>} : memref<8x1280xf32, #tpu.memory_space<vmem>>, vector<1x16xf32>,
          %swap3A_1003 = vector.shape_cast %swap3A_1002 : vector<1x16xf32> to vector<16xf32>
          %swap3A_1004 = vector.shape_cast %broadcast_in_dim3A_266 : vector<16xf32> to vector<1x16xf32>
          tpu.vector_store %arg7[%swap3A_1000, %swap3A_1001], %swap3A_1004 {strides = array<i32>} : memref<8x1280xf32, #tpu.memory_space<vmem>>, vector<1x16xf32>,
          %swap3A_1005 = arith.index_cast %scan3A_662 : i32 to index
          %swap3A_1006 = arith.constant 1056 : index
          %swap3A_1007 = tpu.vector_load %arg7[%swap3A_1005, %swap3A_1006] {strides = array<i32>} : memref<8x1280xf32, #tpu.memory_space<vmem>>, vector<1x16xf32>,
          %swap3A_1008 = vector.shape_cast %swap3A_1007 : vector<1x16xf32> to vector<16xf32>
          %swap3A_1009 = vector.shape_cast %broadcast_in_dim3A_266 : vector<16xf32> to vector<1x16xf32>
          tpu.vector_store %arg7[%swap3A_1005, %swap3A_1006], %swap3A_1009 {strides = array<i32>} : memref<8x1280xf32, #tpu.memory_space<vmem>>, vector<1x16xf32>,
          %swap3A_1010 = arith.index_cast %scan3A_662 : i32 to index
          %swap3A_1011 = arith.constant 1072 : index
          %swap3A_1012 = tpu.vector_load %arg7[%swap3A_1010, %swap3A_1011] {strides = array<i32>} : memref<8x1280xf32, #tpu.memory_space<vmem>>, vector<1x16xf32>,
          %swap3A_1013 = vector.shape_cast %swap3A_1012 : vector<1x16xf32> to vector<16xf32>
          %swap3A_1014 = vector.shape_cast %broadcast_in_dim3A_266 : vector<16xf32> to vector<1x16xf32>
          tpu.vector_store %arg7[%swap3A_1010, %swap3A_1011], %swap3A_1014 {strides = array<i32>} : memref<8x1280xf32, #tpu.memory_space<vmem>>, vector<1x16xf32>,
          %swap3A_1015 = arith.index_cast %scan3A_662 : i32 to index
          %swap3A_1016 = arith.constant 1088 : index
          %swap3A_1017 = tpu.vector_load %arg7[%swap3A_1015, %swap3A_1016] {strides = array<i32>} : memref<8x1280xf32, #tpu.memory_space<vmem>>, vector<1x16xf32>,
          %swap3A_1018 = vector.shape_cast %swap3A_1017 : vector<1x16xf32> to vector<16xf32>
          %swap3A_1019 = vector.shape_cast %broadcast_in_dim3A_266 : vector<16xf32> to vector<1x16xf32>
          tpu.vector_store %arg7[%swap3A_1015, %swap3A_1016], %swap3A_1019 {strides = array<i32>} : memref<8x1280xf32, #tpu.memory_space<vmem>>, vector<1x16xf32>,
          %swap3A_1020 = arith.index_cast %scan3A_662 : i32 to index
          %swap3A_1021 = arith.constant 1104 : index
          %swap3A_1022 = tpu.vector_load %arg7[%swap3A_1020, %swap3A_1021] {strides = array<i32>} : memref<8x1280xf32, #tpu.memory_space<vmem>>, vector<1x16xf32>,
          %swap3A_1023 = vector.shape_cast %swap3A_1022 : vector<1x16xf32> to vector<16xf32>
          %swap3A_1024 = vector.shape_cast %broadcast_in_dim3A_266 : vector<16xf32> to vector<1x16xf32>
          tpu.vector_store %arg7[%swap3A_1020, %swap3A_1021], %swap3A_1024 {strides = array<i32>} : memref<8x1280xf32, #tpu.memory_space<vmem>>, vector<1x16xf32>,
          %swap3A_1025 = arith.index_cast %scan3A_662 : i32 to index
          %swap3A_1026 = arith.constant 1120 : index
          %swap3A_1027 = tpu.vector_load %arg7[%swap3A_1025, %swap3A_1026] {strides = array<i32>} : memref<8x1280xf32, #tpu.memory_space<vmem>>, vector<1x16xf32>,
          %swap3A_1028 = vector.shape_cast %swap3A_1027 : vector<1x16xf32> to vector<16xf32>
          %swap3A_1029 = vector.shape_cast %broadcast_in_dim3A_266 : vector<16xf32> to vector<1x16xf32>
          tpu.vector_store %arg7[%swap3A_1025, %swap3A_1026], %swap3A_1029 {strides = array<i32>} : memref<8x1280xf32, #tpu.memory_space<vmem>>, vector<1x16xf32>,
          %swap3A_1030 = arith.index_cast %scan3A_662 : i32 to index
          %swap3A_1031 = arith.constant 1136 : index
          %swap3A_1032 = tpu.vector_load %arg7[%swap3A_1030, %swap3A_1031] {strides = array<i32>} : memref<8x1280xf32, #tpu.memory_space<vmem>>, vector<1x16xf32>,
          %swap3A_1033 = vector.shape_cast %swap3A_1032 : vector<1x16xf32> to vector<16xf32>
          %swap3A_1034 = vector.shape_cast %broadcast_in_dim3A_266 : vector<16xf32> to vector<1x16xf32>
          tpu.vector_store %arg7[%swap3A_1030, %swap3A_1031], %swap3A_1034 {strides = array<i32>} : memref<8x1280xf32, #tpu.memory_space<vmem>>, vector<1x16xf32>,
          %swap3A_1035 = arith.index_cast %scan3A_662 : i32 to index
          %swap3A_1036 = arith.constant 1152 : index
          %swap3A_1037 = tpu.vector_load %arg7[%swap3A_1035, %swap3A_1036] {strides = array<i32>} : memref<8x1280xf32, #tpu.memory_space<vmem>>, vector<1x16xf32>,
          %swap3A_1038 = vector.shape_cast %swap3A_1037 : vector<1x16xf32> to vector<16xf32>
          %swap3A_1039 = vector.shape_cast %broadcast_in_dim3A_266 : vector<16xf32> to vector<1x16xf32>
          tpu.vector_store %arg7[%swap3A_1035, %swap3A_1036], %swap3A_1039 {strides = array<i32>} : memref<8x1280xf32, #tpu.memory_space<vmem>>, vector<1x16xf32>,
          %swap3A_1040 = arith.index_cast %scan3A_662 : i32 to index
          %swap3A_1041 = arith.constant 1168 : index
          %swap3A_1042 = tpu.vector_load %arg7[%swap3A_1040, %swap3A_1041] {strides = array<i32>} : memref<8x1280xf32, #tpu.memory_space<vmem>>, vector<1x16xf32>,
          %swap3A_1043 = vector.shape_cast %swap3A_1042 : vector<1x16xf32> to vector<16xf32>
          %swap3A_1044 = vector.shape_cast %broadcast_in_dim3A_266 : vector<16xf32> to vector<1x16xf32>
          tpu.vector_store %arg7[%swap3A_1040, %swap3A_1041], %swap3A_1044 {strides = array<i32>} : memref<8x1280xf32, #tpu.memory_space<vmem>>, vector<1x16xf32>,
          %swap3A_1045 = arith.index_cast %scan3A_662 : i32 to index
          %swap3A_1046 = arith.constant 1184 : index
          %swap3A_1047 = tpu.vector_load %arg7[%swap3A_1045, %swap3A_1046] {strides = array<i32>} : memref<8x1280xf32, #tpu.memory_space<vmem>>, vector<1x16xf32>,
          %swap3A_1048 = vector.shape_cast %swap3A_1047 : vector<1x16xf32> to vector<16xf32>
          %swap3A_1049 = vector.shape_cast %broadcast_in_dim3A_266 : vector<16xf32> to vector<1x16xf32>
          tpu.vector_store %arg7[%swap3A_1045, %swap3A_1046], %swap3A_1049 {strides = array<i32>} : memref<8x1280xf32, #tpu.memory_space<vmem>>, vector<1x16xf32>,
          %swap3A_1050 = arith.index_cast %scan3A_662 : i32 to index
          %swap3A_1051 = arith.constant 1200 : index
          %swap3A_1052 = tpu.vector_load %arg7[%swap3A_1050, %swap3A_1051] {strides = array<i32>} : memref<8x1280xf32, #tpu.memory_space<vmem>>, vector<1x16xf32>,
          %swap3A_1053 = vector.shape_cast %swap3A_1052 : vector<1x16xf32> to vector<16xf32>
          %swap3A_1054 = vector.shape_cast %broadcast_in_dim3A_266 : vector<16xf32> to vector<1x16xf32>
          tpu.vector_store %arg7[%swap3A_1050, %swap3A_1051], %swap3A_1054 {strides = array<i32>} : memref<8x1280xf32, #tpu.memory_space<vmem>>, vector<1x16xf32>,
          %swap3A_1055 = arith.index_cast %scan3A_662 : i32 to index
          %swap3A_1056 = arith.constant 1216 : index
          %swap3A_1057 = tpu.vector_load %arg7[%swap3A_1055, %swap3A_1056] {strides = array<i32>} : memref<8x1280xf32, #tpu.memory_space<vmem>>, vector<1x16xf32>,
          %swap3A_1058 = vector.shape_cast %swap3A_1057 : vector<1x16xf32> to vector<16xf32>
          %swap3A_1059 = vector.shape_cast %broadcast_in_dim3A_266 : vector<16xf32> to vector<1x16xf32>
          tpu.vector_store %arg7[%swap3A_1055, %swap3A_1056], %swap3A_1059 {strides = array<i32>} : memref<8x1280xf32, #tpu.memory_space<vmem>>, vector<1x16xf32>,
          %swap3A_1060 = arith.index_cast %scan3A_662 : i32 to index
          %swap3A_1061 = arith.constant 1232 : index
          %swap3A_1062 = tpu.vector_load %arg7[%swap3A_1060, %swap3A_1061] {strides = array<i32>} : memref<8x1280xf32, #tpu.memory_space<vmem>>, vector<1x16xf32>,
          %swap3A_1063 = vector.shape_cast %swap3A_1062 : vector<1x16xf32> to vector<16xf32>
          %swap3A_1064 = vector.shape_cast %broadcast_in_dim3A_266 : vector<16xf32> to vector<1x16xf32>
          tpu.vector_store %arg7[%swap3A_1060, %swap3A_1061], %swap3A_1064 {strides = array<i32>} : memref<8x1280xf32, #tpu.memory_space<vmem>>, vector<1x16xf32>,
          %swap3A_1065 = arith.index_cast %scan3A_662 : i32 to index
          %swap3A_1066 = arith.constant 1248 : index
          %swap3A_1067 = tpu.vector_load %arg7[%swap3A_1065, %swap3A_1066] {strides = array<i32>} : memref<8x1280xf32, #tpu.memory_space<vmem>>, vector<1x16xf32>,
          %swap3A_1068 = vector.shape_cast %swap3A_1067 : vector<1x16xf32> to vector<16xf32>
          %swap3A_1069 = vector.shape_cast %broadcast_in_dim3A_266 : vector<16xf32> to vector<1x16xf32>
          tpu.vector_store %arg7[%swap3A_1065, %swap3A_1066], %swap3A_1069 {strides = array<i32>} : memref<8x1280xf32, #tpu.memory_space<vmem>>, vector<1x16xf32>,
          %swap3A_1070 = arith.index_cast %scan3A_662 : i32 to index
          %swap3A_1071 = arith.constant 1264 : index
          %swap3A_1072 = tpu.vector_load %arg7[%swap3A_1070, %swap3A_1071] {strides = array<i32>} : memref<8x1280xf32, #tpu.memory_space<vmem>>, vector<1x16xf32>,
          %swap3A_1073 = vector.shape_cast %swap3A_1072 : vector<1x16xf32> to vector<16xf32>
          %swap3A_1074 = vector.shape_cast %broadcast_in_dim3A_266 : vector<16xf32> to vector<1x16xf32>
          tpu.vector_store %arg7[%swap3A_1070, %swap3A_1071], %swap3A_1074 {strides = array<i32>} : memref<8x1280xf32, #tpu.memory_space<vmem>>, vector<1x16xf32>,
        } else {
        }
        %not3A = arith.constant true
        %not3A_671 = arith.xori %and3A_667, %not3A : i1
        %convert_element_type3A_672 = arith.extui %not3A_671 : i1 to i32
        %cond3A_673 = arith.constant 0 : i32
        %cond3A_674 = arith.cmpi ne, %convert_element_type3A_672, %cond3A_673 : i32
        scf.if %cond3A_674 {
          %get3A_676 = arith.index_cast %scan3A_662 : i32 to index
          %get3A_677 = arith.index_cast %mul3A_90 : i32 to index
          %get3A_678 = tpu.vector_load %arg7[%get3A_676, %get3A_677] {strides = array<i32>} : memref<8x1280xf32, #tpu.memory_space<vmem>>, vector<1x16xf32>,
          %get3A_679 = vector.shape_cast %get3A_678 : vector<1x16xf32> to vector<16xf32>
          %jit3A_680 = arith.constant 0.000000e+00 : f32
          %broadcast_in_dim3A_681 = vector.broadcast %jit3A_680 : f32 to vector<16xf32>
          %select_n3A_682 = arith.select %and3A_96, %broadcast_in_dim3A_681, %get3A_679 : vector<16xi1>, vector<16xf32>
          %swap3A = arith.index_cast %scan3A_662 : i32 to index
          %swap3A_683 = arith.index_cast %mul3A_90 : i32 to index
          %swap3A_684 = tpu.vector_load %arg7[%swap3A, %swap3A_683] {strides = array<i32>} : memref<8x1280xf32, #tpu.memory_space<vmem>>, vector<1x16xf32>,
          %swap3A_685 = vector.shape_cast %swap3A_684 : vector<1x16xf32> to vector<16xf32>
          %swap3A_686 = vector.shape_cast %select_n3A_682 : vector<16xf32> to vector<1x16xf32>
          tpu.vector_store %arg7[%swap3A, %swap3A_683], %swap3A_686 {strides = array<i32>} : memref<8x1280xf32, #tpu.memory_space<vmem>>, vector<1x16xf32>,
          %get3A_687 = arith.index_cast %scan3A_662 : i32 to index
          %get3A_688 = arith.index_cast %mul3A_102 : i32 to index
          %get3A_689 = tpu.vector_load %arg7[%get3A_687, %get3A_688] {strides = array<i32>} : memref<8x1280xf32, #tpu.memory_space<vmem>>, vector<1x16xf32>,
          %get3A_690 = vector.shape_cast %get3A_689 : vector<1x16xf32> to vector<16xf32>
          %jit3A_691 = arith.constant 0.000000e+00 : f32
          %broadcast_in_dim3A_692 = vector.broadcast %jit3A_691 : f32 to vector<16xf32>
          %select_n3A_693 = arith.select %and3A_109, %broadcast_in_dim3A_692, %get3A_690 : vector<16xi1>, vector<16xf32>
          %swap3A_694 = arith.index_cast %scan3A_662 : i32 to index
          %swap3A_695 = arith.index_cast %mul3A_102 : i32 to index
          %swap3A_696 = tpu.vector_load %arg7[%swap3A_694, %swap3A_695] {strides = array<i32>} : memref<8x1280xf32, #tpu.memory_space<vmem>>, vector<1x16xf32>,
          %swap3A_697 = vector.shape_cast %swap3A_696 : vector<1x16xf32> to vector<16xf32>
          %swap3A_698 = vector.shape_cast %select_n3A_693 : vector<16xf32> to vector<1x16xf32>
          tpu.vector_store %arg7[%swap3A_694, %swap3A_695], %swap3A_698 {strides = array<i32>} : memref<8x1280xf32, #tpu.memory_space<vmem>>, vector<1x16xf32>,
          %get3A_699 = arith.index_cast %scan3A_662 : i32 to index
          %get3A_700 = arith.index_cast %mul3A_115 : i32 to index
          %get3A_701 = tpu.vector_load %arg7[%get3A_699, %get3A_700] {strides = array<i32>} : memref<8x1280xf32, #tpu.memory_space<vmem>>, vector<1x16xf32>,
          %get3A_702 = vector.shape_cast %get3A_701 : vector<1x16xf32> to vector<16xf32>
          %jit3A_703 = arith.constant 0.000000e+00 : f32
          %broadcast_in_dim3A_704 = vector.broadcast %jit3A_703 : f32 to vector<16xf32>
          %select_n3A_705 = arith.select %and3A_122, %broadcast_in_dim3A_704, %get3A_702 : vector<16xi1>, vector<16xf32>
          %swap3A_706 = arith.index_cast %scan3A_662 : i32 to index
          %swap3A_707 = arith.index_cast %mul3A_115 : i32 to index
          %swap3A_708 = tpu.vector_load %arg7[%swap3A_706, %swap3A_707] {strides = array<i32>} : memref<8x1280xf32, #tpu.memory_space<vmem>>, vector<1x16xf32>,
          %swap3A_709 = vector.shape_cast %swap3A_708 : vector<1x16xf32> to vector<16xf32>
          %swap3A_710 = vector.shape_cast %select_n3A_705 : vector<16xf32> to vector<1x16xf32>
          tpu.vector_store %arg7[%swap3A_706, %swap3A_707], %swap3A_710 {strides = array<i32>} : memref<8x1280xf32, #tpu.memory_space<vmem>>, vector<1x16xf32>,
          %get3A_711 = arith.index_cast %scan3A_662 : i32 to index
          %get3A_712 = arith.index_cast %mul3A_128 : i32 to index
          %get3A_713 = tpu.vector_load %arg7[%get3A_711, %get3A_712] {strides = array<i32>} : memref<8x1280xf32, #tpu.memory_space<vmem>>, vector<1x16xf32>,
          %get3A_714 = vector.shape_cast %get3A_713 : vector<1x16xf32> to vector<16xf32>
          %jit3A_715 = arith.constant 0.000000e+00 : f32
          %broadcast_in_dim3A_716 = vector.broadcast %jit3A_715 : f32 to vector<16xf32>
          %select_n3A_717 = arith.select %and3A_135, %broadcast_in_dim3A_716, %get3A_714 : vector<16xi1>, vector<16xf32>
          %swap3A_718 = arith.index_cast %scan3A_662 : i32 to index
          %swap3A_719 = arith.index_cast %mul3A_128 : i32 to index
          %swap3A_720 = tpu.vector_load %arg7[%swap3A_718, %swap3A_719] {strides = array<i32>} : memref<8x1280xf32, #tpu.memory_space<vmem>>, vector<1x16xf32>,
          %swap3A_721 = vector.shape_cast %swap3A_720 : vector<1x16xf32> to vector<16xf32>
          %swap3A_722 = vector.shape_cast %select_n3A_717 : vector<16xf32> to vector<1x16xf32>
          tpu.vector_store %arg7[%swap3A_718, %swap3A_719], %swap3A_722 {strides = array<i32>} : memref<8x1280xf32, #tpu.memory_space<vmem>>, vector<1x16xf32>,
          %get3A_723 = arith.index_cast %scan3A_662 : i32 to index
          %get3A_724 = arith.index_cast %mul3A_141 : i32 to index
          %get3A_725 = tpu.vector_load %arg7[%get3A_723, %get3A_724] {strides = array<i32>} : memref<8x1280xf32, #tpu.memory_space<vmem>>, vector<1x16xf32>,
          %get3A_726 = vector.shape_cast %get3A_725 : vector<1x16xf32> to vector<16xf32>
          %jit3A_727 = arith.constant 0.000000e+00 : f32
          %broadcast_in_dim3A_728 = vector.broadcast %jit3A_727 : f32 to vector<16xf32>
          %select_n3A_729 = arith.select %and3A_148, %broadcast_in_dim3A_728, %get3A_726 : vector<16xi1>, vector<16xf32>
          %swap3A_730 = arith.index_cast %scan3A_662 : i32 to index
          %swap3A_731 = arith.index_cast %mul3A_141 : i32 to index
          %swap3A_732 = tpu.vector_load %arg7[%swap3A_730, %swap3A_731] {strides = array<i32>} : memref<8x1280xf32, #tpu.memory_space<vmem>>, vector<1x16xf32>,
          %swap3A_733 = vector.shape_cast %swap3A_732 : vector<1x16xf32> to vector<16xf32>
          %swap3A_734 = vector.shape_cast %select_n3A_729 : vector<16xf32> to vector<1x16xf32>
          tpu.vector_store %arg7[%swap3A_730, %swap3A_731], %swap3A_734 {strides = array<i32>} : memref<8x1280xf32, #tpu.memory_space<vmem>>, vector<1x16xf32>,
          %get3A_735 = arith.index_cast %scan3A_662 : i32 to index
          %get3A_736 = arith.index_cast %mul3A_154 : i32 to index
          %get3A_737 = tpu.vector_load %arg7[%get3A_735, %get3A_736] {strides = array<i32>} : memref<8x1280xf32, #tpu.memory_space<vmem>>, vector<1x16xf32>,
          %get3A_738 = vector.shape_cast %get3A_737 : vector<1x16xf32> to vector<16xf32>
          %jit3A_739 = arith.constant 0.000000e+00 : f32
          %broadcast_in_dim3A_740 = vector.broadcast %jit3A_739 : f32 to vector<16xf32>
          %select_n3A_741 = arith.select %and3A_161, %broadcast_in_dim3A_740, %get3A_738 : vector<16xi1>, vector<16xf32>
          %swap3A_742 = arith.index_cast %scan3A_662 : i32 to index
          %swap3A_743 = arith.index_cast %mul3A_154 : i32 to index
          %swap3A_744 = tpu.vector_load %arg7[%swap3A_742, %swap3A_743] {strides = array<i32>} : memref<8x1280xf32, #tpu.memory_space<vmem>>, vector<1x16xf32>,
          %swap3A_745 = vector.shape_cast %swap3A_744 : vector<1x16xf32> to vector<16xf32>
          %swap3A_746 = vector.shape_cast %select_n3A_741 : vector<16xf32> to vector<1x16xf32>
          tpu.vector_store %arg7[%swap3A_742, %swap3A_743], %swap3A_746 {strides = array<i32>} : memref<8x1280xf32, #tpu.memory_space<vmem>>, vector<1x16xf32>,
          %get3A_747 = arith.index_cast %scan3A_662 : i32 to index
          %get3A_748 = arith.index_cast %mul3A_167 : i32 to index
          %get3A_749 = tpu.vector_load %arg7[%get3A_747, %get3A_748] {strides = array<i32>} : memref<8x1280xf32, #tpu.memory_space<vmem>>, vector<1x16xf32>,
          %get3A_750 = vector.shape_cast %get3A_749 : vector<1x16xf32> to vector<16xf32>
          %jit3A_751 = arith.constant 0.000000e+00 : f32
          %broadcast_in_dim3A_752 = vector.broadcast %jit3A_751 : f32 to vector<16xf32>
          %select_n3A_753 = arith.select %and3A_174, %broadcast_in_dim3A_752, %get3A_750 : vector<16xi1>, vector<16xf32>
          %swap3A_754 = arith.index_cast %scan3A_662 : i32 to index
          %swap3A_755 = arith.index_cast %mul3A_167 : i32 to index
          %swap3A_756 = tpu.vector_load %arg7[%swap3A_754, %swap3A_755] {strides = array<i32>} : memref<8x1280xf32, #tpu.memory_space<vmem>>, vector<1x16xf32>,
          %swap3A_757 = vector.shape_cast %swap3A_756 : vector<1x16xf32> to vector<16xf32>
          %swap3A_758 = vector.shape_cast %select_n3A_753 : vector<16xf32> to vector<1x16xf32>
          tpu.vector_store %arg7[%swap3A_754, %swap3A_755], %swap3A_758 {strides = array<i32>} : memref<8x1280xf32, #tpu.memory_space<vmem>>, vector<1x16xf32>,
          %get3A_759 = arith.index_cast %scan3A_662 : i32 to index
          %get3A_760 = arith.index_cast %mul3A_180 : i32 to index
          %get3A_761 = tpu.vector_load %arg7[%get3A_759, %get3A_760] {strides = array<i32>} : memref<8x1280xf32, #tpu.memory_space<vmem>>, vector<1x16xf32>,
          %get3A_762 = vector.shape_cast %get3A_761 : vector<1x16xf32> to vector<16xf32>
          %jit3A_763 = arith.constant 0.000000e+00 : f32
          %broadcast_in_dim3A_764 = vector.broadcast %jit3A_763 : f32 to vector<16xf32>
          %select_n3A_765 = arith.select %and3A_187, %broadcast_in_dim3A_764, %get3A_762 : vector<16xi1>, vector<16xf32>
          %swap3A_766 = arith.index_cast %scan3A_662 : i32 to index
          %swap3A_767 = arith.index_cast %mul3A_180 : i32 to index
          %swap3A_768 = tpu.vector_load %arg7[%swap3A_766, %swap3A_767] {strides = array<i32>} : memref<8x1280xf32, #tpu.memory_space<vmem>>, vector<1x16xf32>,
          %swap3A_769 = vector.shape_cast %swap3A_768 : vector<1x16xf32> to vector<16xf32>
          %swap3A_770 = vector.shape_cast %select_n3A_765 : vector<16xf32> to vector<1x16xf32>
          tpu.vector_store %arg7[%swap3A_766, %swap3A_767], %swap3A_770 {strides = array<i32>} : memref<8x1280xf32, #tpu.memory_space<vmem>>, vector<1x16xf32>,
          %get3A_771 = arith.index_cast %scan3A_662 : i32 to index
          %get3A_772 = arith.index_cast %mul3A_193 : i32 to index
          %get3A_773 = tpu.vector_load %arg7[%get3A_771, %get3A_772] {strides = array<i32>} : memref<8x1280xf32, #tpu.memory_space<vmem>>, vector<1x16xf32>,
          %get3A_774 = vector.shape_cast %get3A_773 : vector<1x16xf32> to vector<16xf32>
          %jit3A_775 = arith.constant 0.000000e+00 : f32
          %broadcast_in_dim3A_776 = vector.broadcast %jit3A_775 : f32 to vector<16xf32>
          %select_n3A_777 = arith.select %and3A_200, %broadcast_in_dim3A_776, %get3A_774 : vector<16xi1>, vector<16xf32>
          %swap3A_778 = arith.index_cast %scan3A_662 : i32 to index
          %swap3A_779 = arith.index_cast %mul3A_193 : i32 to index
          %swap3A_780 = tpu.vector_load %arg7[%swap3A_778, %swap3A_779] {strides = array<i32>} : memref<8x1280xf32, #tpu.memory_space<vmem>>, vector<1x16xf32>,
          %swap3A_781 = vector.shape_cast %swap3A_780 : vector<1x16xf32> to vector<16xf32>
          %swap3A_782 = vector.shape_cast %select_n3A_777 : vector<16xf32> to vector<1x16xf32>
          tpu.vector_store %arg7[%swap3A_778, %swap3A_779], %swap3A_782 {strides = array<i32>} : memref<8x1280xf32, #tpu.memory_space<vmem>>, vector<1x16xf32>,
          %get3A_783 = arith.index_cast %scan3A_662 : i32 to index
          %get3A_784 = arith.index_cast %mul3A_206 : i32 to index
          %get3A_785 = tpu.vector_load %arg7[%get3A_783, %get3A_784] {strides = array<i32>} : memref<8x1280xf32, #tpu.memory_space<vmem>>, vector<1x16xf32>,
          %get3A_786 = vector.shape_cast %get3A_785 : vector<1x16xf32> to vector<16xf32>
          %jit3A_787 = arith.constant 0.000000e+00 : f32
          %broadcast_in_dim3A_788 = vector.broadcast %jit3A_787 : f32 to vector<16xf32>
          %select_n3A_789 = arith.select %and3A_213, %broadcast_in_dim3A_788, %get3A_786 : vector<16xi1>, vector<16xf32>
          %swap3A_790 = arith.index_cast %scan3A_662 : i32 to index
          %swap3A_791 = arith.index_cast %mul3A_206 : i32 to index
          %swap3A_792 = tpu.vector_load %arg7[%swap3A_790, %swap3A_791] {strides = array<i32>} : memref<8x1280xf32, #tpu.memory_space<vmem>>, vector<1x16xf32>,
          %swap3A_793 = vector.shape_cast %swap3A_792 : vector<1x16xf32> to vector<16xf32>
          %swap3A_794 = vector.shape_cast %select_n3A_789 : vector<16xf32> to vector<1x16xf32>
          tpu.vector_store %arg7[%swap3A_790, %swap3A_791], %swap3A_794 {strides = array<i32>} : memref<8x1280xf32, #tpu.memory_space<vmem>>, vector<1x16xf32>,
          %get3A_795 = arith.index_cast %scan3A_662 : i32 to index
          %get3A_796 = arith.index_cast %mul3A_219 : i32 to index
          %get3A_797 = tpu.vector_load %arg7[%get3A_795, %get3A_796] {strides = array<i32>} : memref<8x1280xf32, #tpu.memory_space<vmem>>, vector<1x16xf32>,
          %get3A_798 = vector.shape_cast %get3A_797 : vector<1x16xf32> to vector<16xf32>
          %jit3A_799 = arith.constant 0.000000e+00 : f32
          %broadcast_in_dim3A_800 = vector.broadcast %jit3A_799 : f32 to vector<16xf32>
          %select_n3A_801 = arith.select %and3A_226, %broadcast_in_dim3A_800, %get3A_798 : vector<16xi1>, vector<16xf32>
          %swap3A_802 = arith.index_cast %scan3A_662 : i32 to index
          %swap3A_803 = arith.index_cast %mul3A_219 : i32 to index
          %swap3A_804 = tpu.vector_load %arg7[%swap3A_802, %swap3A_803] {strides = array<i32>} : memref<8x1280xf32, #tpu.memory_space<vmem>>, vector<1x16xf32>,
          %swap3A_805 = vector.shape_cast %swap3A_804 : vector<1x16xf32> to vector<16xf32>
          %swap3A_806 = vector.shape_cast %select_n3A_801 : vector<16xf32> to vector<1x16xf32>
          tpu.vector_store %arg7[%swap3A_802, %swap3A_803], %swap3A_806 {strides = array<i32>} : memref<8x1280xf32, #tpu.memory_space<vmem>>, vector<1x16xf32>,
          %get3A_807 = arith.index_cast %scan3A_662 : i32 to index
          %get3A_808 = arith.index_cast %mul3A_232 : i32 to index
          %get3A_809 = tpu.vector_load %arg7[%get3A_807, %get3A_808] {strides = array<i32>} : memref<8x1280xf32, #tpu.memory_space<vmem>>, vector<1x16xf32>,
          %get3A_810 = vector.shape_cast %get3A_809 : vector<1x16xf32> to vector<16xf32>
          %jit3A_811 = arith.constant 0.000000e+00 : f32
          %broadcast_in_dim3A_812 = vector.broadcast %jit3A_811 : f32 to vector<16xf32>
          %select_n3A_813 = arith.select %and3A_239, %broadcast_in_dim3A_812, %get3A_810 : vector<16xi1>, vector<16xf32>
          %swap3A_814 = arith.index_cast %scan3A_662 : i32 to index
          %swap3A_815 = arith.index_cast %mul3A_232 : i32 to index
          %swap3A_816 = tpu.vector_load %arg7[%swap3A_814, %swap3A_815] {strides = array<i32>} : memref<8x1280xf32, #tpu.memory_space<vmem>>, vector<1x16xf32>,
          %swap3A_817 = vector.shape_cast %swap3A_816 : vector<1x16xf32> to vector<16xf32>
          %swap3A_818 = vector.shape_cast %select_n3A_813 : vector<16xf32> to vector<1x16xf32>
          tpu.vector_store %arg7[%swap3A_814, %swap3A_815], %swap3A_818 {strides = array<i32>} : memref<8x1280xf32, #tpu.memory_space<vmem>>, vector<1x16xf32>,
          %get3A_819 = arith.index_cast %scan3A_662 : i32 to index
          %get3A_820 = arith.index_cast %mul3A_245 : i32 to index
          %get3A_821 = tpu.vector_load %arg7[%get3A_819, %get3A_820] {strides = array<i32>} : memref<8x1280xf32, #tpu.memory_space<vmem>>, vector<1x16xf32>,
          %get3A_822 = vector.shape_cast %get3A_821 : vector<1x16xf32> to vector<16xf32>
          %jit3A_823 = arith.constant 0.000000e+00 : f32
          %broadcast_in_dim3A_824 = vector.broadcast %jit3A_823 : f32 to vector<16xf32>
          %select_n3A_825 = arith.select %and3A_252, %broadcast_in_dim3A_824, %get3A_822 : vector<16xi1>, vector<16xf32>
          %swap3A_826 = arith.index_cast %scan3A_662 : i32 to index
          %swap3A_827 = arith.index_cast %mul3A_245 : i32 to index
          %swap3A_828 = tpu.vector_load %arg7[%swap3A_826, %swap3A_827] {strides = array<i32>} : memref<8x1280xf32, #tpu.memory_space<vmem>>, vector<1x16xf32>,
          %swap3A_829 = vector.shape_cast %swap3A_828 : vector<1x16xf32> to vector<16xf32>
          %swap3A_830 = vector.shape_cast %select_n3A_825 : vector<16xf32> to vector<1x16xf32>
          tpu.vector_store %arg7[%swap3A_826, %swap3A_827], %swap3A_830 {strides = array<i32>} : memref<8x1280xf32, #tpu.memory_space<vmem>>, vector<1x16xf32>,
          %get3A_831 = arith.index_cast %scan3A_662 : i32 to index
          %get3A_832 = arith.index_cast %mul3A_258 : i32 to index
          %get3A_833 = tpu.vector_load %arg7[%get3A_831, %get3A_832] {strides = array<i32>} : memref<8x1280xf32, #tpu.memory_space<vmem>>, vector<1x16xf32>,
          %get3A_834 = vector.shape_cast %get3A_833 : vector<1x16xf32> to vector<16xf32>
          %jit3A_835 = arith.constant 0.000000e+00 : f32
          %broadcast_in_dim3A_836 = vector.broadcast %jit3A_835 : f32 to vector<16xf32>
          %select_n3A_837 = arith.select %and3A_265, %broadcast_in_dim3A_836, %get3A_834 : vector<16xi1>, vector<16xf32>
          %swap3A_838 = arith.index_cast %scan3A_662 : i32 to index
          %swap3A_839 = arith.index_cast %mul3A_258 : i32 to index
          %swap3A_840 = tpu.vector_load %arg7[%swap3A_838, %swap3A_839] {strides = array<i32>} : memref<8x1280xf32, #tpu.memory_space<vmem>>, vector<1x16xf32>,
          %swap3A_841 = vector.shape_cast %swap3A_840 : vector<1x16xf32> to vector<16xf32>
          %swap3A_842 = vector.shape_cast %select_n3A_837 : vector<16xf32> to vector<1x16xf32>
          tpu.vector_store %arg7[%swap3A_838, %swap3A_839], %swap3A_842 {strides = array<i32>} : memref<8x1280xf32, #tpu.memory_space<vmem>>, vector<1x16xf32>,
        } else {
        }
        %scan3A_675 = arith.constant 0 : i32
        scf.yield %scan3A_675 : i32
      }
      %scan3A_565 = arith.constant 8 : i32
      %mul3A_566 = arith.constant 8 : i32
      %mul3A_567 = arith.muli %add3A_524, %mul3A_566 : i32
      %add3A_568 = arith.addi %mul3A_32, %mul3A_567 : i32
      %dma_start3A_569 = arith.constant 768 : i32
      %dma_start3A_570 = tpu.memref_slice %arg4[%select_n3A, %add3A_568, %dma_start3A_569] : memref<8x2048x2048xf32, #tpu.memory_space<hbm>> -> memref<1x8x1280xf32, #tpu.memory_space<hbm>>
      %dma_start3A_571 = tpu.memref_squeeze %dma_start3A_570 : memref<1x8x1280xf32, #tpu.memory_space<hbm>> -> memref<8x1280xf32, #tpu.memory_space<hbm>>
      %dma_start3A_572 = arith.constant 768 : i32
      %dma_start3A_573 = tpu.memref_slice %arg4[%select_n3A, %add3A_568, %dma_start3A_572] : memref<8x2048x2048xf32, #tpu.memory_space<hbm>> -> memref<1x8x1280xf32, #tpu.memory_space<hbm>>
      %dma_start3A_574 = tpu.memref_squeeze %dma_start3A_573 : memref<1x8x1280xf32, #tpu.memory_space<hbm>> -> memref<8x1280xf32, #tpu.memory_space<hbm>>
      tpu.enqueue_dma source(%arg7 : memref<8x1280xf32, #tpu.memory_space<vmem>>) target(%dma_start3A_574 : memref<8x1280xf32, #tpu.memory_space<hbm>>) target_semaphore(%arg17 : memref<!tpu.dma_semaphore, #tpu.memory_space<semaphore_mem>>)
      %add3A_575 = arith.constant 3 : i32
      %add3A_576 = arith.addi %mul3A_418, %add3A_575 : i32
      %mul3A_577 = arith.constant 8 : i32
      %mul3A_578 = arith.muli %add3A_576, %mul3A_577 : i32
      %add3A_579 = arith.addi %mul3A_32, %mul3A_578 : i32
      %dma_wait3A_580 = arith.constant 3 : i32
      %dma_wait3A_581 = arith.constant 0 : i32
      %dma_wait3A_582 = arith.constant 0 : i32
      %dma_wait3A_583 = tpu.memref_slice %arg10[%arg1, %dma_wait3A_580, %dma_wait3A_581, %dma_wait3A_582] : memref<16x4x8x768xf32, #tpu.memory_space<vmem_shared>> -> memref<1x1x8x768xf32, #tpu.memory_space<vmem_shared>>
      %dma_wait3A_584 = tpu.memref_squeeze %dma_wait3A_583 : memref<1x1x8x768xf32, #tpu.memory_space<vmem_shared>> -> memref<8x768xf32, #tpu.memory_space<vmem_shared>>
      %dma_wait3A_585 = arith.constant 0 : i32
      %dma_wait3A_586 = tpu.memref_slice %arg2[%select_n3A, %add3A_579, %dma_wait3A_585] : memref<8x2048x2048xf32, #tpu.memory_space<hbm>> -> memref<1x8x768xf32, #tpu.memory_space<hbm>>
      %dma_wait3A_587 = tpu.memref_squeeze %dma_wait3A_586 : memref<1x8x768xf32, #tpu.memory_space<hbm>> -> memref<8x768xf32, #tpu.memory_space<hbm>>
      tpu.wait_dma2 semaphore(%arg22 : memref<!tpu.dma_semaphore, #tpu.memory_space<semaphore_mem>>) src(%dma_wait3A_587 : memref<8x768xf32, #tpu.memory_space<hbm>>) dst(%dma_wait3A_584 : memref<8x768xf32, #tpu.memory_space<vmem_shared>>)
      %mul3A_588 = arith.constant 8 : i32
      %mul3A_589 = arith.muli %add3A_576, %mul3A_588 : i32
      %add3A_590 = arith.addi %mul3A_32, %mul3A_589 : i32
      %dma_start3A_591 = arith.constant 3 : i32
      %dma_start3A_592 = arith.constant 0 : i32
      %dma_start3A_593 = tpu.memref_slice %arg4[%select_n3A, %add3A_590, %dma_start3A_592] : memref<8x2048x2048xf32, #tpu.memory_space<hbm>> -> memref<1x8x768xf32, #tpu.memory_space<hbm>>
      %dma_start3A_594 = tpu.memref_squeeze %dma_start3A_593 : memref<1x8x768xf32, #tpu.memory_space<hbm>> -> memref<8x768xf32, #tpu.memory_space<hbm>>
      %dma_start3A_595 = arith.constant 0 : i32
      %dma_start3A_596 = arith.constant 0 : i32
      %dma_start3A_597 = tpu.memref_slice %arg10[%arg1, %dma_start3A_591, %dma_start3A_595, %dma_start3A_596] : memref<16x4x8x768xf32, #tpu.memory_space<vmem_shared>> -> memref<1x1x8x768xf32, #tpu.memory_space<vmem_shared>>
      %dma_start3A_598 = tpu.memref_squeeze %dma_start3A_597 : memref<1x1x8x768xf32, #tpu.memory_space<vmem_shared>> -> memref<8x768xf32, #tpu.memory_space<vmem_shared>>
      tpu.enqueue_dma source(%dma_start3A_598 : memref<8x768xf32, #tpu.memory_space<vmem_shared>>) target(%dma_start3A_594 : memref<8x768xf32, #tpu.memory_space<hbm>>) target_semaphore(%arg26 : memref<!tpu.dma_semaphore, #tpu.memory_space<semaphore_mem>>)
      %mul3A_599 = arith.constant 8 : i32
      %mul3A_600 = arith.muli %add3A_576, %mul3A_599 : i32
      %add3A_601 = arith.addi %mul3A_32, %mul3A_600 : i32
      %dma_wait3A_602 = arith.constant 768 : i32
      %dma_wait3A_603 = tpu.memref_slice %arg2[%select_n3A, %add3A_601, %dma_wait3A_602] : memref<8x2048x2048xf32, #tpu.memory_space<hbm>> -> memref<1x8x1280xf32, #tpu.memory_space<hbm>>
      %dma_wait3A_604 = tpu.memref_squeeze %dma_wait3A_603 : memref<1x8x1280xf32, #tpu.memory_space<hbm>> -> memref<8x1280xf32, #tpu.memory_space<hbm>>
      %dma_wait3A_605 = arith.constant 768 : i32
      %dma_wait3A_606 = tpu.memref_slice %arg2[%select_n3A, %add3A_601, %dma_wait3A_605] : memref<8x2048x2048xf32, #tpu.memory_space<hbm>> -> memref<1x8x1280xf32, #tpu.memory_space<hbm>>
      %dma_wait3A_607 = tpu.memref_squeeze %dma_wait3A_606 : memref<1x8x1280xf32, #tpu.memory_space<hbm>> -> memref<8x1280xf32, #tpu.memory_space<hbm>>
      tpu.wait_dma2 semaphore(%arg14 : memref<!tpu.dma_semaphore, #tpu.memory_space<semaphore_mem>>) src(%dma_wait3A_607 : memref<8x1280xf32, #tpu.memory_space<hbm>>) dst(%arg8 : memref<8x1280xf32, #tpu.memory_space<vmem>>)
      %mul3A_608 = arith.constant 8 : i32
      %mul3A_609 = arith.muli %add3A_576, %mul3A_608 : i32
      %add3A_610 = arith.addi %mul3A_32, %mul3A_609 : i32
      %scan3A_611 = arith.constant 0 : i32
      %scan3A_612 = arith.constant 0 : i32
      %scan3A_613 = arith.constant 8 : i32
      %scan3A_614 = arith.addi %scan3A_612, %scan3A_613 : i32
      %scan3A_615 = arith.constant 1 : i32
      %scan3A_616 = scf.for %scan3A_662 = %scan3A_612 to %scan3A_614 step %scan3A_615 iter_args(%scan3A_663 = %scan3A_611) -> (i32)  : i32 {
        %add3A_664 = arith.addi %add3A_610, %scan3A_662 : i32
        %ge3A_665 = arith.cmpi sge, %add3A_664, %squeeze3A : i32
        %lt3A_666 = arith.cmpi slt, %add3A_664, %squeeze3A_43 : i32
        %and3A_667 = arith.andi %ge3A_665, %lt3A_666 : i1
        %convert_element_type3A_668 = arith.extui %and3A_667 : i1 to i32
        %cond3A_669 = arith.constant 0 : i32
        %cond3A_670 = arith.cmpi ne, %convert_element_type3A_668, %cond3A_669 : i32
        scf.if %cond3A_670 {
          %swap3A = arith.index_cast %scan3A_662 : i32 to index
          %swap3A_676 = arith.constant 0 : index
          %swap3A_677 = tpu.vector_load %arg8[%swap3A, %swap3A_676] {strides = array<i32>} : memref<8x1280xf32, #tpu.memory_space<vmem>>, vector<1x16xf32>,
          %swap3A_678 = vector.shape_cast %swap3A_677 : vector<1x16xf32> to vector<16xf32>
          %swap3A_679 = vector.shape_cast %broadcast_in_dim3A_266 : vector<16xf32> to vector<1x16xf32>
          tpu.vector_store %arg8[%swap3A, %swap3A_676], %swap3A_679 {strides = array<i32>} : memref<8x1280xf32, #tpu.memory_space<vmem>>, vector<1x16xf32>,
          %swap3A_680 = arith.index_cast %scan3A_662 : i32 to index
          %swap3A_681 = arith.constant 16 : index
          %swap3A_682 = tpu.vector_load %arg8[%swap3A_680, %swap3A_681] {strides = array<i32>} : memref<8x1280xf32, #tpu.memory_space<vmem>>, vector<1x16xf32>,
          %swap3A_683 = vector.shape_cast %swap3A_682 : vector<1x16xf32> to vector<16xf32>
          %swap3A_684 = vector.shape_cast %broadcast_in_dim3A_266 : vector<16xf32> to vector<1x16xf32>
          tpu.vector_store %arg8[%swap3A_680, %swap3A_681], %swap3A_684 {strides = array<i32>} : memref<8x1280xf32, #tpu.memory_space<vmem>>, vector<1x16xf32>,
          %swap3A_685 = arith.index_cast %scan3A_662 : i32 to index
          %swap3A_686 = arith.constant 32 : index
          %swap3A_687 = tpu.vector_load %arg8[%swap3A_685, %swap3A_686] {strides = array<i32>} : memref<8x1280xf32, #tpu.memory_space<vmem>>, vector<1x16xf32>,
          %swap3A_688 = vector.shape_cast %swap3A_687 : vector<1x16xf32> to vector<16xf32>
          %swap3A_689 = vector.shape_cast %broadcast_in_dim3A_266 : vector<16xf32> to vector<1x16xf32>
          tpu.vector_store %arg8[%swap3A_685, %swap3A_686], %swap3A_689 {strides = array<i32>} : memref<8x1280xf32, #tpu.memory_space<vmem>>, vector<1x16xf32>,
          %swap3A_690 = arith.index_cast %scan3A_662 : i32 to index
          %swap3A_691 = arith.constant 48 : index
          %swap3A_692 = tpu.vector_load %arg8[%swap3A_690, %swap3A_691] {strides = array<i32>} : memref<8x1280xf32, #tpu.memory_space<vmem>>, vector<1x16xf32>,
          %swap3A_693 = vector.shape_cast %swap3A_692 : vector<1x16xf32> to vector<16xf32>
          %swap3A_694 = vector.shape_cast %broadcast_in_dim3A_266 : vector<16xf32> to vector<1x16xf32>
          tpu.vector_store %arg8[%swap3A_690, %swap3A_691], %swap3A_694 {strides = array<i32>} : memref<8x1280xf32, #tpu.memory_space<vmem>>, vector<1x16xf32>,
          %swap3A_695 = arith.index_cast %scan3A_662 : i32 to index
          %swap3A_696 = arith.constant 64 : index
          %swap3A_697 = tpu.vector_load %arg8[%swap3A_695, %swap3A_696] {strides = array<i32>} : memref<8x1280xf32, #tpu.memory_space<vmem>>, vector<1x16xf32>,
          %swap3A_698 = vector.shape_cast %swap3A_697 : vector<1x16xf32> to vector<16xf32>
          %swap3A_699 = vector.shape_cast %broadcast_in_dim3A_266 : vector<16xf32> to vector<1x16xf32>
          tpu.vector_store %arg8[%swap3A_695, %swap3A_696], %swap3A_699 {strides = array<i32>} : memref<8x1280xf32, #tpu.memory_space<vmem>>, vector<1x16xf32>,
          %swap3A_700 = arith.index_cast %scan3A_662 : i32 to index
          %swap3A_701 = arith.constant 80 : index
          %swap3A_702 = tpu.vector_load %arg8[%swap3A_700, %swap3A_701] {strides = array<i32>} : memref<8x1280xf32, #tpu.memory_space<vmem>>, vector<1x16xf32>,
          %swap3A_703 = vector.shape_cast %swap3A_702 : vector<1x16xf32> to vector<16xf32>
          %swap3A_704 = vector.shape_cast %broadcast_in_dim3A_266 : vector<16xf32> to vector<1x16xf32>
          tpu.vector_store %arg8[%swap3A_700, %swap3A_701], %swap3A_704 {strides = array<i32>} : memref<8x1280xf32, #tpu.memory_space<vmem>>, vector<1x16xf32>,
          %swap3A_705 = arith.index_cast %scan3A_662 : i32 to index
          %swap3A_706 = arith.constant 96 : index
          %swap3A_707 = tpu.vector_load %arg8[%swap3A_705, %swap3A_706] {strides = array<i32>} : memref<8x1280xf32, #tpu.memory_space<vmem>>, vector<1x16xf32>,
          %swap3A_708 = vector.shape_cast %swap3A_707 : vector<1x16xf32> to vector<16xf32>
          %swap3A_709 = vector.shape_cast %broadcast_in_dim3A_266 : vector<16xf32> to vector<1x16xf32>
          tpu.vector_store %arg8[%swap3A_705, %swap3A_706], %swap3A_709 {strides = array<i32>} : memref<8x1280xf32, #tpu.memory_space<vmem>>, vector<1x16xf32>,
          %swap3A_710 = arith.index_cast %scan3A_662 : i32 to index
          %swap3A_711 = arith.constant 112 : index
          %swap3A_712 = tpu.vector_load %arg8[%swap3A_710, %swap3A_711] {strides = array<i32>} : memref<8x1280xf32, #tpu.memory_space<vmem>>, vector<1x16xf32>,
          %swap3A_713 = vector.shape_cast %swap3A_712 : vector<1x16xf32> to vector<16xf32>
          %swap3A_714 = vector.shape_cast %broadcast_in_dim3A_266 : vector<16xf32> to vector<1x16xf32>
          tpu.vector_store %arg8[%swap3A_710, %swap3A_711], %swap3A_714 {strides = array<i32>} : memref<8x1280xf32, #tpu.memory_space<vmem>>, vector<1x16xf32>,
          %swap3A_715 = arith.index_cast %scan3A_662 : i32 to index
          %swap3A_716 = arith.constant 128 : index
          %swap3A_717 = tpu.vector_load %arg8[%swap3A_715, %swap3A_716] {strides = array<i32>} : memref<8x1280xf32, #tpu.memory_space<vmem>>, vector<1x16xf32>,
          %swap3A_718 = vector.shape_cast %swap3A_717 : vector<1x16xf32> to vector<16xf32>
          %swap3A_719 = vector.shape_cast %broadcast_in_dim3A_266 : vector<16xf32> to vector<1x16xf32>
          tpu.vector_store %arg8[%swap3A_715, %swap3A_716], %swap3A_719 {strides = array<i32>} : memref<8x1280xf32, #tpu.memory_space<vmem>>, vector<1x16xf32>,
          %swap3A_720 = arith.index_cast %scan3A_662 : i32 to index
          %swap3A_721 = arith.constant 144 : index
          %swap3A_722 = tpu.vector_load %arg8[%swap3A_720, %swap3A_721] {strides = array<i32>} : memref<8x1280xf32, #tpu.memory_space<vmem>>, vector<1x16xf32>,
          %swap3A_723 = vector.shape_cast %swap3A_722 : vector<1x16xf32> to vector<16xf32>
          %swap3A_724 = vector.shape_cast %broadcast_in_dim3A_266 : vector<16xf32> to vector<1x16xf32>
          tpu.vector_store %arg8[%swap3A_720, %swap3A_721], %swap3A_724 {strides = array<i32>} : memref<8x1280xf32, #tpu.memory_space<vmem>>, vector<1x16xf32>,
          %swap3A_725 = arith.index_cast %scan3A_662 : i32 to index
          %swap3A_726 = arith.constant 160 : index
          %swap3A_727 = tpu.vector_load %arg8[%swap3A_725, %swap3A_726] {strides = array<i32>} : memref<8x1280xf32, #tpu.memory_space<vmem>>, vector<1x16xf32>,
          %swap3A_728 = vector.shape_cast %swap3A_727 : vector<1x16xf32> to vector<16xf32>
          %swap3A_729 = vector.shape_cast %broadcast_in_dim3A_266 : vector<16xf32> to vector<1x16xf32>
          tpu.vector_store %arg8[%swap3A_725, %swap3A_726], %swap3A_729 {strides = array<i32>} : memref<8x1280xf32, #tpu.memory_space<vmem>>, vector<1x16xf32>,
          %swap3A_730 = arith.index_cast %scan3A_662 : i32 to index
          %swap3A_731 = arith.constant 176 : index
          %swap3A_732 = tpu.vector_load %arg8[%swap3A_730, %swap3A_731] {strides = array<i32>} : memref<8x1280xf32, #tpu.memory_space<vmem>>, vector<1x16xf32>,
          %swap3A_733 = vector.shape_cast %swap3A_732 : vector<1x16xf32> to vector<16xf32>
          %swap3A_734 = vector.shape_cast %broadcast_in_dim3A_266 : vector<16xf32> to vector<1x16xf32>
          tpu.vector_store %arg8[%swap3A_730, %swap3A_731], %swap3A_734 {strides = array<i32>} : memref<8x1280xf32, #tpu.memory_space<vmem>>, vector<1x16xf32>,
          %swap3A_735 = arith.index_cast %scan3A_662 : i32 to index
          %swap3A_736 = arith.constant 192 : index
          %swap3A_737 = tpu.vector_load %arg8[%swap3A_735, %swap3A_736] {strides = array<i32>} : memref<8x1280xf32, #tpu.memory_space<vmem>>, vector<1x16xf32>,
          %swap3A_738 = vector.shape_cast %swap3A_737 : vector<1x16xf32> to vector<16xf32>
          %swap3A_739 = vector.shape_cast %broadcast_in_dim3A_266 : vector<16xf32> to vector<1x16xf32>
          tpu.vector_store %arg8[%swap3A_735, %swap3A_736], %swap3A_739 {strides = array<i32>} : memref<8x1280xf32, #tpu.memory_space<vmem>>, vector<1x16xf32>,
          %swap3A_740 = arith.index_cast %scan3A_662 : i32 to index
          %swap3A_741 = arith.constant 208 : index
          %swap3A_742 = tpu.vector_load %arg8[%swap3A_740, %swap3A_741] {strides = array<i32>} : memref<8x1280xf32, #tpu.memory_space<vmem>>, vector<1x16xf32>,
          %swap3A_743 = vector.shape_cast %swap3A_742 : vector<1x16xf32> to vector<16xf32>
          %swap3A_744 = vector.shape_cast %broadcast_in_dim3A_266 : vector<16xf32> to vector<1x16xf32>
          tpu.vector_store %arg8[%swap3A_740, %swap3A_741], %swap3A_744 {strides = array<i32>} : memref<8x1280xf32, #tpu.memory_space<vmem>>, vector<1x16xf32>,
          %swap3A_745 = arith.index_cast %scan3A_662 : i32 to index
          %swap3A_746 = arith.constant 224 : index
          %swap3A_747 = tpu.vector_load %arg8[%swap3A_745, %swap3A_746] {strides = array<i32>} : memref<8x1280xf32, #tpu.memory_space<vmem>>, vector<1x16xf32>,
          %swap3A_748 = vector.shape_cast %swap3A_747 : vector<1x16xf32> to vector<16xf32>
          %swap3A_749 = vector.shape_cast %broadcast_in_dim3A_266 : vector<16xf32> to vector<1x16xf32>
          tpu.vector_store %arg8[%swap3A_745, %swap3A_746], %swap3A_749 {strides = array<i32>} : memref<8x1280xf32, #tpu.memory_space<vmem>>, vector<1x16xf32>,
          %swap3A_750 = arith.index_cast %scan3A_662 : i32 to index
          %swap3A_751 = arith.constant 240 : index
          %swap3A_752 = tpu.vector_load %arg8[%swap3A_750, %swap3A_751] {strides = array<i32>} : memref<8x1280xf32, #tpu.memory_space<vmem>>, vector<1x16xf32>,
          %swap3A_753 = vector.shape_cast %swap3A_752 : vector<1x16xf32> to vector<16xf32>
          %swap3A_754 = vector.shape_cast %broadcast_in_dim3A_266 : vector<16xf32> to vector<1x16xf32>
          tpu.vector_store %arg8[%swap3A_750, %swap3A_751], %swap3A_754 {strides = array<i32>} : memref<8x1280xf32, #tpu.memory_space<vmem>>, vector<1x16xf32>,
          %swap3A_755 = arith.index_cast %scan3A_662 : i32 to index
          %swap3A_756 = arith.constant 256 : index
          %swap3A_757 = tpu.vector_load %arg8[%swap3A_755, %swap3A_756] {strides = array<i32>} : memref<8x1280xf32, #tpu.memory_space<vmem>>, vector<1x16xf32>,
          %swap3A_758 = vector.shape_cast %swap3A_757 : vector<1x16xf32> to vector<16xf32>
          %swap3A_759 = vector.shape_cast %broadcast_in_dim3A_266 : vector<16xf32> to vector<1x16xf32>
          tpu.vector_store %arg8[%swap3A_755, %swap3A_756], %swap3A_759 {strides = array<i32>} : memref<8x1280xf32, #tpu.memory_space<vmem>>, vector<1x16xf32>,
          %swap3A_760 = arith.index_cast %scan3A_662 : i32 to index
          %swap3A_761 = arith.constant 272 : index
          %swap3A_762 = tpu.vector_load %arg8[%swap3A_760, %swap3A_761] {strides = array<i32>} : memref<8x1280xf32, #tpu.memory_space<vmem>>, vector<1x16xf32>,
          %swap3A_763 = vector.shape_cast %swap3A_762 : vector<1x16xf32> to vector<16xf32>
          %swap3A_764 = vector.shape_cast %broadcast_in_dim3A_266 : vector<16xf32> to vector<1x16xf32>
          tpu.vector_store %arg8[%swap3A_760, %swap3A_761], %swap3A_764 {strides = array<i32>} : memref<8x1280xf32, #tpu.memory_space<vmem>>, vector<1x16xf32>,
          %swap3A_765 = arith.index_cast %scan3A_662 : i32 to index
          %swap3A_766 = arith.constant 288 : index
          %swap3A_767 = tpu.vector_load %arg8[%swap3A_765, %swap3A_766] {strides = array<i32>} : memref<8x1280xf32, #tpu.memory_space<vmem>>, vector<1x16xf32>,
          %swap3A_768 = vector.shape_cast %swap3A_767 : vector<1x16xf32> to vector<16xf32>
          %swap3A_769 = vector.shape_cast %broadcast_in_dim3A_266 : vector<16xf32> to vector<1x16xf32>
          tpu.vector_store %arg8[%swap3A_765, %swap3A_766], %swap3A_769 {strides = array<i32>} : memref<8x1280xf32, #tpu.memory_space<vmem>>, vector<1x16xf32>,
          %swap3A_770 = arith.index_cast %scan3A_662 : i32 to index
          %swap3A_771 = arith.constant 304 : index
          %swap3A_772 = tpu.vector_load %arg8[%swap3A_770, %swap3A_771] {strides = array<i32>} : memref<8x1280xf32, #tpu.memory_space<vmem>>, vector<1x16xf32>,
          %swap3A_773 = vector.shape_cast %swap3A_772 : vector<1x16xf32> to vector<16xf32>
          %swap3A_774 = vector.shape_cast %broadcast_in_dim3A_266 : vector<16xf32> to vector<1x16xf32>
          tpu.vector_store %arg8[%swap3A_770, %swap3A_771], %swap3A_774 {strides = array<i32>} : memref<8x1280xf32, #tpu.memory_space<vmem>>, vector<1x16xf32>,
          %swap3A_775 = arith.index_cast %scan3A_662 : i32 to index
          %swap3A_776 = arith.constant 320 : index
          %swap3A_777 = tpu.vector_load %arg8[%swap3A_775, %swap3A_776] {strides = array<i32>} : memref<8x1280xf32, #tpu.memory_space<vmem>>, vector<1x16xf32>,
          %swap3A_778 = vector.shape_cast %swap3A_777 : vector<1x16xf32> to vector<16xf32>
          %swap3A_779 = vector.shape_cast %broadcast_in_dim3A_266 : vector<16xf32> to vector<1x16xf32>
          tpu.vector_store %arg8[%swap3A_775, %swap3A_776], %swap3A_779 {strides = array<i32>} : memref<8x1280xf32, #tpu.memory_space<vmem>>, vector<1x16xf32>,
          %swap3A_780 = arith.index_cast %scan3A_662 : i32 to index
          %swap3A_781 = arith.constant 336 : index
          %swap3A_782 = tpu.vector_load %arg8[%swap3A_780, %swap3A_781] {strides = array<i32>} : memref<8x1280xf32, #tpu.memory_space<vmem>>, vector<1x16xf32>,
          %swap3A_783 = vector.shape_cast %swap3A_782 : vector<1x16xf32> to vector<16xf32>
          %swap3A_784 = vector.shape_cast %broadcast_in_dim3A_266 : vector<16xf32> to vector<1x16xf32>
          tpu.vector_store %arg8[%swap3A_780, %swap3A_781], %swap3A_784 {strides = array<i32>} : memref<8x1280xf32, #tpu.memory_space<vmem>>, vector<1x16xf32>,
          %swap3A_785 = arith.index_cast %scan3A_662 : i32 to index
          %swap3A_786 = arith.constant 352 : index
          %swap3A_787 = tpu.vector_load %arg8[%swap3A_785, %swap3A_786] {strides = array<i32>} : memref<8x1280xf32, #tpu.memory_space<vmem>>, vector<1x16xf32>,
          %swap3A_788 = vector.shape_cast %swap3A_787 : vector<1x16xf32> to vector<16xf32>
          %swap3A_789 = vector.shape_cast %broadcast_in_dim3A_266 : vector<16xf32> to vector<1x16xf32>
          tpu.vector_store %arg8[%swap3A_785, %swap3A_786], %swap3A_789 {strides = array<i32>} : memref<8x1280xf32, #tpu.memory_space<vmem>>, vector<1x16xf32>,
          %swap3A_790 = arith.index_cast %scan3A_662 : i32 to index
          %swap3A_791 = arith.constant 368 : index
          %swap3A_792 = tpu.vector_load %arg8[%swap3A_790, %swap3A_791] {strides = array<i32>} : memref<8x1280xf32, #tpu.memory_space<vmem>>, vector<1x16xf32>,
          %swap3A_793 = vector.shape_cast %swap3A_792 : vector<1x16xf32> to vector<16xf32>
          %swap3A_794 = vector.shape_cast %broadcast_in_dim3A_266 : vector<16xf32> to vector<1x16xf32>
          tpu.vector_store %arg8[%swap3A_790, %swap3A_791], %swap3A_794 {strides = array<i32>} : memref<8x1280xf32, #tpu.memory_space<vmem>>, vector<1x16xf32>,
          %swap3A_795 = arith.index_cast %scan3A_662 : i32 to index
          %swap3A_796 = arith.constant 384 : index
          %swap3A_797 = tpu.vector_load %arg8[%swap3A_795, %swap3A_796] {strides = array<i32>} : memref<8x1280xf32, #tpu.memory_space<vmem>>, vector<1x16xf32>,
          %swap3A_798 = vector.shape_cast %swap3A_797 : vector<1x16xf32> to vector<16xf32>
          %swap3A_799 = vector.shape_cast %broadcast_in_dim3A_266 : vector<16xf32> to vector<1x16xf32>
          tpu.vector_store %arg8[%swap3A_795, %swap3A_796], %swap3A_799 {strides = array<i32>} : memref<8x1280xf32, #tpu.memory_space<vmem>>, vector<1x16xf32>,
          %swap3A_800 = arith.index_cast %scan3A_662 : i32 to index
          %swap3A_801 = arith.constant 400 : index
          %swap3A_802 = tpu.vector_load %arg8[%swap3A_800, %swap3A_801] {strides = array<i32>} : memref<8x1280xf32, #tpu.memory_space<vmem>>, vector<1x16xf32>,
          %swap3A_803 = vector.shape_cast %swap3A_802 : vector<1x16xf32> to vector<16xf32>
          %swap3A_804 = vector.shape_cast %broadcast_in_dim3A_266 : vector<16xf32> to vector<1x16xf32>
          tpu.vector_store %arg8[%swap3A_800, %swap3A_801], %swap3A_804 {strides = array<i32>} : memref<8x1280xf32, #tpu.memory_space<vmem>>, vector<1x16xf32>,
          %swap3A_805 = arith.index_cast %scan3A_662 : i32 to index
          %swap3A_806 = arith.constant 416 : index
          %swap3A_807 = tpu.vector_load %arg8[%swap3A_805, %swap3A_806] {strides = array<i32>} : memref<8x1280xf32, #tpu.memory_space<vmem>>, vector<1x16xf32>,
          %swap3A_808 = vector.shape_cast %swap3A_807 : vector<1x16xf32> to vector<16xf32>
          %swap3A_809 = vector.shape_cast %broadcast_in_dim3A_266 : vector<16xf32> to vector<1x16xf32>
          tpu.vector_store %arg8[%swap3A_805, %swap3A_806], %swap3A_809 {strides = array<i32>} : memref<8x1280xf32, #tpu.memory_space<vmem>>, vector<1x16xf32>,
          %swap3A_810 = arith.index_cast %scan3A_662 : i32 to index
          %swap3A_811 = arith.constant 432 : index
          %swap3A_812 = tpu.vector_load %arg8[%swap3A_810, %swap3A_811] {strides = array<i32>} : memref<8x1280xf32, #tpu.memory_space<vmem>>, vector<1x16xf32>,
          %swap3A_813 = vector.shape_cast %swap3A_812 : vector<1x16xf32> to vector<16xf32>
          %swap3A_814 = vector.shape_cast %broadcast_in_dim3A_266 : vector<16xf32> to vector<1x16xf32>
          tpu.vector_store %arg8[%swap3A_810, %swap3A_811], %swap3A_814 {strides = array<i32>} : memref<8x1280xf32, #tpu.memory_space<vmem>>, vector<1x16xf32>,
          %swap3A_815 = arith.index_cast %scan3A_662 : i32 to index
          %swap3A_816 = arith.constant 448 : index
          %swap3A_817 = tpu.vector_load %arg8[%swap3A_815, %swap3A_816] {strides = array<i32>} : memref<8x1280xf32, #tpu.memory_space<vmem>>, vector<1x16xf32>,
          %swap3A_818 = vector.shape_cast %swap3A_817 : vector<1x16xf32> to vector<16xf32>
          %swap3A_819 = vector.shape_cast %broadcast_in_dim3A_266 : vector<16xf32> to vector<1x16xf32>
          tpu.vector_store %arg8[%swap3A_815, %swap3A_816], %swap3A_819 {strides = array<i32>} : memref<8x1280xf32, #tpu.memory_space<vmem>>, vector<1x16xf32>,
          %swap3A_820 = arith.index_cast %scan3A_662 : i32 to index
          %swap3A_821 = arith.constant 464 : index
          %swap3A_822 = tpu.vector_load %arg8[%swap3A_820, %swap3A_821] {strides = array<i32>} : memref<8x1280xf32, #tpu.memory_space<vmem>>, vector<1x16xf32>,
          %swap3A_823 = vector.shape_cast %swap3A_822 : vector<1x16xf32> to vector<16xf32>
          %swap3A_824 = vector.shape_cast %broadcast_in_dim3A_266 : vector<16xf32> to vector<1x16xf32>
          tpu.vector_store %arg8[%swap3A_820, %swap3A_821], %swap3A_824 {strides = array<i32>} : memref<8x1280xf32, #tpu.memory_space<vmem>>, vector<1x16xf32>,
          %swap3A_825 = arith.index_cast %scan3A_662 : i32 to index
          %swap3A_826 = arith.constant 480 : index
          %swap3A_827 = tpu.vector_load %arg8[%swap3A_825, %swap3A_826] {strides = array<i32>} : memref<8x1280xf32, #tpu.memory_space<vmem>>, vector<1x16xf32>,
          %swap3A_828 = vector.shape_cast %swap3A_827 : vector<1x16xf32> to vector<16xf32>
          %swap3A_829 = vector.shape_cast %broadcast_in_dim3A_266 : vector<16xf32> to vector<1x16xf32>
          tpu.vector_store %arg8[%swap3A_825, %swap3A_826], %swap3A_829 {strides = array<i32>} : memref<8x1280xf32, #tpu.memory_space<vmem>>, vector<1x16xf32>,
          %swap3A_830 = arith.index_cast %scan3A_662 : i32 to index
          %swap3A_831 = arith.constant 496 : index
          %swap3A_832 = tpu.vector_load %arg8[%swap3A_830, %swap3A_831] {strides = array<i32>} : memref<8x1280xf32, #tpu.memory_space<vmem>>, vector<1x16xf32>,
          %swap3A_833 = vector.shape_cast %swap3A_832 : vector<1x16xf32> to vector<16xf32>
          %swap3A_834 = vector.shape_cast %broadcast_in_dim3A_266 : vector<16xf32> to vector<1x16xf32>
          tpu.vector_store %arg8[%swap3A_830, %swap3A_831], %swap3A_834 {strides = array<i32>} : memref<8x1280xf32, #tpu.memory_space<vmem>>, vector<1x16xf32>,
          %swap3A_835 = arith.index_cast %scan3A_662 : i32 to index
          %swap3A_836 = arith.constant 512 : index
          %swap3A_837 = tpu.vector_load %arg8[%swap3A_835, %swap3A_836] {strides = array<i32>} : memref<8x1280xf32, #tpu.memory_space<vmem>>, vector<1x16xf32>,
          %swap3A_838 = vector.shape_cast %swap3A_837 : vector<1x16xf32> to vector<16xf32>
          %swap3A_839 = vector.shape_cast %broadcast_in_dim3A_266 : vector<16xf32> to vector<1x16xf32>
          tpu.vector_store %arg8[%swap3A_835, %swap3A_836], %swap3A_839 {strides = array<i32>} : memref<8x1280xf32, #tpu.memory_space<vmem>>, vector<1x16xf32>,
          %swap3A_840 = arith.index_cast %scan3A_662 : i32 to index
          %swap3A_841 = arith.constant 528 : index
          %swap3A_842 = tpu.vector_load %arg8[%swap3A_840, %swap3A_841] {strides = array<i32>} : memref<8x1280xf32, #tpu.memory_space<vmem>>, vector<1x16xf32>,
          %swap3A_843 = vector.shape_cast %swap3A_842 : vector<1x16xf32> to vector<16xf32>
          %swap3A_844 = vector.shape_cast %broadcast_in_dim3A_266 : vector<16xf32> to vector<1x16xf32>
          tpu.vector_store %arg8[%swap3A_840, %swap3A_841], %swap3A_844 {strides = array<i32>} : memref<8x1280xf32, #tpu.memory_space<vmem>>, vector<1x16xf32>,
          %swap3A_845 = arith.index_cast %scan3A_662 : i32 to index
          %swap3A_846 = arith.constant 544 : index
          %swap3A_847 = tpu.vector_load %arg8[%swap3A_845, %swap3A_846] {strides = array<i32>} : memref<8x1280xf32, #tpu.memory_space<vmem>>, vector<1x16xf32>,
          %swap3A_848 = vector.shape_cast %swap3A_847 : vector<1x16xf32> to vector<16xf32>
          %swap3A_849 = vector.shape_cast %broadcast_in_dim3A_266 : vector<16xf32> to vector<1x16xf32>
          tpu.vector_store %arg8[%swap3A_845, %swap3A_846], %swap3A_849 {strides = array<i32>} : memref<8x1280xf32, #tpu.memory_space<vmem>>, vector<1x16xf32>,
          %swap3A_850 = arith.index_cast %scan3A_662 : i32 to index
          %swap3A_851 = arith.constant 560 : index
          %swap3A_852 = tpu.vector_load %arg8[%swap3A_850, %swap3A_851] {strides = array<i32>} : memref<8x1280xf32, #tpu.memory_space<vmem>>, vector<1x16xf32>,
          %swap3A_853 = vector.shape_cast %swap3A_852 : vector<1x16xf32> to vector<16xf32>
          %swap3A_854 = vector.shape_cast %broadcast_in_dim3A_266 : vector<16xf32> to vector<1x16xf32>
          tpu.vector_store %arg8[%swap3A_850, %swap3A_851], %swap3A_854 {strides = array<i32>} : memref<8x1280xf32, #tpu.memory_space<vmem>>, vector<1x16xf32>,
          %swap3A_855 = arith.index_cast %scan3A_662 : i32 to index
          %swap3A_856 = arith.constant 576 : index
          %swap3A_857 = tpu.vector_load %arg8[%swap3A_855, %swap3A_856] {strides = array<i32>} : memref<8x1280xf32, #tpu.memory_space<vmem>>, vector<1x16xf32>,
          %swap3A_858 = vector.shape_cast %swap3A_857 : vector<1x16xf32> to vector<16xf32>
          %swap3A_859 = vector.shape_cast %broadcast_in_dim3A_266 : vector<16xf32> to vector<1x16xf32>
          tpu.vector_store %arg8[%swap3A_855, %swap3A_856], %swap3A_859 {strides = array<i32>} : memref<8x1280xf32, #tpu.memory_space<vmem>>, vector<1x16xf32>,
          %swap3A_860 = arith.index_cast %scan3A_662 : i32 to index
          %swap3A_861 = arith.constant 592 : index
          %swap3A_862 = tpu.vector_load %arg8[%swap3A_860, %swap3A_861] {strides = array<i32>} : memref<8x1280xf32, #tpu.memory_space<vmem>>, vector<1x16xf32>,
          %swap3A_863 = vector.shape_cast %swap3A_862 : vector<1x16xf32> to vector<16xf32>
          %swap3A_864 = vector.shape_cast %broadcast_in_dim3A_266 : vector<16xf32> to vector<1x16xf32>
          tpu.vector_store %arg8[%swap3A_860, %swap3A_861], %swap3A_864 {strides = array<i32>} : memref<8x1280xf32, #tpu.memory_space<vmem>>, vector<1x16xf32>,
          %swap3A_865 = arith.index_cast %scan3A_662 : i32 to index
          %swap3A_866 = arith.constant 608 : index
          %swap3A_867 = tpu.vector_load %arg8[%swap3A_865, %swap3A_866] {strides = array<i32>} : memref<8x1280xf32, #tpu.memory_space<vmem>>, vector<1x16xf32>,
          %swap3A_868 = vector.shape_cast %swap3A_867 : vector<1x16xf32> to vector<16xf32>
          %swap3A_869 = vector.shape_cast %broadcast_in_dim3A_266 : vector<16xf32> to vector<1x16xf32>
          tpu.vector_store %arg8[%swap3A_865, %swap3A_866], %swap3A_869 {strides = array<i32>} : memref<8x1280xf32, #tpu.memory_space<vmem>>, vector<1x16xf32>,
          %swap3A_870 = arith.index_cast %scan3A_662 : i32 to index
          %swap3A_871 = arith.constant 624 : index
          %swap3A_872 = tpu.vector_load %arg8[%swap3A_870, %swap3A_871] {strides = array<i32>} : memref<8x1280xf32, #tpu.memory_space<vmem>>, vector<1x16xf32>,
          %swap3A_873 = vector.shape_cast %swap3A_872 : vector<1x16xf32> to vector<16xf32>
          %swap3A_874 = vector.shape_cast %broadcast_in_dim3A_266 : vector<16xf32> to vector<1x16xf32>
          tpu.vector_store %arg8[%swap3A_870, %swap3A_871], %swap3A_874 {strides = array<i32>} : memref<8x1280xf32, #tpu.memory_space<vmem>>, vector<1x16xf32>,
          %swap3A_875 = arith.index_cast %scan3A_662 : i32 to index
          %swap3A_876 = arith.constant 640 : index
          %swap3A_877 = tpu.vector_load %arg8[%swap3A_875, %swap3A_876] {strides = array<i32>} : memref<8x1280xf32, #tpu.memory_space<vmem>>, vector<1x16xf32>,
          %swap3A_878 = vector.shape_cast %swap3A_877 : vector<1x16xf32> to vector<16xf32>
          %swap3A_879 = vector.shape_cast %broadcast_in_dim3A_266 : vector<16xf32> to vector<1x16xf32>
          tpu.vector_store %arg8[%swap3A_875, %swap3A_876], %swap3A_879 {strides = array<i32>} : memref<8x1280xf32, #tpu.memory_space<vmem>>, vector<1x16xf32>,
          %swap3A_880 = arith.index_cast %scan3A_662 : i32 to index
          %swap3A_881 = arith.constant 656 : index
          %swap3A_882 = tpu.vector_load %arg8[%swap3A_880, %swap3A_881] {strides = array<i32>} : memref<8x1280xf32, #tpu.memory_space<vmem>>, vector<1x16xf32>,
          %swap3A_883 = vector.shape_cast %swap3A_882 : vector<1x16xf32> to vector<16xf32>
          %swap3A_884 = vector.shape_cast %broadcast_in_dim3A_266 : vector<16xf32> to vector<1x16xf32>
          tpu.vector_store %arg8[%swap3A_880, %swap3A_881], %swap3A_884 {strides = array<i32>} : memref<8x1280xf32, #tpu.memory_space<vmem>>, vector<1x16xf32>,
          %swap3A_885 = arith.index_cast %scan3A_662 : i32 to index
          %swap3A_886 = arith.constant 672 : index
          %swap3A_887 = tpu.vector_load %arg8[%swap3A_885, %swap3A_886] {strides = array<i32>} : memref<8x1280xf32, #tpu.memory_space<vmem>>, vector<1x16xf32>,
          %swap3A_888 = vector.shape_cast %swap3A_887 : vector<1x16xf32> to vector<16xf32>
          %swap3A_889 = vector.shape_cast %broadcast_in_dim3A_266 : vector<16xf32> to vector<1x16xf32>
          tpu.vector_store %arg8[%swap3A_885, %swap3A_886], %swap3A_889 {strides = array<i32>} : memref<8x1280xf32, #tpu.memory_space<vmem>>, vector<1x16xf32>,
          %swap3A_890 = arith.index_cast %scan3A_662 : i32 to index
          %swap3A_891 = arith.constant 688 : index
          %swap3A_892 = tpu.vector_load %arg8[%swap3A_890, %swap3A_891] {strides = array<i32>} : memref<8x1280xf32, #tpu.memory_space<vmem>>, vector<1x16xf32>,
          %swap3A_893 = vector.shape_cast %swap3A_892 : vector<1x16xf32> to vector<16xf32>
          %swap3A_894 = vector.shape_cast %broadcast_in_dim3A_266 : vector<16xf32> to vector<1x16xf32>
          tpu.vector_store %arg8[%swap3A_890, %swap3A_891], %swap3A_894 {strides = array<i32>} : memref<8x1280xf32, #tpu.memory_space<vmem>>, vector<1x16xf32>,
          %swap3A_895 = arith.index_cast %scan3A_662 : i32 to index
          %swap3A_896 = arith.constant 704 : index
          %swap3A_897 = tpu.vector_load %arg8[%swap3A_895, %swap3A_896] {strides = array<i32>} : memref<8x1280xf32, #tpu.memory_space<vmem>>, vector<1x16xf32>,
          %swap3A_898 = vector.shape_cast %swap3A_897 : vector<1x16xf32> to vector<16xf32>
          %swap3A_899 = vector.shape_cast %broadcast_in_dim3A_266 : vector<16xf32> to vector<1x16xf32>
          tpu.vector_store %arg8[%swap3A_895, %swap3A_896], %swap3A_899 {strides = array<i32>} : memref<8x1280xf32, #tpu.memory_space<vmem>>, vector<1x16xf32>,
          %swap3A_900 = arith.index_cast %scan3A_662 : i32 to index
          %swap3A_901 = arith.constant 720 : index
          %swap3A_902 = tpu.vector_load %arg8[%swap3A_900, %swap3A_901] {strides = array<i32>} : memref<8x1280xf32, #tpu.memory_space<vmem>>, vector<1x16xf32>,
          %swap3A_903 = vector.shape_cast %swap3A_902 : vector<1x16xf32> to vector<16xf32>
          %swap3A_904 = vector.shape_cast %broadcast_in_dim3A_266 : vector<16xf32> to vector<1x16xf32>
          tpu.vector_store %arg8[%swap3A_900, %swap3A_901], %swap3A_904 {strides = array<i32>} : memref<8x1280xf32, #tpu.memory_space<vmem>>, vector<1x16xf32>,
          %swap3A_905 = arith.index_cast %scan3A_662 : i32 to index
          %swap3A_906 = arith.constant 736 : index
          %swap3A_907 = tpu.vector_load %arg8[%swap3A_905, %swap3A_906] {strides = array<i32>} : memref<8x1280xf32, #tpu.memory_space<vmem>>, vector<1x16xf32>,
          %swap3A_908 = vector.shape_cast %swap3A_907 : vector<1x16xf32> to vector<16xf32>
          %swap3A_909 = vector.shape_cast %broadcast_in_dim3A_266 : vector<16xf32> to vector<1x16xf32>
          tpu.vector_store %arg8[%swap3A_905, %swap3A_906], %swap3A_909 {strides = array<i32>} : memref<8x1280xf32, #tpu.memory_space<vmem>>, vector<1x16xf32>,
          %swap3A_910 = arith.index_cast %scan3A_662 : i32 to index
          %swap3A_911 = arith.constant 752 : index
          %swap3A_912 = tpu.vector_load %arg8[%swap3A_910, %swap3A_911] {strides = array<i32>} : memref<8x1280xf32, #tpu.memory_space<vmem>>, vector<1x16xf32>,
          %swap3A_913 = vector.shape_cast %swap3A_912 : vector<1x16xf32> to vector<16xf32>
          %swap3A_914 = vector.shape_cast %broadcast_in_dim3A_266 : vector<16xf32> to vector<1x16xf32>
          tpu.vector_store %arg8[%swap3A_910, %swap3A_911], %swap3A_914 {strides = array<i32>} : memref<8x1280xf32, #tpu.memory_space<vmem>>, vector<1x16xf32>,
          %swap3A_915 = arith.index_cast %scan3A_662 : i32 to index
          %swap3A_916 = arith.constant 768 : index
          %swap3A_917 = tpu.vector_load %arg8[%swap3A_915, %swap3A_916] {strides = array<i32>} : memref<8x1280xf32, #tpu.memory_space<vmem>>, vector<1x16xf32>,
          %swap3A_918 = vector.shape_cast %swap3A_917 : vector<1x16xf32> to vector<16xf32>
          %swap3A_919 = vector.shape_cast %broadcast_in_dim3A_266 : vector<16xf32> to vector<1x16xf32>
          tpu.vector_store %arg8[%swap3A_915, %swap3A_916], %swap3A_919 {strides = array<i32>} : memref<8x1280xf32, #tpu.memory_space<vmem>>, vector<1x16xf32>,
          %swap3A_920 = arith.index_cast %scan3A_662 : i32 to index
          %swap3A_921 = arith.constant 784 : index
          %swap3A_922 = tpu.vector_load %arg8[%swap3A_920, %swap3A_921] {strides = array<i32>} : memref<8x1280xf32, #tpu.memory_space<vmem>>, vector<1x16xf32>,
          %swap3A_923 = vector.shape_cast %swap3A_922 : vector<1x16xf32> to vector<16xf32>
          %swap3A_924 = vector.shape_cast %broadcast_in_dim3A_266 : vector<16xf32> to vector<1x16xf32>
          tpu.vector_store %arg8[%swap3A_920, %swap3A_921], %swap3A_924 {strides = array<i32>} : memref<8x1280xf32, #tpu.memory_space<vmem>>, vector<1x16xf32>,
          %swap3A_925 = arith.index_cast %scan3A_662 : i32 to index
          %swap3A_926 = arith.constant 800 : index
          %swap3A_927 = tpu.vector_load %arg8[%swap3A_925, %swap3A_926] {strides = array<i32>} : memref<8x1280xf32, #tpu.memory_space<vmem>>, vector<1x16xf32>,
          %swap3A_928 = vector.shape_cast %swap3A_927 : vector<1x16xf32> to vector<16xf32>
          %swap3A_929 = vector.shape_cast %broadcast_in_dim3A_266 : vector<16xf32> to vector<1x16xf32>
          tpu.vector_store %arg8[%swap3A_925, %swap3A_926], %swap3A_929 {strides = array<i32>} : memref<8x1280xf32, #tpu.memory_space<vmem>>, vector<1x16xf32>,
          %swap3A_930 = arith.index_cast %scan3A_662 : i32 to index
          %swap3A_931 = arith.constant 816 : index
          %swap3A_932 = tpu.vector_load %arg8[%swap3A_930, %swap3A_931] {strides = array<i32>} : memref<8x1280xf32, #tpu.memory_space<vmem>>, vector<1x16xf32>,
          %swap3A_933 = vector.shape_cast %swap3A_932 : vector<1x16xf32> to vector<16xf32>
          %swap3A_934 = vector.shape_cast %broadcast_in_dim3A_266 : vector<16xf32> to vector<1x16xf32>
          tpu.vector_store %arg8[%swap3A_930, %swap3A_931], %swap3A_934 {strides = array<i32>} : memref<8x1280xf32, #tpu.memory_space<vmem>>, vector<1x16xf32>,
          %swap3A_935 = arith.index_cast %scan3A_662 : i32 to index
          %swap3A_936 = arith.constant 832 : index
          %swap3A_937 = tpu.vector_load %arg8[%swap3A_935, %swap3A_936] {strides = array<i32>} : memref<8x1280xf32, #tpu.memory_space<vmem>>, vector<1x16xf32>,
          %swap3A_938 = vector.shape_cast %swap3A_937 : vector<1x16xf32> to vector<16xf32>
          %swap3A_939 = vector.shape_cast %broadcast_in_dim3A_266 : vector<16xf32> to vector<1x16xf32>
          tpu.vector_store %arg8[%swap3A_935, %swap3A_936], %swap3A_939 {strides = array<i32>} : memref<8x1280xf32, #tpu.memory_space<vmem>>, vector<1x16xf32>,
          %swap3A_940 = arith.index_cast %scan3A_662 : i32 to index
          %swap3A_941 = arith.constant 848 : index
          %swap3A_942 = tpu.vector_load %arg8[%swap3A_940, %swap3A_941] {strides = array<i32>} : memref<8x1280xf32, #tpu.memory_space<vmem>>, vector<1x16xf32>,
          %swap3A_943 = vector.shape_cast %swap3A_942 : vector<1x16xf32> to vector<16xf32>
          %swap3A_944 = vector.shape_cast %broadcast_in_dim3A_266 : vector<16xf32> to vector<1x16xf32>
          tpu.vector_store %arg8[%swap3A_940, %swap3A_941], %swap3A_944 {strides = array<i32>} : memref<8x1280xf32, #tpu.memory_space<vmem>>, vector<1x16xf32>,
          %swap3A_945 = arith.index_cast %scan3A_662 : i32 to index
          %swap3A_946 = arith.constant 864 : index
          %swap3A_947 = tpu.vector_load %arg8[%swap3A_945, %swap3A_946] {strides = array<i32>} : memref<8x1280xf32, #tpu.memory_space<vmem>>, vector<1x16xf32>,
          %swap3A_948 = vector.shape_cast %swap3A_947 : vector<1x16xf32> to vector<16xf32>
          %swap3A_949 = vector.shape_cast %broadcast_in_dim3A_266 : vector<16xf32> to vector<1x16xf32>
          tpu.vector_store %arg8[%swap3A_945, %swap3A_946], %swap3A_949 {strides = array<i32>} : memref<8x1280xf32, #tpu.memory_space<vmem>>, vector<1x16xf32>,
          %swap3A_950 = arith.index_cast %scan3A_662 : i32 to index
          %swap3A_951 = arith.constant 880 : index
          %swap3A_952 = tpu.vector_load %arg8[%swap3A_950, %swap3A_951] {strides = array<i32>} : memref<8x1280xf32, #tpu.memory_space<vmem>>, vector<1x16xf32>,
          %swap3A_953 = vector.shape_cast %swap3A_952 : vector<1x16xf32> to vector<16xf32>
          %swap3A_954 = vector.shape_cast %broadcast_in_dim3A_266 : vector<16xf32> to vector<1x16xf32>
          tpu.vector_store %arg8[%swap3A_950, %swap3A_951], %swap3A_954 {strides = array<i32>} : memref<8x1280xf32, #tpu.memory_space<vmem>>, vector<1x16xf32>,
          %swap3A_955 = arith.index_cast %scan3A_662 : i32 to index
          %swap3A_956 = arith.constant 896 : index
          %swap3A_957 = tpu.vector_load %arg8[%swap3A_955, %swap3A_956] {strides = array<i32>} : memref<8x1280xf32, #tpu.memory_space<vmem>>, vector<1x16xf32>,
          %swap3A_958 = vector.shape_cast %swap3A_957 : vector<1x16xf32> to vector<16xf32>
          %swap3A_959 = vector.shape_cast %broadcast_in_dim3A_266 : vector<16xf32> to vector<1x16xf32>
          tpu.vector_store %arg8[%swap3A_955, %swap3A_956], %swap3A_959 {strides = array<i32>} : memref<8x1280xf32, #tpu.memory_space<vmem>>, vector<1x16xf32>,
          %swap3A_960 = arith.index_cast %scan3A_662 : i32 to index
          %swap3A_961 = arith.constant 912 : index
          %swap3A_962 = tpu.vector_load %arg8[%swap3A_960, %swap3A_961] {strides = array<i32>} : memref<8x1280xf32, #tpu.memory_space<vmem>>, vector<1x16xf32>,
          %swap3A_963 = vector.shape_cast %swap3A_962 : vector<1x16xf32> to vector<16xf32>
          %swap3A_964 = vector.shape_cast %broadcast_in_dim3A_266 : vector<16xf32> to vector<1x16xf32>
          tpu.vector_store %arg8[%swap3A_960, %swap3A_961], %swap3A_964 {strides = array<i32>} : memref<8x1280xf32, #tpu.memory_space<vmem>>, vector<1x16xf32>,
          %swap3A_965 = arith.index_cast %scan3A_662 : i32 to index
          %swap3A_966 = arith.constant 928 : index
          %swap3A_967 = tpu.vector_load %arg8[%swap3A_965, %swap3A_966] {strides = array<i32>} : memref<8x1280xf32, #tpu.memory_space<vmem>>, vector<1x16xf32>,
          %swap3A_968 = vector.shape_cast %swap3A_967 : vector<1x16xf32> to vector<16xf32>
          %swap3A_969 = vector.shape_cast %broadcast_in_dim3A_266 : vector<16xf32> to vector<1x16xf32>
          tpu.vector_store %arg8[%swap3A_965, %swap3A_966], %swap3A_969 {strides = array<i32>} : memref<8x1280xf32, #tpu.memory_space<vmem>>, vector<1x16xf32>,
          %swap3A_970 = arith.index_cast %scan3A_662 : i32 to index
          %swap3A_971 = arith.constant 944 : index
          %swap3A_972 = tpu.vector_load %arg8[%swap3A_970, %swap3A_971] {strides = array<i32>} : memref<8x1280xf32, #tpu.memory_space<vmem>>, vector<1x16xf32>,
          %swap3A_973 = vector.shape_cast %swap3A_972 : vector<1x16xf32> to vector<16xf32>
          %swap3A_974 = vector.shape_cast %broadcast_in_dim3A_266 : vector<16xf32> to vector<1x16xf32>
          tpu.vector_store %arg8[%swap3A_970, %swap3A_971], %swap3A_974 {strides = array<i32>} : memref<8x1280xf32, #tpu.memory_space<vmem>>, vector<1x16xf32>,
          %swap3A_975 = arith.index_cast %scan3A_662 : i32 to index
          %swap3A_976 = arith.constant 960 : index
          %swap3A_977 = tpu.vector_load %arg8[%swap3A_975, %swap3A_976] {strides = array<i32>} : memref<8x1280xf32, #tpu.memory_space<vmem>>, vector<1x16xf32>,
          %swap3A_978 = vector.shape_cast %swap3A_977 : vector<1x16xf32> to vector<16xf32>
          %swap3A_979 = vector.shape_cast %broadcast_in_dim3A_266 : vector<16xf32> to vector<1x16xf32>
          tpu.vector_store %arg8[%swap3A_975, %swap3A_976], %swap3A_979 {strides = array<i32>} : memref<8x1280xf32, #tpu.memory_space<vmem>>, vector<1x16xf32>,
          %swap3A_980 = arith.index_cast %scan3A_662 : i32 to index
          %swap3A_981 = arith.constant 976 : index
          %swap3A_982 = tpu.vector_load %arg8[%swap3A_980, %swap3A_981] {strides = array<i32>} : memref<8x1280xf32, #tpu.memory_space<vmem>>, vector<1x16xf32>,
          %swap3A_983 = vector.shape_cast %swap3A_982 : vector<1x16xf32> to vector<16xf32>
          %swap3A_984 = vector.shape_cast %broadcast_in_dim3A_266 : vector<16xf32> to vector<1x16xf32>
          tpu.vector_store %arg8[%swap3A_980, %swap3A_981], %swap3A_984 {strides = array<i32>} : memref<8x1280xf32, #tpu.memory_space<vmem>>, vector<1x16xf32>,
          %swap3A_985 = arith.index_cast %scan3A_662 : i32 to index
          %swap3A_986 = arith.constant 992 : index
          %swap3A_987 = tpu.vector_load %arg8[%swap3A_985, %swap3A_986] {strides = array<i32>} : memref<8x1280xf32, #tpu.memory_space<vmem>>, vector<1x16xf32>,
          %swap3A_988 = vector.shape_cast %swap3A_987 : vector<1x16xf32> to vector<16xf32>
          %swap3A_989 = vector.shape_cast %broadcast_in_dim3A_266 : vector<16xf32> to vector<1x16xf32>
          tpu.vector_store %arg8[%swap3A_985, %swap3A_986], %swap3A_989 {strides = array<i32>} : memref<8x1280xf32, #tpu.memory_space<vmem>>, vector<1x16xf32>,
          %swap3A_990 = arith.index_cast %scan3A_662 : i32 to index
          %swap3A_991 = arith.constant 1008 : index
          %swap3A_992 = tpu.vector_load %arg8[%swap3A_990, %swap3A_991] {strides = array<i32>} : memref<8x1280xf32, #tpu.memory_space<vmem>>, vector<1x16xf32>,
          %swap3A_993 = vector.shape_cast %swap3A_992 : vector<1x16xf32> to vector<16xf32>
          %swap3A_994 = vector.shape_cast %broadcast_in_dim3A_266 : vector<16xf32> to vector<1x16xf32>
          tpu.vector_store %arg8[%swap3A_990, %swap3A_991], %swap3A_994 {strides = array<i32>} : memref<8x1280xf32, #tpu.memory_space<vmem>>, vector<1x16xf32>,
          %swap3A_995 = arith.index_cast %scan3A_662 : i32 to index
          %swap3A_996 = arith.constant 1024 : index
          %swap3A_997 = tpu.vector_load %arg8[%swap3A_995, %swap3A_996] {strides = array<i32>} : memref<8x1280xf32, #tpu.memory_space<vmem>>, vector<1x16xf32>,
          %swap3A_998 = vector.shape_cast %swap3A_997 : vector<1x16xf32> to vector<16xf32>
          %swap3A_999 = vector.shape_cast %broadcast_in_dim3A_266 : vector<16xf32> to vector<1x16xf32>
          tpu.vector_store %arg8[%swap3A_995, %swap3A_996], %swap3A_999 {strides = array<i32>} : memref<8x1280xf32, #tpu.memory_space<vmem>>, vector<1x16xf32>,
          %swap3A_1000 = arith.index_cast %scan3A_662 : i32 to index
          %swap3A_1001 = arith.constant 1040 : index
          %swap3A_1002 = tpu.vector_load %arg8[%swap3A_1000, %swap3A_1001] {strides = array<i32>} : memref<8x1280xf32, #tpu.memory_space<vmem>>, vector<1x16xf32>,
          %swap3A_1003 = vector.shape_cast %swap3A_1002 : vector<1x16xf32> to vector<16xf32>
          %swap3A_1004 = vector.shape_cast %broadcast_in_dim3A_266 : vector<16xf32> to vector<1x16xf32>
          tpu.vector_store %arg8[%swap3A_1000, %swap3A_1001], %swap3A_1004 {strides = array<i32>} : memref<8x1280xf32, #tpu.memory_space<vmem>>, vector<1x16xf32>,
          %swap3A_1005 = arith.index_cast %scan3A_662 : i32 to index
          %swap3A_1006 = arith.constant 1056 : index
          %swap3A_1007 = tpu.vector_load %arg8[%swap3A_1005, %swap3A_1006] {strides = array<i32>} : memref<8x1280xf32, #tpu.memory_space<vmem>>, vector<1x16xf32>,
          %swap3A_1008 = vector.shape_cast %swap3A_1007 : vector<1x16xf32> to vector<16xf32>
          %swap3A_1009 = vector.shape_cast %broadcast_in_dim3A_266 : vector<16xf32> to vector<1x16xf32>
          tpu.vector_store %arg8[%swap3A_1005, %swap3A_1006], %swap3A_1009 {strides = array<i32>} : memref<8x1280xf32, #tpu.memory_space<vmem>>, vector<1x16xf32>,
          %swap3A_1010 = arith.index_cast %scan3A_662 : i32 to index
          %swap3A_1011 = arith.constant 1072 : index
          %swap3A_1012 = tpu.vector_load %arg8[%swap3A_1010, %swap3A_1011] {strides = array<i32>} : memref<8x1280xf32, #tpu.memory_space<vmem>>, vector<1x16xf32>,
          %swap3A_1013 = vector.shape_cast %swap3A_1012 : vector<1x16xf32> to vector<16xf32>
          %swap3A_1014 = vector.shape_cast %broadcast_in_dim3A_266 : vector<16xf32> to vector<1x16xf32>
          tpu.vector_store %arg8[%swap3A_1010, %swap3A_1011], %swap3A_1014 {strides = array<i32>} : memref<8x1280xf32, #tpu.memory_space<vmem>>, vector<1x16xf32>,
          %swap3A_1015 = arith.index_cast %scan3A_662 : i32 to index
          %swap3A_1016 = arith.constant 1088 : index
          %swap3A_1017 = tpu.vector_load %arg8[%swap3A_1015, %swap3A_1016] {strides = array<i32>} : memref<8x1280xf32, #tpu.memory_space<vmem>>, vector<1x16xf32>,
          %swap3A_1018 = vector.shape_cast %swap3A_1017 : vector<1x16xf32> to vector<16xf32>
          %swap3A_1019 = vector.shape_cast %broadcast_in_dim3A_266 : vector<16xf32> to vector<1x16xf32>
          tpu.vector_store %arg8[%swap3A_1015, %swap3A_1016], %swap3A_1019 {strides = array<i32>} : memref<8x1280xf32, #tpu.memory_space<vmem>>, vector<1x16xf32>,
          %swap3A_1020 = arith.index_cast %scan3A_662 : i32 to index
          %swap3A_1021 = arith.constant 1104 : index
          %swap3A_1022 = tpu.vector_load %arg8[%swap3A_1020, %swap3A_1021] {strides = array<i32>} : memref<8x1280xf32, #tpu.memory_space<vmem>>, vector<1x16xf32>,
          %swap3A_1023 = vector.shape_cast %swap3A_1022 : vector<1x16xf32> to vector<16xf32>
          %swap3A_1024 = vector.shape_cast %broadcast_in_dim3A_266 : vector<16xf32> to vector<1x16xf32>
          tpu.vector_store %arg8[%swap3A_1020, %swap3A_1021], %swap3A_1024 {strides = array<i32>} : memref<8x1280xf32, #tpu.memory_space<vmem>>, vector<1x16xf32>,
          %swap3A_1025 = arith.index_cast %scan3A_662 : i32 to index
          %swap3A_1026 = arith.constant 1120 : index
          %swap3A_1027 = tpu.vector_load %arg8[%swap3A_1025, %swap3A_1026] {strides = array<i32>} : memref<8x1280xf32, #tpu.memory_space<vmem>>, vector<1x16xf32>,
          %swap3A_1028 = vector.shape_cast %swap3A_1027 : vector<1x16xf32> to vector<16xf32>
          %swap3A_1029 = vector.shape_cast %broadcast_in_dim3A_266 : vector<16xf32> to vector<1x16xf32>
          tpu.vector_store %arg8[%swap3A_1025, %swap3A_1026], %swap3A_1029 {strides = array<i32>} : memref<8x1280xf32, #tpu.memory_space<vmem>>, vector<1x16xf32>,
          %swap3A_1030 = arith.index_cast %scan3A_662 : i32 to index
          %swap3A_1031 = arith.constant 1136 : index
          %swap3A_1032 = tpu.vector_load %arg8[%swap3A_1030, %swap3A_1031] {strides = array<i32>} : memref<8x1280xf32, #tpu.memory_space<vmem>>, vector<1x16xf32>,
          %swap3A_1033 = vector.shape_cast %swap3A_1032 : vector<1x16xf32> to vector<16xf32>
          %swap3A_1034 = vector.shape_cast %broadcast_in_dim3A_266 : vector<16xf32> to vector<1x16xf32>
          tpu.vector_store %arg8[%swap3A_1030, %swap3A_1031], %swap3A_1034 {strides = array<i32>} : memref<8x1280xf32, #tpu.memory_space<vmem>>, vector<1x16xf32>,
          %swap3A_1035 = arith.index_cast %scan3A_662 : i32 to index
          %swap3A_1036 = arith.constant 1152 : index
          %swap3A_1037 = tpu.vector_load %arg8[%swap3A_1035, %swap3A_1036] {strides = array<i32>} : memref<8x1280xf32, #tpu.memory_space<vmem>>, vector<1x16xf32>,
          %swap3A_1038 = vector.shape_cast %swap3A_1037 : vector<1x16xf32> to vector<16xf32>
          %swap3A_1039 = vector.shape_cast %broadcast_in_dim3A_266 : vector<16xf32> to vector<1x16xf32>
          tpu.vector_store %arg8[%swap3A_1035, %swap3A_1036], %swap3A_1039 {strides = array<i32>} : memref<8x1280xf32, #tpu.memory_space<vmem>>, vector<1x16xf32>,
          %swap3A_1040 = arith.index_cast %scan3A_662 : i32 to index
          %swap3A_1041 = arith.constant 1168 : index
          %swap3A_1042 = tpu.vector_load %arg8[%swap3A_1040, %swap3A_1041] {strides = array<i32>} : memref<8x1280xf32, #tpu.memory_space<vmem>>, vector<1x16xf32>,
          %swap3A_1043 = vector.shape_cast %swap3A_1042 : vector<1x16xf32> to vector<16xf32>
          %swap3A_1044 = vector.shape_cast %broadcast_in_dim3A_266 : vector<16xf32> to vector<1x16xf32>
          tpu.vector_store %arg8[%swap3A_1040, %swap3A_1041], %swap3A_1044 {strides = array<i32>} : memref<8x1280xf32, #tpu.memory_space<vmem>>, vector<1x16xf32>,
          %swap3A_1045 = arith.index_cast %scan3A_662 : i32 to index
          %swap3A_1046 = arith.constant 1184 : index
          %swap3A_1047 = tpu.vector_load %arg8[%swap3A_1045, %swap3A_1046] {strides = array<i32>} : memref<8x1280xf32, #tpu.memory_space<vmem>>, vector<1x16xf32>,
          %swap3A_1048 = vector.shape_cast %swap3A_1047 : vector<1x16xf32> to vector<16xf32>
          %swap3A_1049 = vector.shape_cast %broadcast_in_dim3A_266 : vector<16xf32> to vector<1x16xf32>
          tpu.vector_store %arg8[%swap3A_1045, %swap3A_1046], %swap3A_1049 {strides = array<i32>} : memref<8x1280xf32, #tpu.memory_space<vmem>>, vector<1x16xf32>,
          %swap3A_1050 = arith.index_cast %scan3A_662 : i32 to index
          %swap3A_1051 = arith.constant 1200 : index
          %swap3A_1052 = tpu.vector_load %arg8[%swap3A_1050, %swap3A_1051] {strides = array<i32>} : memref<8x1280xf32, #tpu.memory_space<vmem>>, vector<1x16xf32>,
          %swap3A_1053 = vector.shape_cast %swap3A_1052 : vector<1x16xf32> to vector<16xf32>
          %swap3A_1054 = vector.shape_cast %broadcast_in_dim3A_266 : vector<16xf32> to vector<1x16xf32>
          tpu.vector_store %arg8[%swap3A_1050, %swap3A_1051], %swap3A_1054 {strides = array<i32>} : memref<8x1280xf32, #tpu.memory_space<vmem>>, vector<1x16xf32>,
          %swap3A_1055 = arith.index_cast %scan3A_662 : i32 to index
          %swap3A_1056 = arith.constant 1216 : index
          %swap3A_1057 = tpu.vector_load %arg8[%swap3A_1055, %swap3A_1056] {strides = array<i32>} : memref<8x1280xf32, #tpu.memory_space<vmem>>, vector<1x16xf32>,
          %swap3A_1058 = vector.shape_cast %swap3A_1057 : vector<1x16xf32> to vector<16xf32>
          %swap3A_1059 = vector.shape_cast %broadcast_in_dim3A_266 : vector<16xf32> to vector<1x16xf32>
          tpu.vector_store %arg8[%swap3A_1055, %swap3A_1056], %swap3A_1059 {strides = array<i32>} : memref<8x1280xf32, #tpu.memory_space<vmem>>, vector<1x16xf32>,
          %swap3A_1060 = arith.index_cast %scan3A_662 : i32 to index
          %swap3A_1061 = arith.constant 1232 : index
          %swap3A_1062 = tpu.vector_load %arg8[%swap3A_1060, %swap3A_1061] {strides = array<i32>} : memref<8x1280xf32, #tpu.memory_space<vmem>>, vector<1x16xf32>,
          %swap3A_1063 = vector.shape_cast %swap3A_1062 : vector<1x16xf32> to vector<16xf32>
          %swap3A_1064 = vector.shape_cast %broadcast_in_dim3A_266 : vector<16xf32> to vector<1x16xf32>
          tpu.vector_store %arg8[%swap3A_1060, %swap3A_1061], %swap3A_1064 {strides = array<i32>} : memref<8x1280xf32, #tpu.memory_space<vmem>>, vector<1x16xf32>,
          %swap3A_1065 = arith.index_cast %scan3A_662 : i32 to index
          %swap3A_1066 = arith.constant 1248 : index
          %swap3A_1067 = tpu.vector_load %arg8[%swap3A_1065, %swap3A_1066] {strides = array<i32>} : memref<8x1280xf32, #tpu.memory_space<vmem>>, vector<1x16xf32>,
          %swap3A_1068 = vector.shape_cast %swap3A_1067 : vector<1x16xf32> to vector<16xf32>
          %swap3A_1069 = vector.shape_cast %broadcast_in_dim3A_266 : vector<16xf32> to vector<1x16xf32>
          tpu.vector_store %arg8[%swap3A_1065, %swap3A_1066], %swap3A_1069 {strides = array<i32>} : memref<8x1280xf32, #tpu.memory_space<vmem>>, vector<1x16xf32>,
          %swap3A_1070 = arith.index_cast %scan3A_662 : i32 to index
          %swap3A_1071 = arith.constant 1264 : index
          %swap3A_1072 = tpu.vector_load %arg8[%swap3A_1070, %swap3A_1071] {strides = array<i32>} : memref<8x1280xf32, #tpu.memory_space<vmem>>, vector<1x16xf32>,
          %swap3A_1073 = vector.shape_cast %swap3A_1072 : vector<1x16xf32> to vector<16xf32>
          %swap3A_1074 = vector.shape_cast %broadcast_in_dim3A_266 : vector<16xf32> to vector<1x16xf32>
          tpu.vector_store %arg8[%swap3A_1070, %swap3A_1071], %swap3A_1074 {strides = array<i32>} : memref<8x1280xf32, #tpu.memory_space<vmem>>, vector<1x16xf32>,
        } else {
        }
        %not3A = arith.constant true
        %not3A_671 = arith.xori %and3A_667, %not3A : i1
        %convert_element_type3A_672 = arith.extui %not3A_671 : i1 to i32
        %cond3A_673 = arith.constant 0 : i32
        %cond3A_674 = arith.cmpi ne, %convert_element_type3A_672, %cond3A_673 : i32
        scf.if %cond3A_674 {
          %get3A_676 = arith.index_cast %scan3A_662 : i32 to index
          %get3A_677 = arith.index_cast %mul3A_90 : i32 to index
          %get3A_678 = tpu.vector_load %arg8[%get3A_676, %get3A_677] {strides = array<i32>} : memref<8x1280xf32, #tpu.memory_space<vmem>>, vector<1x16xf32>,
          %get3A_679 = vector.shape_cast %get3A_678 : vector<1x16xf32> to vector<16xf32>
          %jit3A_680 = arith.constant 0.000000e+00 : f32
          %broadcast_in_dim3A_681 = vector.broadcast %jit3A_680 : f32 to vector<16xf32>
          %select_n3A_682 = arith.select %and3A_96, %broadcast_in_dim3A_681, %get3A_679 : vector<16xi1>, vector<16xf32>
          %swap3A = arith.index_cast %scan3A_662 : i32 to index
          %swap3A_683 = arith.index_cast %mul3A_90 : i32 to index
          %swap3A_684 = tpu.vector_load %arg8[%swap3A, %swap3A_683] {strides = array<i32>} : memref<8x1280xf32, #tpu.memory_space<vmem>>, vector<1x16xf32>,
          %swap3A_685 = vector.shape_cast %swap3A_684 : vector<1x16xf32> to vector<16xf32>
          %swap3A_686 = vector.shape_cast %select_n3A_682 : vector<16xf32> to vector<1x16xf32>
          tpu.vector_store %arg8[%swap3A, %swap3A_683], %swap3A_686 {strides = array<i32>} : memref<8x1280xf32, #tpu.memory_space<vmem>>, vector<1x16xf32>,
          %get3A_687 = arith.index_cast %scan3A_662 : i32 to index
          %get3A_688 = arith.index_cast %mul3A_102 : i32 to index
          %get3A_689 = tpu.vector_load %arg8[%get3A_687, %get3A_688] {strides = array<i32>} : memref<8x1280xf32, #tpu.memory_space<vmem>>, vector<1x16xf32>,
          %get3A_690 = vector.shape_cast %get3A_689 : vector<1x16xf32> to vector<16xf32>
          %jit3A_691 = arith.constant 0.000000e+00 : f32
          %broadcast_in_dim3A_692 = vector.broadcast %jit3A_691 : f32 to vector<16xf32>
          %select_n3A_693 = arith.select %and3A_109, %broadcast_in_dim3A_692, %get3A_690 : vector<16xi1>, vector<16xf32>
          %swap3A_694 = arith.index_cast %scan3A_662 : i32 to index
          %swap3A_695 = arith.index_cast %mul3A_102 : i32 to index
          %swap3A_696 = tpu.vector_load %arg8[%swap3A_694, %swap3A_695] {strides = array<i32>} : memref<8x1280xf32, #tpu.memory_space<vmem>>, vector<1x16xf32>,
          %swap3A_697 = vector.shape_cast %swap3A_696 : vector<1x16xf32> to vector<16xf32>
          %swap3A_698 = vector.shape_cast %select_n3A_693 : vector<16xf32> to vector<1x16xf32>
          tpu.vector_store %arg8[%swap3A_694, %swap3A_695], %swap3A_698 {strides = array<i32>} : memref<8x1280xf32, #tpu.memory_space<vmem>>, vector<1x16xf32>,
          %get3A_699 = arith.index_cast %scan3A_662 : i32 to index
          %get3A_700 = arith.index_cast %mul3A_115 : i32 to index
          %get3A_701 = tpu.vector_load %arg8[%get3A_699, %get3A_700] {strides = array<i32>} : memref<8x1280xf32, #tpu.memory_space<vmem>>, vector<1x16xf32>,
          %get3A_702 = vector.shape_cast %get3A_701 : vector<1x16xf32> to vector<16xf32>
          %jit3A_703 = arith.constant 0.000000e+00 : f32
          %broadcast_in_dim3A_704 = vector.broadcast %jit3A_703 : f32 to vector<16xf32>
          %select_n3A_705 = arith.select %and3A_122, %broadcast_in_dim3A_704, %get3A_702 : vector<16xi1>, vector<16xf32>
          %swap3A_706 = arith.index_cast %scan3A_662 : i32 to index
          %swap3A_707 = arith.index_cast %mul3A_115 : i32 to index
          %swap3A_708 = tpu.vector_load %arg8[%swap3A_706, %swap3A_707] {strides = array<i32>} : memref<8x1280xf32, #tpu.memory_space<vmem>>, vector<1x16xf32>,
          %swap3A_709 = vector.shape_cast %swap3A_708 : vector<1x16xf32> to vector<16xf32>
          %swap3A_710 = vector.shape_cast %select_n3A_705 : vector<16xf32> to vector<1x16xf32>
          tpu.vector_store %arg8[%swap3A_706, %swap3A_707], %swap3A_710 {strides = array<i32>} : memref<8x1280xf32, #tpu.memory_space<vmem>>, vector<1x16xf32>,
          %get3A_711 = arith.index_cast %scan3A_662 : i32 to index
          %get3A_712 = arith.index_cast %mul3A_128 : i32 to index
          %get3A_713 = tpu.vector_load %arg8[%get3A_711, %get3A_712] {strides = array<i32>} : memref<8x1280xf32, #tpu.memory_space<vmem>>, vector<1x16xf32>,
          %get3A_714 = vector.shape_cast %get3A_713 : vector<1x16xf32> to vector<16xf32>
          %jit3A_715 = arith.constant 0.000000e+00 : f32
          %broadcast_in_dim3A_716 = vector.broadcast %jit3A_715 : f32 to vector<16xf32>
          %select_n3A_717 = arith.select %and3A_135, %broadcast_in_dim3A_716, %get3A_714 : vector<16xi1>, vector<16xf32>
          %swap3A_718 = arith.index_cast %scan3A_662 : i32 to index
          %swap3A_719 = arith.index_cast %mul3A_128 : i32 to index
          %swap3A_720 = tpu.vector_load %arg8[%swap3A_718, %swap3A_719] {strides = array<i32>} : memref<8x1280xf32, #tpu.memory_space<vmem>>, vector<1x16xf32>,
          %swap3A_721 = vector.shape_cast %swap3A_720 : vector<1x16xf32> to vector<16xf32>
          %swap3A_722 = vector.shape_cast %select_n3A_717 : vector<16xf32> to vector<1x16xf32>
          tpu.vector_store %arg8[%swap3A_718, %swap3A_719], %swap3A_722 {strides = array<i32>} : memref<8x1280xf32, #tpu.memory_space<vmem>>, vector<1x16xf32>,
          %get3A_723 = arith.index_cast %scan3A_662 : i32 to index
          %get3A_724 = arith.index_cast %mul3A_141 : i32 to index
          %get3A_725 = tpu.vector_load %arg8[%get3A_723, %get3A_724] {strides = array<i32>} : memref<8x1280xf32, #tpu.memory_space<vmem>>, vector<1x16xf32>,
          %get3A_726 = vector.shape_cast %get3A_725 : vector<1x16xf32> to vector<16xf32>
          %jit3A_727 = arith.constant 0.000000e+00 : f32
          %broadcast_in_dim3A_728 = vector.broadcast %jit3A_727 : f32 to vector<16xf32>
          %select_n3A_729 = arith.select %and3A_148, %broadcast_in_dim3A_728, %get3A_726 : vector<16xi1>, vector<16xf32>
          %swap3A_730 = arith.index_cast %scan3A_662 : i32 to index
          %swap3A_731 = arith.index_cast %mul3A_141 : i32 to index
          %swap3A_732 = tpu.vector_load %arg8[%swap3A_730, %swap3A_731] {strides = array<i32>} : memref<8x1280xf32, #tpu.memory_space<vmem>>, vector<1x16xf32>,
          %swap3A_733 = vector.shape_cast %swap3A_732 : vector<1x16xf32> to vector<16xf32>
          %swap3A_734 = vector.shape_cast %select_n3A_729 : vector<16xf32> to vector<1x16xf32>
          tpu.vector_store %arg8[%swap3A_730, %swap3A_731], %swap3A_734 {strides = array<i32>} : memref<8x1280xf32, #tpu.memory_space<vmem>>, vector<1x16xf32>,
          %get3A_735 = arith.index_cast %scan3A_662 : i32 to index
          %get3A_736 = arith.index_cast %mul3A_154 : i32 to index
          %get3A_737 = tpu.vector_load %arg8[%get3A_735, %get3A_736] {strides = array<i32>} : memref<8x1280xf32, #tpu.memory_space<vmem>>, vector<1x16xf32>,
          %get3A_738 = vector.shape_cast %get3A_737 : vector<1x16xf32> to vector<16xf32>
          %jit3A_739 = arith.constant 0.000000e+00 : f32
          %broadcast_in_dim3A_740 = vector.broadcast %jit3A_739 : f32 to vector<16xf32>
          %select_n3A_741 = arith.select %and3A_161, %broadcast_in_dim3A_740, %get3A_738 : vector<16xi1>, vector<16xf32>
          %swap3A_742 = arith.index_cast %scan3A_662 : i32 to index
          %swap3A_743 = arith.index_cast %mul3A_154 : i32 to index
          %swap3A_744 = tpu.vector_load %arg8[%swap3A_742, %swap3A_743] {strides = array<i32>} : memref<8x1280xf32, #tpu.memory_space<vmem>>, vector<1x16xf32>,
          %swap3A_745 = vector.shape_cast %swap3A_744 : vector<1x16xf32> to vector<16xf32>
          %swap3A_746 = vector.shape_cast %select_n3A_741 : vector<16xf32> to vector<1x16xf32>
          tpu.vector_store %arg8[%swap3A_742, %swap3A_743], %swap3A_746 {strides = array<i32>} : memref<8x1280xf32, #tpu.memory_space<vmem>>, vector<1x16xf32>,
          %get3A_747 = arith.index_cast %scan3A_662 : i32 to index
          %get3A_748 = arith.index_cast %mul3A_167 : i32 to index
          %get3A_749 = tpu.vector_load %arg8[%get3A_747, %get3A_748] {strides = array<i32>} : memref<8x1280xf32, #tpu.memory_space<vmem>>, vector<1x16xf32>,
          %get3A_750 = vector.shape_cast %get3A_749 : vector<1x16xf32> to vector<16xf32>
          %jit3A_751 = arith.constant 0.000000e+00 : f32
          %broadcast_in_dim3A_752 = vector.broadcast %jit3A_751 : f32 to vector<16xf32>
          %select_n3A_753 = arith.select %and3A_174, %broadcast_in_dim3A_752, %get3A_750 : vector<16xi1>, vector<16xf32>
          %swap3A_754 = arith.index_cast %scan3A_662 : i32 to index
          %swap3A_755 = arith.index_cast %mul3A_167 : i32 to index
          %swap3A_756 = tpu.vector_load %arg8[%swap3A_754, %swap3A_755] {strides = array<i32>} : memref<8x1280xf32, #tpu.memory_space<vmem>>, vector<1x16xf32>,
          %swap3A_757 = vector.shape_cast %swap3A_756 : vector<1x16xf32> to vector<16xf32>
          %swap3A_758 = vector.shape_cast %select_n3A_753 : vector<16xf32> to vector<1x16xf32>
          tpu.vector_store %arg8[%swap3A_754, %swap3A_755], %swap3A_758 {strides = array<i32>} : memref<8x1280xf32, #tpu.memory_space<vmem>>, vector<1x16xf32>,
          %get3A_759 = arith.index_cast %scan3A_662 : i32 to index
          %get3A_760 = arith.index_cast %mul3A_180 : i32 to index
          %get3A_761 = tpu.vector_load %arg8[%get3A_759, %get3A_760] {strides = array<i32>} : memref<8x1280xf32, #tpu.memory_space<vmem>>, vector<1x16xf32>,
          %get3A_762 = vector.shape_cast %get3A_761 : vector<1x16xf32> to vector<16xf32>
          %jit3A_763 = arith.constant 0.000000e+00 : f32
          %broadcast_in_dim3A_764 = vector.broadcast %jit3A_763 : f32 to vector<16xf32>
          %select_n3A_765 = arith.select %and3A_187, %broadcast_in_dim3A_764, %get3A_762 : vector<16xi1>, vector<16xf32>
          %swap3A_766 = arith.index_cast %scan3A_662 : i32 to index
          %swap3A_767 = arith.index_cast %mul3A_180 : i32 to index
          %swap3A_768 = tpu.vector_load %arg8[%swap3A_766, %swap3A_767] {strides = array<i32>} : memref<8x1280xf32, #tpu.memory_space<vmem>>, vector<1x16xf32>,
          %swap3A_769 = vector.shape_cast %swap3A_768 : vector<1x16xf32> to vector<16xf32>
          %swap3A_770 = vector.shape_cast %select_n3A_765 : vector<16xf32> to vector<1x16xf32>
          tpu.vector_store %arg8[%swap3A_766, %swap3A_767], %swap3A_770 {strides = array<i32>} : memref<8x1280xf32, #tpu.memory_space<vmem>>, vector<1x16xf32>,
          %get3A_771 = arith.index_cast %scan3A_662 : i32 to index
          %get3A_772 = arith.index_cast %mul3A_193 : i32 to index
          %get3A_773 = tpu.vector_load %arg8[%get3A_771, %get3A_772] {strides = array<i32>} : memref<8x1280xf32, #tpu.memory_space<vmem>>, vector<1x16xf32>,
          %get3A_774 = vector.shape_cast %get3A_773 : vector<1x16xf32> to vector<16xf32>
          %jit3A_775 = arith.constant 0.000000e+00 : f32
          %broadcast_in_dim3A_776 = vector.broadcast %jit3A_775 : f32 to vector<16xf32>
          %select_n3A_777 = arith.select %and3A_200, %broadcast_in_dim3A_776, %get3A_774 : vector<16xi1>, vector<16xf32>
          %swap3A_778 = arith.index_cast %scan3A_662 : i32 to index
          %swap3A_779 = arith.index_cast %mul3A_193 : i32 to index
          %swap3A_780 = tpu.vector_load %arg8[%swap3A_778, %swap3A_779] {strides = array<i32>} : memref<8x1280xf32, #tpu.memory_space<vmem>>, vector<1x16xf32>,
          %swap3A_781 = vector.shape_cast %swap3A_780 : vector<1x16xf32> to vector<16xf32>
          %swap3A_782 = vector.shape_cast %select_n3A_777 : vector<16xf32> to vector<1x16xf32>
          tpu.vector_store %arg8[%swap3A_778, %swap3A_779], %swap3A_782 {strides = array<i32>} : memref<8x1280xf32, #tpu.memory_space<vmem>>, vector<1x16xf32>,
          %get3A_783 = arith.index_cast %scan3A_662 : i32 to index
          %get3A_784 = arith.index_cast %mul3A_206 : i32 to index
          %get3A_785 = tpu.vector_load %arg8[%get3A_783, %get3A_784] {strides = array<i32>} : memref<8x1280xf32, #tpu.memory_space<vmem>>, vector<1x16xf32>,
          %get3A_786 = vector.shape_cast %get3A_785 : vector<1x16xf32> to vector<16xf32>
          %jit3A_787 = arith.constant 0.000000e+00 : f32
          %broadcast_in_dim3A_788 = vector.broadcast %jit3A_787 : f32 to vector<16xf32>
          %select_n3A_789 = arith.select %and3A_213, %broadcast_in_dim3A_788, %get3A_786 : vector<16xi1>, vector<16xf32>
          %swap3A_790 = arith.index_cast %scan3A_662 : i32 to index
          %swap3A_791 = arith.index_cast %mul3A_206 : i32 to index
          %swap3A_792 = tpu.vector_load %arg8[%swap3A_790, %swap3A_791] {strides = array<i32>} : memref<8x1280xf32, #tpu.memory_space<vmem>>, vector<1x16xf32>,
          %swap3A_793 = vector.shape_cast %swap3A_792 : vector<1x16xf32> to vector<16xf32>
          %swap3A_794 = vector.shape_cast %select_n3A_789 : vector<16xf32> to vector<1x16xf32>
          tpu.vector_store %arg8[%swap3A_790, %swap3A_791], %swap3A_794 {strides = array<i32>} : memref<8x1280xf32, #tpu.memory_space<vmem>>, vector<1x16xf32>,
          %get3A_795 = arith.index_cast %scan3A_662 : i32 to index
          %get3A_796 = arith.index_cast %mul3A_219 : i32 to index
          %get3A_797 = tpu.vector_load %arg8[%get3A_795, %get3A_796] {strides = array<i32>} : memref<8x1280xf32, #tpu.memory_space<vmem>>, vector<1x16xf32>,
          %get3A_798 = vector.shape_cast %get3A_797 : vector<1x16xf32> to vector<16xf32>
          %jit3A_799 = arith.constant 0.000000e+00 : f32
          %broadcast_in_dim3A_800 = vector.broadcast %jit3A_799 : f32 to vector<16xf32>
          %select_n3A_801 = arith.select %and3A_226, %broadcast_in_dim3A_800, %get3A_798 : vector<16xi1>, vector<16xf32>
          %swap3A_802 = arith.index_cast %scan3A_662 : i32 to index
          %swap3A_803 = arith.index_cast %mul3A_219 : i32 to index
          %swap3A_804 = tpu.vector_load %arg8[%swap3A_802, %swap3A_803] {strides = array<i32>} : memref<8x1280xf32, #tpu.memory_space<vmem>>, vector<1x16xf32>,
          %swap3A_805 = vector.shape_cast %swap3A_804 : vector<1x16xf32> to vector<16xf32>
          %swap3A_806 = vector.shape_cast %select_n3A_801 : vector<16xf32> to vector<1x16xf32>
          tpu.vector_store %arg8[%swap3A_802, %swap3A_803], %swap3A_806 {strides = array<i32>} : memref<8x1280xf32, #tpu.memory_space<vmem>>, vector<1x16xf32>,
          %get3A_807 = arith.index_cast %scan3A_662 : i32 to index
          %get3A_808 = arith.index_cast %mul3A_232 : i32 to index
          %get3A_809 = tpu.vector_load %arg8[%get3A_807, %get3A_808] {strides = array<i32>} : memref<8x1280xf32, #tpu.memory_space<vmem>>, vector<1x16xf32>,
          %get3A_810 = vector.shape_cast %get3A_809 : vector<1x16xf32> to vector<16xf32>
          %jit3A_811 = arith.constant 0.000000e+00 : f32
          %broadcast_in_dim3A_812 = vector.broadcast %jit3A_811 : f32 to vector<16xf32>
          %select_n3A_813 = arith.select %and3A_239, %broadcast_in_dim3A_812, %get3A_810 : vector<16xi1>, vector<16xf32>
          %swap3A_814 = arith.index_cast %scan3A_662 : i32 to index
          %swap3A_815 = arith.index_cast %mul3A_232 : i32 to index
          %swap3A_816 = tpu.vector_load %arg8[%swap3A_814, %swap3A_815] {strides = array<i32>} : memref<8x1280xf32, #tpu.memory_space<vmem>>, vector<1x16xf32>,
          %swap3A_817 = vector.shape_cast %swap3A_816 : vector<1x16xf32> to vector<16xf32>
          %swap3A_818 = vector.shape_cast %select_n3A_813 : vector<16xf32> to vector<1x16xf32>
          tpu.vector_store %arg8[%swap3A_814, %swap3A_815], %swap3A_818 {strides = array<i32>} : memref<8x1280xf32, #tpu.memory_space<vmem>>, vector<1x16xf32>,
          %get3A_819 = arith.index_cast %scan3A_662 : i32 to index
          %get3A_820 = arith.index_cast %mul3A_245 : i32 to index
          %get3A_821 = tpu.vector_load %arg8[%get3A_819, %get3A_820] {strides = array<i32>} : memref<8x1280xf32, #tpu.memory_space<vmem>>, vector<1x16xf32>,
          %get3A_822 = vector.shape_cast %get3A_821 : vector<1x16xf32> to vector<16xf32>
          %jit3A_823 = arith.constant 0.000000e+00 : f32
          %broadcast_in_dim3A_824 = vector.broadcast %jit3A_823 : f32 to vector<16xf32>
          %select_n3A_825 = arith.select %and3A_252, %broadcast_in_dim3A_824, %get3A_822 : vector<16xi1>, vector<16xf32>
          %swap3A_826 = arith.index_cast %scan3A_662 : i32 to index
          %swap3A_827 = arith.index_cast %mul3A_245 : i32 to index
          %swap3A_828 = tpu.vector_load %arg8[%swap3A_826, %swap3A_827] {strides = array<i32>} : memref<8x1280xf32, #tpu.memory_space<vmem>>, vector<1x16xf32>,
          %swap3A_829 = vector.shape_cast %swap3A_828 : vector<1x16xf32> to vector<16xf32>
          %swap3A_830 = vector.shape_cast %select_n3A_825 : vector<16xf32> to vector<1x16xf32>
          tpu.vector_store %arg8[%swap3A_826, %swap3A_827], %swap3A_830 {strides = array<i32>} : memref<8x1280xf32, #tpu.memory_space<vmem>>, vector<1x16xf32>,
          %get3A_831 = arith.index_cast %scan3A_662 : i32 to index
          %get3A_832 = arith.index_cast %mul3A_258 : i32 to index
          %get3A_833 = tpu.vector_load %arg8[%get3A_831, %get3A_832] {strides = array<i32>} : memref<8x1280xf32, #tpu.memory_space<vmem>>, vector<1x16xf32>,
          %get3A_834 = vector.shape_cast %get3A_833 : vector<1x16xf32> to vector<16xf32>
          %jit3A_835 = arith.constant 0.000000e+00 : f32
          %broadcast_in_dim3A_836 = vector.broadcast %jit3A_835 : f32 to vector<16xf32>
          %select_n3A_837 = arith.select %and3A_265, %broadcast_in_dim3A_836, %get3A_834 : vector<16xi1>, vector<16xf32>
          %swap3A_838 = arith.index_cast %scan3A_662 : i32 to index
          %swap3A_839 = arith.index_cast %mul3A_258 : i32 to index
          %swap3A_840 = tpu.vector_load %arg8[%swap3A_838, %swap3A_839] {strides = array<i32>} : memref<8x1280xf32, #tpu.memory_space<vmem>>, vector<1x16xf32>,
          %swap3A_841 = vector.shape_cast %swap3A_840 : vector<1x16xf32> to vector<16xf32>
          %swap3A_842 = vector.shape_cast %select_n3A_837 : vector<16xf32> to vector<1x16xf32>
          tpu.vector_store %arg8[%swap3A_838, %swap3A_839], %swap3A_842 {strides = array<i32>} : memref<8x1280xf32, #tpu.memory_space<vmem>>, vector<1x16xf32>,
        } else {
        }
        %scan3A_675 = arith.constant 0 : i32
        scf.yield %scan3A_675 : i32
      }
      %scan3A_617 = arith.constant 8 : i32
      %mul3A_618 = arith.constant 8 : i32
      %mul3A_619 = arith.muli %add3A_576, %mul3A_618 : i32
      %add3A_620 = arith.addi %mul3A_32, %mul3A_619 : i32
      %dma_start3A_621 = arith.constant 768 : i32
      %dma_start3A_622 = tpu.memref_slice %arg4[%select_n3A, %add3A_620, %dma_start3A_621] : memref<8x2048x2048xf32, #tpu.memory_space<hbm>> -> memref<1x8x1280xf32, #tpu.memory_space<hbm>>
      %dma_start3A_623 = tpu.memref_squeeze %dma_start3A_622 : memref<1x8x1280xf32, #tpu.memory_space<hbm>> -> memref<8x1280xf32, #tpu.memory_space<hbm>>
      %dma_start3A_624 = arith.constant 768 : i32
      %dma_start3A_625 = tpu.memref_slice %arg4[%select_n3A, %add3A_620, %dma_start3A_624] : memref<8x2048x2048xf32, #tpu.memory_space<hbm>> -> memref<1x8x1280xf32, #tpu.memory_space<hbm>>
      %dma_start3A_626 = tpu.memref_squeeze %dma_start3A_625 : memref<1x8x1280xf32, #tpu.memory_space<hbm>> -> memref<8x1280xf32, #tpu.memory_space<hbm>>
      tpu.enqueue_dma source(%arg8 : memref<8x1280xf32, #tpu.memory_space<vmem>>) target(%dma_start3A_626 : memref<8x1280xf32, #tpu.memory_space<hbm>>) target_semaphore(%arg18 : memref<!tpu.dma_semaphore, #tpu.memory_space<semaphore_mem>>)
      %add3A_627 = arith.constant 0 : i32
      %add3A_628 = arith.addi %mul3A_418, %add3A_627 : i32
      %add3A_629 = arith.constant 4 : i32
      %add3A_630 = arith.addi %add3A_628, %add3A_629 : i32
      %lt3A_631 = arith.constant 64 : i32
      %lt3A_632 = arith.cmpi slt, %add3A_630, %lt3A_631 : i32
      %convert_element_type3A = arith.extui %lt3A_632 : i1 to i32
      %cond3A = arith.constant 0 : i32
      %cond3A_633 = arith.cmpi ne, %convert_element_type3A, %cond3A : i32
      scf.if %cond3A_633 {
        %mul3A_662 = arith.constant 8 : i32
        %mul3A_663 = arith.muli %add3A_628, %mul3A_662 : i32
        %add3A_664 = arith.addi %mul3A_32, %mul3A_663 : i32
        %dma_wait3A_665 = arith.constant 768 : i32
        %dma_wait3A_666 = tpu.memref_slice %arg4[%select_n3A, %add3A_664, %dma_wait3A_665] : memref<8x2048x2048xf32, #tpu.memory_space<hbm>> -> memref<1x8x1280xf32, #tpu.memory_space<hbm>>
        %dma_wait3A_667 = tpu.memref_squeeze %dma_wait3A_666 : memref<1x8x1280xf32, #tpu.memory_space<hbm>> -> memref<8x1280xf32, #tpu.memory_space<hbm>>
        %dma_wait3A_668 = arith.constant 768 : i32
        %dma_wait3A_669 = tpu.memref_slice %arg4[%select_n3A, %add3A_664, %dma_wait3A_668] : memref<8x2048x2048xf32, #tpu.memory_space<hbm>> -> memref<1x8x1280xf32, #tpu.memory_space<hbm>>
        %dma_wait3A_670 = tpu.memref_squeeze %dma_wait3A_669 : memref<1x8x1280xf32, #tpu.memory_space<hbm>> -> memref<8x1280xf32, #tpu.memory_space<hbm>>
        tpu.wait_dma2 semaphore(%arg15 : memref<!tpu.dma_semaphore, #tpu.memory_space<semaphore_mem>>) src(%arg5 : memref<8x1280xf32, #tpu.memory_space<vmem>>) dst(%dma_wait3A_670 : memref<8x1280xf32, #tpu.memory_space<hbm>>)
        %mul3A_671 = arith.constant 8 : i32
        %mul3A_672 = arith.muli %add3A_630, %mul3A_671 : i32
        %add3A_673 = arith.addi %mul3A_32, %mul3A_672 : i32
        %dma_start3A_674 = arith.constant 768 : i32
        %dma_start3A_675 = tpu.memref_slice %arg2[%select_n3A, %add3A_673, %dma_start3A_674] : memref<8x2048x2048xf32, #tpu.memory_space<hbm>> -> memref<1x8x1280xf32, #tpu.memory_space<hbm>>
        %dma_start3A_676 = tpu.memref_squeeze %dma_start3A_675 : memref<1x8x1280xf32, #tpu.memory_space<hbm>> -> memref<8x1280xf32, #tpu.memory_space<hbm>>
        %dma_start3A_677 = arith.constant 768 : i32
        %dma_start3A_678 = tpu.memref_slice %arg2[%select_n3A, %add3A_673, %dma_start3A_677] : memref<8x2048x2048xf32, #tpu.memory_space<hbm>> -> memref<1x8x1280xf32, #tpu.memory_space<hbm>>
        %dma_start3A_679 = tpu.memref_squeeze %dma_start3A_678 : memref<1x8x1280xf32, #tpu.memory_space<hbm>> -> memref<8x1280xf32, #tpu.memory_space<hbm>>
        tpu.enqueue_dma source(%dma_start3A_679 : memref<8x1280xf32, #tpu.memory_space<hbm>>) target(%arg5 : memref<8x1280xf32, #tpu.memory_space<vmem>>) target_semaphore(%arg11 : memref<!tpu.dma_semaphore, #tpu.memory_space<semaphore_mem>>)
        %mul3A_680 = arith.constant 8 : i32
        %mul3A_681 = arith.muli %add3A_628, %mul3A_680 : i32
        %add3A_682 = arith.addi %mul3A_32, %mul3A_681 : i32
        %dma_wait3A_683 = arith.constant 0 : i32
        %dma_wait3A_684 = arith.constant 0 : i32
        %dma_wait3A_685 = tpu.memref_slice %arg4[%select_n3A, %add3A_682, %dma_wait3A_684] : memref<8x2048x2048xf32, #tpu.memory_space<hbm>> -> memref<1x8x768xf32, #tpu.memory_space<hbm>>
        %dma_wait3A_686 = tpu.memref_squeeze %dma_wait3A_685 : memref<1x8x768xf32, #tpu.memory_space<hbm>> -> memref<8x768xf32, #tpu.memory_space<hbm>>
        %dma_wait3A_687 = arith.constant 0 : i32
        %dma_wait3A_688 = arith.constant 0 : i32
        %dma_wait3A_689 = tpu.memref_slice %arg10[%arg1, %dma_wait3A_683, %dma_wait3A_687, %dma_wait3A_688] : memref<16x4x8x768xf32, #tpu.memory_space<vmem_shared>> -> memref<1x1x8x768xf32, #tpu.memory_space<vmem_shared>>
        %dma_wait3A_690 = tpu.memref_squeeze %dma_wait3A_689 : memref<1x1x8x768xf32, #tpu.memory_space<vmem_shared>> -> memref<8x768xf32, #tpu.memory_space<vmem_shared>>
        tpu.wait_dma2 semaphore(%arg23 : memref<!tpu.dma_semaphore, #tpu.memory_space<semaphore_mem>>) src(%dma_wait3A_690 : memref<8x768xf32, #tpu.memory_space<vmem_shared>>) dst(%dma_wait3A_686 : memref<8x768xf32, #tpu.memory_space<hbm>>)
        %mul3A_691 = arith.constant 8 : i32
        %mul3A_692 = arith.muli %add3A_630, %mul3A_691 : i32
        %add3A_693 = arith.addi %mul3A_32, %mul3A_692 : i32
        %dma_start3A_694 = arith.constant 0 : i32
        %dma_start3A_695 = arith.constant 0 : i32
        %dma_start3A_696 = arith.constant 0 : i32
        %dma_start3A_697 = tpu.memref_slice %arg10[%arg1, %dma_start3A_694, %dma_start3A_695, %dma_start3A_696] : memref<16x4x8x768xf32, #tpu.memory_space<vmem_shared>> -> memref<1x1x8x768xf32, #tpu.memory_space<vmem_shared>>
        %dma_start3A_698 = tpu.memref_squeeze %dma_start3A_697 : memref<1x1x8x768xf32, #tpu.memory_space<vmem_shared>> -> memref<8x768xf32, #tpu.memory_space<vmem_shared>>
        %dma_start3A_699 = arith.constant 0 : i32
        %dma_start3A_700 = tpu.memref_slice %arg2[%select_n3A, %add3A_693, %dma_start3A_699] : memref<8x2048x2048xf32, #tpu.memory_space<hbm>> -> memref<1x8x768xf32, #tpu.memory_space<hbm>>
        %dma_start3A_701 = tpu.memref_squeeze %dma_start3A_700 : memref<1x8x768xf32, #tpu.memory_space<hbm>> -> memref<8x768xf32, #tpu.memory_space<hbm>>
        tpu.enqueue_dma source(%dma_start3A_701 : memref<8x768xf32, #tpu.memory_space<hbm>>) target(%dma_start3A_698 : memref<8x768xf32, #tpu.memory_space<vmem_shared>>) target_semaphore(%arg19 : memref<!tpu.dma_semaphore, #tpu.memory_space<semaphore_mem>>)
      } else {
      }
      %add3A_634 = arith.constant 1 : i32
      %add3A_635 = arith.addi %mul3A_418, %add3A_634 : i32
      %add3A_636 = arith.constant 4 : i32
      %add3A_637 = arith.addi %add3A_635, %add3A_636 : i32
      %lt3A_638 = arith.constant 64 : i32
      %lt3A_639 = arith.cmpi slt, %add3A_637, %lt3A_638 : i32
      %convert_element_type3A_640 = arith.extui %lt3A_639 : i1 to i32
      %cond3A_641 = arith.constant 0 : i32
      %cond3A_642 = arith.cmpi ne, %convert_element_type3A_640, %cond3A_641 : i32
      scf.if %cond3A_642 {
        %mul3A_662 = arith.constant 8 : i32
        %mul3A_663 = arith.muli %add3A_635, %mul3A_662 : i32
        %add3A_664 = arith.addi %mul3A_32, %mul3A_663 : i32
        %dma_wait3A_665 = arith.constant 768 : i32
        %dma_wait3A_666 = tpu.memref_slice %arg4[%select_n3A, %add3A_664, %dma_wait3A_665] : memref<8x2048x2048xf32, #tpu.memory_space<hbm>> -> memref<1x8x1280xf32, #tpu.memory_space<hbm>>
        %dma_wait3A_667 = tpu.memref_squeeze %dma_wait3A_666 : memref<1x8x1280xf32, #tpu.memory_space<hbm>> -> memref<8x1280xf32, #tpu.memory_space<hbm>>
        %dma_wait3A_668 = arith.constant 768 : i32
        %dma_wait3A_669 = tpu.memref_slice %arg4[%select_n3A, %add3A_664, %dma_wait3A_668] : memref<8x2048x2048xf32, #tpu.memory_space<hbm>> -> memref<1x8x1280xf32, #tpu.memory_space<hbm>>
        %dma_wait3A_670 = tpu.memref_squeeze %dma_wait3A_669 : memref<1x8x1280xf32, #tpu.memory_space<hbm>> -> memref<8x1280xf32, #tpu.memory_space<hbm>>
        tpu.wait_dma2 semaphore(%arg16 : memref<!tpu.dma_semaphore, #tpu.memory_space<semaphore_mem>>) src(%arg6 : memref<8x1280xf32, #tpu.memory_space<vmem>>) dst(%dma_wait3A_670 : memref<8x1280xf32, #tpu.memory_space<hbm>>)
        %mul3A_671 = arith.constant 8 : i32
        %mul3A_672 = arith.muli %add3A_637, %mul3A_671 : i32
        %add3A_673 = arith.addi %mul3A_32, %mul3A_672 : i32
        %dma_start3A_674 = arith.constant 768 : i32
        %dma_start3A_675 = tpu.memref_slice %arg2[%select_n3A, %add3A_673, %dma_start3A_674] : memref<8x2048x2048xf32, #tpu.memory_space<hbm>> -> memref<1x8x1280xf32, #tpu.memory_space<hbm>>
        %dma_start3A_676 = tpu.memref_squeeze %dma_start3A_675 : memref<1x8x1280xf32, #tpu.memory_space<hbm>> -> memref<8x1280xf32, #tpu.memory_space<hbm>>
        %dma_start3A_677 = arith.constant 768 : i32
        %dma_start3A_678 = tpu.memref_slice %arg2[%select_n3A, %add3A_673, %dma_start3A_677] : memref<8x2048x2048xf32, #tpu.memory_space<hbm>> -> memref<1x8x1280xf32, #tpu.memory_space<hbm>>
        %dma_start3A_679 = tpu.memref_squeeze %dma_start3A_678 : memref<1x8x1280xf32, #tpu.memory_space<hbm>> -> memref<8x1280xf32, #tpu.memory_space<hbm>>
        tpu.enqueue_dma source(%dma_start3A_679 : memref<8x1280xf32, #tpu.memory_space<hbm>>) target(%arg6 : memref<8x1280xf32, #tpu.memory_space<vmem>>) target_semaphore(%arg12 : memref<!tpu.dma_semaphore, #tpu.memory_space<semaphore_mem>>)
        %mul3A_680 = arith.constant 8 : i32
        %mul3A_681 = arith.muli %add3A_635, %mul3A_680 : i32
        %add3A_682 = arith.addi %mul3A_32, %mul3A_681 : i32
        %dma_wait3A_683 = arith.constant 1 : i32
        %dma_wait3A_684 = arith.constant 0 : i32
        %dma_wait3A_685 = tpu.memref_slice %arg4[%select_n3A, %add3A_682, %dma_wait3A_684] : memref<8x2048x2048xf32, #tpu.memory_space<hbm>> -> memref<1x8x768xf32, #tpu.memory_space<hbm>>
        %dma_wait3A_686 = tpu.memref_squeeze %dma_wait3A_685 : memref<1x8x768xf32, #tpu.memory_space<hbm>> -> memref<8x768xf32, #tpu.memory_space<hbm>>
        %dma_wait3A_687 = arith.constant 0 : i32
        %dma_wait3A_688 = arith.constant 0 : i32
        %dma_wait3A_689 = tpu.memref_slice %arg10[%arg1, %dma_wait3A_683, %dma_wait3A_687, %dma_wait3A_688] : memref<16x4x8x768xf32, #tpu.memory_space<vmem_shared>> -> memref<1x1x8x768xf32, #tpu.memory_space<vmem_shared>>
        %dma_wait3A_690 = tpu.memref_squeeze %dma_wait3A_689 : memref<1x1x8x768xf32, #tpu.memory_space<vmem_shared>> -> memref<8x768xf32, #tpu.memory_space<vmem_shared>>
        tpu.wait_dma2 semaphore(%arg24 : memref<!tpu.dma_semaphore, #tpu.memory_space<semaphore_mem>>) src(%dma_wait3A_690 : memref<8x768xf32, #tpu.memory_space<vmem_shared>>) dst(%dma_wait3A_686 : memref<8x768xf32, #tpu.memory_space<hbm>>)
        %mul3A_691 = arith.constant 8 : i32
        %mul3A_692 = arith.muli %add3A_637, %mul3A_691 : i32
        %add3A_693 = arith.addi %mul3A_32, %mul3A_692 : i32
        %dma_start3A_694 = arith.constant 1 : i32
        %dma_start3A_695 = arith.constant 0 : i32
        %dma_start3A_696 = arith.constant 0 : i32
        %dma_start3A_697 = tpu.memref_slice %arg10[%arg1, %dma_start3A_694, %dma_start3A_695, %dma_start3A_696] : memref<16x4x8x768xf32, #tpu.memory_space<vmem_shared>> -> memref<1x1x8x768xf32, #tpu.memory_space<vmem_shared>>
        %dma_start3A_698 = tpu.memref_squeeze %dma_start3A_697 : memref<1x1x8x768xf32, #tpu.memory_space<vmem_shared>> -> memref<8x768xf32, #tpu.memory_space<vmem_shared>>
        %dma_start3A_699 = arith.constant 0 : i32
        %dma_start3A_700 = tpu.memref_slice %arg2[%select_n3A, %add3A_693, %dma_start3A_699] : memref<8x2048x2048xf32, #tpu.memory_space<hbm>> -> memref<1x8x768xf32, #tpu.memory_space<hbm>>
        %dma_start3A_701 = tpu.memref_squeeze %dma_start3A_700 : memref<1x8x768xf32, #tpu.memory_space<hbm>> -> memref<8x768xf32, #tpu.memory_space<hbm>>
        tpu.enqueue_dma source(%dma_start3A_701 : memref<8x768xf32, #tpu.memory_space<hbm>>) target(%dma_start3A_698 : memref<8x768xf32, #tpu.memory_space<vmem_shared>>) target_semaphore(%arg20 : memref<!tpu.dma_semaphore, #tpu.memory_space<semaphore_mem>>)
      } else {
      }
      %add3A_643 = arith.constant 2 : i32
      %add3A_644 = arith.addi %mul3A_418, %add3A_643 : i32
      %add3A_645 = arith.constant 4 : i32
      %add3A_646 = arith.addi %add3A_644, %add3A_645 : i32
      %lt3A_647 = arith.constant 64 : i32
      %lt3A_648 = arith.cmpi slt, %add3A_646, %lt3A_647 : i32
      %convert_element_type3A_649 = arith.extui %lt3A_648 : i1 to i32
      %cond3A_650 = arith.constant 0 : i32
      %cond3A_651 = arith.cmpi ne, %convert_element_type3A_649, %cond3A_650 : i32
      scf.if %cond3A_651 {
        %mul3A_662 = arith.constant 8 : i32
        %mul3A_663 = arith.muli %add3A_644, %mul3A_662 : i32
        %add3A_664 = arith.addi %mul3A_32, %mul3A_663 : i32
        %dma_wait3A_665 = arith.constant 768 : i32
        %dma_wait3A_666 = tpu.memref_slice %arg4[%select_n3A, %add3A_664, %dma_wait3A_665] : memref<8x2048x2048xf32, #tpu.memory_space<hbm>> -> memref<1x8x1280xf32, #tpu.memory_space<hbm>>
        %dma_wait3A_667 = tpu.memref_squeeze %dma_wait3A_666 : memref<1x8x1280xf32, #tpu.memory_space<hbm>> -> memref<8x1280xf32, #tpu.memory_space<hbm>>
        %dma_wait3A_668 = arith.constant 768 : i32
        %dma_wait3A_669 = tpu.memref_slice %arg4[%select_n3A, %add3A_664, %dma_wait3A_668] : memref<8x2048x2048xf32, #tpu.memory_space<hbm>> -> memref<1x8x1280xf32, #tpu.memory_space<hbm>>
        %dma_wait3A_670 = tpu.memref_squeeze %dma_wait3A_669 : memref<1x8x1280xf32, #tpu.memory_space<hbm>> -> memref<8x1280xf32, #tpu.memory_space<hbm>>
        tpu.wait_dma2 semaphore(%arg17 : memref<!tpu.dma_semaphore, #tpu.memory_space<semaphore_mem>>) src(%arg7 : memref<8x1280xf32, #tpu.memory_space<vmem>>) dst(%dma_wait3A_670 : memref<8x1280xf32, #tpu.memory_space<hbm>>)
        %mul3A_671 = arith.constant 8 : i32
        %mul3A_672 = arith.muli %add3A_646, %mul3A_671 : i32
        %add3A_673 = arith.addi %mul3A_32, %mul3A_672 : i32
        %dma_start3A_674 = arith.constant 768 : i32
        %dma_start3A_675 = tpu.memref_slice %arg2[%select_n3A, %add3A_673, %dma_start3A_674] : memref<8x2048x2048xf32, #tpu.memory_space<hbm>> -> memref<1x8x1280xf32, #tpu.memory_space<hbm>>
        %dma_start3A_676 = tpu.memref_squeeze %dma_start3A_675 : memref<1x8x1280xf32, #tpu.memory_space<hbm>> -> memref<8x1280xf32, #tpu.memory_space<hbm>>
        %dma_start3A_677 = arith.constant 768 : i32
        %dma_start3A_678 = tpu.memref_slice %arg2[%select_n3A, %add3A_673, %dma_start3A_677] : memref<8x2048x2048xf32, #tpu.memory_space<hbm>> -> memref<1x8x1280xf32, #tpu.memory_space<hbm>>
        %dma_start3A_679 = tpu.memref_squeeze %dma_start3A_678 : memref<1x8x1280xf32, #tpu.memory_space<hbm>> -> memref<8x1280xf32, #tpu.memory_space<hbm>>
        tpu.enqueue_dma source(%dma_start3A_679 : memref<8x1280xf32, #tpu.memory_space<hbm>>) target(%arg7 : memref<8x1280xf32, #tpu.memory_space<vmem>>) target_semaphore(%arg13 : memref<!tpu.dma_semaphore, #tpu.memory_space<semaphore_mem>>)
        %mul3A_680 = arith.constant 8 : i32
        %mul3A_681 = arith.muli %add3A_644, %mul3A_680 : i32
        %add3A_682 = arith.addi %mul3A_32, %mul3A_681 : i32
        %dma_wait3A_683 = arith.constant 2 : i32
        %dma_wait3A_684 = arith.constant 0 : i32
        %dma_wait3A_685 = tpu.memref_slice %arg4[%select_n3A, %add3A_682, %dma_wait3A_684] : memref<8x2048x2048xf32, #tpu.memory_space<hbm>> -> memref<1x8x768xf32, #tpu.memory_space<hbm>>
        %dma_wait3A_686 = tpu.memref_squeeze %dma_wait3A_685 : memref<1x8x768xf32, #tpu.memory_space<hbm>> -> memref<8x768xf32, #tpu.memory_space<hbm>>
        %dma_wait3A_687 = arith.constant 0 : i32
        %dma_wait3A_688 = arith.constant 0 : i32
        %dma_wait3A_689 = tpu.memref_slice %arg10[%arg1, %dma_wait3A_683, %dma_wait3A_687, %dma_wait3A_688] : memref<16x4x8x768xf32, #tpu.memory_space<vmem_shared>> -> memref<1x1x8x768xf32, #tpu.memory_space<vmem_shared>>
        %dma_wait3A_690 = tpu.memref_squeeze %dma_wait3A_689 : memref<1x1x8x768xf32, #tpu.memory_space<vmem_shared>> -> memref<8x768xf32, #tpu.memory_space<vmem_shared>>
        tpu.wait_dma2 semaphore(%arg25 : memref<!tpu.dma_semaphore, #tpu.memory_space<semaphore_mem>>) src(%dma_wait3A_690 : memref<8x768xf32, #tpu.memory_space<vmem_shared>>) dst(%dma_wait3A_686 : memref<8x768xf32, #tpu.memory_space<hbm>>)
        %mul3A_691 = arith.constant 8 : i32
        %mul3A_692 = arith.muli %add3A_646, %mul3A_691 : i32
        %add3A_693 = arith.addi %mul3A_32, %mul3A_692 : i32
        %dma_start3A_694 = arith.constant 2 : i32
        %dma_start3A_695 = arith.constant 0 : i32
        %dma_start3A_696 = arith.constant 0 : i32
        %dma_start3A_697 = tpu.memref_slice %arg10[%arg1, %dma_start3A_694, %dma_start3A_695, %dma_start3A_696] : memref<16x4x8x768xf32, #tpu.memory_space<vmem_shared>> -> memref<1x1x8x768xf32, #tpu.memory_space<vmem_shared>>
        %dma_start3A_698 = tpu.memref_squeeze %dma_start3A_697 : memref<1x1x8x768xf32, #tpu.memory_space<vmem_shared>> -> memref<8x768xf32, #tpu.memory_space<vmem_shared>>
        %dma_start3A_699 = arith.constant 0 : i32
        %dma_start3A_700 = tpu.memref_slice %arg2[%select_n3A, %add3A_693, %dma_start3A_699] : memref<8x2048x2048xf32, #tpu.memory_space<hbm>> -> memref<1x8x768xf32, #tpu.memory_space<hbm>>
        %dma_start3A_701 = tpu.memref_squeeze %dma_start3A_700 : memref<1x8x768xf32, #tpu.memory_space<hbm>> -> memref<8x768xf32, #tpu.memory_space<hbm>>
        tpu.enqueue_dma source(%dma_start3A_701 : memref<8x768xf32, #tpu.memory_space<hbm>>) target(%dma_start3A_698 : memref<8x768xf32, #tpu.memory_space<vmem_shared>>) target_semaphore(%arg21 : memref<!tpu.dma_semaphore, #tpu.memory_space<semaphore_mem>>)
      } else {
      }
      %add3A_652 = arith.constant 3 : i32
      %add3A_653 = arith.addi %mul3A_418, %add3A_652 : i32
      %add3A_654 = arith.constant 4 : i32
      %add3A_655 = arith.addi %add3A_653, %add3A_654 : i32
      %lt3A_656 = arith.constant 64 : i32
      %lt3A_657 = arith.cmpi slt, %add3A_655, %lt3A_656 : i32
      %convert_element_type3A_658 = arith.extui %lt3A_657 : i1 to i32
      %cond3A_659 = arith.constant 0 : i32
      %cond3A_660 = arith.cmpi ne, %convert_element_type3A_658, %cond3A_659 : i32
      scf.if %cond3A_660 {
        %mul3A_662 = arith.constant 8 : i32
        %mul3A_663 = arith.muli %add3A_653, %mul3A_662 : i32
        %add3A_664 = arith.addi %mul3A_32, %mul3A_663 : i32
        %dma_wait3A_665 = arith.constant 768 : i32
        %dma_wait3A_666 = tpu.memref_slice %arg4[%select_n3A, %add3A_664, %dma_wait3A_665] : memref<8x2048x2048xf32, #tpu.memory_space<hbm>> -> memref<1x8x1280xf32, #tpu.memory_space<hbm>>
        %dma_wait3A_667 = tpu.memref_squeeze %dma_wait3A_666 : memref<1x8x1280xf32, #tpu.memory_space<hbm>> -> memref<8x1280xf32, #tpu.memory_space<hbm>>
        %dma_wait3A_668 = arith.constant 768 : i32
        %dma_wait3A_669 = tpu.memref_slice %arg4[%select_n3A, %add3A_664, %dma_wait3A_668] : memref<8x2048x2048xf32, #tpu.memory_space<hbm>> -> memref<1x8x1280xf32, #tpu.memory_space<hbm>>
        %dma_wait3A_670 = tpu.memref_squeeze %dma_wait3A_669 : memref<1x8x1280xf32, #tpu.memory_space<hbm>> -> memref<8x1280xf32, #tpu.memory_space<hbm>>
        tpu.wait_dma2 semaphore(%arg18 : memref<!tpu.dma_semaphore, #tpu.memory_space<semaphore_mem>>) src(%arg8 : memref<8x1280xf32, #tpu.memory_space<vmem>>) dst(%dma_wait3A_670 : memref<8x1280xf32, #tpu.memory_space<hbm>>)
        %mul3A_671 = arith.constant 8 : i32
        %mul3A_672 = arith.muli %add3A_655, %mul3A_671 : i32
        %add3A_673 = arith.addi %mul3A_32, %mul3A_672 : i32
        %dma_start3A_674 = arith.constant 768 : i32
        %dma_start3A_675 = tpu.memref_slice %arg2[%select_n3A, %add3A_673, %dma_start3A_674] : memref<8x2048x2048xf32, #tpu.memory_space<hbm>> -> memref<1x8x1280xf32, #tpu.memory_space<hbm>>
        %dma_start3A_676 = tpu.memref_squeeze %dma_start3A_675 : memref<1x8x1280xf32, #tpu.memory_space<hbm>> -> memref<8x1280xf32, #tpu.memory_space<hbm>>
        %dma_start3A_677 = arith.constant 768 : i32
        %dma_start3A_678 = tpu.memref_slice %arg2[%select_n3A, %add3A_673, %dma_start3A_677] : memref<8x2048x2048xf32, #tpu.memory_space<hbm>> -> memref<1x8x1280xf32, #tpu.memory_space<hbm>>
        %dma_start3A_679 = tpu.memref_squeeze %dma_start3A_678 : memref<1x8x1280xf32, #tpu.memory_space<hbm>> -> memref<8x1280xf32, #tpu.memory_space<hbm>>
        tpu.enqueue_dma source(%dma_start3A_679 : memref<8x1280xf32, #tpu.memory_space<hbm>>) target(%arg8 : memref<8x1280xf32, #tpu.memory_space<vmem>>) target_semaphore(%arg14 : memref<!tpu.dma_semaphore, #tpu.memory_space<semaphore_mem>>)
        %mul3A_680 = arith.constant 8 : i32
        %mul3A_681 = arith.muli %add3A_653, %mul3A_680 : i32
        %add3A_682 = arith.addi %mul3A_32, %mul3A_681 : i32
        %dma_wait3A_683 = arith.constant 3 : i32
        %dma_wait3A_684 = arith.constant 0 : i32
        %dma_wait3A_685 = tpu.memref_slice %arg4[%select_n3A, %add3A_682, %dma_wait3A_684] : memref<8x2048x2048xf32, #tpu.memory_space<hbm>> -> memref<1x8x768xf32, #tpu.memory_space<hbm>>
        %dma_wait3A_686 = tpu.memref_squeeze %dma_wait3A_685 : memref<1x8x768xf32, #tpu.memory_space<hbm>> -> memref<8x768xf32, #tpu.memory_space<hbm>>
        %dma_wait3A_687 = arith.constant 0 : i32
        %dma_wait3A_688 = arith.constant 0 : i32
        %dma_wait3A_689 = tpu.memref_slice %arg10[%arg1, %dma_wait3A_683, %dma_wait3A_687, %dma_wait3A_688] : memref<16x4x8x768xf32, #tpu.memory_space<vmem_shared>> -> memref<1x1x8x768xf32, #tpu.memory_space<vmem_shared>>
        %dma_wait3A_690 = tpu.memref_squeeze %dma_wait3A_689 : memref<1x1x8x768xf32, #tpu.memory_space<vmem_shared>> -> memref<8x768xf32, #tpu.memory_space<vmem_shared>>
        tpu.wait_dma2 semaphore(%arg26 : memref<!tpu.dma_semaphore, #tpu.memory_space<semaphore_mem>>) src(%dma_wait3A_690 : memref<8x768xf32, #tpu.memory_space<vmem_shared>>) dst(%dma_wait3A_686 : memref<8x768xf32, #tpu.memory_space<hbm>>)
        %mul3A_691 = arith.constant 8 : i32
        %mul3A_692 = arith.muli %add3A_655, %mul3A_691 : i32
        %add3A_693 = arith.addi %mul3A_32, %mul3A_692 : i32
        %dma_start3A_694 = arith.constant 3 : i32
        %dma_start3A_695 = arith.constant 0 : i32
        %dma_start3A_696 = arith.constant 0 : i32
        %dma_start3A_697 = tpu.memref_slice %arg10[%arg1, %dma_start3A_694, %dma_start3A_695, %dma_start3A_696] : memref<16x4x8x768xf32, #tpu.memory_space<vmem_shared>> -> memref<1x1x8x768xf32, #tpu.memory_space<vmem_shared>>
        %dma_start3A_698 = tpu.memref_squeeze %dma_start3A_697 : memref<1x1x8x768xf32, #tpu.memory_space<vmem_shared>> -> memref<8x768xf32, #tpu.memory_space<vmem_shared>>
        %dma_start3A_699 = arith.constant 0 : i32
        %dma_start3A_700 = tpu.memref_slice %arg2[%select_n3A, %add3A_693, %dma_start3A_699] : memref<8x2048x2048xf32, #tpu.memory_space<hbm>> -> memref<1x8x768xf32, #tpu.memory_space<hbm>>
        %dma_start3A_701 = tpu.memref_squeeze %dma_start3A_700 : memref<1x8x768xf32, #tpu.memory_space<hbm>> -> memref<8x768xf32, #tpu.memory_space<hbm>>
        tpu.enqueue_dma source(%dma_start3A_701 : memref<8x768xf32, #tpu.memory_space<hbm>>) target(%dma_start3A_698 : memref<8x768xf32, #tpu.memory_space<vmem_shared>>) target_semaphore(%arg22 : memref<!tpu.dma_semaphore, #tpu.memory_space<semaphore_mem>>)
      } else {
      }
      %scan3A_661 = arith.constant 0 : i32
      scf.yield %scan3A_661 : i32
    }
    %scan3A_343 = arith.constant 16 : i32
    %add3A_344 = arith.constant 480 : i32
    %add3A_345 = arith.addi %mul3A_32, %add3A_344 : i32
    %dma_wait3A = arith.constant 768 : i32
    %dma_wait3A_346 = tpu.memref_slice %arg4[%select_n3A, %add3A_345, %dma_wait3A] : memref<8x2048x2048xf32, #tpu.memory_space<hbm>> -> memref<1x8x1280xf32, #tpu.memory_space<hbm>>
    %dma_wait3A_347 = tpu.memref_squeeze %dma_wait3A_346 : memref<1x8x1280xf32, #tpu.memory_space<hbm>> -> memref<8x1280xf32, #tpu.memory_space<hbm>>
    %dma_wait3A_348 = arith.constant 768 : i32
    %dma_wait3A_349 = tpu.memref_slice %arg4[%select_n3A, %add3A_345, %dma_wait3A_348] : memref<8x2048x2048xf32, #tpu.memory_space<hbm>> -> memref<1x8x1280xf32, #tpu.memory_space<hbm>>
    %dma_wait3A_350 = tpu.memref_squeeze %dma_wait3A_349 : memref<1x8x1280xf32, #tpu.memory_space<hbm>> -> memref<8x1280xf32, #tpu.memory_space<hbm>>
    tpu.wait_dma2 semaphore(%arg15 : memref<!tpu.dma_semaphore, #tpu.memory_space<semaphore_mem>>) src(%arg5 : memref<8x1280xf32, #tpu.memory_space<vmem>>) dst(%dma_wait3A_350 : memref<8x1280xf32, #tpu.memory_space<hbm>>)
    %add3A_351 = arith.constant 480 : i32
    %add3A_352 = arith.addi %mul3A_32, %add3A_351 : i32
    %dma_wait3A_353 = arith.constant 0 : i32
    %dma_wait3A_354 = arith.constant 0 : i32
    %dma_wait3A_355 = tpu.memref_slice %arg4[%select_n3A, %add3A_352, %dma_wait3A_354] : memref<8x2048x2048xf32, #tpu.memory_space<hbm>> -> memref<1x8x768xf32, #tpu.memory_space<hbm>>
    %dma_wait3A_356 = tpu.memref_squeeze %dma_wait3A_355 : memref<1x8x768xf32, #tpu.memory_space<hbm>> -> memref<8x768xf32, #tpu.memory_space<hbm>>
    %dma_wait3A_357 = arith.constant 0 : i32
    %dma_wait3A_358 = arith.constant 0 : i32
    %dma_wait3A_359 = tpu.memref_slice %arg10[%arg1, %dma_wait3A_353, %dma_wait3A_357, %dma_wait3A_358] : memref<16x4x8x768xf32, #tpu.memory_space<vmem_shared>> -> memref<1x1x8x768xf32, #tpu.memory_space<vmem_shared>>
    %dma_wait3A_360 = tpu.memref_squeeze %dma_wait3A_359 : memref<1x1x8x768xf32, #tpu.memory_space<vmem_shared>> -> memref<8x768xf32, #tpu.memory_space<vmem_shared>>
    tpu.wait_dma2 semaphore(%arg23 : memref<!tpu.dma_semaphore, #tpu.memory_space<semaphore_mem>>) src(%dma_wait3A_360 : memref<8x768xf32, #tpu.memory_space<vmem_shared>>) dst(%dma_wait3A_356 : memref<8x768xf32, #tpu.memory_space<hbm>>)
    %add3A_361 = arith.constant 488 : i32
    %add3A_362 = arith.addi %mul3A_32, %add3A_361 : i32
    %dma_wait3A_363 = arith.constant 768 : i32
    %dma_wait3A_364 = tpu.memref_slice %arg4[%select_n3A, %add3A_362, %dma_wait3A_363] : memref<8x2048x2048xf32, #tpu.memory_space<hbm>> -> memref<1x8x1280xf32, #tpu.memory_space<hbm>>
    %dma_wait3A_365 = tpu.memref_squeeze %dma_wait3A_364 : memref<1x8x1280xf32, #tpu.memory_space<hbm>> -> memref<8x1280xf32, #tpu.memory_space<hbm>>
    %dma_wait3A_366 = arith.constant 768 : i32
    %dma_wait3A_367 = tpu.memref_slice %arg4[%select_n3A, %add3A_362, %dma_wait3A_366] : memref<8x2048x2048xf32, #tpu.memory_space<hbm>> -> memref<1x8x1280xf32, #tpu.memory_space<hbm>>
    %dma_wait3A_368 = tpu.memref_squeeze %dma_wait3A_367 : memref<1x8x1280xf32, #tpu.memory_space<hbm>> -> memref<8x1280xf32, #tpu.memory_space<hbm>>
    tpu.wait_dma2 semaphore(%arg16 : memref<!tpu.dma_semaphore, #tpu.memory_space<semaphore_mem>>) src(%arg6 : memref<8x1280xf32, #tpu.memory_space<vmem>>) dst(%dma_wait3A_368 : memref<8x1280xf32, #tpu.memory_space<hbm>>)
    %add3A_369 = arith.constant 488 : i32
    %add3A_370 = arith.addi %mul3A_32, %add3A_369 : i32
    %dma_wait3A_371 = arith.constant 1 : i32
    %dma_wait3A_372 = arith.constant 0 : i32
    %dma_wait3A_373 = tpu.memref_slice %arg4[%select_n3A, %add3A_370, %dma_wait3A_372] : memref<8x2048x2048xf32, #tpu.memory_space<hbm>> -> memref<1x8x768xf32, #tpu.memory_space<hbm>>
    %dma_wait3A_374 = tpu.memref_squeeze %dma_wait3A_373 : memref<1x8x768xf32, #tpu.memory_space<hbm>> -> memref<8x768xf32, #tpu.memory_space<hbm>>
    %dma_wait3A_375 = arith.constant 0 : i32
    %dma_wait3A_376 = arith.constant 0 : i32
    %dma_wait3A_377 = tpu.memref_slice %arg10[%arg1, %dma_wait3A_371, %dma_wait3A_375, %dma_wait3A_376] : memref<16x4x8x768xf32, #tpu.memory_space<vmem_shared>> -> memref<1x1x8x768xf32, #tpu.memory_space<vmem_shared>>
    %dma_wait3A_378 = tpu.memref_squeeze %dma_wait3A_377 : memref<1x1x8x768xf32, #tpu.memory_space<vmem_shared>> -> memref<8x768xf32, #tpu.memory_space<vmem_shared>>
    tpu.wait_dma2 semaphore(%arg24 : memref<!tpu.dma_semaphore, #tpu.memory_space<semaphore_mem>>) src(%dma_wait3A_378 : memref<8x768xf32, #tpu.memory_space<vmem_shared>>) dst(%dma_wait3A_374 : memref<8x768xf32, #tpu.memory_space<hbm>>)
    %add3A_379 = arith.constant 496 : i32
    %add3A_380 = arith.addi %mul3A_32, %add3A_379 : i32
    %dma_wait3A_381 = arith.constant 768 : i32
    %dma_wait3A_382 = tpu.memref_slice %arg4[%select_n3A, %add3A_380, %dma_wait3A_381] : memref<8x2048x2048xf32, #tpu.memory_space<hbm>> -> memref<1x8x1280xf32, #tpu.memory_space<hbm>>
    %dma_wait3A_383 = tpu.memref_squeeze %dma_wait3A_382 : memref<1x8x1280xf32, #tpu.memory_space<hbm>> -> memref<8x1280xf32, #tpu.memory_space<hbm>>
    %dma_wait3A_384 = arith.constant 768 : i32
    %dma_wait3A_385 = tpu.memref_slice %arg4[%select_n3A, %add3A_380, %dma_wait3A_384] : memref<8x2048x2048xf32, #tpu.memory_space<hbm>> -> memref<1x8x1280xf32, #tpu.memory_space<hbm>>
    %dma_wait3A_386 = tpu.memref_squeeze %dma_wait3A_385 : memref<1x8x1280xf32, #tpu.memory_space<hbm>> -> memref<8x1280xf32, #tpu.memory_space<hbm>>
    tpu.wait_dma2 semaphore(%arg17 : memref<!tpu.dma_semaphore, #tpu.memory_space<semaphore_mem>>) src(%arg7 : memref<8x1280xf32, #tpu.memory_space<vmem>>) dst(%dma_wait3A_386 : memref<8x1280xf32, #tpu.memory_space<hbm>>)
    %add3A_387 = arith.constant 496 : i32
    %add3A_388 = arith.addi %mul3A_32, %add3A_387 : i32
    %dma_wait3A_389 = arith.constant 2 : i32
    %dma_wait3A_390 = arith.constant 0 : i32
    %dma_wait3A_391 = tpu.memref_slice %arg4[%select_n3A, %add3A_388, %dma_wait3A_390] : memref<8x2048x2048xf32, #tpu.memory_space<hbm>> -> memref<1x8x768xf32, #tpu.memory_space<hbm>>
    %dma_wait3A_392 = tpu.memref_squeeze %dma_wait3A_391 : memref<1x8x768xf32, #tpu.memory_space<hbm>> -> memref<8x768xf32, #tpu.memory_space<hbm>>
    %dma_wait3A_393 = arith.constant 0 : i32
    %dma_wait3A_394 = arith.constant 0 : i32
    %dma_wait3A_395 = tpu.memref_slice %arg10[%arg1, %dma_wait3A_389, %dma_wait3A_393, %dma_wait3A_394] : memref<16x4x8x768xf32, #tpu.memory_space<vmem_shared>> -> memref<1x1x8x768xf32, #tpu.memory_space<vmem_shared>>
    %dma_wait3A_396 = tpu.memref_squeeze %dma_wait3A_395 : memref<1x1x8x768xf32, #tpu.memory_space<vmem_shared>> -> memref<8x768xf32, #tpu.memory_space<vmem_shared>>
    tpu.wait_dma2 semaphore(%arg25 : memref<!tpu.dma_semaphore, #tpu.memory_space<semaphore_mem>>) src(%dma_wait3A_396 : memref<8x768xf32, #tpu.memory_space<vmem_shared>>) dst(%dma_wait3A_392 : memref<8x768xf32, #tpu.memory_space<hbm>>)
    %add3A_397 = arith.constant 504 : i32
    %add3A_398 = arith.addi %mul3A_32, %add3A_397 : i32
    %dma_wait3A_399 = arith.constant 768 : i32
    %dma_wait3A_400 = tpu.memref_slice %arg4[%select_n3A, %add3A_398, %dma_wait3A_399] : memref<8x2048x2048xf32, #tpu.memory_space<hbm>> -> memref<1x8x1280xf32, #tpu.memory_space<hbm>>
    %dma_wait3A_401 = tpu.memref_squeeze %dma_wait3A_400 : memref<1x8x1280xf32, #tpu.memory_space<hbm>> -> memref<8x1280xf32, #tpu.memory_space<hbm>>
    %dma_wait3A_402 = arith.constant 768 : i32
    %dma_wait3A_403 = tpu.memref_slice %arg4[%select_n3A, %add3A_398, %dma_wait3A_402] : memref<8x2048x2048xf32, #tpu.memory_space<hbm>> -> memref<1x8x1280xf32, #tpu.memory_space<hbm>>
    %dma_wait3A_404 = tpu.memref_squeeze %dma_wait3A_403 : memref<1x8x1280xf32, #tpu.memory_space<hbm>> -> memref<8x1280xf32, #tpu.memory_space<hbm>>
    tpu.wait_dma2 semaphore(%arg18 : memref<!tpu.dma_semaphore, #tpu.memory_space<semaphore_mem>>) src(%arg8 : memref<8x1280xf32, #tpu.memory_space<vmem>>) dst(%dma_wait3A_404 : memref<8x1280xf32, #tpu.memory_space<hbm>>)
    %add3A_405 = arith.constant 504 : i32
    %add3A_406 = arith.addi %mul3A_32, %add3A_405 : i32
    %dma_wait3A_407 = arith.constant 3 : i32
    %dma_wait3A_408 = arith.constant 0 : i32
    %dma_wait3A_409 = tpu.memref_slice %arg4[%select_n3A, %add3A_406, %dma_wait3A_408] : memref<8x2048x2048xf32, #tpu.memory_space<hbm>> -> memref<1x8x768xf32, #tpu.memory_space<hbm>>
    %dma_wait3A_410 = tpu.memref_squeeze %dma_wait3A_409 : memref<1x8x768xf32, #tpu.memory_space<hbm>> -> memref<8x768xf32, #tpu.memory_space<hbm>>
    %dma_wait3A_411 = arith.constant 0 : i32
    %dma_wait3A_412 = arith.constant 0 : i32
    %dma_wait3A_413 = tpu.memref_slice %arg10[%arg1, %dma_wait3A_407, %dma_wait3A_411, %dma_wait3A_412] : memref<16x4x8x768xf32, #tpu.memory_space<vmem_shared>> -> memref<1x1x8x768xf32, #tpu.memory_space<vmem_shared>>
    %dma_wait3A_414 = tpu.memref_squeeze %dma_wait3A_413 : memref<1x1x8x768xf32, #tpu.memory_space<vmem_shared>> -> memref<8x768xf32, #tpu.memory_space<vmem_shared>>
    tpu.wait_dma2 semaphore(%arg26 : memref<!tpu.dma_semaphore, #tpu.memory_space<semaphore_mem>>) src(%dma_wait3A_414 : memref<8x768xf32, #tpu.memory_space<vmem_shared>>) dst(%dma_wait3A_410 : memref<8x768xf32, #tpu.memory_space<hbm>>)
    return
  }
}

</mosaic_0001>

<sc_bundles>
// kernel: kernel.3.cloned.1.call-start
scs
__scs_entry_jumppad:
0x0: {  	(pc) =	sbr.rel $0x88, $3  }
0x1: {  	(tag) =	ssettag $0x0;
	lr =	simm.s32 $0x1  }
0x2: {  	[smem:$0x3F9F] =	sst lr;
	_ =	strace $0xD0000000  }
0x3: {  	_ = 	snop  }
0x4: {  	_ = 	snop  }
0x5: {  	_ = 	snop  }
0x6: {  	_ = 	snop  }
0x7: {  	_ = 	snop  }
__scs_overlays_trampoline_lowered:
0x8: {  	[smem:$0x3FAE] =	sst s0  }
0x9: {  	[smem:$0x3FAF] =	sst s1  }
0xa: {  	[smem:$0x3FB0] =	sst s2  }
0xb: {  	[smem:$0x3FB1] =	sst s3  }
0xc: {  	[smem:$0x3FB2] =	sst s4  }
0xd: {  	[smem:$0x3FB3] =	sst s5  }
0xe: {  	[smem:$0x3FB4] =	sst s6  }
0xf: {  	[smem:$0x3FB5] =	sst s7  }
0x10: {  	[smem:$0x3FB6] =	sst s8  }
0x11: {  	[smem:$0x3FB7] =	sst s9;
	s0 =	simm.s32 @!p0 $0x0  }
0x12: {  	s1 =	sld [smem:$0x3F9D];
	s0 =	simm.s32 @p0 $0x1  }
0x13: {  	[smem:$0x3FB8] =	sst s0;
	s0 =	simm.s32 @!p1 $0x0  }
0x14: {  	s2 =	sld [smem:$0x3F9C];
	s0 =	simm.s32 @p1 $0x1  }
0x15: {  	[smem:$0x3FB9] =	sst s0;
	s0 =	simm.s32 @!p2 $0x0  }
0x16: {  	s3 =	sld [smem:$0x3FDB];
	s0 =	simm.s32 @p2 $0x1  }
0x17: {  	s4 =	simm.s32 $0x1BF5;
	[smem:$0x3FBB] =	sst s0  }
0x18: {  	s0 =	sld [smem:$0x3F9E];
	_ =	swait.ge [sflag:s4], $0x0  }
0x19: {  	s7 =	sld [smem:$0x3F9F]  }
0x1a: {  	s8 =	sadd.s32 $0xFFFFE003, lr  }
0x1b: {  	s9 =	sadd.s32 $0xFFFFFEF7, lr;
	s5 =	simm.s32 $0xFFFFFFFF;
	p2 =	slt.u32 s8, $0xFFFFF086  }
0x1c: {  	p1 =	slt.u32 s9, $0xF7A;
	s5 =	simm.s32 @!p2 $0x0  }
0x1d: {  	s5 =	simm.s32 @p1 $0x1;
	p0 =	seq.s32 s7, s2  }
0x1e: {  	s7 =	smul.u32 @!p0 $0xF7A, s2;
	p2 =	seq.s32 @!p0 s5, $0x0  }
0x1f: {  	s9 =	smul.u32 $0xF7A, s1;
	s8 =	simm.s32 @!p0 $0x1BF5;
	p2 =	por !p2, p0  }
0x20: {  	[sflag:s8] =	ssyncset.s32 @!p0 $0xFFFFF086;
	s6 =	sadd.s32 @!p0 s3, s7;
	s7 =	simm.s32 @!p0 $0x108  }
0x21: {  	s3 =	sadd.s32 s3, s9;
	s6 =	sadd.s32 @!p0 $0x88, s6;
	s7 =	simm.s32 @p2 $0x1082  }
0x22: {  	[simem:s7], [sflag:s8] =	dma.local @!p0 [hbm:s6], $0xF7A  }
0x23: {  	s9 =	sor.u32 $0xD0000000, s2;
	s6 =	simm.s32 $0x108;
	_ =	swait.ge @!p0 [sflag:s8], $0x0  }
0x24: {  	s3 =	sadd.s32 $0x88, s3;
	s6 =	simm.s32 @!p1 $0x1082;
	[sflag:s4] =	ssyncset.s32 $0xFFFFF086  }
0x25: {  	[simem:s6], [sflag:s4] =	dma.local [hbm:s3], $0xF7A  }
0x26: {  	[smem:$0x3F9F] =	sst s1;
	(tag) =	ssettag s2;
	_ =	strace s9  }
0x27: {  	s1 =	sld [smem:$0x3FAF]  }
0x28: {  	s2 =	sld [smem:$0x3FB0]  }
0x29: {  	s4 =	sld [smem:$0x3FB2]  }
0x2a: {  	p0 =	seq.s32 s5, $0x0;
	s5 =	sld [smem:$0x3FB3]  }
0x2b: {  	s6 =	sld [smem:$0x3FB4]  }
0x2c: {  	s7 =	sld [smem:$0x3FB5]  }
0x2d: {  	s3 =	simm.s32 $0x108;
	s8 =	sld [smem:$0x3FB6]  }
0x2e: {  	s3 =	simm.s32 @!p0 $0x1082;
	s9 =	sld [smem:$0x3FB7]  }
0x2f: {  	lr =	sadd.s32 s0, s3;
	s0 =	sld [smem:$0x3FAE]  }
0x30: {  	s3 =	sld [smem:$0x3FB1]  }
0x31: {  	[smem:$0x3FBA] =	sst s10  }
0x32: {  	s10 =	sld [smem:$0x3FB8];
	_ =	sdelay $0x3  }
0x33: {  	p0 =	seq.s32 s10, $0x1;
	s10 =	sld [smem:$0x3FBA];
	_ =	sdelay $0x3  }
0x34: {  	[smem:$0x3FBA] =	sst s10  }
0x35: {  	s10 =	sld [smem:$0x3FB9];
	_ =	sdelay $0x3  }
0x36: {  	p1 =	seq.s32 s10, $0x1;
	s10 =	sld [smem:$0x3FBA];
	_ =	sdelay $0x3  }
0x37: {  	[smem:$0x3FBA] =	sst s10  }
0x38: {  	s10 =	sld [smem:$0x3FBB]  }
0x39: {  	_ = 	snop;
	(pc) =	sbr.ind lr, $3  }
0x3a: {  	_ = 	snop  }
0x3b: {  	_ = 	snop  }
0x3c: {  	p2 =	seq.s32 s10, $0x1;
	s10 =	sld [smem:$0x3FBA]  }
0x3d: {  	_ =	shalt  }
0x3e: {  	_ =	shalt  }
0x3f: {  	_ =	shalt  }
0x40: {  	_ =	shalt  }
0x41: {  	_ =	shalt  }
0x42: {  	_ =	shalt  }
0x43: {  	_ =	shalt  }
0x44: {  	_ =	shalt  }
0x45: {  	_ =	shalt  }
0x46: {  	_ =	shalt  }
0x47: {  	_ =	shalt  }
0x48: {  	_ =	shalt  }
0x49: {  	_ =	shalt  }
0x4a: {  	_ =	shalt  }
0x4b: {  	_ =	shalt  }
0x4c: {  	_ =	shalt  }
0x4d: {  	_ =	shalt  }
0x4e: {  	_ =	shalt  }
0x4f: {  	_ =	shalt  }
0x50: {  	_ =	shalt  }
0x51: {  	_ =	shalt  }
0x52: {  	_ =	shalt  }
0x53: {  	_ =	shalt  }
0x54: {  	_ =	shalt  }
0x55: {  	_ =	shalt  }
0x56: {  	_ =	shalt  }
0x57: {  	_ =	shalt  }
0x58: {  	_ =	shalt  }
0x59: {  	_ =	shalt  }
0x5a: {  	_ =	shalt  }
0x5b: {  	_ =	shalt  }
0x5c: {  	_ =	shalt  }
0x5d: {  	_ =	shalt  }
0x5e: {  	_ =	shalt  }
0x5f: {  	_ =	shalt  }
0x60: {  	_ =	shalt  }
0x61: {  	_ =	shalt  }
0x62: {  	_ =	shalt  }
0x63: {  	_ =	shalt  }
0x64: {  	_ =	shalt  }
0x65: {  	_ =	shalt  }
0x66: {  	_ =	shalt  }
0x67: {  	_ =	shalt  }
0x68: {  	_ =	shalt  }
0x69: {  	_ =	shalt  }
0x6a: {  	_ =	shalt  }
0x6b: {  	_ =	shalt  }
0x6c: {  	_ =	shalt  }
0x6d: {  	_ =	shalt  }
0x6e: {  	_ =	shalt  }
0x6f: {  	_ =	shalt  }
0x70: {  	_ =	shalt  }
0x71: {  	_ =	shalt  }
0x72: {  	_ =	shalt  }
0x73: {  	_ =	shalt  }
0x74: {  	_ =	shalt  }
0x75: {  	_ =	shalt  }
0x76: {  	_ =	shalt  }
0x77: {  	_ =	shalt  }
0x78: {  	_ =	shalt  }
0x79: {  	_ =	shalt  }
0x7a: {  	_ =	shalt  }
0x7b: {  	_ =	shalt  }
0x7c: {  	_ =	shalt  }
0x7d: {  	_ =	shalt  }
0x7e: {  	_ =	shalt  }
0x7f: {  	_ =	shalt  }
0x80: {  	_ =	shalt  }
0x81: {  	_ =	shalt  }
0x82: {  	_ =	shalt  }
0x83: {  	_ =	shalt  }
0x84: {  	_ =	shalt  }
0x85: {  	_ =	shalt  }
0x86: {  	_ =	shalt  }
0x87: {  	_ =	shalt  }
.Lfunc_end0:
.L_simem_size_0:
called_computation_lowered:
.L_overlay_start_0:
0x88: {  	s2 =	sld [smem:$0x3FD9]  }
0x89: {  	s3 =	sld [smem:$0x3FFE];
	_ =	sdelay $0x1  }
0x8a: {  	s1 =	srdreg.scid  }
0x8b: {  	s0 =	sand.u32 $0x1, s1  }
0x8c: {  	s17 =	sshll.u32 s0, $0xA;
	s2 =	sadd.s32 s3, s2  }
0x8d: {  	s2 =	sadd.s32 s2, s17  }
0x8e: {  	[smem:$0x3FC6] =	sst s2  }
0x8f: {  	_ = 	snop  }
0x90: {  	s2 =	sld [smem:$0x3FC9]  }
0x91: {  	s18 =	sld [smem:$0x3FD0];
	(tm) =	ssettm $0x1  }
0x92: {  	s4 =	sld [smem:$0x3FFB];
	_ =	sdelay $0x3  }
0x93: {  	_ =	strace s4  }
0x94: {  	s4 =	sld [smem:$0x3FFC];
	_ =	sdelay $0x3  }
0x95: {  	_ =	strace s4  }
0x96: {  	s4 =	sld [smem:$0x3FFD];
	_ =	sdelay $0x3  }
0x97: {  	_ =	strace s4  }
0x98: {  	_ =	strace $0x8FFFFFFF  }
0x99: {  	s19 =	sld [smem:$0x3FDB];
	_ =	sdelay $0x1  }
0x9a: {  	s5 =	simm.s32 $_scs_section_size  }
0x9b: {  	s6 =	simm.s32 $_size__tile_overlayer_lowered;
	s7 =	simm.s32 $_tile_overlayer_lowered  }
0x9c: {  	s22 =	simm.s32 $0x1BFF;
	s21 =	sshll.u32 s7, $0x1;
	s4 =	sadd.s32 s5, s19  }
0x9d: {  	s8 =	simm.s32 $0x0;
	s20 =	sshll.u32 s6, $0x1;
	s6 =	sadd.s32 s21, s4  }
0x9e: {  	[timem:s8], [sflag:s22] =	dma.local [hbm:s6], s20  }
0x9f: {  	_ =	swait.ge [sflag:s22], s20  }
0xa0: {  	s5 =	ssub.s32 $0x0, s20;
	[sflag:s22] =	ssyncset.done $0x0  }
0xa1: {  	[sflag:s22] =	ssyncadd.s32 s5;
	_ =	sdelay $0x1  }
0xa2: {  	s23 =	simm.s32 $0x1B8B  }
0xa3: {  	_ =	swait.ge [sflag:s23], $0x1  }
0xa4: {  	[sflag:s23] =	ssyncset.done $0x0  }
0xa5: {  	s25 =	simm.s32 $0x1B8E;
	s24 =	sld [smem:$0x3FFE];
	[sflag:s23] =	ssyncadd.s32 $0xFFFFFFFF  }
0xa6: {  	s26 =	simm.s32 $execute0_lowered;
	[smem:$0x3FD2] =	sst s25  }
0xa7: {  	s6 =	sshll.u32 s26, $0x1;
	_ =	strace $0x80000046;
	[dreg:$0x1] =	wrdreg $0xFFFFFFFF  }
0xa8: {  	s28 =	simm.s32 $_size_execute0_lowered;
	s4 =	sadd.s32 s4, s6;
	[dreg:$0x0] =	wrdreg $0x0  }
0xa9: {  	s6 =	sshll.u32 s28, $0x1;
	[dreg:$0x2] =	wrdreg s4  }
0xaa: {  	[dreg:$0x3] =	wrdreg s6  }
0xab: {  	[dreg:$0x4] =	wrdreg $0xC0  }
0xac: {  	_ =	task [dreg:s8], $0x5FFFF  }
0xad: {  	[dreg:$0x1] =	wrdreg $0xFFFFFFFF  }
0xae: {  	[dreg:$0x0] =	wrdreg $0x60  }
0xaf: {  	[dreg:$0x2] =	wrdreg s2  }
0xb0: {  	[dreg:$0x3] =	wrdreg s24  }
0xb1: {  	[dreg:$0x4] =	wrdreg s18  }
0xb2: {  	[dreg:$0x5] =	wrdreg $0xA2000  }
0xb3: {  	[dreg:$0x6] =	wrdreg $0x9  }
0xb4: {  	_ =	task.clear_ibuf [dreg:s8], $0x7FFFF;
	_ =	strace $0x90000046  }
0xb5: {  	s29 =	simm.s32 $0x9;
	_ =	strace $0x80000048  }
0xb6: {  	_ =	swait.ge [sflag:s29], $0x1  }
0xb7: {  	[sflag:s29] =	ssyncadd.s32 $0xFFFFFFFF  }
0xb8: {  	_ =	strace $0x90000048  }
0xb9: {  	_ =	sfence  }
0xba: {  	s30 =	sld [smem:$0x0];
	_ =	sdelay $0x2  }
0xbb: {  	s31 =	sshll.u32 s1, $0xD;
	s1 =	sshrl.u32 s1, $0x2  }
0xbc: {  	s3 =	sand.u32 $0x4000, s31;
	s1 =	sadd.s32 s1, s30  }
0xbd: {  	s0 =	sor.u32 s3, s0;
	s1 =	sshll.u32 s1, $0x11  }
0xbe: {  	s0 =	sor.u32 s1, s0  }
0xbf: {  	s0 =	sadd.s32 $0x8F2B, s0  }
0xc0: {  	[sflag:s0] =	ssyncadd.remote.s32 $0x1  }
0xc1: {  	_ =	sfence.sel $0xFFFF  }
0xc2: {  	[dreg:$0x0] =	wrdreg $0xFFFFFFFF;
	(pc) =	sbr.abs _section_cstart, $3  }
0xc3: {  	[dreg:$0x1] =	wrdreg $0xFFFFFFFF  }
0xc4: {  	_ =	task.clear_ibuf [dreg:s8], $0x2FFFF;
	_ =	strace $0x9FFFFFFF  }
0xc5: {  	(tm) =	ssettm $0x7FFFFFFF  }
tec
execute0_lowered:
.L_overlay_start_1:
0x0: {  	(tag) =	ssettag $0x1  }
0x1: {  	s1 =	rddreg [dreg:$0x0]  }
0x2: {  	s0 =	rddreg [dreg:$0x1]  }
0x3: {  	s2 =	rddreg [dreg:$0x2]  }
0x4: {  	s3 =	rddreg [dreg:$0x3];
	s4 =	simm.s32 $0x0;
	s12 =	stileid.u32  }
0x5: {  	s5 =	srdreg.scid;
	[smem:$0x7FF] =	sst s4;
	s6 =	sshrl.u32 s12, $0x1  }
0x6: {  	s7 =	sand.u32 $0x1, s5;
	s20 =	sshll.u32 s12, $0x1;
	s23 =	smul.u32 $0x18000, s12  }
0x7: {  	_ =	strace $0x80000047;
	s8 =	sshll.u32 s6, $0x6;
	s9 =	ssub.s32 $0x2, s7  }
0x8: {  	s5 =	sand.u32 $0x2, s20;
	s0 =	sadd.s32 s8, s0;
	s21 =	sshrl.u32 s9, $0x1  }
0x9: {  	s10 =	sor.u32 s7, s5;
	s9 =	ssub.s32 s9, s21;
	s0 =	sadd.s32 $0x1C00, s0  }
0xa: {  	s22 =	sshll.u32 s10, $0x14;
	s25 =	sshll.u32 s10, $0x9;
	[dreg:$0x6] =	wrdreg s0  }
0xb: {  	s10 =	sshrl.u32 s23, $0x2;
	s23 =	smax.u32 s9, $0x1;
	[dreg:$0x5] =	wrdreg s25  }
0xc: {  	s10 =	sadd.s32 s10, s3;
	[dreg:$0x17] =	wrdreg s23  }
0xd: {  	s5 =	sshll.u32 s6, $0x16;
	s31 =	sadd.s32 $0x1800, s10;
	[dreg:$0x8] =	wrdreg s10  }
0xe: {  	s6 =	sor.u32 s5, s22;
	s16 =	sadd.s32 $0x3000, s10;
	[dreg:$0xb] =	wrdreg s31  }
0xf: {  	s8 =	sadd.s32 $0x300, s1;
	s21 =	sor.u32 $0x18000, s6;
	[dreg:$0xe] =	wrdreg s16  }
0x10: {  	s24 =	sshrl.u32 s6, $0x3;
	s22 =	sor.u32 $0x1C000, s6;
	[dreg:$0x15] =	wrdreg s21  }
0x11: {  	s11 =	sadd.s32 s24, s8;
	s26 =	sor.u32 $0x800, s24;
	[dreg:$0x16] =	wrdreg s22  }
0x12: {  	s29 =	sadd.s32 s1, s24;
	s14 =	sor.u32 $0x1000, s24;
	[dreg:$0x7] =	wrdreg s11  }
0x13: {  	s0 =	sor.u32 $0x1800, s24;
	s24 =	sadd.s32 $0x4800, s10;
	[dreg:$0x9] =	wrdreg s29  }
0x14: {  	s30 =	sadd.s32 s26, s8;
	[dreg:$0x18] =	wrdreg s24  }
0x15: {  	s13 =	sadd.s32 s1, s26;
	[dreg:$0xa] =	wrdreg s30  }
0x16: {  	s15 =	sadd.s32 s14, s8;
	[dreg:$0xc] =	wrdreg s13  }
0x17: {  	s3 =	sadd.s32 s1, s14;
	[dreg:$0xd] =	wrdreg s15  }
0x18: {  	s17 =	sadd.s32 s0, s8;
	[dreg:$0xf] =	wrdreg s3  }
0x19: {  	s18 =	sand.u32 $0x1, s12;
	s0 =	sadd.s32 s1, s0;
	[dreg:$0x10] =	wrdreg s17  }
0x1a: {  	s19 =	sshll.u32 s18, $0xA;
	s26 =	sor.u32 $0x10000, s6;
	[dreg:$0x11] =	wrdreg s0  }
0x1b: {  	s20 =	sshll.u32 s7, $0x9;
	s29 =	sor.u32 $0x14000, s6;
	[dreg:$0x12] =	wrdreg s26  }
.Ltmp0:
0x1c: {  	s0 =	sor.u32 s20, s19;
	[dreg:$0x13] =	wrdreg s29;
	(pc) =	sbr.rel .LBB2_1-.Ltmp0, $4  }
0x1d: {  	s30 =	sor.u32 $0x8, s0;
	[dreg:$0x14] =	wrdreg s0  }
0x1e: {  	s28 =	sadd.s32 $0x300, s2;
	s31 =	sor.u32 $0x10, s0;
	[dreg:$0x19] =	wrdreg s30  }
0x1f: {  	s10 =	simm.s32 $0x8;
	s0 =	sor.u32 $0x18, s0;
	[dreg:$0x1a] =	wrdreg s31  }
0x20: {  	v0 =	vlaneseq.u32;
	v1 =	vimm.f32 $0.0e+00;
	s22 =	simm.s32 $0x10;
	s3 =	simm.s32 $0x0;
	[dreg:$0x1b] =	wrdreg s0  }
.LBB2_24:
0x21: {  	s0 =	simm.s32 $0x5  }
0x22: {  	_ =	swait.ge [sflag:s0], $0x2800  }
0x23: {  	[sflag:s0] =	ssyncset.done $0x0  }
0x24: {  	s24 =	simm.s32 $0xD;
	[sflag:s0] =	ssyncadd.s32 $0xFFFFD800  }
0x25: {  	_ =	swait.ge [sflag:s24], $0x300  }
0x26: {  	[sflag:s24] =	ssyncset.done $0x0  }
0x27: {  	s25 =	simm.s32 $0x6;
	[sflag:s24] =	ssyncadd.s32 $0xFFFFFD00  }
0x28: {  	_ =	swait.ge [sflag:s25], $0x2800  }
0x29: {  	[sflag:s25] =	ssyncset.done $0x0  }
0x2a: {  	s26 =	simm.s32 $0xE;
	[sflag:s25] =	ssyncadd.s32 $0xFFFFD800  }
0x2b: {  	_ =	swait.ge [sflag:s26], $0x300  }
0x2c: {  	[sflag:s26] =	ssyncset.done $0x0  }
0x2d: {  	s29 =	simm.s32 $0x7;
	[sflag:s26] =	ssyncadd.s32 $0xFFFFFD00  }
0x2e: {  	_ =	swait.ge [sflag:s29], $0x2800  }
0x2f: {  	[sflag:s29] =	ssyncset.done $0x0  }
0x30: {  	s30 =	simm.s32 $0xF;
	[sflag:s29] =	ssyncadd.s32 $0xFFFFD800  }
0x31: {  	_ =	swait.ge [sflag:s30], $0x300  }
0x32: {  	[sflag:s30] =	ssyncset.done $0x0  }
0x33: {  	[sflag:s30] =	ssyncadd.s32 $0xFFFFFD00  }
0x34: {  	_ =	swait.ge [sflag:s10], $0x2800  }
0x35: {  	[sflag:s10] =	ssyncset.done $0x0  }
0x36: {  	[sflag:s10] =	ssyncadd.s32 $0xFFFFD800  }
0x37: {  	_ =	swait.ge [sflag:s22], $0x300  }
0x38: {  	s3 =	rddreg [dreg:$0x1c]  }
0x39: {  	s31 =	rddreg [dreg:$0x17];
	s3 =	sadd.s32 $0x1, s3  }
0x3a: {  	p0 =	sne.s32 s3, s31  }
.Ltmp1:
0x3b: {  	_ = 	snop;
	(pc) =	sbr.rel @!p0 .LBB2_25-.Ltmp1, $3  }
0x3c: {  	_ =	sdelay $0x1  }
0x3d: {  	[sflag:s22] =	ssyncset.done $0x0  }
0x3e: {  	[sflag:s22] =	ssyncadd.s32 $0xFFFFFD00  }
.LBB2_1:
0x3f: {  	[dreg:$0x1c] =	wrdreg s3  }
0x40: {  	s0 =	rddreg [dreg:$0x6];
	s25 =	simm.s32 $0xA000;
	s26 =	simm.s32 $0x11  }
0x41: {  	[tilespmem:s25], [sflag:$0x11] =	stream.linear.gather [hbm4b:s0+s4], $0x200, $0x38;
	[tilespmem:$0x10200] =	vst v63  }
0x42: {  	_ =	swait.ge [sflag:s26], $0x200  }
0x43: {  	[sflag:s26] =	ssyncset.done $0x0  }
0x44: {  	[sflag:s26] =	ssyncadd.s32 $0xFFFFFE00  }
0x45: {  	v2 =	vld [tilespmem:$0xA000]  }
0x46: {  	v3 =	vld [tilespmem:$0xA080]  }
0x47: {  	v4 =	vld [tilespmem:$0xA100];
	_ =	sdelay $0x2  }
0x48: {  	(v2sf) =	vpush v2, $0x0  }
0x49: {  	(v2sf) =	vpush v3, $0x0  }
0x4a: {  	(v2sf) =	vpush v4, $0x0;
	_ =	sdelay $0xc  }
0x4b: {  	s0 =	spop (v2sf)  }
0x4c: {  	s20 =	spop (v2sf)  }
0x4d: {  	s6 =	spop (v2sf)  }
0x4e: {  	s3 =	sadd.s32 $0xFFFFFD00, s6;
	s6 =	sand.u32 $0xF, s6  }
0x4f: {  	s7 =	sshra.s32 s3, $0x1F;
	p0 =	slt.s32 s3, $0x1;
	p1 =	sne.s32 s6, $0x0  }
0x50: {  	s30 =	sshrl.u32 s7, $0x1C;
	p0 =	por !p0, !p1  }
0x51: {  	s7 =	simm.s32 $0x1;
	s6 =	sadd.s32 s30, s3;
	p0 =	por !p0, !p0  }
0x52: {  	s6 =	sshra.s32 s6, $0x4;
	s7 =	simm.s32 @!p0 $0x0  }
0x53: {  	s13 =	ssub.s32 s6, s7  }
0x54: {  	p2 =	slt.s32 s13, $0x4F;
	p3 =	slt.s32 s13, $0x4E;
	p1 =	slt.s32 s13, $0x4D  }
0x55: {  	p4 =	slt.s32 s13, $0x4A;
	s6 =	smov.u32 s13;
	p0 =	slt.s32 s13, $0x4C  }
0x56: {  	s7 =	smov.u32 s13;
	s17 =	smov.u32 s13;
	p5 =	slt.s32 s13, $0x47  }
0x57: {  	s19 =	smov.u32 s13;
	s15 =	smov.u32 s13;
	s16 =	smov.u32 s13  }
0x58: {  	s25 =	smov.u32 s13;
	s26 =	smov.u32 s13;
	s9 =	smov.u32 s13  }
0x59: {  	s18 =	smov.u32 s13;
	s21 =	smov.u32 s13;
	s11 =	smov.u32 s13  }
0x5a: {  	s24 =	smov.u32 s13;
	s6 =	simm.s32 @!p4 $0x4A;
	p4 =	slt.s32 s13, $0x49  }
0x5b: {  	s19 =	simm.s32 @!p5 $0x47;
	p5 =	slt.s32 s13, $0x44;
	s18 =	simm.s32 @!p3 $0x4E  }
0x5c: {  	s9 =	simm.s32 @!p2 $0x4F;
	s21 =	simm.s32 @!p1 $0x4D;
	s11 =	simm.s32 @!p0 $0x4C  }
0x5d: {  	s7 =	simm.s32 @!p4 $0x49;
	p4 =	slt.s32 s13, $0x48;
	s25 =	simm.s32 @!p5 $0x44  }
0x5e: {  	p5 =	slt.s32 s13, $0x43;
	s29 =	sshll.u32 s6, $0x4;
	s14 =	sshll.u32 s19, $0x4  }
0x5f: {  	s19 =	sand.u32 $0x7, s19;
	s11 =	sshll.u32 s11, $0x4;
	s17 =	simm.s32 @!p4 $0x48  }
0x60: {  	p4 =	slt.s32 s13, $0x46;
	s26 =	simm.s32 @!p5 $0x43;
	p5 =	slt.s32 s13, $0x42  }
0x61: {  	s7 =	sshll.u32 s7, $0x4;
	s14 =	sadd.s32 $0x80, s14;
	s30 =	sshll.u32 s25, $0x4  }
0x62: {  	s19 =	sshll.u32 s19, $0x6;
	s15 =	simm.s32 @!p4 $0x46;
	p4 =	slt.s32 s13, $0x45  }
0x63: {  	s29 =	sadd.s32 $0x50, s29;
	s6 =	sadd.s32 $0x60, s7;
	s16 =	simm.s32 @!p4 $0x45  }
0x64: {  	p4 =	slt.s32 s13, $0x4B;
	s13 =	simm.s32 @!p5 $0x42;
	s15 =	sshll.u32 s15, $0x4  }
0x65: {  	s25 =	sshll.u32 s26, $0x4;
	s7 =	sadd.s32 $0x90, s15;
	s13 =	sshll.u32 s13, $0x4  }
0x66: {  	v2 =	vld [tilespmem:$0xA180];
	s23 =	sshll.u32 s16, $0x4;
	s15 =	sadd.s32 $0xC0, s25;
	s16 =	sadd.s32 $0xD0, s13  }
0x67: {  	s13 =	sadd.s32 $0xB0, s30;
	s26 =	sshll.u32 s16, $0x5;
	s30 =	sshll.u32 s16, $0x2  }
0x68: {  	s23 =	sadd.s32 $0xA0, s23;
	s25 =	sand.u32 $0xFFFFF000, s26;
	s26 =	sand.u32 $0x1C0, s30  }
0x69: {  	s31 =	sshll.u32 s15, $0x2;
	s30 =	sshll.u32 s15, $0x5;
	s25 =	sor.u32 s26, s25  }
0x6a: {  	s26 =	sand.u32 $0xFFFFF000, s30;
	s30 =	sand.u32 $0x1C0, s31;
	[dreg:$0x1f] =	wrdreg s25  }
0x6b: {  	(v2sf) =	vpush v2, $0x0;
	s25 =	sor.u32 s30, s26;
	s26 =	sshll.u32 s13, $0x5;
	s30 =	sshll.u32 s13, $0x2  }
0x6c: {  	[smem:$0x7F7] =	sst s25;
	s25 =	sand.u32 $0xFFFFF000, s26;
	s26 =	sand.u32 $0x1C0, s30  }
0x6d: {  	s12 =	sshll.u32 s17, $0x4;
	s30 =	sshll.u32 s23, $0x5;
	s25 =	sor.u32 s26, s25  }
0x6e: {  	[smem:$0x7F8] =	sst s25;
	s25 =	sand.u32 $0xFFFFF000, s30;
	s30 =	sshll.u32 s23, $0x2  }
0x6f: {  	s12 =	sadd.s32 $0x70, s12;
	s24 =	simm.s32 @!p4 $0x4B;
	s26 =	sand.u32 $0x1C0, s30  }
0x70: {  	s31 =	sshll.u32 s7, $0x2;
	s30 =	sshll.u32 s7, $0x5;
	s25 =	sor.u32 s26, s25  }
0x71: {  	s26 =	sand.u32 $0xFFFFF000, s30;
	s30 =	sand.u32 $0x1C0, s31;
	s31 =	rddreg [dreg:$0x9]  }
0x72: {  	[smem:$0x7F9] =	sst s25;
	s25 =	sor.u32 s30, s26;
	s26 =	sshll.u32 s14, $0x5  }
0x73: {  	s30 =	sshll.u32 s17, $0x9;
	[smem:$0x7FA] =	sst s25;
	s25 =	sand.u32 $0xFFFFF000, s26  }
0x74: {  	s26 =	sshll.u32 s12, $0x2;
	s19 =	sor.u32 s19, s25;
	s25 =	sadd.s32 $0xFFC, s30  }
0x75: {  	[smem:$0x7FB] =	sst s19;
	s19 =	sand.u32 $0xFFFFF000, s25;
	s25 =	sand.u32 $0x1C0, s26  }
0x76: {  	s17 =	sshll.u32 s29, $0x2;
	s26 =	sshll.u32 s6, $0x5;
	s30 =	sor.u32 s25, s19  }
0x77: {  	s19 =	sand.u32 $0xFFFFF000, s26;
	s25 =	sshll.u32 s6, $0x2;
	s26 =	sshll.u32 s29, $0x5  }
0x78: {  	v4 =	vor.u32 s6, v0;
	s6 =	sadd.s32 $0x30, s11;
	[smem:$0x7FC] =	sst s30;
	s25 =	sand.u32 $0x1C0, s25  }
0x79: {  	s26 =	sand.u32 $0xFFFFF000, s26;
	s30 =	sand.u32 $0x1C0, s17;
	s17 =	rddreg [dreg:$0x7]  }
0x7a: {  	s19 =	sor.u32 s25, s19;
	s25 =	sor.u32 s30, s26;
	s30 =	spop (v2sf)  }
0x7b: {  	[tilespmem:s4], [sflag:$0x1] =	stream.linear.gather [hbm4b:s17+s4], $0x2800, $0x38;
	[tilespmem:$0x10200] =	vst v63  }
0x7c: {  	s26 =	sshll.u32 s18, $0x4;
	s18 =	sadd.s32 $0xFFFFFD00, s30;
	s30 =	stileid.u32  }
0x7d: {  	[smem:$0x7FD] =	sst s25;
	s25 =	sshll.u32 s21, $0x4;
	s21 =	sshll.u32 s30, $0x6  }
0x7e: {  	s30 =	sshll.u32 s24, $0x4;
	s24 =	rddreg [dreg:$0x8];
	s17 =	sor.u32 $0x1C09, s21  }
0x7f: {  	s26 =	sadd.s32 $0x10, s26;
	s24 =	sshrl.u32 s24, $0x3;
	[dreg:$0x1d] =	wrdreg s17  }
0x80: {  	[spmem:s24], [sflag:s17] =	dma.local [hbm:s31], $0x300  }
0x81: {  	v6 =	vor.u32 s12, v0;
	s11 =	sadd.s32 $0x20, s25;
	s12 =	sshll.u32 s26, $0x2;
	s31 =	sshll.u32 s9, $0x4  }
0x82: {  	v3 =	vor.u32 s29, v0;
	v7 =	vor.u32 s14, v0;
	s30 =	sadd.s32 $0x40, s30;
	s17 =	simm.s32 $0x2800;
	v2 =	vor.u32 s31, v0;
	s31 =	rddreg [dreg:$0xa]  }
0x83: {  	v8 =	vor.u32 s7, v0;
	v10 =	vor.u32 s6, v0;
	v9 =	vor.u32 s26, v0;
	[tilespmem:s17], [sflag:$0x2] =	stream.linear.gather [hbm4b:s31+s4], $0x2800, $0x38;
	[tilespmem:$0x10200] =	vst v63  }
0x84: {  	vm2 =	vge.s32 v9, s3;
	vm3 =	vlt.s32 v9, s18;
	v9 =	vor.u32 s13, v0;
	s29 =	sshll.u32 s30, $0x2;
	s13 =	rddreg [dreg:$0xc];
	s17 =	sshll.u32 s30, $0x5  }
0x85: {  	v5 =	vor.u32 s30, v0;
	vm0 =	vge.s32 v2, s3;
	s30 =	sshll.u32 s6, $0x5;
	s6 =	sshll.u32 s6, $0x2;
	vm1 =	vlt.s32 v2, s18;
	s14 =	sand.u32 $0xFFFFF000, s17  }
0x86: {  	v2 =	vor.u32 s11, v0;
	s17 =	sand.u32 $0x1C0, s29;
	s7 =	sand.u32 $0xFFFFF000, s30;
	s6 =	sand.u32 $0x1C0, s6;
	vm0 =	vmand vm0, vm1;
	vm1 =	vmand vm2, vm3  }
0x87: {  	vm2 =	vge.s32 v2, s3;
	vm3 =	vlt.s32 v2, s18;
	v2 =	vor.u32 s23, v0;
	s23 =	sshll.u32 s26, $0x5;
	s26 =	sor.u32 $0x1C0A, s21;
	s31 =	sor.u32 s17, s14  }
0x88: {  	s25 =	sor.u32 s6, s7;
	s14 =	sshll.u32 s11, $0x5;
	s17 =	sshll.u32 s11, $0x2  }
0x89: {  	s11 =	sand.u32 $0xFFFFF000, s23;
	s6 =	sand.u32 $0xFFFFF000, s14;
	s7 =	sand.u32 $0x1C0, s17  }
0x8a: {  	s30 =	sor.u32 s7, s6;
	s7 =	sand.u32 $0x1C0, s12;
	s12 =	rddreg [dreg:$0xb]  }
0x8b: {  	[dreg:$0x1e] =	wrdreg s26;
	s11 =	sor.u32 s7, s11;
	s7 =	sshrl.u32 s12, $0x3  }
0x8c: {  	[spmem:s7], [sflag:s26] =	dma.local [hbm:s13], $0x300  }
0x8d: {  	vm6 =	vge.s32 v3, s3;
	vm10 =	vge.s32 v7, s3;
	vm8 =	vge.s32 v6, s3;
	s14 =	sshll.u32 s9, $0x9;
	s9 =	sand.u32 $0x7, s9;
	s6 =	rddreg [dreg:$0xd]  }
0x8e: {  	vm4 =	vlt.s32 v10, s18;
	vm7 =	vlt.s32 v3, s18;
	v3 =	vor.u32 s15, v0;
	s17 =	sand.u32 $0xFFFFF000, s14;
	s23 =	sshll.u32 s9, $0x6;
	s15 =	rddreg [dreg:$0x1f]  }
0x8f: {  	vm9 =	vlt.s32 v6, s18;
	vm2 =	vmand vm2, vm3;
	vm3 =	vge.s32 v10, s3;
	s29 =	sor.u32 s23, s17;
	s17 =	sld [smem:$0x7F7]  }
0x90: {  	vm5 =	vlt.s32 v5, s18;
	vm3 =	vmand vm3, vm4;
	vm4 =	vge.s32 v5, s3;
	s23 =	sld [smem:$0x7F8]  }
0x91: {  	vm11 =	vlt.s32 v7, s18;
	vm13 =	vge.s32 v9, s3;
	vm4 =	vmand vm4, vm5;
	s14 =	simm.s32 $0x5000;
	s26 =	sld [smem:$0x7F9]  }
0x92: {  	vm5 =	vmand vm6, vm7;
	vm6 =	vge.s32 v4, s3;
	vm7 =	vlt.s32 v4, s18;
	[tilespmem:s14], [sflag:$0x3] =	stream.linear.gather [hbm4b:s6+s4], $0x2800, $0x38;
	[tilespmem:$0x10200] =	vst v63  }
0x93: {  	s19 =	sshra.s32 s19, $0x2;
	vm12 =	vlt.s32 v2, s18;
	s25 =	sshra.s32 s25, $0x2;
	vm6 =	vmand vm6, vm7;
	vm7 =	vmand vm8, vm9;
	s14 =	sld [smem:$0x7FA]  }
0x94: {  	vm8 =	vmand vm10, vm11;
	vm11 =	vge.s32 v2, s3;
	v2 =	vor.u32 s16, v0;
	s16 =	sshra.s32 s11, $0x2;
	s13 =	sshra.s32 s17, $0x2;
	s17 =	sld [smem:$0x7FB]  }
0x95: {  	vm14 =	vlt.s32 v9, s18;
	vm9 =	vge.s32 v8, s3;
	vm10 =	vlt.s32 v8, s18;
	s11 =	sadd.s32 $0x2800, s19;
	s9 =	sshra.s32 s23, $0x2;
	s23 =	sld [smem:$0x7FC]  }
0x96: {  	vm9 =	vmand vm9, vm10;
	vm10 =	vmand vm11, vm12;
	vm11 =	vmand vm13, vm14;
	s12 =	sshra.s32 s15, $0x2;
	s15 =	sshra.s32 s26, $0x2;
	s26 =	sld [smem:$0x7FD]  }
0x97: {  	vm12 =	vge.s32 v3, s3;
	vm14 =	vge.s32 v2, s3;
	s3 =	sadd.s32 $0x2800, s25;
	v8 =	vmov s11;
	s14 =	sshra.s32 s14, $0x2;
	s11 =	sadd.s32 $0x2800, s13  }
0x98: {  	s29 =	sshra.s32 s29, $0x2;
	v5 =	vmov s3;
	s3 =	sadd.s32 $0x2800, s14;
	v14 =	vmov s11;
	s11 =	sadd.s32 $0x5000, s25  }
0x99: {  	s17 =	sshra.s32 s17, $0x2;
	s23 =	sshra.s32 s23, $0x2;
	s6 =	sshra.s32 s26, $0x2  }
0x9a: {  	vm15 =	vlt.s32 v2, s18;
	s26 =	sshra.s32 s31, $0x2;
	s31 =	sshra.s32 s30, $0x2;
	s30 =	sadd.s32 $0x2800, s29  }
0x9b: {  	v11 =	vmov s3;
	s3 =	sadd.s32 $0x2800, s12;
	v19 =	vmov s11;
	s11 =	sadd.s32 $0x5000, s19;
	v2 =	vmov s30;
	s30 =	sadd.s32 $0x2800, s16  }
0x9c: {  	vm13 =	vlt.s32 v3, s18;
	s18 =	sadd.s32 $0x2800, s31;
	v15 =	vmov s3;
	s3 =	sadd.s32 $0x5000, s26;
	v3 =	vmov s30;
	s30 =	sadd.s32 $0x2800, s26  }
0x9d: {  	v22 =	vmov s11;
	s11 =	sadd.s32 $0x5000, s14;
	v4 =	vmov s18;
	s18 =	sadd.s32 $0x2800, s6;
	v6 =	vmov s30;
	s30 =	sadd.s32 $0x2800, s23  }
0x9e: {  	v20 =	vmov s3;
	s3 =	sadd.s32 $0x5000, s15;
	v25 =	vmov s11;
	s11 =	sadd.s32 $0x5000, s13;
	v9 =	vmov s30;
	s30 =	sadd.s32 $0x2800, s15  }
0x9f: {  	v7 =	vmov s18;
	s18 =	sadd.s32 $0x2800, s17;
	v28 =	vmov s11;
	s11 =	rddreg [dreg:$0xe];
	v12 =	vmov s30;
	s30 =	sadd.s32 $0x5000, s29  }
0xa0: {  	v26 =	vmov s3;
	s3 =	sadd.s32 $0x7800, s31;
	v10 =	vmov s18;
	s18 =	sadd.s32 $0x2800, s9;
	v16 =	vmov s30;
	s30 =	sadd.s32 $0x5000, s31  }
0xa1: {  	s11 =	sshrl.u32 s11, $0x3;
	v13 =	vmov s18;
	s18 =	sadd.s32 $0x5000, s16;
	v18 =	vmov s30;
	s30 =	sadd.s32 $0x5000, s6  }
0xa2: {  	v31 =	vmov s16;
	s16 =	sadd.s32 $0x7800, s16;
	v17 =	vmov s18;
	s18 =	sadd.s32 $0x5000, s23;
	v21 =	vmov s30;
	s30 =	sadd.s32 $0x5000, s17  }
0xa3: {  	v34 =	vmov s16;
	s16 =	rddreg [dreg:$0xf];
	v23 =	vmov s18;
	s18 =	sadd.s32 $0x5000, s12;
	v24 =	vmov s30;
	s30 =	sadd.s32 $0x5000, s9  }
0xa4: {  	v32 =	vmov s29;
	v29 =	vmov s18;
	s18 =	sadd.s32 $0x7800, s29;
	s29 =	rddreg [dreg:$0x13];
	v27 =	vmov s30;
	s30 =	sor.u32 $0x1C0B, s21  }
0xa5: {  	[spmem:s11], [sflag:s30] =	dma.local [hbm:s16], $0x300  }
0xa6: {  	v37 =	vmov s26;
	v35 =	vmov s3;
	s3 =	sadd.s32 $0x7800, s6;
	v33 =	vmov s18;
	s18 =	sadd.s32 $0x7800, s26;
	s26 =	rddreg [dreg:$0x12]  }
0xa7: {  	v38 =	vmov s25;
	v30 =	vmov s31;
	s31 =	smov.u32 s30;
	s30 =	sadd.s32 $0x7800, s25;
	s25 =	rddreg [dreg:$0x5]  }
0xa8: {  	v36 =	vmov s6;
	v42 =	vmov s17;
	v40 =	vmov s18;
	s18 =	sadd.s32 $0x7800, s17;
	s17 =	sadd.s32 $0x7800, s19;
	s6 =	rddreg [dreg:$0x10]  }
0xa9: {  	s16 =	simm.s32 $0x7800;
	v47 =	vmov s18;
	v39 =	vmov s30;
	s30 =	sadd.s32 $0x7800, s23;
	s18 =	rddreg [dreg:$0x18]  }
0xaa: {  	[tilespmem:s16], [sflag:$0x4] =	stream.linear.gather [hbm4b:s6+s4], $0x2800, $0x38;
	[tilespmem:$0x10200] =	vst v63  }
0xab: {  	v44 =	vmov s19;
	v43 =	vmov s23;
	s23 =	sor.u32 $0x1C0C, s21;
	s19 =	rddreg [dreg:$0x11];
	s6 =	sshrl.u32 s18, $0x3  }
0xac: {  	vm12 =	vmand vm12, vm13;
	vm13 =	vmand vm14, vm15;
	v51 =	vmov s12;
	[spmem:s6], [sflag:s23] =	dma.local [hbm:s19], $0x300  }
0xad: {  	v48 =	vmov s15;
	v50 =	vmov s13;
	v41 =	vmov s3;
	s12 =	sadd.s32 $0x7800, s12;
	s3 =	rddreg [dreg:$0x1b]  }
0xae: {  	v52 =	vmov s9;
	v49 =	vmov s14;
	s14 =	sadd.s32 $0x7800, s14;
	s13 =	sadd.s32 $0x7800, s13;
	v57 =	vmov s12;
	s12 =	rddreg [dreg:$0x1a]  }
0xaf: {  	v53 =	vmov s14;
	v56 =	vmov s13;
	s9 =	sadd.s32 $0x7800, s9;
	v46 =	vmov s30;
	s30 =	sadd.s32 $0x7800, s15;
	s13 =	rddreg [dreg:$0x19]  }
0xb0: {  	v55 =	vmov s9;
	v45 =	vmov s17;
	s15 =	simm.s32 $0x0;
	v54 =	vmov s30;
	s18 =	rddreg [dreg:$0x14]  }
.LBB2_2:
0xb1: {  	s9 =	sshll.u32 s15, $0x5  }
0xb2: {  	s9 =	sor.u32 s25, s9  }
0xb3: {  	s17 =	simm.s32 $0x9;
	s9 =	sshll.u32 s9, $0xB  }
0xb4: {  	s19 =	sor.u32 $0x1C0D, s21;
	_ =	swait.ge [sflag:s17], $0x300;
	s14 =	sadd.s32 s5, s9  }
0xb5: {  	s30 =	simm.s32 $0x1;
	[sflag:s17] =	ssyncset.done $0x0;
	s16 =	sshrl.u32 s14, $0x3  }
.Ltmp2:
0xb6: {  	[sflag:s17] =	ssyncadd.s32 $0xFFFFFD00;
	s14 =	sadd.s32 s2, s16;
	(pc) =	sbr.rel .LBB2_3-.Ltmp2, $4  }
0xb7: {  	[hbm:s14], [sflag:s19] =	dma.local [spmem:s24], $0x300  }
0xb8: {  	_ =	swait.ge [sflag:s30], $0x2800  }
0xb9: {  	[sflag:s30] =	ssyncset.done $0x0  }
0xba: {  	s17 =	simm.s32 $0x0;
	s14 =	smov.u32 s18;
	[sflag:s30] =	ssyncadd.s32 $0xFFFFD800  }
.LBB2_5:
0xbb: {  	_ =	sdelay $0x3  }
0xbc: {  	v58 =	vld.idx.msk [tilespmem:v32+s19+$0x0 ss:$0x1], $0xffff;
	_ =	sdelay $0x4  }
0xbd: {  	v58 =	vsel vm0, $0x0, v58  }
0xbe: {  	[tilespmem:v32+s19+$0x0 ss:$0x1] =	vst.idx.msk $0xffff, v58  }
0xbf: {  	v58 =	vld.idx.msk [tilespmem:v31+s19+$0x0 ss:$0x1], $0xffff;
	_ =	sdelay $0x4  }
0xc0: {  	v58 =	vsel vm1, $0x0, v58  }
0xc1: {  	[tilespmem:v31+s19+$0x0 ss:$0x1] =	vst.idx.msk $0xffff, v58  }
0xc2: {  	v58 =	vld.idx.msk [tilespmem:v30+s19+$0x0 ss:$0x1], $0xffff;
	_ =	sdelay $0x4  }
0xc3: {  	v58 =	vsel vm2, $0x0, v58  }
0xc4: {  	[tilespmem:v30+s19+$0x0 ss:$0x1] =	vst.idx.msk $0xffff, v58  }
0xc5: {  	v58 =	vld.idx.msk [tilespmem:v38+s19+$0x0 ss:$0x1], $0xffff;
	_ =	sdelay $0x4  }
0xc6: {  	v58 =	vsel vm3, $0x0, v58  }
0xc7: {  	[tilespmem:v38+s19+$0x0 ss:$0x1] =	vst.idx.msk $0xffff, v58  }
0xc8: {  	v58 =	vld.idx.msk [tilespmem:v37+s19+$0x0 ss:$0x1], $0xffff;
	_ =	sdelay $0x4  }
0xc9: {  	v58 =	vsel vm4, $0x0, v58  }
0xca: {  	[tilespmem:v37+s19+$0x0 ss:$0x1] =	vst.idx.msk $0xffff, v58  }
0xcb: {  	v58 =	vld.idx.msk [tilespmem:v36+s19+$0x0 ss:$0x1], $0xffff;
	_ =	sdelay $0x4  }
0xcc: {  	v58 =	vsel vm5, $0x0, v58  }
0xcd: {  	[tilespmem:v36+s19+$0x0 ss:$0x1] =	vst.idx.msk $0xffff, v58  }
0xce: {  	v58 =	vld.idx.msk [tilespmem:v44+s19+$0x0 ss:$0x1], $0xffff;
	_ =	sdelay $0x4  }
0xcf: {  	v58 =	vsel vm6, $0x0, v58  }
0xd0: {  	[tilespmem:v44+s19+$0x0 ss:$0x1] =	vst.idx.msk $0xffff, v58  }
0xd1: {  	v58 =	vld.idx.msk [tilespmem:v43+s19+$0x0 ss:$0x1], $0xffff;
	_ =	sdelay $0x4  }
0xd2: {  	v58 =	vsel vm7, $0x0, v58  }
0xd3: {  	[tilespmem:v43+s19+$0x0 ss:$0x1] =	vst.idx.msk $0xffff, v58  }
0xd4: {  	v58 =	vld.idx.msk [tilespmem:v42+s19+$0x0 ss:$0x1], $0xffff;
	_ =	sdelay $0x4  }
0xd5: {  	v58 =	vsel vm8, $0x0, v58  }
0xd6: {  	[tilespmem:v42+s19+$0x0 ss:$0x1] =	vst.idx.msk $0xffff, v58  }
0xd7: {  	v58 =	vld.idx.msk [tilespmem:v49+s19+$0x0 ss:$0x1], $0xffff;
	_ =	sdelay $0x4  }
0xd8: {  	v58 =	vsel vm9, $0x0, v58  }
0xd9: {  	[tilespmem:v49+s19+$0x0 ss:$0x1] =	vst.idx.msk $0xffff, v58  }
0xda: {  	v58 =	vld.idx.msk [tilespmem:v48+s19+$0x0 ss:$0x1], $0xffff;
	_ =	sdelay $0x4  }
0xdb: {  	v58 =	vsel vm10, $0x0, v58  }
0xdc: {  	[tilespmem:v48+s19+$0x0 ss:$0x1] =	vst.idx.msk $0xffff, v58  }
0xdd: {  	v58 =	vld.idx.msk [tilespmem:v52+s19+$0x0 ss:$0x1], $0xffff;
	_ =	sdelay $0x4  }
0xde: {  	v58 =	vsel vm11, $0x0, v58  }
0xdf: {  	[tilespmem:v52+s19+$0x0 ss:$0x1] =	vst.idx.msk $0xffff, v58  }
0xe0: {  	v58 =	vld.idx.msk [tilespmem:v50+s19+$0x0 ss:$0x1], $0xffff;
	_ =	sdelay $0x4  }
0xe1: {  	v58 =	vsel vm12, $0x0, v58  }
0xe2: {  	[tilespmem:v50+s19+$0x0 ss:$0x1] =	vst.idx.msk $0xffff, v58  }
0xe3: {  	v58 =	vld.idx.msk [tilespmem:v51+s19+$0x0 ss:$0x1], $0xffff;
	_ =	sdelay $0x4  }
0xe4: {  	v58 =	vsel vm13, $0x0, v58  }
0xe5: {  	[tilespmem:v51+s19+$0x0 ss:$0x1] =	vst.idx.msk $0xffff, v58  }
.LBB2_6:
0xe6: {  	s17 =	sadd.s32 $0x200, s17  }
0xe7: {  	p0 =	sne.s32 s17, $0x1000  }
.Ltmp3:
0xe8: {  	_ = 	snop;
	(pc) =	sbr.rel @!p0 .LBB2_7-.Ltmp3, $2  }
0xe9: {  	_ =	sdelay $0x2  }
0xea: {  	s14 =	sadd.s32 $0x1, s14  }
.LBB2_3:
0xeb: {  	p0 =	slt.s32 s14, s0  }
0xec: {  	p1 =	sge.s32 @!p0 s14, s20  }
0xed: {  	p0 =	por p0, p1  }
.Ltmp4:
0xee: {  	_ = 	snop;
	(pc) =	sbr.rel @p0 .LBB2_5-.Ltmp4, $2  }
0xef: {  	_ =	sdelay $0x2  }
0xf0: {  	s19 =	sshra.s32 s17, $0x2  }
0xf1: {  	[tilespmem:s19+$0x0] =	vst v1  }
0xf2: {  	[tilespmem:s19+$0x10] =	vst v1  }
0xf3: {  	[tilespmem:s19+$0x20] =	vst v1  }
0xf4: {  	[tilespmem:s19+$0x30] =	vst v1  }
0xf5: {  	[tilespmem:s19+$0x40] =	vst v1  }
0xf6: {  	[tilespmem:s19+$0x50] =	vst v1  }
0xf7: {  	[tilespmem:s19+$0x60] =	vst v1  }
0xf8: {  	[tilespmem:s19+$0x70] =	vst v1  }
0xf9: {  	[tilespmem:s19+$0x400] =	vst v1  }
0xfa: {  	[tilespmem:s19+$0x410] =	vst v1  }
0xfb: {  	[tilespmem:s19+$0x420] =	vst v1  }
0xfc: {  	[tilespmem:s19+$0x430] =	vst v1  }
0xfd: {  	[tilespmem:s19+$0x440] =	vst v1  }
0xfe: {  	[tilespmem:s19+$0x450] =	vst v1  }
0xff: {  	[tilespmem:s19+$0x460] =	vst v1  }
0x100: {  	[tilespmem:s19+$0x470] =	vst v1  }
0x101: {  	[tilespmem:s19+$0x800] =	vst v1  }
0x102: {  	[tilespmem:s19+$0x810] =	vst v1  }
0x103: {  	[tilespmem:s19+$0x820] =	vst v1  }
0x104: {  	[tilespmem:s19+$0x830] =	vst v1  }
0x105: {  	[tilespmem:s19+$0x840] =	vst v1  }
0x106: {  	[tilespmem:s19+$0x850] =	vst v1  }
0x107: {  	[tilespmem:s19+$0x860] =	vst v1  }
0x108: {  	[tilespmem:s19+$0x870] =	vst v1  }
0x109: {  	[tilespmem:s19+$0xC00] =	vst v1  }
0x10a: {  	[tilespmem:s19+$0xC10] =	vst v1  }
0x10b: {  	[tilespmem:s19+$0xC20] =	vst v1  }
0x10c: {  	[tilespmem:s19+$0xC30] =	vst v1  }
0x10d: {  	[tilespmem:s19+$0xC40] =	vst v1  }
0x10e: {  	[tilespmem:s19+$0xC50] =	vst v1  }
0x10f: {  	[tilespmem:s19+$0xC60] =	vst v1  }
0x110: {  	[tilespmem:s19+$0xC70] =	vst v1  }
0x111: {  	[tilespmem:s19+$0x1000] =	vst v1  }
0x112: {  	[tilespmem:s19+$0x1010] =	vst v1  }
0x113: {  	[tilespmem:s19+$0x1020] =	vst v1  }
0x114: {  	[tilespmem:s19+$0x1030] =	vst v1  }
0x115: {  	[tilespmem:s19+$0x1040] =	vst v1  }
0x116: {  	[tilespmem:s19+$0x1050] =	vst v1  }
0x117: {  	[tilespmem:s19+$0x1060] =	vst v1  }
0x118: {  	[tilespmem:s19+$0x1070] =	vst v1  }
0x119: {  	[tilespmem:s19+$0x1400] =	vst v1  }
0x11a: {  	[tilespmem:s19+$0x1410] =	vst v1  }
0x11b: {  	[tilespmem:s19+$0x1420] =	vst v1  }
0x11c: {  	[tilespmem:s19+$0x1430] =	vst v1  }
0x11d: {  	[tilespmem:s19+$0x1440] =	vst v1  }
0x11e: {  	[tilespmem:s19+$0x1450] =	vst v1  }
0x11f: {  	[tilespmem:s19+$0x1460] =	vst v1  }
0x120: {  	[tilespmem:s19+$0x1470] =	vst v1  }
0x121: {  	[tilespmem:s19+$0x1800] =	vst v1  }
0x122: {  	[tilespmem:s19+$0x1810] =	vst v1  }
0x123: {  	[tilespmem:s19+$0x1820] =	vst v1  }
0x124: {  	[tilespmem:s19+$0x1830] =	vst v1  }
0x125: {  	[tilespmem:s19+$0x1840] =	vst v1  }
0x126: {  	[tilespmem:s19+$0x1850] =	vst v1  }
0x127: {  	[tilespmem:s19+$0x1860] =	vst v1  }
0x128: {  	[tilespmem:s19+$0x1870] =	vst v1  }
0x129: {  	[tilespmem:s19+$0x1C00] =	vst v1  }
0x12a: {  	[tilespmem:s19+$0x1C10] =	vst v1  }
0x12b: {  	[tilespmem:s19+$0x1C20] =	vst v1  }
0x12c: {  	[tilespmem:s19+$0x1C30] =	vst v1  }
0x12d: {  	[tilespmem:s19+$0x1C40] =	vst v1  }
0x12e: {  	[tilespmem:s19+$0x1C50] =	vst v1  }
0x12f: {  	[tilespmem:s19+$0x1C60] =	vst v1  }
0x130: {  	[tilespmem:s19+$0x1C70] =	vst v1  }
0x131: {  	[tilespmem:s19+$0x2000] =	vst v1  }
0x132: {  	[tilespmem:s19+$0x2010] =	vst v1  }
0x133: {  	[tilespmem:s19+$0x2020] =	vst v1  }
0x134: {  	[tilespmem:s19+$0x2030] =	vst v1  }
0x135: {  	[tilespmem:s19+$0x2040] =	vst v1  }
0x136: {  	[tilespmem:s19+$0x2050] =	vst v1  }
0x137: {  	[tilespmem:s19+$0x2060] =	vst v1  }
0x138: {  	[tilespmem:s19+$0x2070] =	vst v1  }
0x139: {  	[tilespmem:s19+$0x2400] =	vst v1  }
0x13a: {  	[tilespmem:s19+$0x2410] =	vst v1  }
0x13b: {  	[tilespmem:s19+$0x2420] =	vst v1  }
.Ltmp5:
0x13c: {  	[tilespmem:s19+$0x2430] =	vst v1;
	(pc) =	sbr.rel .LBB2_6-.Ltmp5, $4  }
0x13d: {  	[tilespmem:s19+$0x2440] =	vst v1  }
0x13e: {  	[tilespmem:s19+$0x2450] =	vst v1  }
0x13f: {  	[tilespmem:s19+$0x2460] =	vst v1  }
0x140: {  	[tilespmem:s19+$0x2470] =	vst v1  }
.LBB2_7:
0x141: {  	s14 =	sadd.s32 s16, s28  }
0x142: {  	s16 =	simm.s32 $0x0;
	s9 =	sadd.s32 s9, s5;
	s19 =	simm.s32 $0xA  }
0x143: {  	[hbm4b:s14+s16] =	stream.linear.scatter [tilespmem:s16], [sflag:$0x5], $0x2800, $0x38;
	[tilespmem:$0x10200] =	vst v63  }
0x144: {  	s17 =	sadd.s32 $0x4000, s9;
	_ =	swait.ge [sflag:s19], $0x300  }
0x145: {  	s17 =	sshrl.u32 s17, $0x3;
	[sflag:s19] =	ssyncset.done $0x0  }
0x146: {  	s30 =	sor.u32 $0x1C0E, s21;
	s14 =	sadd.s32 s2, s17;
	[sflag:s19] =	ssyncadd.s32 $0xFFFFFD00  }
0x147: {  	[hbm:s14], [sflag:s30] =	dma.local [spmem:s7], $0x300  }
.Ltmp6:
0x148: {  	_ = 	snop;
	(pc) =	sbr.rel .LBB2_8-.Ltmp6, $4  }
0x149: {  	s30 =	simm.s32 $0x2  }
0x14a: {  	_ =	swait.ge [sflag:s30], $0x2800  }
0x14b: {  	[sflag:s30] =	ssyncset.done $0x0  }
0x14c: {  	s14 =	smov.u32 s13;
	[sflag:s30] =	ssyncadd.s32 $0xFFFFD800  }
.LBB2_10:
0x14d: {  	_ =	sdelay $0x3  }
0x14e: {  	v58 =	vld.idx.msk [tilespmem:v2+s19+$0x0 ss:$0x1], $0xffff;
	_ =	sdelay $0x4  }
0x14f: {  	v58 =	vsel vm0, $0x0, v58  }
0x150: {  	[tilespmem:v2+s19+$0x0 ss:$0x1] =	vst.idx.msk $0xffff, v58  }
0x151: {  	v58 =	vld.idx.msk [tilespmem:v3+s19+$0x0 ss:$0x1], $0xffff;
	_ =	sdelay $0x4  }
0x152: {  	v58 =	vsel vm1, $0x0, v58  }
0x153: {  	[tilespmem:v3+s19+$0x0 ss:$0x1] =	vst.idx.msk $0xffff, v58  }
0x154: {  	v58 =	vld.idx.msk [tilespmem:v4+s19+$0x0 ss:$0x1], $0xffff;
	_ =	sdelay $0x4  }
0x155: {  	v58 =	vsel vm2, $0x0, v58  }
0x156: {  	[tilespmem:v4+s19+$0x0 ss:$0x1] =	vst.idx.msk $0xffff, v58  }
0x157: {  	v58 =	vld.idx.msk [tilespmem:v5+s19+$0x0 ss:$0x1], $0xffff;
	_ =	sdelay $0x4  }
0x158: {  	v58 =	vsel vm3, $0x0, v58  }
0x159: {  	[tilespmem:v5+s19+$0x0 ss:$0x1] =	vst.idx.msk $0xffff, v58  }
0x15a: {  	v58 =	vld.idx.msk [tilespmem:v6+s19+$0x0 ss:$0x1], $0xffff;
	_ =	sdelay $0x4  }
0x15b: {  	v58 =	vsel vm4, $0x0, v58  }
0x15c: {  	[tilespmem:v6+s19+$0x0 ss:$0x1] =	vst.idx.msk $0xffff, v58  }
0x15d: {  	v58 =	vld.idx.msk [tilespmem:v7+s19+$0x0 ss:$0x1], $0xffff;
	_ =	sdelay $0x4  }
0x15e: {  	v58 =	vsel vm5, $0x0, v58  }
0x15f: {  	[tilespmem:v7+s19+$0x0 ss:$0x1] =	vst.idx.msk $0xffff, v58  }
0x160: {  	v58 =	vld.idx.msk [tilespmem:v8+s19+$0x0 ss:$0x1], $0xffff;
	_ =	sdelay $0x4  }
0x161: {  	v58 =	vsel vm6, $0x0, v58  }
0x162: {  	[tilespmem:v8+s19+$0x0 ss:$0x1] =	vst.idx.msk $0xffff, v58  }
0x163: {  	v58 =	vld.idx.msk [tilespmem:v9+s19+$0x0 ss:$0x1], $0xffff;
	_ =	sdelay $0x4  }
0x164: {  	v58 =	vsel vm7, $0x0, v58  }
0x165: {  	[tilespmem:v9+s19+$0x0 ss:$0x1] =	vst.idx.msk $0xffff, v58  }
0x166: {  	v58 =	vld.idx.msk [tilespmem:v10+s19+$0x0 ss:$0x1], $0xffff;
	_ =	sdelay $0x4  }
0x167: {  	v58 =	vsel vm8, $0x0, v58  }
0x168: {  	[tilespmem:v10+s19+$0x0 ss:$0x1] =	vst.idx.msk $0xffff, v58  }
0x169: {  	v58 =	vld.idx.msk [tilespmem:v11+s19+$0x0 ss:$0x1], $0xffff;
	_ =	sdelay $0x4  }
0x16a: {  	v58 =	vsel vm9, $0x0, v58  }
0x16b: {  	[tilespmem:v11+s19+$0x0 ss:$0x1] =	vst.idx.msk $0xffff, v58  }
0x16c: {  	v58 =	vld.idx.msk [tilespmem:v12+s19+$0x0 ss:$0x1], $0xffff;
	_ =	sdelay $0x4  }
0x16d: {  	v58 =	vsel vm10, $0x0, v58  }
0x16e: {  	[tilespmem:v12+s19+$0x0 ss:$0x1] =	vst.idx.msk $0xffff, v58  }
0x16f: {  	v58 =	vld.idx.msk [tilespmem:v13+s19+$0x0 ss:$0x1], $0xffff;
	_ =	sdelay $0x4  }
0x170: {  	v58 =	vsel vm11, $0x0, v58  }
0x171: {  	[tilespmem:v13+s19+$0x0 ss:$0x1] =	vst.idx.msk $0xffff, v58  }
0x172: {  	v58 =	vld.idx.msk [tilespmem:v14+s19+$0x0 ss:$0x1], $0xffff;
	_ =	sdelay $0x4  }
0x173: {  	v58 =	vsel vm12, $0x0, v58  }
0x174: {  	[tilespmem:v14+s19+$0x0 ss:$0x1] =	vst.idx.msk $0xffff, v58  }
0x175: {  	v58 =	vld.idx.msk [tilespmem:v15+s19+$0x0 ss:$0x1], $0xffff;
	_ =	sdelay $0x4  }
0x176: {  	v58 =	vsel vm13, $0x0, v58  }
0x177: {  	[tilespmem:v15+s19+$0x0 ss:$0x1] =	vst.idx.msk $0xffff, v58  }
.LBB2_11:
0x178: {  	s16 =	sadd.s32 $0x200, s16  }
0x179: {  	p0 =	sne.s32 s16, $0x1000  }
.Ltmp7:
0x17a: {  	_ = 	snop;
	(pc) =	sbr.rel @!p0 .LBB2_12-.Ltmp7, $2  }
0x17b: {  	_ =	sdelay $0x2  }
0x17c: {  	s14 =	sadd.s32 $0x1, s14  }
.LBB2_8:
0x17d: {  	p0 =	slt.s32 s14, s0  }
0x17e: {  	p1 =	sge.s32 @!p0 s14, s20  }
0x17f: {  	p0 =	por p0, p1  }
.Ltmp8:
0x180: {  	_ = 	snop;
	(pc) =	sbr.rel @p0 .LBB2_10-.Ltmp8, $2  }
0x181: {  	_ =	sdelay $0x2  }
0x182: {  	s19 =	sshra.s32 s16, $0x2  }
0x183: {  	[tilespmem:s19+$0x2800] =	vst v1  }
0x184: {  	[tilespmem:s19+$0x2810] =	vst v1  }
0x185: {  	[tilespmem:s19+$0x2820] =	vst v1  }
0x186: {  	[tilespmem:s19+$0x2830] =	vst v1  }
0x187: {  	[tilespmem:s19+$0x2840] =	vst v1  }
0x188: {  	[tilespmem:s19+$0x2850] =	vst v1  }
0x189: {  	[tilespmem:s19+$0x2860] =	vst v1  }
0x18a: {  	[tilespmem:s19+$0x2870] =	vst v1  }
0x18b: {  	[tilespmem:s19+$0x2C00] =	vst v1  }
0x18c: {  	[tilespmem:s19+$0x2C10] =	vst v1  }
0x18d: {  	[tilespmem:s19+$0x2C20] =	vst v1  }
0x18e: {  	[tilespmem:s19+$0x2C30] =	vst v1  }
0x18f: {  	[tilespmem:s19+$0x2C40] =	vst v1  }
0x190: {  	[tilespmem:s19+$0x2C50] =	vst v1  }
0x191: {  	[tilespmem:s19+$0x2C60] =	vst v1  }
0x192: {  	[tilespmem:s19+$0x2C70] =	vst v1  }
0x193: {  	[tilespmem:s19+$0x3000] =	vst v1  }
0x194: {  	[tilespmem:s19+$0x3010] =	vst v1  }
0x195: {  	[tilespmem:s19+$0x3020] =	vst v1  }
0x196: {  	[tilespmem:s19+$0x3030] =	vst v1  }
0x197: {  	[tilespmem:s19+$0x3040] =	vst v1  }
0x198: {  	[tilespmem:s19+$0x3050] =	vst v1  }
0x199: {  	[tilespmem:s19+$0x3060] =	vst v1  }
0x19a: {  	[tilespmem:s19+$0x3070] =	vst v1  }
0x19b: {  	[tilespmem:s19+$0x3400] =	vst v1  }
0x19c: {  	[tilespmem:s19+$0x3410] =	vst v1  }
0x19d: {  	[tilespmem:s19+$0x3420] =	vst v1  }
0x19e: {  	[tilespmem:s19+$0x3430] =	vst v1  }
0x19f: {  	[tilespmem:s19+$0x3440] =	vst v1  }
0x1a0: {  	[tilespmem:s19+$0x3450] =	vst v1  }
0x1a1: {  	[tilespmem:s19+$0x3460] =	vst v1  }
0x1a2: {  	[tilespmem:s19+$0x3470] =	vst v1  }
0x1a3: {  	[tilespmem:s19+$0x3800] =	vst v1  }
0x1a4: {  	[tilespmem:s19+$0x3810] =	vst v1  }
0x1a5: {  	[tilespmem:s19+$0x3820] =	vst v1  }
0x1a6: {  	[tilespmem:s19+$0x3830] =	vst v1  }
0x1a7: {  	[tilespmem:s19+$0x3840] =	vst v1  }
0x1a8: {  	[tilespmem:s19+$0x3850] =	vst v1  }
0x1a9: {  	[tilespmem:s19+$0x3860] =	vst v1  }
0x1aa: {  	[tilespmem:s19+$0x3870] =	vst v1  }
0x1ab: {  	[tilespmem:s19+$0x3C00] =	vst v1  }
0x1ac: {  	[tilespmem:s19+$0x3C10] =	vst v1  }
0x1ad: {  	[tilespmem:s19+$0x3C20] =	vst v1  }
0x1ae: {  	[tilespmem:s19+$0x3C30] =	vst v1  }
0x1af: {  	[tilespmem:s19+$0x3C40] =	vst v1  }
0x1b0: {  	[tilespmem:s19+$0x3C50] =	vst v1  }
0x1b1: {  	[tilespmem:s19+$0x3C60] =	vst v1  }
0x1b2: {  	[tilespmem:s19+$0x3C70] =	vst v1  }
0x1b3: {  	[tilespmem:s19+$0x4000] =	vst v1  }
0x1b4: {  	[tilespmem:s19+$0x4010] =	vst v1  }
0x1b5: {  	[tilespmem:s19+$0x4020] =	vst v1  }
0x1b6: {  	[tilespmem:s19+$0x4030] =	vst v1  }
0x1b7: {  	[tilespmem:s19+$0x4040] =	vst v1  }
0x1b8: {  	[tilespmem:s19+$0x4050] =	vst v1  }
0x1b9: {  	[tilespmem:s19+$0x4060] =	vst v1  }
0x1ba: {  	[tilespmem:s19+$0x4070] =	vst v1  }
0x1bb: {  	[tilespmem:s19+$0x4400] =	vst v1  }
0x1bc: {  	[tilespmem:s19+$0x4410] =	vst v1  }
0x1bd: {  	[tilespmem:s19+$0x4420] =	vst v1  }
0x1be: {  	[tilespmem:s19+$0x4430] =	vst v1  }
0x1bf: {  	[tilespmem:s19+$0x4440] =	vst v1  }
0x1c0: {  	[tilespmem:s19+$0x4450] =	vst v1  }
0x1c1: {  	[tilespmem:s19+$0x4460] =	vst v1  }
0x1c2: {  	[tilespmem:s19+$0x4470] =	vst v1  }
0x1c3: {  	[tilespmem:s19+$0x4800] =	vst v1  }
0x1c4: {  	[tilespmem:s19+$0x4810] =	vst v1  }
0x1c5: {  	[tilespmem:s19+$0x4820] =	vst v1  }
0x1c6: {  	[tilespmem:s19+$0x4830] =	vst v1  }
0x1c7: {  	[tilespmem:s19+$0x4840] =	vst v1  }
0x1c8: {  	[tilespmem:s19+$0x4850] =	vst v1  }
0x1c9: {  	[tilespmem:s19+$0x4860] =	vst v1  }
0x1ca: {  	[tilespmem:s19+$0x4870] =	vst v1  }
0x1cb: {  	[tilespmem:s19+$0x4C00] =	vst v1  }
0x1cc: {  	[tilespmem:s19+$0x4C10] =	vst v1  }
0x1cd: {  	[tilespmem:s19+$0x4C20] =	vst v1  }
.Ltmp9:
0x1ce: {  	[tilespmem:s19+$0x4C30] =	vst v1;
	(pc) =	sbr.rel .LBB2_11-.Ltmp9, $4  }
0x1cf: {  	[tilespmem:s19+$0x4C40] =	vst v1  }
0x1d0: {  	[tilespmem:s19+$0x4C50] =	vst v1  }
0x1d1: {  	[tilespmem:s19+$0x4C60] =	vst v1  }
0x1d2: {  	[tilespmem:s19+$0x4C70] =	vst v1  }
.LBB2_12:
0x1d3: {  	s14 =	sadd.s32 s17, s28  }
0x1d4: {  	s16 =	simm.s32 $0x0;
	s30 =	simm.s32 $0x2800;
	s19 =	simm.s32 $0xB  }
0x1d5: {  	[hbm4b:s14+s16] =	stream.linear.scatter [tilespmem:s30], [sflag:$0x6], $0x2800, $0x38;
	[tilespmem:$0x10200] =	vst v63  }
0x1d6: {  	s17 =	sadd.s32 $0x8000, s9;
	_ =	swait.ge [sflag:s19], $0x300  }
0x1d7: {  	s17 =	sshrl.u32 s17, $0x3;
	[sflag:s19] =	ssyncset.done $0x0  }
0x1d8: {  	s30 =	sor.u32 $0x1C0F, s21;
	s14 =	sadd.s32 s2, s17;
	[sflag:s19] =	ssyncadd.s32 $0xFFFFFD00  }
0x1d9: {  	[hbm:s14], [sflag:s30] =	dma.local [spmem:s11], $0x300  }
.Ltmp10:
0x1da: {  	_ = 	snop;
	(pc) =	sbr.rel .LBB2_13-.Ltmp10, $4  }
0x1db: {  	s30 =	simm.s32 $0x3  }
0x1dc: {  	_ =	swait.ge [sflag:s30], $0x2800  }
0x1dd: {  	[sflag:s30] =	ssyncset.done $0x0  }
0x1de: {  	s14 =	smov.u32 s12;
	[sflag:s30] =	ssyncadd.s32 $0xFFFFD800  }
.LBB2_15:
0x1df: {  	_ =	sdelay $0x3  }
0x1e0: {  	v58 =	vld.idx.msk [tilespmem:v16+s19+$0x0 ss:$0x1], $0xffff;
	_ =	sdelay $0x4  }
0x1e1: {  	v58 =	vsel vm0, $0x0, v58  }
0x1e2: {  	[tilespmem:v16+s19+$0x0 ss:$0x1] =	vst.idx.msk $0xffff, v58  }
0x1e3: {  	v58 =	vld.idx.msk [tilespmem:v17+s19+$0x0 ss:$0x1], $0xffff;
	_ =	sdelay $0x4  }
0x1e4: {  	v58 =	vsel vm1, $0x0, v58  }
0x1e5: {  	[tilespmem:v17+s19+$0x0 ss:$0x1] =	vst.idx.msk $0xffff, v58  }
0x1e6: {  	v58 =	vld.idx.msk [tilespmem:v18+s19+$0x0 ss:$0x1], $0xffff;
	_ =	sdelay $0x4  }
0x1e7: {  	v58 =	vsel vm2, $0x0, v58  }
0x1e8: {  	[tilespmem:v18+s19+$0x0 ss:$0x1] =	vst.idx.msk $0xffff, v58  }
0x1e9: {  	v58 =	vld.idx.msk [tilespmem:v19+s19+$0x0 ss:$0x1], $0xffff;
	_ =	sdelay $0x4  }
0x1ea: {  	v58 =	vsel vm3, $0x0, v58  }
0x1eb: {  	[tilespmem:v19+s19+$0x0 ss:$0x1] =	vst.idx.msk $0xffff, v58  }
0x1ec: {  	v58 =	vld.idx.msk [tilespmem:v20+s19+$0x0 ss:$0x1], $0xffff;
	_ =	sdelay $0x4  }
0x1ed: {  	v58 =	vsel vm4, $0x0, v58  }
0x1ee: {  	[tilespmem:v20+s19+$0x0 ss:$0x1] =	vst.idx.msk $0xffff, v58  }
0x1ef: {  	v58 =	vld.idx.msk [tilespmem:v21+s19+$0x0 ss:$0x1], $0xffff;
	_ =	sdelay $0x4  }
0x1f0: {  	v58 =	vsel vm5, $0x0, v58  }
0x1f1: {  	[tilespmem:v21+s19+$0x0 ss:$0x1] =	vst.idx.msk $0xffff, v58  }
0x1f2: {  	v58 =	vld.idx.msk [tilespmem:v22+s19+$0x0 ss:$0x1], $0xffff;
	_ =	sdelay $0x4  }
0x1f3: {  	v58 =	vsel vm6, $0x0, v58  }
0x1f4: {  	[tilespmem:v22+s19+$0x0 ss:$0x1] =	vst.idx.msk $0xffff, v58  }
0x1f5: {  	v58 =	vld.idx.msk [tilespmem:v23+s19+$0x0 ss:$0x1], $0xffff;
	_ =	sdelay $0x4  }
0x1f6: {  	v58 =	vsel vm7, $0x0, v58  }
0x1f7: {  	[tilespmem:v23+s19+$0x0 ss:$0x1] =	vst.idx.msk $0xffff, v58  }
0x1f8: {  	v58 =	vld.idx.msk [tilespmem:v24+s19+$0x0 ss:$0x1], $0xffff;
	_ =	sdelay $0x4  }
0x1f9: {  	v58 =	vsel vm8, $0x0, v58  }
0x1fa: {  	[tilespmem:v24+s19+$0x0 ss:$0x1] =	vst.idx.msk $0xffff, v58  }
0x1fb: {  	v58 =	vld.idx.msk [tilespmem:v25+s19+$0x0 ss:$0x1], $0xffff;
	_ =	sdelay $0x4  }
0x1fc: {  	v58 =	vsel vm9, $0x0, v58  }
0x1fd: {  	[tilespmem:v25+s19+$0x0 ss:$0x1] =	vst.idx.msk $0xffff, v58  }
0x1fe: {  	v58 =	vld.idx.msk [tilespmem:v26+s19+$0x0 ss:$0x1], $0xffff;
	_ =	sdelay $0x4  }
0x1ff: {  	v58 =	vsel vm10, $0x0, v58  }
0x200: {  	[tilespmem:v26+s19+$0x0 ss:$0x1] =	vst.idx.msk $0xffff, v58  }
0x201: {  	v58 =	vld.idx.msk [tilespmem:v27+s19+$0x0 ss:$0x1], $0xffff;
	_ =	sdelay $0x4  }
0x202: {  	v58 =	vsel vm11, $0x0, v58  }
0x203: {  	[tilespmem:v27+s19+$0x0 ss:$0x1] =	vst.idx.msk $0xffff, v58  }
0x204: {  	v58 =	vld.idx.msk [tilespmem:v28+s19+$0x0 ss:$0x1], $0xffff;
	_ =	sdelay $0x4  }
0x205: {  	v58 =	vsel vm12, $0x0, v58  }
0x206: {  	[tilespmem:v28+s19+$0x0 ss:$0x1] =	vst.idx.msk $0xffff, v58  }
0x207: {  	v58 =	vld.idx.msk [tilespmem:v29+s19+$0x0 ss:$0x1], $0xffff;
	_ =	sdelay $0x4  }
0x208: {  	v58 =	vsel vm13, $0x0, v58  }
0x209: {  	[tilespmem:v29+s19+$0x0 ss:$0x1] =	vst.idx.msk $0xffff, v58  }
.LBB2_16:
0x20a: {  	s16 =	sadd.s32 $0x200, s16  }
0x20b: {  	p0 =	sne.s32 s16, $0x1000  }
.Ltmp11:
0x20c: {  	_ = 	snop;
	(pc) =	sbr.rel @!p0 .LBB2_17-.Ltmp11, $2  }
0x20d: {  	_ =	sdelay $0x2  }
0x20e: {  	s14 =	sadd.s32 $0x1, s14  }
.LBB2_13:
0x20f: {  	p0 =	slt.s32 s14, s0  }
0x210: {  	p1 =	sge.s32 @!p0 s14, s20  }
0x211: {  	p0 =	por p0, p1  }
.Ltmp12:
0x212: {  	_ = 	snop;
	(pc) =	sbr.rel @p0 .LBB2_15-.Ltmp12, $2  }
0x213: {  	_ =	sdelay $0x2  }
0x214: {  	s19 =	sshra.s32 s16, $0x2  }
0x215: {  	[tilespmem:s19+$0x5000] =	vst v1  }
0x216: {  	[tilespmem:s19+$0x5010] =	vst v1  }
0x217: {  	[tilespmem:s19+$0x5020] =	vst v1  }
0x218: {  	[tilespmem:s19+$0x5030] =	vst v1  }
0x219: {  	[tilespmem:s19+$0x5040] =	vst v1  }
0x21a: {  	[tilespmem:s19+$0x5050] =	vst v1  }
0x21b: {  	[tilespmem:s19+$0x5060] =	vst v1  }
0x21c: {  	[tilespmem:s19+$0x5070] =	vst v1  }
0x21d: {  	[tilespmem:s19+$0x5400] =	vst v1  }
0x21e: {  	[tilespmem:s19+$0x5410] =	vst v1  }
0x21f: {  	[tilespmem:s19+$0x5420] =	vst v1  }
0x220: {  	[tilespmem:s19+$0x5430] =	vst v1  }
0x221: {  	[tilespmem:s19+$0x5440] =	vst v1  }
0x222: {  	[tilespmem:s19+$0x5450] =	vst v1  }
0x223: {  	[tilespmem:s19+$0x5460] =	vst v1  }
0x224: {  	[tilespmem:s19+$0x5470] =	vst v1  }
0x225: {  	[tilespmem:s19+$0x5800] =	vst v1  }
0x226: {  	[tilespmem:s19+$0x5810] =	vst v1  }
0x227: {  	[tilespmem:s19+$0x5820] =	vst v1  }
0x228: {  	[tilespmem:s19+$0x5830] =	vst v1  }
0x229: {  	[tilespmem:s19+$0x5840] =	vst v1  }
0x22a: {  	[tilespmem:s19+$0x5850] =	vst v1  }
0x22b: {  	[tilespmem:s19+$0x5860] =	vst v1  }
0x22c: {  	[tilespmem:s19+$0x5870] =	vst v1  }
0x22d: {  	[tilespmem:s19+$0x5C00] =	vst v1  }
0x22e: {  	[tilespmem:s19+$0x5C10] =	vst v1  }
0x22f: {  	[tilespmem:s19+$0x5C20] =	vst v1  }
0x230: {  	[tilespmem:s19+$0x5C30] =	vst v1  }
0x231: {  	[tilespmem:s19+$0x5C40] =	vst v1  }
0x232: {  	[tilespmem:s19+$0x5C50] =	vst v1  }
0x233: {  	[tilespmem:s19+$0x5C60] =	vst v1  }
0x234: {  	[tilespmem:s19+$0x5C70] =	vst v1  }
0x235: {  	[tilespmem:s19+$0x6000] =	vst v1  }
0x236: {  	[tilespmem:s19+$0x6010] =	vst v1  }
0x237: {  	[tilespmem:s19+$0x6020] =	vst v1  }
0x238: {  	[tilespmem:s19+$0x6030] =	vst v1  }
0x239: {  	[tilespmem:s19+$0x6040] =	vst v1  }
0x23a: {  	[tilespmem:s19+$0x6050] =	vst v1  }
0x23b: {  	[tilespmem:s19+$0x6060] =	vst v1  }
0x23c: {  	[tilespmem:s19+$0x6070] =	vst v1  }
0x23d: {  	[tilespmem:s19+$0x6400] =	vst v1  }
0x23e: {  	[tilespmem:s19+$0x6410] =	vst v1  }
0x23f: {  	[tilespmem:s19+$0x6420] =	vst v1  }
0x240: {  	[tilespmem:s19+$0x6430] =	vst v1  }
0x241: {  	[tilespmem:s19+$0x6440] =	vst v1  }
0x242: {  	[tilespmem:s19+$0x6450] =	vst v1  }
0x243: {  	[tilespmem:s19+$0x6460] =	vst v1  }
0x244: {  	[tilespmem:s19+$0x6470] =	vst v1  }
0x245: {  	[tilespmem:s19+$0x6800] =	vst v1  }
0x246: {  	[tilespmem:s19+$0x6810] =	vst v1  }
0x247: {  	[tilespmem:s19+$0x6820] =	vst v1  }
0x248: {  	[tilespmem:s19+$0x6830] =	vst v1  }
0x249: {  	[tilespmem:s19+$0x6840] =	vst v1  }
0x24a: {  	[tilespmem:s19+$0x6850] =	vst v1  }
0x24b: {  	[tilespmem:s19+$0x6860] =	vst v1  }
0x24c: {  	[tilespmem:s19+$0x6870] =	vst v1  }
0x24d: {  	[tilespmem:s19+$0x6C00] =	vst v1  }
0x24e: {  	[tilespmem:s19+$0x6C10] =	vst v1  }
0x24f: {  	[tilespmem:s19+$0x6C20] =	vst v1  }
0x250: {  	[tilespmem:s19+$0x6C30] =	vst v1  }
0x251: {  	[tilespmem:s19+$0x6C40] =	vst v1  }
0x252: {  	[tilespmem:s19+$0x6C50] =	vst v1  }
0x253: {  	[tilespmem:s19+$0x6C60] =	vst v1  }
0x254: {  	[tilespmem:s19+$0x6C70] =	vst v1  }
0x255: {  	[tilespmem:s19+$0x7000] =	vst v1  }
0x256: {  	[tilespmem:s19+$0x7010] =	vst v1  }
0x257: {  	[tilespmem:s19+$0x7020] =	vst v1  }
0x258: {  	[tilespmem:s19+$0x7030] =	vst v1  }
0x259: {  	[tilespmem:s19+$0x7040] =	vst v1  }
0x25a: {  	[tilespmem:s19+$0x7050] =	vst v1  }
0x25b: {  	[tilespmem:s19+$0x7060] =	vst v1  }
0x25c: {  	[tilespmem:s19+$0x7070] =	vst v1  }
0x25d: {  	[tilespmem:s19+$0x7400] =	vst v1  }
0x25e: {  	[tilespmem:s19+$0x7410] =	vst v1  }
0x25f: {  	[tilespmem:s19+$0x7420] =	vst v1  }
.Ltmp13:
0x260: {  	[tilespmem:s19+$0x7430] =	vst v1;
	(pc) =	sbr.rel .LBB2_16-.Ltmp13, $4  }
0x261: {  	[tilespmem:s19+$0x7440] =	vst v1  }
0x262: {  	[tilespmem:s19+$0x7450] =	vst v1  }
0x263: {  	[tilespmem:s19+$0x7460] =	vst v1  }
0x264: {  	[tilespmem:s19+$0x7470] =	vst v1  }
.LBB2_17:
0x265: {  	s14 =	sadd.s32 s17, s28;
	s16 =	simm.s32 $0x0  }
0x266: {  	s19 =	simm.s32 $0x5000;
	s30 =	simm.s32 $0xC;
	s9 =	sadd.s32 $0xC000, s9  }
0x267: {  	[hbm4b:s14+s16] =	stream.linear.scatter [tilespmem:s19], [sflag:$0x7], $0x2800, $0x38;
	[tilespmem:$0x10200] =	vst v63  }
0x268: {  	s9 =	sshrl.u32 s9, $0x3;
	_ =	swait.ge [sflag:s30], $0x300  }
0x269: {  	s19 =	sor.u32 $0x1C10, s21;
	s17 =	sadd.s32 s2, s9;
	[sflag:s30] =	ssyncset.done $0x0  }
.Ltmp14:
0x26a: {  	[sflag:s30] =	ssyncadd.s32 $0xFFFFFD00;
	s30 =	simm.s32 $0x4;
	(pc) =	sbr.rel .LBB2_18-.Ltmp14, $4  }
0x26b: {  	[hbm:s17], [sflag:s19] =	dma.local [spmem:s6], $0x300  }
0x26c: {  	_ =	swait.ge [sflag:s30], $0x2800  }
0x26d: {  	[sflag:s30] =	ssyncset.done $0x0  }
0x26e: {  	s14 =	smov.u32 s3;
	s19 =	simm.s32 $0x7800;
	[sflag:s30] =	ssyncadd.s32 $0xFFFFD800  }
.LBB2_20:
0x26f: {  	_ =	sdelay $0x3  }
0x270: {  	v58 =	vld.idx.msk [tilespmem:v33+s17+$0x0 ss:$0x1], $0xffff;
	_ =	sdelay $0x4  }
0x271: {  	v58 =	vsel vm0, $0x0, v58  }
0x272: {  	[tilespmem:v33+s17+$0x0 ss:$0x1] =	vst.idx.msk $0xffff, v58  }
0x273: {  	v58 =	vld.idx.msk [tilespmem:v34+s17+$0x0 ss:$0x1], $0xffff;
	_ =	sdelay $0x4  }
0x274: {  	v58 =	vsel vm1, $0x0, v58  }
0x275: {  	[tilespmem:v34+s17+$0x0 ss:$0x1] =	vst.idx.msk $0xffff, v58  }
0x276: {  	v58 =	vld.idx.msk [tilespmem:v35+s17+$0x0 ss:$0x1], $0xffff;
	_ =	sdelay $0x4  }
0x277: {  	v58 =	vsel vm2, $0x0, v58  }
0x278: {  	[tilespmem:v35+s17+$0x0 ss:$0x1] =	vst.idx.msk $0xffff, v58  }
0x279: {  	v58 =	vld.idx.msk [tilespmem:v39+s17+$0x0 ss:$0x1], $0xffff;
	_ =	sdelay $0x4  }
0x27a: {  	v58 =	vsel vm3, $0x0, v58  }
0x27b: {  	[tilespmem:v39+s17+$0x0 ss:$0x1] =	vst.idx.msk $0xffff, v58  }
0x27c: {  	v58 =	vld.idx.msk [tilespmem:v40+s17+$0x0 ss:$0x1], $0xffff;
	_ =	sdelay $0x4  }
0x27d: {  	v58 =	vsel vm4, $0x0, v58  }
0x27e: {  	[tilespmem:v40+s17+$0x0 ss:$0x1] =	vst.idx.msk $0xffff, v58  }
0x27f: {  	v58 =	vld.idx.msk [tilespmem:v41+s17+$0x0 ss:$0x1], $0xffff;
	_ =	sdelay $0x4  }
0x280: {  	v58 =	vsel vm5, $0x0, v58  }
0x281: {  	[tilespmem:v41+s17+$0x0 ss:$0x1] =	vst.idx.msk $0xffff, v58  }
0x282: {  	v58 =	vld.idx.msk [tilespmem:v45+s17+$0x0 ss:$0x1], $0xffff;
	_ =	sdelay $0x4  }
0x283: {  	v58 =	vsel vm6, $0x0, v58  }
0x284: {  	[tilespmem:v45+s17+$0x0 ss:$0x1] =	vst.idx.msk $0xffff, v58  }
0x285: {  	v58 =	vld.idx.msk [tilespmem:v46+s17+$0x0 ss:$0x1], $0xffff;
	_ =	sdelay $0x4  }
0x286: {  	v58 =	vsel vm7, $0x0, v58  }
0x287: {  	[tilespmem:v46+s17+$0x0 ss:$0x1] =	vst.idx.msk $0xffff, v58  }
0x288: {  	v58 =	vld.idx.msk [tilespmem:v47+s17+$0x0 ss:$0x1], $0xffff;
	_ =	sdelay $0x4  }
0x289: {  	v58 =	vsel vm8, $0x0, v58  }
0x28a: {  	[tilespmem:v47+s17+$0x0 ss:$0x1] =	vst.idx.msk $0xffff, v58  }
0x28b: {  	v58 =	vld.idx.msk [tilespmem:v53+s17+$0x0 ss:$0x1], $0xffff;
	_ =	sdelay $0x4  }
0x28c: {  	v58 =	vsel vm9, $0x0, v58  }
0x28d: {  	[tilespmem:v53+s17+$0x0 ss:$0x1] =	vst.idx.msk $0xffff, v58  }
0x28e: {  	v58 =	vld.idx.msk [tilespmem:v54+s17+$0x0 ss:$0x1], $0xffff;
	_ =	sdelay $0x4  }
0x28f: {  	v58 =	vsel vm10, $0x0, v58  }
0x290: {  	[tilespmem:v54+s17+$0x0 ss:$0x1] =	vst.idx.msk $0xffff, v58  }
0x291: {  	v58 =	vld.idx.msk [tilespmem:v55+s17+$0x0 ss:$0x1], $0xffff;
	_ =	sdelay $0x4  }
0x292: {  	v58 =	vsel vm11, $0x0, v58  }
0x293: {  	[tilespmem:v55+s17+$0x0 ss:$0x1] =	vst.idx.msk $0xffff, v58  }
0x294: {  	v58 =	vld.idx.msk [tilespmem:v56+s17+$0x0 ss:$0x1], $0xffff;
	_ =	sdelay $0x4  }
0x295: {  	v58 =	vsel vm12, $0x0, v58  }
0x296: {  	[tilespmem:v56+s17+$0x0 ss:$0x1] =	vst.idx.msk $0xffff, v58  }
0x297: {  	v58 =	vld.idx.msk [tilespmem:v57+s17+$0x0 ss:$0x1], $0xffff;
	_ =	sdelay $0x4  }
0x298: {  	v58 =	vsel vm13, $0x0, v58  }
0x299: {  	[tilespmem:v57+s17+$0x0 ss:$0x1] =	vst.idx.msk $0xffff, v58  }
.LBB2_21:
0x29a: {  	s16 =	sadd.s32 $0x200, s16  }
0x29b: {  	p0 =	sne.s32 s16, $0x1000  }
.Ltmp15:
0x29c: {  	_ = 	snop;
	(pc) =	sbr.rel @!p0 .LBB2_22-.Ltmp15, $2  }
0x29d: {  	_ =	sdelay $0x2  }
0x29e: {  	s14 =	sadd.s32 $0x1, s14  }
.LBB2_18:
0x29f: {  	p0 =	slt.s32 s14, s0  }
0x2a0: {  	p1 =	sge.s32 @!p0 s14, s20  }
0x2a1: {  	p0 =	por p0, p1  }
.Ltmp16:
0x2a2: {  	_ = 	snop;
	(pc) =	sbr.rel @p0 .LBB2_20-.Ltmp16, $2  }
0x2a3: {  	_ =	sdelay $0x2  }
0x2a4: {  	s17 =	sshra.s32 s16, $0x2  }
0x2a5: {  	[tilespmem:s17+$0x7800] =	vst v1  }
0x2a6: {  	[tilespmem:s17+$0x7810] =	vst v1  }
0x2a7: {  	[tilespmem:s17+$0x7820] =	vst v1  }
0x2a8: {  	[tilespmem:s17+$0x7830] =	vst v1  }
0x2a9: {  	[tilespmem:s17+$0x7840] =	vst v1  }
0x2aa: {  	[tilespmem:s17+$0x7850] =	vst v1  }
0x2ab: {  	[tilespmem:s17+$0x7860] =	vst v1  }
0x2ac: {  	[tilespmem:s17+$0x7870] =	vst v1  }
0x2ad: {  	[tilespmem:s17+$0x7C00] =	vst v1  }
0x2ae: {  	[tilespmem:s17+$0x7C10] =	vst v1  }
0x2af: {  	[tilespmem:s17+$0x7C20] =	vst v1  }
0x2b0: {  	[tilespmem:s17+$0x7C30] =	vst v1  }
0x2b1: {  	[tilespmem:s17+$0x7C40] =	vst v1  }
0x2b2: {  	[tilespmem:s17+$0x7C50] =	vst v1  }
0x2b3: {  	[tilespmem:s17+$0x7C60] =	vst v1  }
0x2b4: {  	[tilespmem:s17+$0x7C70] =	vst v1  }
0x2b5: {  	[tilespmem:s17+$0x8000] =	vst v1  }
0x2b6: {  	[tilespmem:s17+$0x8010] =	vst v1  }
0x2b7: {  	[tilespmem:s17+$0x8020] =	vst v1  }
0x2b8: {  	[tilespmem:s17+$0x8030] =	vst v1  }
0x2b9: {  	[tilespmem:s17+$0x8040] =	vst v1  }
0x2ba: {  	[tilespmem:s17+$0x8050] =	vst v1  }
0x2bb: {  	[tilespmem:s17+$0x8060] =	vst v1  }
0x2bc: {  	[tilespmem:s17+$0x8070] =	vst v1  }
0x2bd: {  	[tilespmem:s17+$0x8400] =	vst v1  }
0x2be: {  	[tilespmem:s17+$0x8410] =	vst v1  }
0x2bf: {  	[tilespmem:s17+$0x8420] =	vst v1  }
0x2c0: {  	[tilespmem:s17+$0x8430] =	vst v1  }
0x2c1: {  	[tilespmem:s17+$0x8440] =	vst v1  }
0x2c2: {  	[tilespmem:s17+$0x8450] =	vst v1  }
0x2c3: {  	[tilespmem:s17+$0x8460] =	vst v1  }
0x2c4: {  	[tilespmem:s17+$0x8470] =	vst v1  }
0x2c5: {  	[tilespmem:s17+$0x8800] =	vst v1  }
0x2c6: {  	[tilespmem:s17+$0x8810] =	vst v1  }
0x2c7: {  	[tilespmem:s17+$0x8820] =	vst v1  }
0x2c8: {  	[tilespmem:s17+$0x8830] =	vst v1  }
0x2c9: {  	[tilespmem:s17+$0x8840] =	vst v1  }
0x2ca: {  	[tilespmem:s17+$0x8850] =	vst v1  }
0x2cb: {  	[tilespmem:s17+$0x8860] =	vst v1  }
0x2cc: {  	[tilespmem:s17+$0x8870] =	vst v1  }
0x2cd: {  	[tilespmem:s17+$0x8C00] =	vst v1  }
0x2ce: {  	[tilespmem:s17+$0x8C10] =	vst v1  }
0x2cf: {  	[tilespmem:s17+$0x8C20] =	vst v1  }
0x2d0: {  	[tilespmem:s17+$0x8C30] =	vst v1  }
0x2d1: {  	[tilespmem:s17+$0x8C40] =	vst v1  }
0x2d2: {  	[tilespmem:s17+$0x8C50] =	vst v1  }
0x2d3: {  	[tilespmem:s17+$0x8C60] =	vst v1  }
0x2d4: {  	[tilespmem:s17+$0x8C70] =	vst v1  }
0x2d5: {  	[tilespmem:s17+$0x9000] =	vst v1  }
0x2d6: {  	[tilespmem:s17+$0x9010] =	vst v1  }
0x2d7: {  	[tilespmem:s17+$0x9020] =	vst v1  }
0x2d8: {  	[tilespmem:s17+$0x9030] =	vst v1  }
0x2d9: {  	[tilespmem:s17+$0x9040] =	vst v1  }
0x2da: {  	[tilespmem:s17+$0x9050] =	vst v1  }
0x2db: {  	[tilespmem:s17+$0x9060] =	vst v1  }
0x2dc: {  	[tilespmem:s17+$0x9070] =	vst v1  }
0x2dd: {  	[tilespmem:s17+$0x9400] =	vst v1  }
0x2de: {  	[tilespmem:s17+$0x9410] =	vst v1  }
0x2df: {  	[tilespmem:s17+$0x9420] =	vst v1  }
0x2e0: {  	[tilespmem:s17+$0x9430] =	vst v1  }
0x2e1: {  	[tilespmem:s17+$0x9440] =	vst v1  }
0x2e2: {  	[tilespmem:s17+$0x9450] =	vst v1  }
0x2e3: {  	[tilespmem:s17+$0x9460] =	vst v1  }
0x2e4: {  	[tilespmem:s17+$0x9470] =	vst v1  }
0x2e5: {  	[tilespmem:s17+$0x9800] =	vst v1  }
0x2e6: {  	[tilespmem:s17+$0x9810] =	vst v1  }
0x2e7: {  	[tilespmem:s17+$0x9820] =	vst v1  }
0x2e8: {  	[tilespmem:s17+$0x9830] =	vst v1  }
0x2e9: {  	[tilespmem:s17+$0x9840] =	vst v1  }
0x2ea: {  	[tilespmem:s17+$0x9850] =	vst v1  }
0x2eb: {  	[tilespmem:s17+$0x9860] =	vst v1  }
0x2ec: {  	[tilespmem:s17+$0x9870] =	vst v1  }
0x2ed: {  	[tilespmem:s17+$0x9C00] =	vst v1  }
0x2ee: {  	[tilespmem:s17+$0x9C10] =	vst v1  }
0x2ef: {  	[tilespmem:s17+$0x9C20] =	vst v1  }
.Ltmp17:
0x2f0: {  	[tilespmem:s17+$0x9C30] =	vst v1;
	(pc) =	sbr.rel .LBB2_21-.Ltmp17, $4  }
0x2f1: {  	[tilespmem:s17+$0x9C40] =	vst v1  }
0x2f2: {  	[tilespmem:s17+$0x9C50] =	vst v1  }
0x2f3: {  	[tilespmem:s17+$0x9C60] =	vst v1  }
0x2f4: {  	[tilespmem:s17+$0x9C70] =	vst v1  }
.LBB2_22:
0x2f5: {  	p0 =	seq.s32 s15, $0xF  }
.Ltmp18:
0x2f6: {  	_ = 	snop;
	(pc) =	sbr.rel @p0 .LBB2_24-.Ltmp18, $3  }
0x2f7: {  	_ =	sdelay $0x1  }
0x2f8: {  	s9 =	sadd.s32 s9, s28  }
0x2f9: {  	[hbm4b:s9+s4] =	stream.linear.scatter [tilespmem:s19], [sflag:$0x8], $0x2800, $0x38;
	[tilespmem:$0x10200] =	vst v63  }
0x2fa: {  	s9 =	sshll.u32 s15, $0x10;
	s16 =	simm.s32 $0x5  }
0x2fb: {  	_ =	swait.ge [sflag:s16], $0x2800;
	s14 =	sadd.s32 s9, s26  }
0x2fc: {  	[sflag:s16] =	ssyncset.done $0x0;
	s14 =	sshrl.u32 s14, $0x3  }
0x2fd: {  	s30 =	simm.s32 $0xD;
	[sflag:s16] =	ssyncadd.s32 $0xFFFFD800;
	s17 =	sadd.s32 s14, s8  }
0x2fe: {  	[tilespmem:s4], [sflag:$0x1] =	stream.linear.gather [hbm4b:s17+s4], $0x2800, $0x38;
	[tilespmem:$0x10200] =	vst v63  }
0x2ff: {  	_ =	swait.ge [sflag:s30], $0x300  }
0x300: {  	s14 =	sadd.s32 s1, s14;
	[sflag:s30] =	ssyncset.done $0x0  }
0x301: {  	s17 =	rddreg [dreg:$0x1d];
	[sflag:s30] =	ssyncadd.s32 $0xFFFFFD00;
	s30 =	simm.s32 $0x6  }
0x302: {  	[spmem:s24], [sflag:s17] =	dma.local [hbm:s14], $0x300  }
0x303: {  	s17 =	sadd.s32 s9, s29;
	_ =	swait.ge [sflag:s30], $0x2800  }
0x304: {  	s14 =	sshrl.u32 s17, $0x3;
	[sflag:s30] =	ssyncset.done $0x0  }
0x305: {  	s17 =	simm.s32 $0x2800;
	[sflag:s30] =	ssyncadd.s32 $0xFFFFD800;
	s30 =	sadd.s32 s14, s8  }
0x306: {  	[tilespmem:s17], [sflag:$0x2] =	stream.linear.gather [hbm4b:s30+s4], $0x2800, $0x38;
	[tilespmem:$0x10200] =	vst v63  }
0x307: {  	s17 =	simm.s32 $0xE  }
0x308: {  	_ =	swait.ge [sflag:s17], $0x300  }
0x309: {  	s14 =	sadd.s32 s1, s14;
	[sflag:s17] =	ssyncset.done $0x0  }
0x30a: {  	s30 =	rddreg [dreg:$0x1e];
	[sflag:s17] =	ssyncadd.s32 $0xFFFFFD00;
	s17 =	simm.s32 $0x7  }
0x30b: {  	[spmem:s7], [sflag:s30] =	dma.local [hbm:s14], $0x300  }
0x30c: {  	_ =	swait.ge [sflag:s17], $0x2800  }
0x30d: {  	s30 =	rddreg [dreg:$0x15]  }
0x30e: {  	s14 =	sadd.s32 s9, s30  }
0x30f: {  	[sflag:s17] =	ssyncset.done $0x0;
	s14 =	sshrl.u32 s14, $0x3  }
0x310: {  	[sflag:s17] =	ssyncadd.s32 $0xFFFFD800;
	s30 =	simm.s32 $0x5000;
	s17 =	sadd.s32 s14, s8  }
0x311: {  	[tilespmem:s30], [sflag:$0x3] =	stream.linear.gather [hbm4b:s17+s4], $0x2800, $0x38;
	[tilespmem:$0x10200] =	vst v63  }
0x312: {  	s30 =	simm.s32 $0xF  }
0x313: {  	_ =	swait.ge [sflag:s30], $0x300  }
0x314: {  	[sflag:s30] =	ssyncset.done $0x0  }
0x315: {  	s14 =	sadd.s32 s1, s14;
	[sflag:s30] =	ssyncadd.s32 $0xFFFFFD00  }
0x316: {  	[spmem:s11], [sflag:s31] =	dma.local [hbm:s14], $0x300  }
0x317: {  	_ =	swait.ge [sflag:s10], $0x2800  }
0x318: {  	s17 =	rddreg [dreg:$0x16]  }
0x319: {  	s9 =	sadd.s32 s9, s17  }
0x31a: {  	[sflag:s10] =	ssyncset.done $0x0;
	s9 =	sshrl.u32 s9, $0x3  }
0x31b: {  	[sflag:s10] =	ssyncadd.s32 $0xFFFFD800;
	s30 =	sadd.s32 s9, s8  }
0x31c: {  	[tilespmem:s19], [sflag:$0x4] =	stream.linear.gather [hbm4b:s30+s4], $0x2800, $0x38;
	[tilespmem:$0x10200] =	vst v63  }
.Ltmp19:
0x31d: {  	_ = 	snop;
	(pc) =	sbr.rel .LBB2_2-.Ltmp19, $4  }
0x31e: {  	s15 =	sadd.s32 $0x1, s15;
	s18 =	sadd.s32 $0x20, s18;
	_ =	swait.ge [sflag:s22], $0x300  }
0x31f: {  	s13 =	sadd.s32 $0x20, s13;
	s12 =	sadd.s32 $0x20, s12;
	[sflag:s22] =	ssyncset.done $0x0  }
0x320: {  	s3 =	sadd.s32 $0x20, s3;
	s9 =	sadd.s32 s1, s9;
	[sflag:s22] =	ssyncadd.s32 $0xFFFFFD00  }
0x321: {  	[spmem:s6], [sflag:s23] =	dma.local [hbm:s9], $0x300  }
.LBB2_25:
0x322: {  	_ =	sfence.sel $0x180000  }
0x323: {  	[bflag:$0x0] =	sbarrier.arrive $0xFFFF  }
0x324: {  	_ =	strace $0x90000047  }
0x325: {  	s0 =	stileid.u32;
	[bflag:$0x2] =	sbarrier.arrive $0xFFFF  }
0x326: {  	p0 =	sne.s32 s0, $0x0;
	s0 =	rddreg [dreg:$0x4]  }
0x327: {  	s0 =	sadd.s32 @!p0 $0x100000, s0  }
0x328: {  	[sflag:s0] =	ssyncadd.tile.s32 @!p0 $0x1;
	_ =	shalt  }
.Lfunc_end2:
_tile_overlayer_lowered:
.L_overlay_start_2:
0x329: {  	(tag) =	ssettag $0x2  }
0x32a: {  	s0 =	rddreg [dreg:$0x0];
	s2 =	stileid.u32  }
0x32b: {  	s1 =	rddreg [dreg:$0x1];
	p0 =	sne.s32 s2, $0x0  }
0x32c: {  	s3 =	rddreg [dreg:$0x2];
	[bflag:$0x3] =	sbarrier.arrive $0xFFFF;
	s2 =	simm.s32 @!p0 $0x1C11  }
0x32d: {  	[timem:s3], [sflag:s2] =	dma.local @!p0 [hbm:s0], s1  }
0x32e: {  	s0 =	simm.s32 @!p0 $0x11  }
0x32f: {  	_ =	swait.ge @!p0 [sflag:s0], s1  }
0x330: {  	s1 =	ssub.s32 @!p0 $0x0, s1;
	[sflag:s0] =	ssyncset.done @!p0 $0x0  }
0x331: {  	[sflag:s0] =	ssyncadd.s32 @!p0 s1  }
0x332: {  	[bflag:$0x3] =	sbarrier.arrive $0xFFFF  }
0x333: {  	_ =	shalt  }

</sc_bundles>
